<compile_context>
chip_gen: v7x
topology: tpu7x:2x2x1
jax: 0.10.2.dev20260603
libtpu: 0.0.44.dev20260713+nightly
codegen_flags: <defaults>
</compile_context>

<pallas_src>
import functools

import jax
import jax.numpy as jnp
import numpy as np
from jax import lax
from jax.experimental import pallas as pl
from jax.experimental.pallas import tpu as pltpu
from jax.experimental.pallas import tpu_sc as plsc

N = 10000
E = 320000
G = 64
D_IN = 128
PE = 16
H = 128
HEADS = 4
DH = H // HEADS
LAYERS = 4
LN_EPS = 1e-5

T = 128
KT = 256
TN = 256
NP = 10240
NT = NP // T
NT2 = NP // KT
NTN = NP // TN
GP = 128
PADG = G

NC = 2
NS = 16
EB = 128
EPB = 80
NEB = NC * NS * EPB
EPAD = NEB * EB - E
RPT = NP // NS

_SQ2I = np.float32(1.0 / np.sqrt(2.0))


def _mm(a, b):
    return lax.dot_general(a, b, (((1,), (0,)), ((), ())),
                           precision=lax.Precision.HIGHEST,
                           preferred_element_type=jnp.float32)


def _mmt(a, b):
    return lax.dot_general(a, b, (((1,), (1,)), ((), ())),
                           precision=lax.Precision.HIGHEST,
                           preferred_element_type=jnp.float32)


def _sc_agg(h, src2d, dst2d, zeros):
    mesh = plsc.VectorSubcoreMesh(core_axis_name="c", subcore_axis_name="s")

    @functools.partial(
        pl.kernel,
        out_type=jax.ShapeDtypeStruct((NC * NP, H), jnp.float32),
        mesh=mesh,
        scratch_types=[
            pltpu.VMEM((EPB * EB,), jnp.int32),
            pltpu.VMEM((EB,), jnp.int32),
            pltpu.VMEM((EB,), jnp.int32),
            pltpu.VMEM((EB, H), jnp.float32),
            pltpu.VMEM((EB, H), jnp.float32),
            pltpu.VMEM_SHARED((NP, H), jnp.float32),
            pltpu.SemaphoreType.DMA,
            pltpu.SemaphoreType.DMA,
            pltpu.SemaphoreType.DMA,
            pltpu.SemaphoreType.DMA,
        ],
    )
    def k(h_hbm, src_hbm, dst_hbm, z_hbm, out_hbm,
          sall, d0, d1, r0, r1, acc, semg0, semg1, semd0, semd1):
        c = lax.axis_index("c")
        s = lax.axis_index("s")
        base_e = (c * NS + s) * (EPB * EB)
        pltpu.sync_copy(src_hbm.at[pl.ds(base_e, EPB * EB)], sall)
        pltpu.sync_copy(z_hbm.at[pl.ds(s * RPT, RPT)],
                        acc.at[pl.ds(s * RPT, RPT)])
        plsc.subcore_barrier()

        def gath(j, r, sem):
            pltpu.async_copy(h_hbm.at[sall.at[pl.ds(j * EB, EB)]], r, sem)

        def gath_wait(j, r, sem):
            pltpu.make_async_copy(
                h_hbm.at[sall.at[pl.ds(j * EB, EB)]], r, sem).wait()

        def dcopy(j, d, sem):
            pltpu.async_copy(dst_hbm.at[pl.ds(base_e + j * EB, EB)], d, sem)

        def dcopy_wait(j, d, sem):
            pltpu.make_async_copy(
                dst_hbm.at[pl.ds(base_e + j * EB, EB)], d, sem).wait()

        gath(0, r0, semg0)
        dcopy(0, d0, semd0)
        gath(1, r1, semg1)
        dcopy(1, d1, semd1)

        def pair(kk, carry):
            j0 = 2 * kk
            gath_wait(j0, r0, semg0)
            dcopy_wait(j0, d0, semd0)
            pltpu.sync_copy(r0, acc.at[d0], add=True)
            gath(j0 + 2, r0, semg0)
            dcopy(j0 + 2, d0, semd0)
            gath_wait(j0 + 1, r1, semg1)
            dcopy_wait(j0 + 1, d1, semd1)
            pltpu.sync_copy(r1, acc.at[d1], add=True)
            gath(j0 + 3, r1, semg1)
            dcopy(j0 + 3, d1, semd1)
            return carry

        lax.fori_loop(0, EPB // 2 - 1, pair, 0)
        j0 = EPB - 2
        gath_wait(j0, r0, semg0)
        dcopy_wait(j0, d0, semd0)
        pltpu.sync_copy(r0, acc.at[d0], add=True)
        gath_wait(j0 + 1, r1, semg1)
        dcopy_wait(j0 + 1, d1, semd1)
        pltpu.sync_copy(r1, acc.at[d1], add=True)
        plsc.subcore_barrier()
        pltpu.sync_copy(acc.at[pl.ds(s * RPT, RPT)],
                        out_hbm.at[pl.ds(c * NP + s * RPT, RPT)])

    return k(h, src2d.reshape(-1), dst2d.reshape(-1), zeros)


def _h0qkv_body(xc_ref, w1_ref, b1_ref, w2_ref, b2_ref,
                wq_ref, bq_ref, wk_ref, bk_ref, wv_ref, bv_ref,
                o_ref, q_ref, k_ref, v_ref):
    z = jnp.maximum(_mm(xc_ref[...], w1_ref[...]) + b1_ref[...], 0.0)
    h = _mm(z, w2_ref[...]) + b2_ref[...]
    o_ref[...] = h
    q_ref[...] = _mm(h, wq_ref[...]) + bq_ref[...]
    k_ref[...] = _mm(h, wk_ref[...]) + bk_ref[...]
    v_ref[...] = _mm(h, wv_ref[...]) + bv_ref[...]


def _stat_rows(t):
    return jnp.concatenate(
        [jnp.sum(t, 1, keepdims=True), jnp.sum(t * t, 1, keepdims=True),
         jnp.zeros((t.shape[0], 6), jnp.float32)], axis=1)


def _accum(i, sg_ref, ps):
    @pl.when(i == 0)
    def _():
        sg_ref[...] = ps

    @pl.when(i > 0)
    def _():
        sg_ref[...] += ps


def _attn_body(q_ref, k_ref, v_ref, bqc_ref, bt_ref, lo_ref, hi_ref,
               wo_ref, bo_ref, h_ref, m_ref, o_ref, sg_ref):
    i = pl.program_id(0)
    lo = lo_ref[0, i]
    hi = hi_ref[0, i]
    q = q_ref[...]
    bq = bqc_ref[...]
    scale = np.float32(1.0 / np.sqrt(DH))
    qh = [q[:, j * DH:(j + 1) * DH] * scale for j in range(HEADS)]

    ones_col = jnp.ones((KT, 1), jnp.float32)

    def body(kt, carry):
        m, l, acc = carry
        kk = k_ref[pl.ds(kt * KT, KT), :]
        vv = v_ref[pl.ds(kt * KT, KT), :]
        bk = bt_ref[pl.ds(kt, 1), :]
        maskf = (bq == bk).astype(jnp.float32)
        ss = [_mmt(qh[j], kk[:, j * DH:(j + 1) * DH]) for j in range(HEADS)]
        smax = jnp.maximum(jnp.maximum(ss[0], ss[1]),
                           jnp.maximum(ss[2], ss[3]))
        smax = smax * maskf - 1e9 * (1.0 - maskf)
        m_new = jnp.maximum(m, jnp.max(smax, 1, keepdims=True))
        alpha = jnp.exp(m - m_new)
        nls, naccs = [], []
        for j in range(HEADS):
            p = jnp.exp(jnp.minimum(ss[j] - m_new, 0.0)) * maskf
            nls.append(l[:, j:j + 1] * alpha + _mm(p, ones_col))
            naccs.append(acc[:, j * DH:(j + 1) * DH] * alpha
                         + _mm(p, vv[:, j * DH:(j + 1) * DH]))
        return m_new, jnp.concatenate(nls, 1), jnp.concatenate(naccs, 1)

    m0 = jnp.full((T, 1), -1e9, jnp.float32)
    l0 = jnp.zeros((T, HEADS), jnp.float32)
    a0 = jnp.zeros((T, H), jnp.float32)
    m, l, acc = lax.fori_loop(lo, hi, body, (m0, l0, a0))
    o = jnp.concatenate(
        [acc[:, j * DH:(j + 1) * DH] / l[:, j:j + 1] for j in range(HEADS)],
        axis=1)
    ha = _mm(o, wo_ref[...]) + bo_ref[...] + h_ref[...]
    o_ref[...] = ha
    _accum(i, sg_ref, _mm(m_ref[...], _stat_rows(ha)))


def _gin_body(h_ref, a0_ref, a1_ref, eps_ref, w1_ref, b1_ref, w2_ref, b2_ref,
              m_ref, o_ref, sg_ref):
    i = pl.program_id(0)
    h = h_ref[...]
    z = h + eps_ref[...] * h + a0_ref[...] + a1_ref[...]
    z1 = jnp.maximum(_mm(z, w1_ref[...]) + b1_ref[...], 0.0)
    hl = _mm(z1, w2_ref[...]) + b2_ref[...] + h
    o_ref[...] = hl
    _accum(i, sg_ref, _mm(m_ref[...], _stat_rows(hl)))


def _gstats(sg, nv):
    mean = sg[:, 0:1] / nv
    var = sg[:, 1:2] / nv - mean * mean
    return mean, lax.rsqrt(var + LN_EPS)


def _mid_body(hl_ref, ha_ref, sgl_ref, sga_ref, nv_ref, mt_ref,
              g1_ref, c1_ref, g2_ref, c2_ref,
              w1_ref, bf1_ref, w2_ref, bf2_ref, m_ref, o_ref, sg_ref):
    i = pl.program_id(0)
    nv = nv_ref[...]
    m1, i1 = _gstats(sgl_ref[...], nv)
    m2, i2 = _gstats(sga_ref[...], nv)
    st = jnp.concatenate([m1, i1, m2, i2, jnp.zeros((GP, 4), jnp.float32)], 1)
    ns = _mm(mt_ref[...], st)
    hl = (hl_ref[...] - ns[:, 0:1]) * ns[:, 1:2] * g1_ref[...] + c1_ref[...]
    ha = (ha_ref[...] - ns[:, 2:3]) * ns[:, 3:4] * g2_ref[...] + c2_ref[...]
    op = hl + ha
    z = _mm(op, w1_ref[...]) + bf1_ref[...]
    ge = 0.5 * z * (1.0 + lax.erf(z * _SQ2I))
    out2 = _mm(ge, w2_ref[...]) + bf2_ref[...] + op
    o_ref[...] = out2
    _accum(i, sg_ref, _mm(m_ref[...], _stat_rows(out2)))


def _ln3_node(h_ref, o2_ref, sg_ref, nv_ref, mt_ref, g3_ref, c3_ref):
    m3, i3 = _gstats(sg_ref[...], nv_ref[...])
    st = jnp.concatenate([m3, i3, jnp.zeros((GP, 6), jnp.float32)], 1)
    ns = _mm(mt_ref[...], st)
    return (h_ref[...]
            + (o2_ref[...] - ns[:, 0:1]) * ns[:, 1:2] * g3_ref[...]
            + c3_ref[...])


def _finqkv_body(h_ref, o2_ref, sg_ref, nv_ref, mt_ref, g3_ref, c3_ref,
                 wq_ref, bq_ref, wk_ref, bk_ref, wv_ref, bv_ref,
                 o_ref, q_ref, k_ref, v_ref):
    hn = _ln3_node(h_ref, o2_ref, sg_ref, nv_ref, mt_ref, g3_ref, c3_ref)
    o_ref[...] = hn
    q_ref[...] = _mm(hn, wq_ref[...]) + bq_ref[...]
    k_ref[...] = _mm(hn, wk_ref[...]) + bk_ref[...]
    v_ref[...] = _mm(hn, wv_ref[...]) + bv_ref[...]


def _finpost_body(h_ref, o2_ref, sg_ref, nv_ref, mt_ref, g3_ref, c3_ref,
                  w1_ref, b1_ref, w2_ref, b2_ref, m_ref, o_ref, sgp_ref):
    i = pl.program_id(0)
    hn = _ln3_node(h_ref, o2_ref, sg_ref, nv_ref, mt_ref, g3_ref, c3_ref)
    o_ref[...] = hn
    z = jnp.maximum(_mm(hn, w1_ref[...]) + b1_ref[...], 0.0)
    hp = hn + _mm(z, w2_ref[...]) + b2_ref[...]
    _accum(i, sgp_ref, _mm(m_ref[...], hp))


def _read_body(sg_ref, dn_ref, w1_ref, b1_ref, w2_ref, b2_ref, o_ref):
    g = sg_ref[...] / dn_ref[...]
    z = jnp.maximum(_mm(g, w1_ref[...]) + b1_ref[...], 0.0)
    o_ref[...] = _mm(z, w2_ref[...]) + b2_ref[...]


_FULL2 = lambda i: (0, 0)
_TILE = lambda i: (i, 0)


def _spec_full(shape):
    return pl.BlockSpec(shape, _FULL2)


def _spec_tile(cols, rows=TN):
    return pl.BlockSpec((rows, cols), _TILE)


def kernel(x, edge_index, batch, lap_pe, params):
    batch = batch.astype(jnp.int32)
    epad = jnp.arange(EPAD, dtype=jnp.int32)
    src2d = jnp.concatenate(
        [edge_index[0].astype(jnp.int32), (epad * 997) % N]).reshape(NEB, EB)
    dst2d = jnp.concatenate(
        [edge_index[1].astype(jnp.int32), N + epad % (NP - N)]).reshape(NEB, EB)

    counts = jnp.bincount(batch, length=G)
    starts = jnp.cumsum(counts) - counts
    batch_pad = jnp.concatenate(
        [batch, jnp.full((NP - N,), PADG, jnp.int32)])
    counts_p = jnp.concatenate(
        [counts, jnp.array([NP - N], counts.dtype),
         jnp.zeros((GP - G - 1,), counts.dtype)])
    starts_p = jnp.concatenate(
        [starts, jnp.array([N], starts.dtype),
         jnp.full((GP - G - 1,), NP, starts.dtype)])
    ends_p = starts_p + counts_p
    gids = jnp.arange(GP, dtype=jnp.int32)
    mmat = (batch_pad[None, :] == gids[:, None]).astype(jnp.float32)
    mtmat = (batch_pad[:, None] == gids[None, :]).astype(jnp.float32)
    bq_col = batch_pad.reshape(NP, 1)
    bt = batch_pad.reshape(NT2, KT)
    first_g = batch_pad[0::T]
    last_g = batch_pad[T - 1::T]
    kv_lo = (starts_p[first_g] // KT).astype(jnp.int32).reshape(1, NT)
    kv_hi = ((ends_p[last_g] + (KT - 1)) // KT).astype(jnp.int32).reshape(1, NT)
    normv = jnp.maximum(counts_p.astype(jnp.float32) * H, 1.0).reshape(GP, 1)
    denom = jnp.maximum(counts_p.astype(jnp.float32), 1.0).reshape(GP, 1)
    zeros_np = jnp.zeros((NP, H), jnp.float32)
    xc = jnp.concatenate([x, lap_pe], axis=1)
    xc = jnp.concatenate(
        [xc, jnp.zeros((NP - N, D_IN + PE), jnp.float32)], axis=0)

    def lin(p):
        return p["w"], p["b"].reshape(1, -1)

    smem_spec = pl.BlockSpec(memory_space=pltpu.SMEM)

    f32 = jnp.float32

    def attnw(lp):
        return lin(lp["attn"]["q"]) + lin(lp["attn"]["k"]) + lin(lp["attn"]["v"])

    nm = params["node_mlp"]
    w1, b1 = lin(nm["l1"])
    w2, b2 = lin(nm["l2"])
    h, q, k, v = pl.pallas_call(
        _h0qkv_body,
        grid=(NTN,),
        in_specs=[_spec_tile(D_IN + PE), _spec_full((D_IN + PE, H)),
                  _spec_full((1, H)), _spec_full((H, H)), _spec_full((1, H))]
                 + [_spec_full((H, H)), _spec_full((1, H))] * 3,
        out_specs=[_spec_tile(H)] * 4,
        out_shape=[jax.ShapeDtypeStruct((NP, H), f32)] * 4,
    )(xc, w1, b1, w2, b2, *attnw(params["layers"][0]))

    for li, lp in enumerate(params["layers"]):
        agg2 = _sc_agg(h, src2d, dst2d, zeros_np)

        wo, bo = lin(lp["attn"]["o"])
        ha_pre, sg_ha = pl.pallas_call(
            _attn_body,
            grid=(NT,),
            in_specs=[_spec_tile(H, T), _spec_full((NP, H)),
                      _spec_full((NP, H)),
                      pl.BlockSpec((T, 1), _TILE), _spec_full((NT2, KT)),
                      smem_spec, smem_spec,
                      _spec_full((H, H)), _spec_full((1, H)),
                      _spec_tile(H, T),
                      pl.BlockSpec((GP, T), lambda i: (0, i))],
            out_specs=[_spec_tile(H, T), pl.BlockSpec((GP, 8), _FULL2)],
            out_shape=[jax.ShapeDtypeStruct((NP, H), f32),
                       jax.ShapeDtypeStruct((GP, 8), f32)],
        )(q, k, v, bq_col, bt, kv_lo, kv_hi, wo, bo, h, mmat)

        gw1, gb1 = lin(lp["gin_mlp"]["l1"])
        gw2, gb2 = lin(lp["gin_mlp"]["l2"])
        geps = lp["gin_eps"].reshape(1, 1)
        hl_pre, sg_hl = pl.pallas_call(
            _gin_body,
            grid=(NTN,),
            in_specs=[_spec_tile(H),
                      pl.BlockSpec((TN, H), _TILE),
                      pl.BlockSpec((TN, H), lambda i: (i + NTN, 0)),
                      _spec_full((1, 1)),
                      _spec_full((H, H)), _spec_full((1, H)),
                      _spec_full((H, H)), _spec_full((1, H)),
                      pl.BlockSpec((GP, TN), lambda i: (0, i))],
            out_specs=[_spec_tile(H), pl.BlockSpec((GP, 8), _FULL2)],
            out_shape=[jax.ShapeDtypeStruct((NP, H), f32),
                       jax.ShapeDtypeStruct((GP, 8), f32)],
        )(h, agg2, agg2, geps, gw1, gb1, gw2, gb2, mmat)

        g1 = lp["norm1"]["g"].reshape(1, H)
        c1 = lp["norm1"]["b"].reshape(1, H)
        g2 = lp["norm2"]["g"].reshape(1, H)
        c2 = lp["norm2"]["b"].reshape(1, H)
        fw1, fb1 = lin(lp["ff"]["l1"])
        fw2, fb2 = lin(lp["ff"]["l2"])
        out2, sg_o = pl.pallas_call(
            _mid_body,
            grid=(NTN,),
            in_specs=[_spec_tile(H), _spec_tile(H), _spec_full((GP, 8)),
                      _spec_full((GP, 8)), _spec_full((GP, 1)),
                      _spec_tile(GP),
                      _spec_full((1, H)), _spec_full((1, H)),
                      _spec_full((1, H)), _spec_full((1, H)),
                      _spec_full((H, 2 * H)), _spec_full((1, 2 * H)),
                      _spec_full((2 * H, H)), _spec_full((1, H)),
                      pl.BlockSpec((GP, TN), lambda i: (0, i))],
            out_specs=[_spec_tile(H), pl.BlockSpec((GP, 8), _FULL2)],
            out_shape=[jax.ShapeDtypeStruct((NP, H), f32),
                       jax.ShapeDtypeStruct((GP, 8), f32)],
        )(hl_pre, ha_pre, sg_hl, sg_ha, normv, mtmat, g1, c1, g2, c2,
          fw1, fb1, fw2, fb2, mmat)

        g3 = lp["norm3"]["g"].reshape(1, H)
        c3 = lp["norm3"]["b"].reshape(1, H)
        if li < LAYERS - 1:
            h, q, k, v = pl.pallas_call(
                _finqkv_body,
                grid=(NTN,),
                in_specs=[_spec_tile(H), _spec_tile(H), _spec_full((GP, 8)),
                          _spec_full((GP, 1)), _spec_tile(GP),
                          _spec_full((1, H)), _spec_full((1, H))]
                         + [_spec_full((H, H)), _spec_full((1, H))] * 3,
                out_specs=[_spec_tile(H)] * 4,
                out_shape=[jax.ShapeDtypeStruct((NP, H), f32)] * 4,
            )(h, out2, sg_o, normv, mtmat, g3, c3,
              *attnw(params["layers"][li + 1]))
        else:
            pw1, pb1 = lin(params["postnet"]["l1"])
            pw2, pb2 = lin(params["postnet"]["l2"])
            _, sg_pool = pl.pallas_call(
                _finpost_body,
                grid=(NTN,),
                in_specs=[_spec_tile(H), _spec_tile(H), _spec_full((GP, 8)),
                          _spec_full((GP, 1)), _spec_tile(GP),
                          _spec_full((1, H)), _spec_full((1, H)),
                          _spec_full((H, H)), _spec_full((1, H)),
                          _spec_full((H, H)), _spec_full((1, H)),
                          pl.BlockSpec((GP, TN), lambda i: (0, i))],
                out_specs=[_spec_tile(H), pl.BlockSpec((GP, H), _FULL2)],
                out_shape=[jax.ShapeDtypeStruct((NP, H), f32),
                           jax.ShapeDtypeStruct((GP, H), f32)],
            )(h, out2, sg_o, normv, mtmat, g3, c3,
              pw1, pb1, pw2, pb2, mmat)

    rw1, rb1 = lin(params["readout"]["l1"])
    rw2, rb2 = lin(params["readout"]["l2"])
    out = pl.pallas_call(
        _read_body,
        grid=(1,),
        in_specs=[_spec_full((GP, H)), _spec_full((GP, 1)),
                  _spec_full((H, H)), _spec_full((1, H)),
                  _spec_full((H, 1)), _spec_full((1, 1))],
        out_specs=_spec_full((GP, 1)),
        out_shape=jax.ShapeDtypeStruct((GP, 1), jnp.float32),
    )(sg_pool, denom, rw1, rb1, rw2, rb2)
    return out[:G]

# --- scband reference (transcript-rebuilt; emitter-appended) ---
"""Pipeline reference for scband-graph-gpsnet-85761906967229 (READ-ONLY COPY).

The authoritative reference and input builder live on the scoring server;
editing this copy changes nothing except your own understanding.
"""

import jax, jax.numpy as jnp
import numpy as np

N = 10000
E = 320000
G = 64
D_IN = 128
PE = 16
H = 128
HEADS = 4
LAYERS = 4
LN_EPS = 1e-5


def _lin(key, din, dout):
    k1, k2 = jax.random.split(key)
    s = 1.0 / np.sqrt(din)
    return {"w": jax.random.uniform(k1, (din, dout), minval=-s, maxval=s, dtype=jnp.float32),
            "b": jax.random.uniform(k2, (dout,), minval=-s, maxval=s, dtype=jnp.float32)}


def _ln_params(d):
    return {"g": jnp.ones((d,), jnp.float32), "b": jnp.zeros((d,), jnp.float32)}


def _make_params(key):
    ks = jax.random.split(key, 48)
    idx = [0]
    def nxt():
        k = ks[idx[0]]
        idx[0] += 1
        return k
    params = {"node_mlp": {"l1": _lin(nxt(), D_IN + PE, H), "l2": _lin(nxt(), H, H)}, "layers": []}
    for _ in range(LAYERS):
        layer = {
            "gin_eps": jnp.zeros((), jnp.float32),
            "gin_mlp": {"l1": _lin(nxt(), H, H), "l2": _lin(nxt(), H, H)},
            "attn": {"q": _lin(nxt(), H, H), "k": _lin(nxt(), H, H), "v": _lin(nxt(), H, H), "o": _lin(nxt(), H, H)},
            "norm1": _ln_params(H), "norm2": _ln_params(H), "norm3": _ln_params(H),
            "ff": {"l1": _lin(nxt(), H, 2 * H), "l2": _lin(nxt(), 2 * H, H)},
        }
        params["layers"].append(layer)
    params["postnet"] = {"l1": _lin(nxt(), H, H), "l2": _lin(nxt(), H, H)}
    params["readout"] = {"l1": _lin(nxt(), H, H), "l2": _lin(nxt(), H, 1)}
    return params


def setup_inputs(seed: int = 0):
    key = jax.random.key(seed)
    kx, ke, kb, kp, kw = jax.random.split(key, 5)
    x = jax.random.normal(kx, (N, D_IN), jnp.float32)
    edge_index = jax.random.randint(ke, (2, E), 0, N)
    batch = jnp.sort(jax.random.randint(kb, (N,), 0, G))
    lap_pe = jax.random.normal(kp, (N, PE), jnp.float32)
    params = _make_params(kw)
    return {"x": x, "edge_index": edge_index, "batch": batch, "lap_pe": lap_pe, "params": params}


def _mlp(p, x):
    h = jnp.maximum(x @ p["l1"]["w"] + p["l1"]["b"], 0.0)
    return h @ p["l2"]["w"] + p["l2"]["b"]


def _graph_ln(p, x, batch, counts):
    c = x.shape[-1]
    norm = jnp.maximum(counts.astype(jnp.float32) * c, 1.0)
    mean = jax.ops.segment_sum(x.sum(-1), batch, num_segments=G) / norm
    xc = x - mean[batch][:, None]
    var = jax.ops.segment_sum((xc * xc).sum(-1), batch, num_segments=G) / norm
    out = xc / jnp.sqrt(var + LN_EPS)[batch][:, None]
    return out * p["g"] + p["b"]


def _attn(p, x, batch, pos, counts):
    d = x.shape[-1]
    dh = d // HEADS
    n = x.shape[0]
    q = (x @ p["q"]["w"] + p["q"]["b"]).reshape(n, HEADS, dh)
    k = (x @ p["k"]["w"] + p["k"]["b"]).reshape(n, HEADS, dh)
    v = (x @ p["v"]["w"] + p["v"]["b"]).reshape(n, HEADS, dh)
    scores = jnp.einsum('mhd,nhd->hmn', q, k) / np.sqrt(dh)
    mask = batch[:, None] == batch[None, :]
    scores = jnp.where(mask[None, :, :], scores, -1e9)
    a = jax.nn.softmax(scores, axis=-1)
    o = jnp.einsum('hmn,nhd->mhd', a, v).reshape(n, d)
    o = o @ p["o"]["w"] + p["o"]["b"]
    return o


def _forward(x, lap_pe, params, edge_index, batch, counts, pos):
    src, dst = edge_index[0], edge_index[1]
    n = x.shape[0]
    h = jnp.concatenate([x, lap_pe], axis=-1)
    h = _mlp(params["node_mlp"], h)
    for lp in params["layers"]:
        agg = jax.ops.segment_sum(h[src], dst, num_segments=n)
        hl = _mlp(lp["gin_mlp"], (1.0 + lp["gin_eps"]) * h + agg)
        hl = hl + h
        hl = _graph_ln(lp["norm1"], hl, batch, counts)
        ha = _attn(lp["attn"], h, batch, pos, counts)
        ha = ha + h
        ha = _graph_ln(lp["norm2"], ha, batch, counts)
        out = hl + ha
        ff = jax.nn.gelu(out @ lp["ff"]["l1"]["w"] + lp["ff"]["l1"]["b"], approximate=False)
        ff = ff @ lp["ff"]["l2"]["w"] + lp["ff"]["l2"]["b"]
        out = out + ff
        out = _graph_ln(lp["norm3"], out, batch, counts)
        h = h + out
    h = h + _mlp(params["postnet"], h)
    denom = jnp.maximum(counts, 1).astype(jnp.float32)[:, None]
    g = jax.ops.segment_sum(h, batch, num_segments=G) / denom
    return _mlp(params["readout"], g)


def reference(x, edge_index, batch, lap_pe, params):
    counts = jnp.bincount(batch, length=G)
    starts = jnp.cumsum(counts) - counts
    pos = jnp.arange(x.shape[0]) - starts[batch]
    return _forward(x, lap_pe, params, edge_index, batch, counts, pos)

if __name__ == "__main__":
    import jax
    _d = setup_inputs()
    print(jax.jit(kernel)(*tuple(_d.values())))

</pallas_src>

<mosaic_0001>
#map = affine_map<(d0, d1) -> (0, 0)>
#map1 = affine_map<(d0, d1) -> (0)>
module attributes {stable_mosaic.version = 14 : i64} {
  func.func @k(%arg0: i32, %arg1: i32, %arg2: memref<10240x128xf32, #tpu.memory_space<hbm>>, %arg3: memref<327680xi32, #tpu.memory_space<hbm>>, %arg4: memref<327680xi32, #tpu.memory_space<hbm>>, %arg5: memref<10240x128xf32, #tpu.memory_space<hbm>>, %arg6: memref<20480x128xf32, #tpu.memory_space<hbm>>, %arg7: memref<10240xi32, #tpu.memory_space<vmem>>, %arg8: memref<128xi32, #tpu.memory_space<vmem>>, %arg9: memref<128xi32, #tpu.memory_space<vmem>>, %arg10: memref<128x128xf32, #tpu.memory_space<vmem>>, %arg11: memref<128x128xf32, #tpu.memory_space<vmem>>, %arg12: memref<10240x128xf32, #tpu.memory_space<vmem_shared>>, %arg13: memref<!tpu.dma_semaphore, #tpu.memory_space<semaphore_mem>>, %arg14: memref<!tpu.dma_semaphore, #tpu.memory_space<semaphore_mem>>, %arg15: memref<!tpu.dma_semaphore, #tpu.memory_space<semaphore_mem>>, %arg16: memref<!tpu.dma_semaphore, #tpu.memory_space<semaphore_mem>>) attributes {dimension_semantics = [#tpu.dimension_semantics<core_parallel>, #tpu.dimension_semantics<subcore_parallel>], iteration_bounds = array<i64: 2, 16>, scalar_prefetch = 0 : i64, scratch_operands = 10 : i64, tpu.core_type = #tpu.core_type<sc_vector_subcore>, window_params = [{transform_indices = #map}, {transform_indices = #map1}, {transform_indices = #map1}, {transform_indices = #map}, {transform_indices = #map}]} {
    %mul3A = arith.constant 16 : i32
    %mul3A_0 = arith.muli %arg0, %mul3A : i32
    %add3A = arith.addi %mul3A_0, %arg1 : i32
    %mul3A_1 = arith.constant 10240 : i32
    %mul3A_2 = arith.muli %add3A, %mul3A_1 : i32
    "tpu.region"() ({
      %run_scoped3A = tpu.sem_alloc : memref<!tpu.dma_semaphore, #tpu.memory_space<semaphore_mem>>
      %dma_start3A_54 = tpu.memref_slice %arg3[%mul3A_2] : memref<327680xi32, #tpu.memory_space<hbm>> -> memref<10240xi32, #tpu.memory_space<hbm>>
      %dma_start3A_55 = tpu.memref_slice %arg3[%mul3A_2] : memref<327680xi32, #tpu.memory_space<hbm>> -> memref<10240xi32, #tpu.memory_space<hbm>>
      tpu.enqueue_dma source(%dma_start3A_55 : memref<10240xi32, #tpu.memory_space<hbm>>) target(%arg7 : memref<10240xi32, #tpu.memory_space<vmem>>) target_semaphore(%run_scoped3A : memref<!tpu.dma_semaphore, #tpu.memory_space<semaphore_mem>>)
      %dma_wait3A_56 = tpu.memref_slice %arg3[%mul3A_2] : memref<327680xi32, #tpu.memory_space<hbm>> -> memref<10240xi32, #tpu.memory_space<hbm>>
      %dma_wait3A_57 = tpu.memref_slice %arg3[%mul3A_2] : memref<327680xi32, #tpu.memory_space<hbm>> -> memref<10240xi32, #tpu.memory_space<hbm>>
      tpu.wait_dma2 semaphore(%run_scoped3A : memref<!tpu.dma_semaphore, #tpu.memory_space<semaphore_mem>>) src(%dma_wait3A_57 : memref<10240xi32, #tpu.memory_space<hbm>>) dst(%arg7 : memref<10240xi32, #tpu.memory_space<vmem>>)
      tpu.yield
    }) : () -> ()
    %mul3A_3 = arith.constant 640 : i32
    %mul3A_4 = arith.muli %arg1, %mul3A_3 : i32
    %mul3A_5 = arith.constant 640 : i32
    %mul3A_6 = arith.muli %arg1, %mul3A_5 : i32
    "tpu.region"() ({
      %run_scoped3A = tpu.sem_alloc : memref<!tpu.dma_semaphore, #tpu.memory_space<semaphore_mem>>
      %dma_start3A_54 = arith.constant 0 : i32
      %dma_start3A_55 = tpu.memref_slice %arg12[%mul3A_6, %dma_start3A_54] : memref<10240x128xf32, #tpu.memory_space<vmem_shared>> -> memref<640x128xf32, #tpu.memory_space<vmem_shared>>
      %dma_start3A_56 = arith.constant 0 : i32
      %dma_start3A_57 = tpu.memref_slice %arg5[%mul3A_4, %dma_start3A_56] : memref<10240x128xf32, #tpu.memory_space<hbm>> -> memref<640x128xf32, #tpu.memory_space<hbm>>
      tpu.enqueue_dma source(%dma_start3A_57 : memref<640x128xf32, #tpu.memory_space<hbm>>) target(%dma_start3A_55 : memref<640x128xf32, #tpu.memory_space<vmem_shared>>) target_semaphore(%run_scoped3A : memref<!tpu.dma_semaphore, #tpu.memory_space<semaphore_mem>>)
      %dma_wait3A_58 = arith.constant 0 : i32
      %dma_wait3A_59 = tpu.memref_slice %arg12[%mul3A_6, %dma_wait3A_58] : memref<10240x128xf32, #tpu.memory_space<vmem_shared>> -> memref<640x128xf32, #tpu.memory_space<vmem_shared>>
      %dma_wait3A_60 = arith.constant 0 : i32
      %dma_wait3A_61 = tpu.memref_slice %arg5[%mul3A_4, %dma_wait3A_60] : memref<10240x128xf32, #tpu.memory_space<hbm>> -> memref<640x128xf32, #tpu.memory_space<hbm>>
      tpu.wait_dma2 semaphore(%run_scoped3A : memref<!tpu.dma_semaphore, #tpu.memory_space<semaphore_mem>>) src(%dma_wait3A_61 : memref<640x128xf32, #tpu.memory_space<hbm>>) dst(%dma_wait3A_59 : memref<640x128xf32, #tpu.memory_space<vmem_shared>>)
      tpu.yield
    }) : () -> ()
    %barrier3A = arith.constant 0 : index
    tpu.barrier barrier_id(%barrier3A)
    %dma_start3A = arith.constant 0 : i32
    %dma_start3A_7 = tpu.memref_slice %arg7[%dma_start3A] : memref<10240xi32, #tpu.memory_space<vmem>> -> memref<128xi32, #tpu.memory_space<vmem>>
    %dma_start3A_8 = arith.constant 0 : i32
    %dma_start3A_9 = arith.constant 0 : i32
    %dma_start3A_10 = tpu.memref_slice %arg2[%dma_start3A_8, %dma_start3A_9] : memref<10240x128xf32, #tpu.memory_space<hbm>> -> memref<10240x128xf32, #tpu.memory_space<hbm>>
    tpu.enqueue_indirect_dma source(%dma_start3A_10 : memref<10240x128xf32, #tpu.memory_space<hbm>>) target(%arg10 : memref<128x128xf32, #tpu.memory_space<vmem>>) offsets(%dma_start3A_7 : memref<128xi32, #tpu.memory_space<vmem>>) semaphore(%arg13 : memref<!tpu.dma_semaphore, #tpu.memory_space<semaphore_mem>>)
    %add3A_11 = arith.constant 0 : i32
    %add3A_12 = arith.addi %mul3A_2, %add3A_11 : i32
    %dma_start3A_13 = tpu.memref_slice %arg4[%add3A_12] : memref<327680xi32, #tpu.memory_space<hbm>> -> memref<128xi32, #tpu.memory_space<hbm>>
    %dma_start3A_14 = tpu.memref_slice %arg4[%add3A_12] : memref<327680xi32, #tpu.memory_space<hbm>> -> memref<128xi32, #tpu.memory_space<hbm>>
    tpu.enqueue_dma source(%dma_start3A_14 : memref<128xi32, #tpu.memory_space<hbm>>) target(%arg8 : memref<128xi32, #tpu.memory_space<vmem>>) target_semaphore(%arg15 : memref<!tpu.dma_semaphore, #tpu.memory_space<semaphore_mem>>)
    %dma_start3A_15 = arith.constant 128 : i32
    %dma_start3A_16 = tpu.memref_slice %arg7[%dma_start3A_15] : memref<10240xi32, #tpu.memory_space<vmem>> -> memref<128xi32, #tpu.memory_space<vmem>>
    %dma_start3A_17 = arith.constant 0 : i32
    %dma_start3A_18 = arith.constant 0 : i32
    %dma_start3A_19 = tpu.memref_slice %arg2[%dma_start3A_17, %dma_start3A_18] : memref<10240x128xf32, #tpu.memory_space<hbm>> -> memref<10240x128xf32, #tpu.memory_space<hbm>>
    tpu.enqueue_indirect_dma source(%dma_start3A_19 : memref<10240x128xf32, #tpu.memory_space<hbm>>) target(%arg11 : memref<128x128xf32, #tpu.memory_space<vmem>>) offsets(%dma_start3A_16 : memref<128xi32, #tpu.memory_space<vmem>>) semaphore(%arg14 : memref<!tpu.dma_semaphore, #tpu.memory_space<semaphore_mem>>)
    %add3A_20 = arith.constant 128 : i32
    %add3A_21 = arith.addi %mul3A_2, %add3A_20 : i32
    %dma_start3A_22 = tpu.memref_slice %arg4[%add3A_21] : memref<327680xi32, #tpu.memory_space<hbm>> -> memref<128xi32, #tpu.memory_space<hbm>>
    %dma_start3A_23 = tpu.memref_slice %arg4[%add3A_21] : memref<327680xi32, #tpu.memory_space<hbm>> -> memref<128xi32, #tpu.memory_space<hbm>>
    tpu.enqueue_dma source(%dma_start3A_23 : memref<128xi32, #tpu.memory_space<hbm>>) target(%arg9 : memref<128xi32, #tpu.memory_space<vmem>>) target_semaphore(%arg16 : memref<!tpu.dma_semaphore, #tpu.memory_space<semaphore_mem>>)
    %scan3A = arith.constant 0 : i32
    %scan3A_24 = arith.constant 0 : i32
    %scan3A_25 = arith.constant 39 : i32
    %scan3A_26 = arith.addi %scan3A_24, %scan3A_25 : i32
    %scan3A_27 = arith.constant 1 : i32
    scf.for %scan3A_54 = %scan3A_24 to %scan3A_26 step %scan3A_27  : i32 {
      %mul3A_55 = arith.constant 2 : i32
      %mul3A_56 = arith.muli %mul3A_55, %scan3A_54 : i32
      %mul3A_57 = arith.constant 128 : i32
      %mul3A_58 = arith.muli %mul3A_56, %mul3A_57 : i32
      %dma_wait3A_59 = tpu.memref_slice %arg7[%mul3A_58] : memref<10240xi32, #tpu.memory_space<vmem>> -> memref<128xi32, #tpu.memory_space<vmem>>
      %dma_wait3A_60 = arith.constant 0 : i32
      %dma_wait3A_61 = arith.constant 0 : i32
      %dma_wait3A_62 = tpu.memref_slice %arg2[%dma_wait3A_60, %dma_wait3A_61] : memref<10240x128xf32, #tpu.memory_space<hbm>> -> memref<10240x128xf32, #tpu.memory_space<hbm>>
      tpu.wait_indirect_dma semaphore(%arg13 : memref<!tpu.dma_semaphore, #tpu.memory_space<semaphore_mem>>) src(%dma_wait3A_62 : memref<10240x128xf32, #tpu.memory_space<hbm>>) dst(%arg10 : memref<128x128xf32, #tpu.memory_space<vmem>>)
      %mul3A_63 = arith.constant 128 : i32
      %mul3A_64 = arith.muli %mul3A_56, %mul3A_63 : i32
      %add3A_65 = arith.addi %mul3A_2, %mul3A_64 : i32
      %dma_wait3A_66 = tpu.memref_slice %arg4[%add3A_65] : memref<327680xi32, #tpu.memory_space<hbm>> -> memref<128xi32, #tpu.memory_space<hbm>>
      %dma_wait3A_67 = tpu.memref_slice %arg4[%add3A_65] : memref<327680xi32, #tpu.memory_space<hbm>> -> memref<128xi32, #tpu.memory_space<hbm>>
      tpu.wait_dma2 semaphore(%arg15 : memref<!tpu.dma_semaphore, #tpu.memory_space<semaphore_mem>>) src(%dma_wait3A_67 : memref<128xi32, #tpu.memory_space<hbm>>) dst(%arg8 : memref<128xi32, #tpu.memory_space<vmem>>)
      "tpu.region"() ({
        %run_scoped3A = tpu.sem_alloc : memref<!tpu.dma_semaphore, #tpu.memory_space<semaphore_mem>>
        %dma_start3A_113 = arith.constant 0 : i32
        %dma_start3A_114 = arith.constant 0 : i32
        %dma_start3A_115 = tpu.memref_slice %arg12[%dma_start3A_113, %dma_start3A_114] : memref<10240x128xf32, #tpu.memory_space<vmem_shared>> -> memref<10240x128xf32, #tpu.memory_space<vmem_shared>>
        tpu.enqueue_indirect_dma source(%arg10 : memref<128x128xf32, #tpu.memory_space<vmem>>) target(%dma_start3A_115 : memref<10240x128xf32, #tpu.memory_space<vmem_shared>>) offsets(%arg8 : memref<128xi32, #tpu.memory_space<vmem>>) semaphore(%run_scoped3A : memref<!tpu.dma_semaphore, #tpu.memory_space<semaphore_mem>>) {add = true}
        %dma_wait3A_116 = arith.constant 0 : i32
        %dma_wait3A_117 = arith.constant 0 : i32
        %dma_wait3A_118 = tpu.memref_slice %arg12[%dma_wait3A_116, %dma_wait3A_117] : memref<10240x128xf32, #tpu.memory_space<vmem_shared>> -> memref<10240x128xf32, #tpu.memory_space<vmem_shared>>
        tpu.wait_indirect_dma semaphore(%run_scoped3A : memref<!tpu.dma_semaphore, #tpu.memory_space<semaphore_mem>>) src(%arg10 : memref<128x128xf32, #tpu.memory_space<vmem>>) dst(%dma_wait3A_118 : memref<10240x128xf32, #tpu.memory_space<vmem_shared>>)
        tpu.yield
      }) : () -> ()
      %add3A_68 = arith.constant 2 : i32
      %add3A_69 = arith.addi %mul3A_56, %add3A_68 : i32
      %mul3A_70 = arith.constant 128 : i32
      %mul3A_71 = arith.muli %add3A_69, %mul3A_70 : i32
      %dma_start3A_72 = tpu.memref_slice %arg7[%mul3A_71] : memref<10240xi32, #tpu.memory_space<vmem>> -> memref<128xi32, #tpu.memory_space<vmem>>
      %dma_start3A_73 = arith.constant 0 : i32
      %dma_start3A_74 = arith.constant 0 : i32
      %dma_start3A_75 = tpu.memref_slice %arg2[%dma_start3A_73, %dma_start3A_74] : memref<10240x128xf32, #tpu.memory_space<hbm>> -> memref<10240x128xf32, #tpu.memory_space<hbm>>
      tpu.enqueue_indirect_dma source(%dma_start3A_75 : memref<10240x128xf32, #tpu.memory_space<hbm>>) target(%arg10 : memref<128x128xf32, #tpu.memory_space<vmem>>) offsets(%dma_start3A_72 : memref<128xi32, #tpu.memory_space<vmem>>) semaphore(%arg13 : memref<!tpu.dma_semaphore, #tpu.memory_space<semaphore_mem>>)
      %add3A_76 = arith.constant 2 : i32
      %add3A_77 = arith.addi %mul3A_56, %add3A_76 : i32
      %mul3A_78 = arith.constant 128 : i32
      %mul3A_79 = arith.muli %add3A_77, %mul3A_78 : i32
      %add3A_80 = arith.addi %mul3A_2, %mul3A_79 : i32
      %dma_start3A_81 = tpu.memref_slice %arg4[%add3A_80] : memref<327680xi32, #tpu.memory_space<hbm>> -> memref<128xi32, #tpu.memory_space<hbm>>
      %dma_start3A_82 = tpu.memref_slice %arg4[%add3A_80] : memref<327680xi32, #tpu.memory_space<hbm>> -> memref<128xi32, #tpu.memory_space<hbm>>
      tpu.enqueue_dma source(%dma_start3A_82 : memref<128xi32, #tpu.memory_space<hbm>>) target(%arg8 : memref<128xi32, #tpu.memory_space<vmem>>) target_semaphore(%arg15 : memref<!tpu.dma_semaphore, #tpu.memory_space<semaphore_mem>>)
      %add3A_83 = arith.constant 1 : i32
      %add3A_84 = arith.addi %mul3A_56, %add3A_83 : i32
      %mul3A_85 = arith.constant 128 : i32
      %mul3A_86 = arith.muli %add3A_84, %mul3A_85 : i32
      %dma_wait3A_87 = tpu.memref_slice %arg7[%mul3A_86] : memref<10240xi32, #tpu.memory_space<vmem>> -> memref<128xi32, #tpu.memory_space<vmem>>
      %dma_wait3A_88 = arith.constant 0 : i32
      %dma_wait3A_89 = arith.constant 0 : i32
      %dma_wait3A_90 = tpu.memref_slice %arg2[%dma_wait3A_88, %dma_wait3A_89] : memref<10240x128xf32, #tpu.memory_space<hbm>> -> memref<10240x128xf32, #tpu.memory_space<hbm>>
      tpu.wait_indirect_dma semaphore(%arg14 : memref<!tpu.dma_semaphore, #tpu.memory_space<semaphore_mem>>) src(%dma_wait3A_90 : memref<10240x128xf32, #tpu.memory_space<hbm>>) dst(%arg11 : memref<128x128xf32, #tpu.memory_space<vmem>>)
      %add3A_91 = arith.constant 1 : i32
      %add3A_92 = arith.addi %mul3A_56, %add3A_91 : i32
      %mul3A_93 = arith.constant 128 : i32
      %mul3A_94 = arith.muli %add3A_92, %mul3A_93 : i32
      %add3A_95 = arith.addi %mul3A_2, %mul3A_94 : i32
      %dma_wait3A_96 = tpu.memref_slice %arg4[%add3A_95] : memref<327680xi32, #tpu.memory_space<hbm>> -> memref<128xi32, #tpu.memory_space<hbm>>
      %dma_wait3A_97 = tpu.memref_slice %arg4[%add3A_95] : memref<327680xi32, #tpu.memory_space<hbm>> -> memref<128xi32, #tpu.memory_space<hbm>>
      tpu.wait_dma2 semaphore(%arg16 : memref<!tpu.dma_semaphore, #tpu.memory_space<semaphore_mem>>) src(%dma_wait3A_97 : memref<128xi32, #tpu.memory_space<hbm>>) dst(%arg9 : memref<128xi32, #tpu.memory_space<vmem>>)
      "tpu.region"() ({
        %run_scoped3A = tpu.sem_alloc : memref<!tpu.dma_semaphore, #tpu.memory_space<semaphore_mem>>
        %dma_start3A_113 = arith.constant 0 : i32
        %dma_start3A_114 = arith.constant 0 : i32
        %dma_start3A_115 = tpu.memref_slice %arg12[%dma_start3A_113, %dma_start3A_114] : memref<10240x128xf32, #tpu.memory_space<vmem_shared>> -> memref<10240x128xf32, #tpu.memory_space<vmem_shared>>
        tpu.enqueue_indirect_dma source(%arg11 : memref<128x128xf32, #tpu.memory_space<vmem>>) target(%dma_start3A_115 : memref<10240x128xf32, #tpu.memory_space<vmem_shared>>) offsets(%arg9 : memref<128xi32, #tpu.memory_space<vmem>>) semaphore(%run_scoped3A : memref<!tpu.dma_semaphore, #tpu.memory_space<semaphore_mem>>) {add = true}
        %dma_wait3A_116 = arith.constant 0 : i32
        %dma_wait3A_117 = arith.constant 0 : i32
        %dma_wait3A_118 = tpu.memref_slice %arg12[%dma_wait3A_116, %dma_wait3A_117] : memref<10240x128xf32, #tpu.memory_space<vmem_shared>> -> memref<10240x128xf32, #tpu.memory_space<vmem_shared>>
        tpu.wait_indirect_dma semaphore(%run_scoped3A : memref<!tpu.dma_semaphore, #tpu.memory_space<semaphore_mem>>) src(%arg11 : memref<128x128xf32, #tpu.memory_space<vmem>>) dst(%dma_wait3A_118 : memref<10240x128xf32, #tpu.memory_space<vmem_shared>>)
        tpu.yield
      }) : () -> ()
      %add3A_98 = arith.constant 3 : i32
      %add3A_99 = arith.addi %mul3A_56, %add3A_98 : i32
      %mul3A_100 = arith.constant 128 : i32
      %mul3A_101 = arith.muli %add3A_99, %mul3A_100 : i32
      %dma_start3A_102 = tpu.memref_slice %arg7[%mul3A_101] : memref<10240xi32, #tpu.memory_space<vmem>> -> memref<128xi32, #tpu.memory_space<vmem>>
      %dma_start3A_103 = arith.constant 0 : i32
      %dma_start3A_104 = arith.constant 0 : i32
      %dma_start3A_105 = tpu.memref_slice %arg2[%dma_start3A_103, %dma_start3A_104] : memref<10240x128xf32, #tpu.memory_space<hbm>> -> memref<10240x128xf32, #tpu.memory_space<hbm>>
      tpu.enqueue_indirect_dma source(%dma_start3A_105 : memref<10240x128xf32, #tpu.memory_space<hbm>>) target(%arg11 : memref<128x128xf32, #tpu.memory_space<vmem>>) offsets(%dma_start3A_102 : memref<128xi32, #tpu.memory_space<vmem>>) semaphore(%arg14 : memref<!tpu.dma_semaphore, #tpu.memory_space<semaphore_mem>>)
      %add3A_106 = arith.constant 3 : i32
      %add3A_107 = arith.addi %mul3A_56, %add3A_106 : i32
      %mul3A_108 = arith.constant 128 : i32
      %mul3A_109 = arith.muli %add3A_107, %mul3A_108 : i32
      %add3A_110 = arith.addi %mul3A_2, %mul3A_109 : i32
      %dma_start3A_111 = tpu.memref_slice %arg4[%add3A_110] : memref<327680xi32, #tpu.memory_space<hbm>> -> memref<128xi32, #tpu.memory_space<hbm>>
      %dma_start3A_112 = tpu.memref_slice %arg4[%add3A_110] : memref<327680xi32, #tpu.memory_space<hbm>> -> memref<128xi32, #tpu.memory_space<hbm>>
      tpu.enqueue_dma source(%dma_start3A_112 : memref<128xi32, #tpu.memory_space<hbm>>) target(%arg9 : memref<128xi32, #tpu.memory_space<vmem>>) target_semaphore(%arg16 : memref<!tpu.dma_semaphore, #tpu.memory_space<semaphore_mem>>)
    }
    %scan3A_28 = arith.constant 39 : i32
    %dma_wait3A = arith.constant 9984 : i32
    %dma_wait3A_29 = tpu.memref_slice %arg7[%dma_wait3A] : memref<10240xi32, #tpu.memory_space<vmem>> -> memref<128xi32, #tpu.memory_space<vmem>>
    %dma_wait3A_30 = arith.constant 0 : i32
    %dma_wait3A_31 = arith.constant 0 : i32
    %dma_wait3A_32 = tpu.memref_slice %arg2[%dma_wait3A_30, %dma_wait3A_31] : memref<10240x128xf32, #tpu.memory_space<hbm>> -> memref<10240x128xf32, #tpu.memory_space<hbm>>
    tpu.wait_indirect_dma semaphore(%arg13 : memref<!tpu.dma_semaphore, #tpu.memory_space<semaphore_mem>>) src(%dma_wait3A_32 : memref<10240x128xf32, #tpu.memory_space<hbm>>) dst(%arg10 : memref<128x128xf32, #tpu.memory_space<vmem>>)
    %add3A_33 = arith.constant 9984 : i32
    %add3A_34 = arith.addi %mul3A_2, %add3A_33 : i32
    %dma_wait3A_35 = tpu.memref_slice %arg4[%add3A_34] : memref<327680xi32, #tpu.memory_space<hbm>> -> memref<128xi32, #tpu.memory_space<hbm>>
    %dma_wait3A_36 = tpu.memref_slice %arg4[%add3A_34] : memref<327680xi32, #tpu.memory_space<hbm>> -> memref<128xi32, #tpu.memory_space<hbm>>
    tpu.wait_dma2 semaphore(%arg15 : memref<!tpu.dma_semaphore, #tpu.memory_space<semaphore_mem>>) src(%dma_wait3A_36 : memref<128xi32, #tpu.memory_space<hbm>>) dst(%arg8 : memref<128xi32, #tpu.memory_space<vmem>>)
    "tpu.region"() ({
      %run_scoped3A = tpu.sem_alloc : memref<!tpu.dma_semaphore, #tpu.memory_space<semaphore_mem>>
      %dma_start3A_54 = arith.constant 0 : i32
      %dma_start3A_55 = arith.constant 0 : i32
      %dma_start3A_56 = tpu.memref_slice %arg12[%dma_start3A_54, %dma_start3A_55] : memref<10240x128xf32, #tpu.memory_space<vmem_shared>> -> memref<10240x128xf32, #tpu.memory_space<vmem_shared>>
      tpu.enqueue_indirect_dma source(%arg10 : memref<128x128xf32, #tpu.memory_space<vmem>>) target(%dma_start3A_56 : memref<10240x128xf32, #tpu.memory_space<vmem_shared>>) offsets(%arg8 : memref<128xi32, #tpu.memory_space<vmem>>) semaphore(%run_scoped3A : memref<!tpu.dma_semaphore, #tpu.memory_space<semaphore_mem>>) {add = true}
      %dma_wait3A_57 = arith.constant 0 : i32
      %dma_wait3A_58 = arith.constant 0 : i32
      %dma_wait3A_59 = tpu.memref_slice %arg12[%dma_wait3A_57, %dma_wait3A_58] : memref<10240x128xf32, #tpu.memory_space<vmem_shared>> -> memref<10240x128xf32, #tpu.memory_space<vmem_shared>>
      tpu.wait_indirect_dma semaphore(%run_scoped3A : memref<!tpu.dma_semaphore, #tpu.memory_space<semaphore_mem>>) src(%arg10 : memref<128x128xf32, #tpu.memory_space<vmem>>) dst(%dma_wait3A_59 : memref<10240x128xf32, #tpu.memory_space<vmem_shared>>)
      tpu.yield
    }) : () -> ()
    %dma_wait3A_37 = arith.constant 10112 : i32
    %dma_wait3A_38 = tpu.memref_slice %arg7[%dma_wait3A_37] : memref<10240xi32, #tpu.memory_space<vmem>> -> memref<128xi32, #tpu.memory_space<vmem>>
    %dma_wait3A_39 = arith.constant 0 : i32
    %dma_wait3A_40 = arith.constant 0 : i32
    %dma_wait3A_41 = tpu.memref_slice %arg2[%dma_wait3A_39, %dma_wait3A_40] : memref<10240x128xf32, #tpu.memory_space<hbm>> -> memref<10240x128xf32, #tpu.memory_space<hbm>>
    tpu.wait_indirect_dma semaphore(%arg14 : memref<!tpu.dma_semaphore, #tpu.memory_space<semaphore_mem>>) src(%dma_wait3A_41 : memref<10240x128xf32, #tpu.memory_space<hbm>>) dst(%arg11 : memref<128x128xf32, #tpu.memory_space<vmem>>)
    %add3A_42 = arith.constant 10112 : i32
    %add3A_43 = arith.addi %mul3A_2, %add3A_42 : i32
    %dma_wait3A_44 = tpu.memref_slice %arg4[%add3A_43] : memref<327680xi32, #tpu.memory_space<hbm>> -> memref<128xi32, #tpu.memory_space<hbm>>
    %dma_wait3A_45 = tpu.memref_slice %arg4[%add3A_43] : memref<327680xi32, #tpu.memory_space<hbm>> -> memref<128xi32, #tpu.memory_space<hbm>>
    tpu.wait_dma2 semaphore(%arg16 : memref<!tpu.dma_semaphore, #tpu.memory_space<semaphore_mem>>) src(%dma_wait3A_45 : memref<128xi32, #tpu.memory_space<hbm>>) dst(%arg9 : memref<128xi32, #tpu.memory_space<vmem>>)
    "tpu.region"() ({
      %run_scoped3A = tpu.sem_alloc : memref<!tpu.dma_semaphore, #tpu.memory_space<semaphore_mem>>
      %dma_start3A_54 = arith.constant 0 : i32
      %dma_start3A_55 = arith.constant 0 : i32
      %dma_start3A_56 = tpu.memref_slice %arg12[%dma_start3A_54, %dma_start3A_55] : memref<10240x128xf32, #tpu.memory_space<vmem_shared>> -> memref<10240x128xf32, #tpu.memory_space<vmem_shared>>
      tpu.enqueue_indirect_dma source(%arg11 : memref<128x128xf32, #tpu.memory_space<vmem>>) target(%dma_start3A_56 : memref<10240x128xf32, #tpu.memory_space<vmem_shared>>) offsets(%arg9 : memref<128xi32, #tpu.memory_space<vmem>>) semaphore(%run_scoped3A : memref<!tpu.dma_semaphore, #tpu.memory_space<semaphore_mem>>) {add = true}
      %dma_wait3A_57 = arith.constant 0 : i32
      %dma_wait3A_58 = arith.constant 0 : i32
      %dma_wait3A_59 = tpu.memref_slice %arg12[%dma_wait3A_57, %dma_wait3A_58] : memref<10240x128xf32, #tpu.memory_space<vmem_shared>> -> memref<10240x128xf32, #tpu.memory_space<vmem_shared>>
      tpu.wait_indirect_dma semaphore(%run_scoped3A : memref<!tpu.dma_semaphore, #tpu.memory_space<semaphore_mem>>) src(%arg11 : memref<128x128xf32, #tpu.memory_space<vmem>>) dst(%dma_wait3A_59 : memref<10240x128xf32, #tpu.memory_space<vmem_shared>>)
      tpu.yield
    }) : () -> ()
    %barrier3A_46 = arith.constant 0 : index
    tpu.barrier barrier_id(%barrier3A_46)
    %mul3A_47 = arith.constant 640 : i32
    %mul3A_48 = arith.muli %arg1, %mul3A_47 : i32
    %mul3A_49 = arith.constant 10240 : i32
    %mul3A_50 = arith.muli %arg0, %mul3A_49 : i32
    %mul3A_51 = arith.constant 640 : i32
    %mul3A_52 = arith.muli %arg1, %mul3A_51 : i32
    %add3A_53 = arith.addi %mul3A_50, %mul3A_52 : i32
    "tpu.region"() ({
      %run_scoped3A = tpu.sem_alloc : memref<!tpu.dma_semaphore, #tpu.memory_space<semaphore_mem>>
      %dma_start3A_54 = arith.constant 0 : i32
      %dma_start3A_55 = tpu.memref_slice %arg6[%add3A_53, %dma_start3A_54] : memref<20480x128xf32, #tpu.memory_space<hbm>> -> memref<640x128xf32, #tpu.memory_space<hbm>>
      %dma_start3A_56 = arith.constant 0 : i32
      %dma_start3A_57 = tpu.memref_slice %arg12[%mul3A_48, %dma_start3A_56] : memref<10240x128xf32, #tpu.memory_space<vmem_shared>> -> memref<640x128xf32, #tpu.memory_space<vmem_shared>>
      tpu.enqueue_dma source(%dma_start3A_57 : memref<640x128xf32, #tpu.memory_space<vmem_shared>>) target(%dma_start3A_55 : memref<640x128xf32, #tpu.memory_space<hbm>>) target_semaphore(%run_scoped3A : memref<!tpu.dma_semaphore, #tpu.memory_space<semaphore_mem>>)
      %dma_wait3A_58 = arith.constant 0 : i32
      %dma_wait3A_59 = tpu.memref_slice %arg6[%add3A_53, %dma_wait3A_58] : memref<20480x128xf32, #tpu.memory_space<hbm>> -> memref<640x128xf32, #tpu.memory_space<hbm>>
      %dma_wait3A_60 = arith.constant 0 : i32
      %dma_wait3A_61 = tpu.memref_slice %arg12[%mul3A_48, %dma_wait3A_60] : memref<10240x128xf32, #tpu.memory_space<vmem_shared>> -> memref<640x128xf32, #tpu.memory_space<vmem_shared>>
      tpu.wait_dma2 semaphore(%run_scoped3A : memref<!tpu.dma_semaphore, #tpu.memory_space<semaphore_mem>>) src(%dma_wait3A_61 : memref<640x128xf32, #tpu.memory_space<vmem_shared>>) dst(%dma_wait3A_59 : memref<640x128xf32, #tpu.memory_space<hbm>>)
      tpu.yield
    }) : () -> ()
    return
  }
}

#map = affine_map<(d0, d1) -> (0, 0)>
#map1 = affine_map<(d0, d1) -> (0)>
module attributes {stable_mosaic.version = 14 : i64} {
  func.func @k(%arg0: i32, %arg1: i32, %arg2: memref<10240x128xf32, #tpu.memory_space<hbm>>, %arg3: memref<327680xi32, #tpu.memory_space<hbm>>, %arg4: memref<327680xi32, #tpu.memory_space<hbm>>, %arg5: memref<10240x128xf32, #tpu.memory_space<hbm>>, %arg6: memref<20480x128xf32, #tpu.memory_space<hbm>>, %arg7: memref<10240xi32, #tpu.memory_space<vmem>>, %arg8: memref<128xi32, #tpu.memory_space<vmem>>, %arg9: memref<128xi32, #tpu.memory_space<vmem>>, %arg10: memref<128x128xf32, #tpu.memory_space<vmem>>, %arg11: memref<128x128xf32, #tpu.memory_space<vmem>>, %arg12: memref<10240x128xf32, #tpu.memory_space<vmem_shared>>, %arg13: memref<!tpu.dma_semaphore, #tpu.memory_space<semaphore_mem>>, %arg14: memref<!tpu.dma_semaphore, #tpu.memory_space<semaphore_mem>>, %arg15: memref<!tpu.dma_semaphore, #tpu.memory_space<semaphore_mem>>, %arg16: memref<!tpu.dma_semaphore, #tpu.memory_space<semaphore_mem>>) attributes {dimension_semantics = [#tpu.dimension_semantics<core_parallel>, #tpu.dimension_semantics<subcore_parallel>], iteration_bounds = array<i64: 2, 16>, scalar_prefetch = 0 : i64, scratch_operands = 10 : i64, tpu.core_type = #tpu.core_type<sc_vector_subcore>, window_params = [{transform_indices = #map}, {transform_indices = #map1}, {transform_indices = #map1}, {transform_indices = #map}, {transform_indices = #map}]} {
    %mul3A = arith.constant 16 : i32
    %mul3A_0 = arith.muli %arg0, %mul3A : i32
    %add3A = arith.addi %mul3A_0, %arg1 : i32
    %mul3A_1 = arith.constant 10240 : i32
    %mul3A_2 = arith.muli %add3A, %mul3A_1 : i32
    "tpu.region"() ({
      %run_scoped3A = tpu.sem_alloc : memref<!tpu.dma_semaphore, #tpu.memory_space<semaphore_mem>>
      %dma_start3A_54 = tpu.memref_slice %arg3[%mul3A_2] : memref<327680xi32, #tpu.memory_space<hbm>> -> memref<10240xi32, #tpu.memory_space<hbm>>
      %dma_start3A_55 = tpu.memref_slice %arg3[%mul3A_2] : memref<327680xi32, #tpu.memory_space<hbm>> -> memref<10240xi32, #tpu.memory_space<hbm>>
      tpu.enqueue_dma source(%dma_start3A_55 : memref<10240xi32, #tpu.memory_space<hbm>>) target(%arg7 : memref<10240xi32, #tpu.memory_space<vmem>>) target_semaphore(%run_scoped3A : memref<!tpu.dma_semaphore, #tpu.memory_space<semaphore_mem>>)
      %dma_wait3A_56 = tpu.memref_slice %arg3[%mul3A_2] : memref<327680xi32, #tpu.memory_space<hbm>> -> memref<10240xi32, #tpu.memory_space<hbm>>
      %dma_wait3A_57 = tpu.memref_slice %arg3[%mul3A_2] : memref<327680xi32, #tpu.memory_space<hbm>> -> memref<10240xi32, #tpu.memory_space<hbm>>
      tpu.wait_dma2 semaphore(%run_scoped3A : memref<!tpu.dma_semaphore, #tpu.memory_space<semaphore_mem>>) src(%dma_wait3A_57 : memref<10240xi32, #tpu.memory_space<hbm>>) dst(%arg7 : memref<10240xi32, #tpu.memory_space<vmem>>)
      tpu.yield
    }) : () -> ()
    %mul3A_3 = arith.constant 640 : i32
    %mul3A_4 = arith.muli %arg1, %mul3A_3 : i32
    %mul3A_5 = arith.constant 640 : i32
    %mul3A_6 = arith.muli %arg1, %mul3A_5 : i32
    "tpu.region"() ({
      %run_scoped3A = tpu.sem_alloc : memref<!tpu.dma_semaphore, #tpu.memory_space<semaphore_mem>>
      %dma_start3A_54 = arith.constant 0 : i32
      %dma_start3A_55 = tpu.memref_slice %arg12[%mul3A_6, %dma_start3A_54] : memref<10240x128xf32, #tpu.memory_space<vmem_shared>> -> memref<640x128xf32, #tpu.memory_space<vmem_shared>>
      %dma_start3A_56 = arith.constant 0 : i32
      %dma_start3A_57 = tpu.memref_slice %arg5[%mul3A_4, %dma_start3A_56] : memref<10240x128xf32, #tpu.memory_space<hbm>> -> memref<640x128xf32, #tpu.memory_space<hbm>>
      tpu.enqueue_dma source(%dma_start3A_57 : memref<640x128xf32, #tpu.memory_space<hbm>>) target(%dma_start3A_55 : memref<640x128xf32, #tpu.memory_space<vmem_shared>>) target_semaphore(%run_scoped3A : memref<!tpu.dma_semaphore, #tpu.memory_space<semaphore_mem>>)
      %dma_wait3A_58 = arith.constant 0 : i32
      %dma_wait3A_59 = tpu.memref_slice %arg12[%mul3A_6, %dma_wait3A_58] : memref<10240x128xf32, #tpu.memory_space<vmem_shared>> -> memref<640x128xf32, #tpu.memory_space<vmem_shared>>
      %dma_wait3A_60 = arith.constant 0 : i32
      %dma_wait3A_61 = tpu.memref_slice %arg5[%mul3A_4, %dma_wait3A_60] : memref<10240x128xf32, #tpu.memory_space<hbm>> -> memref<640x128xf32, #tpu.memory_space<hbm>>
      tpu.wait_dma2 semaphore(%run_scoped3A : memref<!tpu.dma_semaphore, #tpu.memory_space<semaphore_mem>>) src(%dma_wait3A_61 : memref<640x128xf32, #tpu.memory_space<hbm>>) dst(%dma_wait3A_59 : memref<640x128xf32, #tpu.memory_space<vmem_shared>>)
      tpu.yield
    }) : () -> ()
    %barrier3A = arith.constant 0 : index
    tpu.barrier barrier_id(%barrier3A)
    %dma_start3A = arith.constant 0 : i32
    %dma_start3A_7 = tpu.memref_slice %arg7[%dma_start3A] : memref<10240xi32, #tpu.memory_space<vmem>> -> memref<128xi32, #tpu.memory_space<vmem>>
    %dma_start3A_8 = arith.constant 0 : i32
    %dma_start3A_9 = arith.constant 0 : i32
    %dma_start3A_10 = tpu.memref_slice %arg2[%dma_start3A_8, %dma_start3A_9] : memref<10240x128xf32, #tpu.memory_space<hbm>> -> memref<10240x128xf32, #tpu.memory_space<hbm>>
    tpu.enqueue_indirect_dma source(%dma_start3A_10 : memref<10240x128xf32, #tpu.memory_space<hbm>>) target(%arg10 : memref<128x128xf32, #tpu.memory_space<vmem>>) offsets(%dma_start3A_7 : memref<128xi32, #tpu.memory_space<vmem>>) semaphore(%arg13 : memref<!tpu.dma_semaphore, #tpu.memory_space<semaphore_mem>>)
    %add3A_11 = arith.constant 0 : i32
    %add3A_12 = arith.addi %mul3A_2, %add3A_11 : i32
    %dma_start3A_13 = tpu.memref_slice %arg4[%add3A_12] : memref<327680xi32, #tpu.memory_space<hbm>> -> memref<128xi32, #tpu.memory_space<hbm>>
    %dma_start3A_14 = tpu.memref_slice %arg4[%add3A_12] : memref<327680xi32, #tpu.memory_space<hbm>> -> memref<128xi32, #tpu.memory_space<hbm>>
    tpu.enqueue_dma source(%dma_start3A_14 : memref<128xi32, #tpu.memory_space<hbm>>) target(%arg8 : memref<128xi32, #tpu.memory_space<vmem>>) target_semaphore(%arg15 : memref<!tpu.dma_semaphore, #tpu.memory_space<semaphore_mem>>)
    %dma_start3A_15 = arith.constant 128 : i32
    %dma_start3A_16 = tpu.memref_slice %arg7[%dma_start3A_15] : memref<10240xi32, #tpu.memory_space<vmem>> -> memref<128xi32, #tpu.memory_space<vmem>>
    %dma_start3A_17 = arith.constant 0 : i32
    %dma_start3A_18 = arith.constant 0 : i32
    %dma_start3A_19 = tpu.memref_slice %arg2[%dma_start3A_17, %dma_start3A_18] : memref<10240x128xf32, #tpu.memory_space<hbm>> -> memref<10240x128xf32, #tpu.memory_space<hbm>>
    tpu.enqueue_indirect_dma source(%dma_start3A_19 : memref<10240x128xf32, #tpu.memory_space<hbm>>) target(%arg11 : memref<128x128xf32, #tpu.memory_space<vmem>>) offsets(%dma_start3A_16 : memref<128xi32, #tpu.memory_space<vmem>>) semaphore(%arg14 : memref<!tpu.dma_semaphore, #tpu.memory_space<semaphore_mem>>)
    %add3A_20 = arith.constant 128 : i32
    %add3A_21 = arith.addi %mul3A_2, %add3A_20 : i32
    %dma_start3A_22 = tpu.memref_slice %arg4[%add3A_21] : memref<327680xi32, #tpu.memory_space<hbm>> -> memref<128xi32, #tpu.memory_space<hbm>>
    %dma_start3A_23 = tpu.memref_slice %arg4[%add3A_21] : memref<327680xi32, #tpu.memory_space<hbm>> -> memref<128xi32, #tpu.memory_space<hbm>>
    tpu.enqueue_dma source(%dma_start3A_23 : memref<128xi32, #tpu.memory_space<hbm>>) target(%arg9 : memref<128xi32, #tpu.memory_space<vmem>>) target_semaphore(%arg16 : memref<!tpu.dma_semaphore, #tpu.memory_space<semaphore_mem>>)
    %scan3A = arith.constant 0 : i32
    %scan3A_24 = arith.constant 0 : i32
    %scan3A_25 = arith.constant 39 : i32
    %scan3A_26 = arith.addi %scan3A_24, %scan3A_25 : i32
    %scan3A_27 = arith.constant 1 : i32
    scf.for %scan3A_54 = %scan3A_24 to %scan3A_26 step %scan3A_27  : i32 {
      %mul3A_55 = arith.constant 2 : i32
      %mul3A_56 = arith.muli %mul3A_55, %scan3A_54 : i32
      %mul3A_57 = arith.constant 128 : i32
      %mul3A_58 = arith.muli %mul3A_56, %mul3A_57 : i32
      %dma_wait3A_59 = tpu.memref_slice %arg7[%mul3A_58] : memref<10240xi32, #tpu.memory_space<vmem>> -> memref<128xi32, #tpu.memory_space<vmem>>
      %dma_wait3A_60 = arith.constant 0 : i32
      %dma_wait3A_61 = arith.constant 0 : i32
      %dma_wait3A_62 = tpu.memref_slice %arg2[%dma_wait3A_60, %dma_wait3A_61] : memref<10240x128xf32, #tpu.memory_space<hbm>> -> memref<10240x128xf32, #tpu.memory_space<hbm>>
      tpu.wait_indirect_dma semaphore(%arg13 : memref<!tpu.dma_semaphore, #tpu.memory_space<semaphore_mem>>) src(%dma_wait3A_62 : memref<10240x128xf32, #tpu.memory_space<hbm>>) dst(%arg10 : memref<128x128xf32, #tpu.memory_space<vmem>>)
      %mul3A_63 = arith.constant 128 : i32
      %mul3A_64 = arith.muli %mul3A_56, %mul3A_63 : i32
      %add3A_65 = arith.addi %mul3A_2, %mul3A_64 : i32
      %dma_wait3A_66 = tpu.memref_slice %arg4[%add3A_65] : memref<327680xi32, #tpu.memory_space<hbm>> -> memref<128xi32, #tpu.memory_space<hbm>>
      %dma_wait3A_67 = tpu.memref_slice %arg4[%add3A_65] : memref<327680xi32, #tpu.memory_space<hbm>> -> memref<128xi32, #tpu.memory_space<hbm>>
      tpu.wait_dma2 semaphore(%arg15 : memref<!tpu.dma_semaphore, #tpu.memory_space<semaphore_mem>>) src(%dma_wait3A_67 : memref<128xi32, #tpu.memory_space<hbm>>) dst(%arg8 : memref<128xi32, #tpu.memory_space<vmem>>)
      "tpu.region"() ({
        %run_scoped3A = tpu.sem_alloc : memref<!tpu.dma_semaphore, #tpu.memory_space<semaphore_mem>>
        %dma_start3A_113 = arith.constant 0 : i32
        %dma_start3A_114 = arith.constant 0 : i32
        %dma_start3A_115 = tpu.memref_slice %arg12[%dma_start3A_113, %dma_start3A_114] : memref<10240x128xf32, #tpu.memory_space<vmem_shared>> -> memref<10240x128xf32, #tpu.memory_space<vmem_shared>>
        tpu.enqueue_indirect_dma source(%arg10 : memref<128x128xf32, #tpu.memory_space<vmem>>) target(%dma_start3A_115 : memref<10240x128xf32, #tpu.memory_space<vmem_shared>>) offsets(%arg8 : memref<128xi32, #tpu.memory_space<vmem>>) semaphore(%run_scoped3A : memref<!tpu.dma_semaphore, #tpu.memory_space<semaphore_mem>>) {add = true}
        %dma_wait3A_116 = arith.constant 0 : i32
        %dma_wait3A_117 = arith.constant 0 : i32
        %dma_wait3A_118 = tpu.memref_slice %arg12[%dma_wait3A_116, %dma_wait3A_117] : memref<10240x128xf32, #tpu.memory_space<vmem_shared>> -> memref<10240x128xf32, #tpu.memory_space<vmem_shared>>
        tpu.wait_indirect_dma semaphore(%run_scoped3A : memref<!tpu.dma_semaphore, #tpu.memory_space<semaphore_mem>>) src(%arg10 : memref<128x128xf32, #tpu.memory_space<vmem>>) dst(%dma_wait3A_118 : memref<10240x128xf32, #tpu.memory_space<vmem_shared>>)
        tpu.yield
      }) : () -> ()
      %add3A_68 = arith.constant 2 : i32
      %add3A_69 = arith.addi %mul3A_56, %add3A_68 : i32
      %mul3A_70 = arith.constant 128 : i32
      %mul3A_71 = arith.muli %add3A_69, %mul3A_70 : i32
      %dma_start3A_72 = tpu.memref_slice %arg7[%mul3A_71] : memref<10240xi32, #tpu.memory_space<vmem>> -> memref<128xi32, #tpu.memory_space<vmem>>
      %dma_start3A_73 = arith.constant 0 : i32
      %dma_start3A_74 = arith.constant 0 : i32
      %dma_start3A_75 = tpu.memref_slice %arg2[%dma_start3A_73, %dma_start3A_74] : memref<10240x128xf32, #tpu.memory_space<hbm>> -> memref<10240x128xf32, #tpu.memory_space<hbm>>
      tpu.enqueue_indirect_dma source(%dma_start3A_75 : memref<10240x128xf32, #tpu.memory_space<hbm>>) target(%arg10 : memref<128x128xf32, #tpu.memory_space<vmem>>) offsets(%dma_start3A_72 : memref<128xi32, #tpu.memory_space<vmem>>) semaphore(%arg13 : memref<!tpu.dma_semaphore, #tpu.memory_space<semaphore_mem>>)
      %add3A_76 = arith.constant 2 : i32
      %add3A_77 = arith.addi %mul3A_56, %add3A_76 : i32
      %mul3A_78 = arith.constant 128 : i32
      %mul3A_79 = arith.muli %add3A_77, %mul3A_78 : i32
      %add3A_80 = arith.addi %mul3A_2, %mul3A_79 : i32
      %dma_start3A_81 = tpu.memref_slice %arg4[%add3A_80] : memref<327680xi32, #tpu.memory_space<hbm>> -> memref<128xi32, #tpu.memory_space<hbm>>
      %dma_start3A_82 = tpu.memref_slice %arg4[%add3A_80] : memref<327680xi32, #tpu.memory_space<hbm>> -> memref<128xi32, #tpu.memory_space<hbm>>
      tpu.enqueue_dma source(%dma_start3A_82 : memref<128xi32, #tpu.memory_space<hbm>>) target(%arg8 : memref<128xi32, #tpu.memory_space<vmem>>) target_semaphore(%arg15 : memref<!tpu.dma_semaphore, #tpu.memory_space<semaphore_mem>>)
      %add3A_83 = arith.constant 1 : i32
      %add3A_84 = arith.addi %mul3A_56, %add3A_83 : i32
      %mul3A_85 = arith.constant 128 : i32
      %mul3A_86 = arith.muli %add3A_84, %mul3A_85 : i32
      %dma_wait3A_87 = tpu.memref_slice %arg7[%mul3A_86] : memref<10240xi32, #tpu.memory_space<vmem>> -> memref<128xi32, #tpu.memory_space<vmem>>
      %dma_wait3A_88 = arith.constant 0 : i32
      %dma_wait3A_89 = arith.constant 0 : i32
      %dma_wait3A_90 = tpu.memref_slice %arg2[%dma_wait3A_88, %dma_wait3A_89] : memref<10240x128xf32, #tpu.memory_space<hbm>> -> memref<10240x128xf32, #tpu.memory_space<hbm>>
      tpu.wait_indirect_dma semaphore(%arg14 : memref<!tpu.dma_semaphore, #tpu.memory_space<semaphore_mem>>) src(%dma_wait3A_90 : memref<10240x128xf32, #tpu.memory_space<hbm>>) dst(%arg11 : memref<128x128xf32, #tpu.memory_space<vmem>>)
      %add3A_91 = arith.constant 1 : i32
      %add3A_92 = arith.addi %mul3A_56, %add3A_91 : i32
      %mul3A_93 = arith.constant 128 : i32
      %mul3A_94 = arith.muli %add3A_92, %mul3A_93 : i32
      %add3A_95 = arith.addi %mul3A_2, %mul3A_94 : i32
      %dma_wait3A_96 = tpu.memref_slice %arg4[%add3A_95] : memref<327680xi32, #tpu.memory_space<hbm>> -> memref<128xi32, #tpu.memory_space<hbm>>
      %dma_wait3A_97 = tpu.memref_slice %arg4[%add3A_95] : memref<327680xi32, #tpu.memory_space<hbm>> -> memref<128xi32, #tpu.memory_space<hbm>>
      tpu.wait_dma2 semaphore(%arg16 : memref<!tpu.dma_semaphore, #tpu.memory_space<semaphore_mem>>) src(%dma_wait3A_97 : memref<128xi32, #tpu.memory_space<hbm>>) dst(%arg9 : memref<128xi32, #tpu.memory_space<vmem>>)
      "tpu.region"() ({
        %run_scoped3A = tpu.sem_alloc : memref<!tpu.dma_semaphore, #tpu.memory_space<semaphore_mem>>
        %dma_start3A_113 = arith.constant 0 : i32
        %dma_start3A_114 = arith.constant 0 : i32
        %dma_start3A_115 = tpu.memref_slice %arg12[%dma_start3A_113, %dma_start3A_114] : memref<10240x128xf32, #tpu.memory_space<vmem_shared>> -> memref<10240x128xf32, #tpu.memory_space<vmem_shared>>
        tpu.enqueue_indirect_dma source(%arg11 : memref<128x128xf32, #tpu.memory_space<vmem>>) target(%dma_start3A_115 : memref<10240x128xf32, #tpu.memory_space<vmem_shared>>) offsets(%arg9 : memref<128xi32, #tpu.memory_space<vmem>>) semaphore(%run_scoped3A : memref<!tpu.dma_semaphore, #tpu.memory_space<semaphore_mem>>) {add = true}
        %dma_wait3A_116 = arith.constant 0 : i32
        %dma_wait3A_117 = arith.constant 0 : i32
        %dma_wait3A_118 = tpu.memref_slice %arg12[%dma_wait3A_116, %dma_wait3A_117] : memref<10240x128xf32, #tpu.memory_space<vmem_shared>> -> memref<10240x128xf32, #tpu.memory_space<vmem_shared>>
        tpu.wait_indirect_dma semaphore(%run_scoped3A : memref<!tpu.dma_semaphore, #tpu.memory_space<semaphore_mem>>) src(%arg11 : memref<128x128xf32, #tpu.memory_space<vmem>>) dst(%dma_wait3A_118 : memref<10240x128xf32, #tpu.memory_space<vmem_shared>>)
        tpu.yield
      }) : () -> ()
      %add3A_98 = arith.constant 3 : i32
      %add3A_99 = arith.addi %mul3A_56, %add3A_98 : i32
      %mul3A_100 = arith.constant 128 : i32
      %mul3A_101 = arith.muli %add3A_99, %mul3A_100 : i32
      %dma_start3A_102 = tpu.memref_slice %arg7[%mul3A_101] : memref<10240xi32, #tpu.memory_space<vmem>> -> memref<128xi32, #tpu.memory_space<vmem>>
      %dma_start3A_103 = arith.constant 0 : i32
      %dma_start3A_104 = arith.constant 0 : i32
      %dma_start3A_105 = tpu.memref_slice %arg2[%dma_start3A_103, %dma_start3A_104] : memref<10240x128xf32, #tpu.memory_space<hbm>> -> memref<10240x128xf32, #tpu.memory_space<hbm>>
      tpu.enqueue_indirect_dma source(%dma_start3A_105 : memref<10240x128xf32, #tpu.memory_space<hbm>>) target(%arg11 : memref<128x128xf32, #tpu.memory_space<vmem>>) offsets(%dma_start3A_102 : memref<128xi32, #tpu.memory_space<vmem>>) semaphore(%arg14 : memref<!tpu.dma_semaphore, #tpu.memory_space<semaphore_mem>>)
      %add3A_106 = arith.constant 3 : i32
      %add3A_107 = arith.addi %mul3A_56, %add3A_106 : i32
      %mul3A_108 = arith.constant 128 : i32
      %mul3A_109 = arith.muli %add3A_107, %mul3A_108 : i32
      %add3A_110 = arith.addi %mul3A_2, %mul3A_109 : i32
      %dma_start3A_111 = tpu.memref_slice %arg4[%add3A_110] : memref<327680xi32, #tpu.memory_space<hbm>> -> memref<128xi32, #tpu.memory_space<hbm>>
      %dma_start3A_112 = tpu.memref_slice %arg4[%add3A_110] : memref<327680xi32, #tpu.memory_space<hbm>> -> memref<128xi32, #tpu.memory_space<hbm>>
      tpu.enqueue_dma source(%dma_start3A_112 : memref<128xi32, #tpu.memory_space<hbm>>) target(%arg9 : memref<128xi32, #tpu.memory_space<vmem>>) target_semaphore(%arg16 : memref<!tpu.dma_semaphore, #tpu.memory_space<semaphore_mem>>)
    }
    %scan3A_28 = arith.constant 39 : i32
    %dma_wait3A = arith.constant 9984 : i32
    %dma_wait3A_29 = tpu.memref_slice %arg7[%dma_wait3A] : memref<10240xi32, #tpu.memory_space<vmem>> -> memref<128xi32, #tpu.memory_space<vmem>>
    %dma_wait3A_30 = arith.constant 0 : i32
    %dma_wait3A_31 = arith.constant 0 : i32
    %dma_wait3A_32 = tpu.memref_slice %arg2[%dma_wait3A_30, %dma_wait3A_31] : memref<10240x128xf32, #tpu.memory_space<hbm>> -> memref<10240x128xf32, #tpu.memory_space<hbm>>
    tpu.wait_indirect_dma semaphore(%arg13 : memref<!tpu.dma_semaphore, #tpu.memory_space<semaphore_mem>>) src(%dma_wait3A_32 : memref<10240x128xf32, #tpu.memory_space<hbm>>) dst(%arg10 : memref<128x128xf32, #tpu.memory_space<vmem>>)
    %add3A_33 = arith.constant 9984 : i32
    %add3A_34 = arith.addi %mul3A_2, %add3A_33 : i32
    %dma_wait3A_35 = tpu.memref_slice %arg4[%add3A_34] : memref<327680xi32, #tpu.memory_space<hbm>> -> memref<128xi32, #tpu.memory_space<hbm>>
    %dma_wait3A_36 = tpu.memref_slice %arg4[%add3A_34] : memref<327680xi32, #tpu.memory_space<hbm>> -> memref<128xi32, #tpu.memory_space<hbm>>
    tpu.wait_dma2 semaphore(%arg15 : memref<!tpu.dma_semaphore, #tpu.memory_space<semaphore_mem>>) src(%dma_wait3A_36 : memref<128xi32, #tpu.memory_space<hbm>>) dst(%arg8 : memref<128xi32, #tpu.memory_space<vmem>>)
    "tpu.region"() ({
      %run_scoped3A = tpu.sem_alloc : memref<!tpu.dma_semaphore, #tpu.memory_space<semaphore_mem>>
      %dma_start3A_54 = arith.constant 0 : i32
      %dma_start3A_55 = arith.constant 0 : i32
      %dma_start3A_56 = tpu.memref_slice %arg12[%dma_start3A_54, %dma_start3A_55] : memref<10240x128xf32, #tpu.memory_space<vmem_shared>> -> memref<10240x128xf32, #tpu.memory_space<vmem_shared>>
      tpu.enqueue_indirect_dma source(%arg10 : memref<128x128xf32, #tpu.memory_space<vmem>>) target(%dma_start3A_56 : memref<10240x128xf32, #tpu.memory_space<vmem_shared>>) offsets(%arg8 : memref<128xi32, #tpu.memory_space<vmem>>) semaphore(%run_scoped3A : memref<!tpu.dma_semaphore, #tpu.memory_space<semaphore_mem>>) {add = true}
      %dma_wait3A_57 = arith.constant 0 : i32
      %dma_wait3A_58 = arith.constant 0 : i32
      %dma_wait3A_59 = tpu.memref_slice %arg12[%dma_wait3A_57, %dma_wait3A_58] : memref<10240x128xf32, #tpu.memory_space<vmem_shared>> -> memref<10240x128xf32, #tpu.memory_space<vmem_shared>>
      tpu.wait_indirect_dma semaphore(%run_scoped3A : memref<!tpu.dma_semaphore, #tpu.memory_space<semaphore_mem>>) src(%arg10 : memref<128x128xf32, #tpu.memory_space<vmem>>) dst(%dma_wait3A_59 : memref<10240x128xf32, #tpu.memory_space<vmem_shared>>)
      tpu.yield
    }) : () -> ()
    %dma_wait3A_37 = arith.constant 10112 : i32
    %dma_wait3A_38 = tpu.memref_slice %arg7[%dma_wait3A_37] : memref<10240xi32, #tpu.memory_space<vmem>> -> memref<128xi32, #tpu.memory_space<vmem>>
    %dma_wait3A_39 = arith.constant 0 : i32
    %dma_wait3A_40 = arith.constant 0 : i32
    %dma_wait3A_41 = tpu.memref_slice %arg2[%dma_wait3A_39, %dma_wait3A_40] : memref<10240x128xf32, #tpu.memory_space<hbm>> -> memref<10240x128xf32, #tpu.memory_space<hbm>>
    tpu.wait_indirect_dma semaphore(%arg14 : memref<!tpu.dma_semaphore, #tpu.memory_space<semaphore_mem>>) src(%dma_wait3A_41 : memref<10240x128xf32, #tpu.memory_space<hbm>>) dst(%arg11 : memref<128x128xf32, #tpu.memory_space<vmem>>)
    %add3A_42 = arith.constant 10112 : i32
    %add3A_43 = arith.addi %mul3A_2, %add3A_42 : i32
    %dma_wait3A_44 = tpu.memref_slice %arg4[%add3A_43] : memref<327680xi32, #tpu.memory_space<hbm>> -> memref<128xi32, #tpu.memory_space<hbm>>
    %dma_wait3A_45 = tpu.memref_slice %arg4[%add3A_43] : memref<327680xi32, #tpu.memory_space<hbm>> -> memref<128xi32, #tpu.memory_space<hbm>>
    tpu.wait_dma2 semaphore(%arg16 : memref<!tpu.dma_semaphore, #tpu.memory_space<semaphore_mem>>) src(%dma_wait3A_45 : memref<128xi32, #tpu.memory_space<hbm>>) dst(%arg9 : memref<128xi32, #tpu.memory_space<vmem>>)
    "tpu.region"() ({
      %run_scoped3A = tpu.sem_alloc : memref<!tpu.dma_semaphore, #tpu.memory_space<semaphore_mem>>
      %dma_start3A_54 = arith.constant 0 : i32
      %dma_start3A_55 = arith.constant 0 : i32
      %dma_start3A_56 = tpu.memref_slice %arg12[%dma_start3A_54, %dma_start3A_55] : memref<10240x128xf32, #tpu.memory_space<vmem_shared>> -> memref<10240x128xf32, #tpu.memory_space<vmem_shared>>
      tpu.enqueue_indirect_dma source(%arg11 : memref<128x128xf32, #tpu.memory_space<vmem>>) target(%dma_start3A_56 : memref<10240x128xf32, #tpu.memory_space<vmem_shared>>) offsets(%arg9 : memref<128xi32, #tpu.memory_space<vmem>>) semaphore(%run_scoped3A : memref<!tpu.dma_semaphore, #tpu.memory_space<semaphore_mem>>) {add = true}
      %dma_wait3A_57 = arith.constant 0 : i32
      %dma_wait3A_58 = arith.constant 0 : i32
      %dma_wait3A_59 = tpu.memref_slice %arg12[%dma_wait3A_57, %dma_wait3A_58] : memref<10240x128xf32, #tpu.memory_space<vmem_shared>> -> memref<10240x128xf32, #tpu.memory_space<vmem_shared>>
      tpu.wait_indirect_dma semaphore(%run_scoped3A : memref<!tpu.dma_semaphore, #tpu.memory_space<semaphore_mem>>) src(%arg11 : memref<128x128xf32, #tpu.memory_space<vmem>>) dst(%dma_wait3A_59 : memref<10240x128xf32, #tpu.memory_space<vmem_shared>>)
      tpu.yield
    }) : () -> ()
    %barrier3A_46 = arith.constant 0 : index
    tpu.barrier barrier_id(%barrier3A_46)
    %mul3A_47 = arith.constant 640 : i32
    %mul3A_48 = arith.muli %arg1, %mul3A_47 : i32
    %mul3A_49 = arith.constant 10240 : i32
    %mul3A_50 = arith.muli %arg0, %mul3A_49 : i32
    %mul3A_51 = arith.constant 640 : i32
    %mul3A_52 = arith.muli %arg1, %mul3A_51 : i32
    %add3A_53 = arith.addi %mul3A_50, %mul3A_52 : i32
    "tpu.region"() ({
      %run_scoped3A = tpu.sem_alloc : memref<!tpu.dma_semaphore, #tpu.memory_space<semaphore_mem>>
      %dma_start3A_54 = arith.constant 0 : i32
      %dma_start3A_55 = tpu.memref_slice %arg6[%add3A_53, %dma_start3A_54] : memref<20480x128xf32, #tpu.memory_space<hbm>> -> memref<640x128xf32, #tpu.memory_space<hbm>>
      %dma_start3A_56 = arith.constant 0 : i32
      %dma_start3A_57 = tpu.memref_slice %arg12[%mul3A_48, %dma_start3A_56] : memref<10240x128xf32, #tpu.memory_space<vmem_shared>> -> memref<640x128xf32, #tpu.memory_space<vmem_shared>>
      tpu.enqueue_dma source(%dma_start3A_57 : memref<640x128xf32, #tpu.memory_space<vmem_shared>>) target(%dma_start3A_55 : memref<640x128xf32, #tpu.memory_space<hbm>>) target_semaphore(%run_scoped3A : memref<!tpu.dma_semaphore, #tpu.memory_space<semaphore_mem>>)
      %dma_wait3A_58 = arith.constant 0 : i32
      %dma_wait3A_59 = tpu.memref_slice %arg6[%add3A_53, %dma_wait3A_58] : memref<20480x128xf32, #tpu.memory_space<hbm>> -> memref<640x128xf32, #tpu.memory_space<hbm>>
      %dma_wait3A_60 = arith.constant 0 : i32
      %dma_wait3A_61 = tpu.memref_slice %arg12[%mul3A_48, %dma_wait3A_60] : memref<10240x128xf32, #tpu.memory_space<vmem_shared>> -> memref<640x128xf32, #tpu.memory_space<vmem_shared>>
      tpu.wait_dma2 semaphore(%run_scoped3A : memref<!tpu.dma_semaphore, #tpu.memory_space<semaphore_mem>>) src(%dma_wait3A_61 : memref<640x128xf32, #tpu.memory_space<vmem_shared>>) dst(%dma_wait3A_59 : memref<640x128xf32, #tpu.memory_space<hbm>>)
      tpu.yield
    }) : () -> ()
    return
  }
}

#map = affine_map<(d0, d1) -> (0, 0)>
#map1 = affine_map<(d0, d1) -> (0)>
module attributes {stable_mosaic.version = 14 : i64} {
  func.func @k(%arg0: i32, %arg1: i32, %arg2: memref<10240x128xf32, #tpu.memory_space<hbm>>, %arg3: memref<327680xi32, #tpu.memory_space<hbm>>, %arg4: memref<327680xi32, #tpu.memory_space<hbm>>, %arg5: memref<10240x128xf32, #tpu.memory_space<hbm>>, %arg6: memref<20480x128xf32, #tpu.memory_space<hbm>>, %arg7: memref<10240xi32, #tpu.memory_space<vmem>>, %arg8: memref<128xi32, #tpu.memory_space<vmem>>, %arg9: memref<128xi32, #tpu.memory_space<vmem>>, %arg10: memref<128x128xf32, #tpu.memory_space<vmem>>, %arg11: memref<128x128xf32, #tpu.memory_space<vmem>>, %arg12: memref<10240x128xf32, #tpu.memory_space<vmem_shared>>, %arg13: memref<!tpu.dma_semaphore, #tpu.memory_space<semaphore_mem>>, %arg14: memref<!tpu.dma_semaphore, #tpu.memory_space<semaphore_mem>>, %arg15: memref<!tpu.dma_semaphore, #tpu.memory_space<semaphore_mem>>, %arg16: memref<!tpu.dma_semaphore, #tpu.memory_space<semaphore_mem>>) attributes {dimension_semantics = [#tpu.dimension_semantics<core_parallel>, #tpu.dimension_semantics<subcore_parallel>], iteration_bounds = array<i64: 2, 16>, scalar_prefetch = 0 : i64, scratch_operands = 10 : i64, tpu.core_type = #tpu.core_type<sc_vector_subcore>, window_params = [{transform_indices = #map}, {transform_indices = #map1}, {transform_indices = #map1}, {transform_indices = #map}, {transform_indices = #map}]} {
    %mul3A = arith.constant 16 : i32
    %mul3A_0 = arith.muli %arg0, %mul3A : i32
    %add3A = arith.addi %mul3A_0, %arg1 : i32
    %mul3A_1 = arith.constant 10240 : i32
    %mul3A_2 = arith.muli %add3A, %mul3A_1 : i32
    "tpu.region"() ({
      %run_scoped3A = tpu.sem_alloc : memref<!tpu.dma_semaphore, #tpu.memory_space<semaphore_mem>>
      %dma_start3A_54 = tpu.memref_slice %arg3[%mul3A_2] : memref<327680xi32, #tpu.memory_space<hbm>> -> memref<10240xi32, #tpu.memory_space<hbm>>
      %dma_start3A_55 = tpu.memref_slice %arg3[%mul3A_2] : memref<327680xi32, #tpu.memory_space<hbm>> -> memref<10240xi32, #tpu.memory_space<hbm>>
      tpu.enqueue_dma source(%dma_start3A_55 : memref<10240xi32, #tpu.memory_space<hbm>>) target(%arg7 : memref<10240xi32, #tpu.memory_space<vmem>>) target_semaphore(%run_scoped3A : memref<!tpu.dma_semaphore, #tpu.memory_space<semaphore_mem>>)
      %dma_wait3A_56 = tpu.memref_slice %arg3[%mul3A_2] : memref<327680xi32, #tpu.memory_space<hbm>> -> memref<10240xi32, #tpu.memory_space<hbm>>
      %dma_wait3A_57 = tpu.memref_slice %arg3[%mul3A_2] : memref<327680xi32, #tpu.memory_space<hbm>> -> memref<10240xi32, #tpu.memory_space<hbm>>
      tpu.wait_dma2 semaphore(%run_scoped3A : memref<!tpu.dma_semaphore, #tpu.memory_space<semaphore_mem>>) src(%dma_wait3A_57 : memref<10240xi32, #tpu.memory_space<hbm>>) dst(%arg7 : memref<10240xi32, #tpu.memory_space<vmem>>)
      tpu.yield
    }) : () -> ()
    %mul3A_3 = arith.constant 640 : i32
    %mul3A_4 = arith.muli %arg1, %mul3A_3 : i32
    %mul3A_5 = arith.constant 640 : i32
    %mul3A_6 = arith.muli %arg1, %mul3A_5 : i32
    "tpu.region"() ({
      %run_scoped3A = tpu.sem_alloc : memref<!tpu.dma_semaphore, #tpu.memory_space<semaphore_mem>>
      %dma_start3A_54 = arith.constant 0 : i32
      %dma_start3A_55 = tpu.memref_slice %arg12[%mul3A_6, %dma_start3A_54] : memref<10240x128xf32, #tpu.memory_space<vmem_shared>> -> memref<640x128xf32, #tpu.memory_space<vmem_shared>>
      %dma_start3A_56 = arith.constant 0 : i32
      %dma_start3A_57 = tpu.memref_slice %arg5[%mul3A_4, %dma_start3A_56] : memref<10240x128xf32, #tpu.memory_space<hbm>> -> memref<640x128xf32, #tpu.memory_space<hbm>>
      tpu.enqueue_dma source(%dma_start3A_57 : memref<640x128xf32, #tpu.memory_space<hbm>>) target(%dma_start3A_55 : memref<640x128xf32, #tpu.memory_space<vmem_shared>>) target_semaphore(%run_scoped3A : memref<!tpu.dma_semaphore, #tpu.memory_space<semaphore_mem>>)
      %dma_wait3A_58 = arith.constant 0 : i32
      %dma_wait3A_59 = tpu.memref_slice %arg12[%mul3A_6, %dma_wait3A_58] : memref<10240x128xf32, #tpu.memory_space<vmem_shared>> -> memref<640x128xf32, #tpu.memory_space<vmem_shared>>
      %dma_wait3A_60 = arith.constant 0 : i32
      %dma_wait3A_61 = tpu.memref_slice %arg5[%mul3A_4, %dma_wait3A_60] : memref<10240x128xf32, #tpu.memory_space<hbm>> -> memref<640x128xf32, #tpu.memory_space<hbm>>
      tpu.wait_dma2 semaphore(%run_scoped3A : memref<!tpu.dma_semaphore, #tpu.memory_space<semaphore_mem>>) src(%dma_wait3A_61 : memref<640x128xf32, #tpu.memory_space<hbm>>) dst(%dma_wait3A_59 : memref<640x128xf32, #tpu.memory_space<vmem_shared>>)
      tpu.yield
    }) : () -> ()
    %barrier3A = arith.constant 0 : index
    tpu.barrier barrier_id(%barrier3A)
    %dma_start3A = arith.constant 0 : i32
    %dma_start3A_7 = tpu.memref_slice %arg7[%dma_start3A] : memref<10240xi32, #tpu.memory_space<vmem>> -> memref<128xi32, #tpu.memory_space<vmem>>
    %dma_start3A_8 = arith.constant 0 : i32
    %dma_start3A_9 = arith.constant 0 : i32
    %dma_start3A_10 = tpu.memref_slice %arg2[%dma_start3A_8, %dma_start3A_9] : memref<10240x128xf32, #tpu.memory_space<hbm>> -> memref<10240x128xf32, #tpu.memory_space<hbm>>
    tpu.enqueue_indirect_dma source(%dma_start3A_10 : memref<10240x128xf32, #tpu.memory_space<hbm>>) target(%arg10 : memref<128x128xf32, #tpu.memory_space<vmem>>) offsets(%dma_start3A_7 : memref<128xi32, #tpu.memory_space<vmem>>) semaphore(%arg13 : memref<!tpu.dma_semaphore, #tpu.memory_space<semaphore_mem>>)
    %add3A_11 = arith.constant 0 : i32
    %add3A_12 = arith.addi %mul3A_2, %add3A_11 : i32
    %dma_start3A_13 = tpu.memref_slice %arg4[%add3A_12] : memref<327680xi32, #tpu.memory_space<hbm>> -> memref<128xi32, #tpu.memory_space<hbm>>
    %dma_start3A_14 = tpu.memref_slice %arg4[%add3A_12] : memref<327680xi32, #tpu.memory_space<hbm>> -> memref<128xi32, #tpu.memory_space<hbm>>
    tpu.enqueue_dma source(%dma_start3A_14 : memref<128xi32, #tpu.memory_space<hbm>>) target(%arg8 : memref<128xi32, #tpu.memory_space<vmem>>) target_semaphore(%arg15 : memref<!tpu.dma_semaphore, #tpu.memory_space<semaphore_mem>>)
    %dma_start3A_15 = arith.constant 128 : i32
    %dma_start3A_16 = tpu.memref_slice %arg7[%dma_start3A_15] : memref<10240xi32, #tpu.memory_space<vmem>> -> memref<128xi32, #tpu.memory_space<vmem>>
    %dma_start3A_17 = arith.constant 0 : i32
    %dma_start3A_18 = arith.constant 0 : i32
    %dma_start3A_19 = tpu.memref_slice %arg2[%dma_start3A_17, %dma_start3A_18] : memref<10240x128xf32, #tpu.memory_space<hbm>> -> memref<10240x128xf32, #tpu.memory_space<hbm>>
    tpu.enqueue_indirect_dma source(%dma_start3A_19 : memref<10240x128xf32, #tpu.memory_space<hbm>>) target(%arg11 : memref<128x128xf32, #tpu.memory_space<vmem>>) offsets(%dma_start3A_16 : memref<128xi32, #tpu.memory_space<vmem>>) semaphore(%arg14 : memref<!tpu.dma_semaphore, #tpu.memory_space<semaphore_mem>>)
    %add3A_20 = arith.constant 128 : i32
    %add3A_21 = arith.addi %mul3A_2, %add3A_20 : i32
    %dma_start3A_22 = tpu.memref_slice %arg4[%add3A_21] : memref<327680xi32, #tpu.memory_space<hbm>> -> memref<128xi32, #tpu.memory_space<hbm>>
    %dma_start3A_23 = tpu.memref_slice %arg4[%add3A_21] : memref<327680xi32, #tpu.memory_space<hbm>> -> memref<128xi32, #tpu.memory_space<hbm>>
    tpu.enqueue_dma source(%dma_start3A_23 : memref<128xi32, #tpu.memory_space<hbm>>) target(%arg9 : memref<128xi32, #tpu.memory_space<vmem>>) target_semaphore(%arg16 : memref<!tpu.dma_semaphore, #tpu.memory_space<semaphore_mem>>)
    %scan3A = arith.constant 0 : i32
    %scan3A_24 = arith.constant 0 : i32
    %scan3A_25 = arith.constant 39 : i32
    %scan3A_26 = arith.addi %scan3A_24, %scan3A_25 : i32
    %scan3A_27 = arith.constant 1 : i32
    scf.for %scan3A_54 = %scan3A_24 to %scan3A_26 step %scan3A_27  : i32 {
      %mul3A_55 = arith.constant 2 : i32
      %mul3A_56 = arith.muli %mul3A_55, %scan3A_54 : i32
      %mul3A_57 = arith.constant 128 : i32
      %mul3A_58 = arith.muli %mul3A_56, %mul3A_57 : i32
      %dma_wait3A_59 = tpu.memref_slice %arg7[%mul3A_58] : memref<10240xi32, #tpu.memory_space<vmem>> -> memref<128xi32, #tpu.memory_space<vmem>>
      %dma_wait3A_60 = arith.constant 0 : i32
      %dma_wait3A_61 = arith.constant 0 : i32
      %dma_wait3A_62 = tpu.memref_slice %arg2[%dma_wait3A_60, %dma_wait3A_61] : memref<10240x128xf32, #tpu.memory_space<hbm>> -> memref<10240x128xf32, #tpu.memory_space<hbm>>
      tpu.wait_indirect_dma semaphore(%arg13 : memref<!tpu.dma_semaphore, #tpu.memory_space<semaphore_mem>>) src(%dma_wait3A_62 : memref<10240x128xf32, #tpu.memory_space<hbm>>) dst(%arg10 : memref<128x128xf32, #tpu.memory_space<vmem>>)
      %mul3A_63 = arith.constant 128 : i32
      %mul3A_64 = arith.muli %mul3A_56, %mul3A_63 : i32
      %add3A_65 = arith.addi %mul3A_2, %mul3A_64 : i32
      %dma_wait3A_66 = tpu.memref_slice %arg4[%add3A_65] : memref<327680xi32, #tpu.memory_space<hbm>> -> memref<128xi32, #tpu.memory_space<hbm>>
      %dma_wait3A_67 = tpu.memref_slice %arg4[%add3A_65] : memref<327680xi32, #tpu.memory_space<hbm>> -> memref<128xi32, #tpu.memory_space<hbm>>
      tpu.wait_dma2 semaphore(%arg15 : memref<!tpu.dma_semaphore, #tpu.memory_space<semaphore_mem>>) src(%dma_wait3A_67 : memref<128xi32, #tpu.memory_space<hbm>>) dst(%arg8 : memref<128xi32, #tpu.memory_space<vmem>>)
      "tpu.region"() ({
        %run_scoped3A = tpu.sem_alloc : memref<!tpu.dma_semaphore, #tpu.memory_space<semaphore_mem>>
        %dma_start3A_113 = arith.constant 0 : i32
        %dma_start3A_114 = arith.constant 0 : i32
        %dma_start3A_115 = tpu.memref_slice %arg12[%dma_start3A_113, %dma_start3A_114] : memref<10240x128xf32, #tpu.memory_space<vmem_shared>> -> memref<10240x128xf32, #tpu.memory_space<vmem_shared>>
        tpu.enqueue_indirect_dma source(%arg10 : memref<128x128xf32, #tpu.memory_space<vmem>>) target(%dma_start3A_115 : memref<10240x128xf32, #tpu.memory_space<vmem_shared>>) offsets(%arg8 : memref<128xi32, #tpu.memory_space<vmem>>) semaphore(%run_scoped3A : memref<!tpu.dma_semaphore, #tpu.memory_space<semaphore_mem>>) {add = true}
        %dma_wait3A_116 = arith.constant 0 : i32
        %dma_wait3A_117 = arith.constant 0 : i32
        %dma_wait3A_118 = tpu.memref_slice %arg12[%dma_wait3A_116, %dma_wait3A_117] : memref<10240x128xf32, #tpu.memory_space<vmem_shared>> -> memref<10240x128xf32, #tpu.memory_space<vmem_shared>>
        tpu.wait_indirect_dma semaphore(%run_scoped3A : memref<!tpu.dma_semaphore, #tpu.memory_space<semaphore_mem>>) src(%arg10 : memref<128x128xf32, #tpu.memory_space<vmem>>) dst(%dma_wait3A_118 : memref<10240x128xf32, #tpu.memory_space<vmem_shared>>)
        tpu.yield
      }) : () -> ()
      %add3A_68 = arith.constant 2 : i32
      %add3A_69 = arith.addi %mul3A_56, %add3A_68 : i32
      %mul3A_70 = arith.constant 128 : i32
      %mul3A_71 = arith.muli %add3A_69, %mul3A_70 : i32
      %dma_start3A_72 = tpu.memref_slice %arg7[%mul3A_71] : memref<10240xi32, #tpu.memory_space<vmem>> -> memref<128xi32, #tpu.memory_space<vmem>>
      %dma_start3A_73 = arith.constant 0 : i32
      %dma_start3A_74 = arith.constant 0 : i32
      %dma_start3A_75 = tpu.memref_slice %arg2[%dma_start3A_73, %dma_start3A_74] : memref<10240x128xf32, #tpu.memory_space<hbm>> -> memref<10240x128xf32, #tpu.memory_space<hbm>>
      tpu.enqueue_indirect_dma source(%dma_start3A_75 : memref<10240x128xf32, #tpu.memory_space<hbm>>) target(%arg10 : memref<128x128xf32, #tpu.memory_space<vmem>>) offsets(%dma_start3A_72 : memref<128xi32, #tpu.memory_space<vmem>>) semaphore(%arg13 : memref<!tpu.dma_semaphore, #tpu.memory_space<semaphore_mem>>)
      %add3A_76 = arith.constant 2 : i32
      %add3A_77 = arith.addi %mul3A_56, %add3A_76 : i32
      %mul3A_78 = arith.constant 128 : i32
      %mul3A_79 = arith.muli %add3A_77, %mul3A_78 : i32
      %add3A_80 = arith.addi %mul3A_2, %mul3A_79 : i32
      %dma_start3A_81 = tpu.memref_slice %arg4[%add3A_80] : memref<327680xi32, #tpu.memory_space<hbm>> -> memref<128xi32, #tpu.memory_space<hbm>>
      %dma_start3A_82 = tpu.memref_slice %arg4[%add3A_80] : memref<327680xi32, #tpu.memory_space<hbm>> -> memref<128xi32, #tpu.memory_space<hbm>>
      tpu.enqueue_dma source(%dma_start3A_82 : memref<128xi32, #tpu.memory_space<hbm>>) target(%arg8 : memref<128xi32, #tpu.memory_space<vmem>>) target_semaphore(%arg15 : memref<!tpu.dma_semaphore, #tpu.memory_space<semaphore_mem>>)
      %add3A_83 = arith.constant 1 : i32
      %add3A_84 = arith.addi %mul3A_56, %add3A_83 : i32
      %mul3A_85 = arith.constant 128 : i32
      %mul3A_86 = arith.muli %add3A_84, %mul3A_85 : i32
      %dma_wait3A_87 = tpu.memref_slice %arg7[%mul3A_86] : memref<10240xi32, #tpu.memory_space<vmem>> -> memref<128xi32, #tpu.memory_space<vmem>>
      %dma_wait3A_88 = arith.constant 0 : i32
      %dma_wait3A_89 = arith.constant 0 : i32
      %dma_wait3A_90 = tpu.memref_slice %arg2[%dma_wait3A_88, %dma_wait3A_89] : memref<10240x128xf32, #tpu.memory_space<hbm>> -> memref<10240x128xf32, #tpu.memory_space<hbm>>
      tpu.wait_indirect_dma semaphore(%arg14 : memref<!tpu.dma_semaphore, #tpu.memory_space<semaphore_mem>>) src(%dma_wait3A_90 : memref<10240x128xf32, #tpu.memory_space<hbm>>) dst(%arg11 : memref<128x128xf32, #tpu.memory_space<vmem>>)
      %add3A_91 = arith.constant 1 : i32
      %add3A_92 = arith.addi %mul3A_56, %add3A_91 : i32
      %mul3A_93 = arith.constant 128 : i32
      %mul3A_94 = arith.muli %add3A_92, %mul3A_93 : i32
      %add3A_95 = arith.addi %mul3A_2, %mul3A_94 : i32
      %dma_wait3A_96 = tpu.memref_slice %arg4[%add3A_95] : memref<327680xi32, #tpu.memory_space<hbm>> -> memref<128xi32, #tpu.memory_space<hbm>>
      %dma_wait3A_97 = tpu.memref_slice %arg4[%add3A_95] : memref<327680xi32, #tpu.memory_space<hbm>> -> memref<128xi32, #tpu.memory_space<hbm>>
      tpu.wait_dma2 semaphore(%arg16 : memref<!tpu.dma_semaphore, #tpu.memory_space<semaphore_mem>>) src(%dma_wait3A_97 : memref<128xi32, #tpu.memory_space<hbm>>) dst(%arg9 : memref<128xi32, #tpu.memory_space<vmem>>)
      "tpu.region"() ({
        %run_scoped3A = tpu.sem_alloc : memref<!tpu.dma_semaphore, #tpu.memory_space<semaphore_mem>>
        %dma_start3A_113 = arith.constant 0 : i32
        %dma_start3A_114 = arith.constant 0 : i32
        %dma_start3A_115 = tpu.memref_slice %arg12[%dma_start3A_113, %dma_start3A_114] : memref<10240x128xf32, #tpu.memory_space<vmem_shared>> -> memref<10240x128xf32, #tpu.memory_space<vmem_shared>>
        tpu.enqueue_indirect_dma source(%arg11 : memref<128x128xf32, #tpu.memory_space<vmem>>) target(%dma_start3A_115 : memref<10240x128xf32, #tpu.memory_space<vmem_shared>>) offsets(%arg9 : memref<128xi32, #tpu.memory_space<vmem>>) semaphore(%run_scoped3A : memref<!tpu.dma_semaphore, #tpu.memory_space<semaphore_mem>>) {add = true}
        %dma_wait3A_116 = arith.constant 0 : i32
        %dma_wait3A_117 = arith.constant 0 : i32
        %dma_wait3A_118 = tpu.memref_slice %arg12[%dma_wait3A_116, %dma_wait3A_117] : memref<10240x128xf32, #tpu.memory_space<vmem_shared>> -> memref<10240x128xf32, #tpu.memory_space<vmem_shared>>
        tpu.wait_indirect_dma semaphore(%run_scoped3A : memref<!tpu.dma_semaphore, #tpu.memory_space<semaphore_mem>>) src(%arg11 : memref<128x128xf32, #tpu.memory_space<vmem>>) dst(%dma_wait3A_118 : memref<10240x128xf32, #tpu.memory_space<vmem_shared>>)
        tpu.yield
      }) : () -> ()
      %add3A_98 = arith.constant 3 : i32
      %add3A_99 = arith.addi %mul3A_56, %add3A_98 : i32
      %mul3A_100 = arith.constant 128 : i32
      %mul3A_101 = arith.muli %add3A_99, %mul3A_100 : i32
      %dma_start3A_102 = tpu.memref_slice %arg7[%mul3A_101] : memref<10240xi32, #tpu.memory_space<vmem>> -> memref<128xi32, #tpu.memory_space<vmem>>
      %dma_start3A_103 = arith.constant 0 : i32
      %dma_start3A_104 = arith.constant 0 : i32
      %dma_start3A_105 = tpu.memref_slice %arg2[%dma_start3A_103, %dma_start3A_104] : memref<10240x128xf32, #tpu.memory_space<hbm>> -> memref<10240x128xf32, #tpu.memory_space<hbm>>
      tpu.enqueue_indirect_dma source(%dma_start3A_105 : memref<10240x128xf32, #tpu.memory_space<hbm>>) target(%arg11 : memref<128x128xf32, #tpu.memory_space<vmem>>) offsets(%dma_start3A_102 : memref<128xi32, #tpu.memory_space<vmem>>) semaphore(%arg14 : memref<!tpu.dma_semaphore, #tpu.memory_space<semaphore_mem>>)
      %add3A_106 = arith.constant 3 : i32
      %add3A_107 = arith.addi %mul3A_56, %add3A_106 : i32
      %mul3A_108 = arith.constant 128 : i32
      %mul3A_109 = arith.muli %add3A_107, %mul3A_108 : i32
      %add3A_110 = arith.addi %mul3A_2, %mul3A_109 : i32
      %dma_start3A_111 = tpu.memref_slice %arg4[%add3A_110] : memref<327680xi32, #tpu.memory_space<hbm>> -> memref<128xi32, #tpu.memory_space<hbm>>
      %dma_start3A_112 = tpu.memref_slice %arg4[%add3A_110] : memref<327680xi32, #tpu.memory_space<hbm>> -> memref<128xi32, #tpu.memory_space<hbm>>
      tpu.enqueue_dma source(%dma_start3A_112 : memref<128xi32, #tpu.memory_space<hbm>>) target(%arg9 : memref<128xi32, #tpu.memory_space<vmem>>) target_semaphore(%arg16 : memref<!tpu.dma_semaphore, #tpu.memory_space<semaphore_mem>>)
    }
    %scan3A_28 = arith.constant 39 : i32
    %dma_wait3A = arith.constant 9984 : i32
    %dma_wait3A_29 = tpu.memref_slice %arg7[%dma_wait3A] : memref<10240xi32, #tpu.memory_space<vmem>> -> memref<128xi32, #tpu.memory_space<vmem>>
    %dma_wait3A_30 = arith.constant 0 : i32
    %dma_wait3A_31 = arith.constant 0 : i32
    %dma_wait3A_32 = tpu.memref_slice %arg2[%dma_wait3A_30, %dma_wait3A_31] : memref<10240x128xf32, #tpu.memory_space<hbm>> -> memref<10240x128xf32, #tpu.memory_space<hbm>>
    tpu.wait_indirect_dma semaphore(%arg13 : memref<!tpu.dma_semaphore, #tpu.memory_space<semaphore_mem>>) src(%dma_wait3A_32 : memref<10240x128xf32, #tpu.memory_space<hbm>>) dst(%arg10 : memref<128x128xf32, #tpu.memory_space<vmem>>)
    %add3A_33 = arith.constant 9984 : i32
    %add3A_34 = arith.addi %mul3A_2, %add3A_33 : i32
    %dma_wait3A_35 = tpu.memref_slice %arg4[%add3A_34] : memref<327680xi32, #tpu.memory_space<hbm>> -> memref<128xi32, #tpu.memory_space<hbm>>
    %dma_wait3A_36 = tpu.memref_slice %arg4[%add3A_34] : memref<327680xi32, #tpu.memory_space<hbm>> -> memref<128xi32, #tpu.memory_space<hbm>>
    tpu.wait_dma2 semaphore(%arg15 : memref<!tpu.dma_semaphore, #tpu.memory_space<semaphore_mem>>) src(%dma_wait3A_36 : memref<128xi32, #tpu.memory_space<hbm>>) dst(%arg8 : memref<128xi32, #tpu.memory_space<vmem>>)
    "tpu.region"() ({
      %run_scoped3A = tpu.sem_alloc : memref<!tpu.dma_semaphore, #tpu.memory_space<semaphore_mem>>
      %dma_start3A_54 = arith.constant 0 : i32
      %dma_start3A_55 = arith.constant 0 : i32
      %dma_start3A_56 = tpu.memref_slice %arg12[%dma_start3A_54, %dma_start3A_55] : memref<10240x128xf32, #tpu.memory_space<vmem_shared>> -> memref<10240x128xf32, #tpu.memory_space<vmem_shared>>
      tpu.enqueue_indirect_dma source(%arg10 : memref<128x128xf32, #tpu.memory_space<vmem>>) target(%dma_start3A_56 : memref<10240x128xf32, #tpu.memory_space<vmem_shared>>) offsets(%arg8 : memref<128xi32, #tpu.memory_space<vmem>>) semaphore(%run_scoped3A : memref<!tpu.dma_semaphore, #tpu.memory_space<semaphore_mem>>) {add = true}
      %dma_wait3A_57 = arith.constant 0 : i32
      %dma_wait3A_58 = arith.constant 0 : i32
      %dma_wait3A_59 = tpu.memref_slice %arg12[%dma_wait3A_57, %dma_wait3A_58] : memref<10240x128xf32, #tpu.memory_space<vmem_shared>> -> memref<10240x128xf32, #tpu.memory_space<vmem_shared>>
      tpu.wait_indirect_dma semaphore(%run_scoped3A : memref<!tpu.dma_semaphore, #tpu.memory_space<semaphore_mem>>) src(%arg10 : memref<128x128xf32, #tpu.memory_space<vmem>>) dst(%dma_wait3A_59 : memref<10240x128xf32, #tpu.memory_space<vmem_shared>>)
      tpu.yield
    }) : () -> ()
    %dma_wait3A_37 = arith.constant 10112 : i32
    %dma_wait3A_38 = tpu.memref_slice %arg7[%dma_wait3A_37] : memref<10240xi32, #tpu.memory_space<vmem>> -> memref<128xi32, #tpu.memory_space<vmem>>
    %dma_wait3A_39 = arith.constant 0 : i32
    %dma_wait3A_40 = arith.constant 0 : i32
    %dma_wait3A_41 = tpu.memref_slice %arg2[%dma_wait3A_39, %dma_wait3A_40] : memref<10240x128xf32, #tpu.memory_space<hbm>> -> memref<10240x128xf32, #tpu.memory_space<hbm>>
    tpu.wait_indirect_dma semaphore(%arg14 : memref<!tpu.dma_semaphore, #tpu.memory_space<semaphore_mem>>) src(%dma_wait3A_41 : memref<10240x128xf32, #tpu.memory_space<hbm>>) dst(%arg11 : memref<128x128xf32, #tpu.memory_space<vmem>>)
    %add3A_42 = arith.constant 10112 : i32
    %add3A_43 = arith.addi %mul3A_2, %add3A_42 : i32
    %dma_wait3A_44 = tpu.memref_slice %arg4[%add3A_43] : memref<327680xi32, #tpu.memory_space<hbm>> -> memref<128xi32, #tpu.memory_space<hbm>>
    %dma_wait3A_45 = tpu.memref_slice %arg4[%add3A_43] : memref<327680xi32, #tpu.memory_space<hbm>> -> memref<128xi32, #tpu.memory_space<hbm>>
    tpu.wait_dma2 semaphore(%arg16 : memref<!tpu.dma_semaphore, #tpu.memory_space<semaphore_mem>>) src(%dma_wait3A_45 : memref<128xi32, #tpu.memory_space<hbm>>) dst(%arg9 : memref<128xi32, #tpu.memory_space<vmem>>)
    "tpu.region"() ({
      %run_scoped3A = tpu.sem_alloc : memref<!tpu.dma_semaphore, #tpu.memory_space<semaphore_mem>>
      %dma_start3A_54 = arith.constant 0 : i32
      %dma_start3A_55 = arith.constant 0 : i32
      %dma_start3A_56 = tpu.memref_slice %arg12[%dma_start3A_54, %dma_start3A_55] : memref<10240x128xf32, #tpu.memory_space<vmem_shared>> -> memref<10240x128xf32, #tpu.memory_space<vmem_shared>>
      tpu.enqueue_indirect_dma source(%arg11 : memref<128x128xf32, #tpu.memory_space<vmem>>) target(%dma_start3A_56 : memref<10240x128xf32, #tpu.memory_space<vmem_shared>>) offsets(%arg9 : memref<128xi32, #tpu.memory_space<vmem>>) semaphore(%run_scoped3A : memref<!tpu.dma_semaphore, #tpu.memory_space<semaphore_mem>>) {add = true}
      %dma_wait3A_57 = arith.constant 0 : i32
      %dma_wait3A_58 = arith.constant 0 : i32
      %dma_wait3A_59 = tpu.memref_slice %arg12[%dma_wait3A_57, %dma_wait3A_58] : memref<10240x128xf32, #tpu.memory_space<vmem_shared>> -> memref<10240x128xf32, #tpu.memory_space<vmem_shared>>
      tpu.wait_indirect_dma semaphore(%run_scoped3A : memref<!tpu.dma_semaphore, #tpu.memory_space<semaphore_mem>>) src(%arg11 : memref<128x128xf32, #tpu.memory_space<vmem>>) dst(%dma_wait3A_59 : memref<10240x128xf32, #tpu.memory_space<vmem_shared>>)
      tpu.yield
    }) : () -> ()
    %barrier3A_46 = arith.constant 0 : index
    tpu.barrier barrier_id(%barrier3A_46)
    %mul3A_47 = arith.constant 640 : i32
    %mul3A_48 = arith.muli %arg1, %mul3A_47 : i32
    %mul3A_49 = arith.constant 10240 : i32
    %mul3A_50 = arith.muli %arg0, %mul3A_49 : i32
    %mul3A_51 = arith.constant 640 : i32
    %mul3A_52 = arith.muli %arg1, %mul3A_51 : i32
    %add3A_53 = arith.addi %mul3A_50, %mul3A_52 : i32
    "tpu.region"() ({
      %run_scoped3A = tpu.sem_alloc : memref<!tpu.dma_semaphore, #tpu.memory_space<semaphore_mem>>
      %dma_start3A_54 = arith.constant 0 : i32
      %dma_start3A_55 = tpu.memref_slice %arg6[%add3A_53, %dma_start3A_54] : memref<20480x128xf32, #tpu.memory_space<hbm>> -> memref<640x128xf32, #tpu.memory_space<hbm>>
      %dma_start3A_56 = arith.constant 0 : i32
      %dma_start3A_57 = tpu.memref_slice %arg12[%mul3A_48, %dma_start3A_56] : memref<10240x128xf32, #tpu.memory_space<vmem_shared>> -> memref<640x128xf32, #tpu.memory_space<vmem_shared>>
      tpu.enqueue_dma source(%dma_start3A_57 : memref<640x128xf32, #tpu.memory_space<vmem_shared>>) target(%dma_start3A_55 : memref<640x128xf32, #tpu.memory_space<hbm>>) target_semaphore(%run_scoped3A : memref<!tpu.dma_semaphore, #tpu.memory_space<semaphore_mem>>)
      %dma_wait3A_58 = arith.constant 0 : i32
      %dma_wait3A_59 = tpu.memref_slice %arg6[%add3A_53, %dma_wait3A_58] : memref<20480x128xf32, #tpu.memory_space<hbm>> -> memref<640x128xf32, #tpu.memory_space<hbm>>
      %dma_wait3A_60 = arith.constant 0 : i32
      %dma_wait3A_61 = tpu.memref_slice %arg12[%mul3A_48, %dma_wait3A_60] : memref<10240x128xf32, #tpu.memory_space<vmem_shared>> -> memref<640x128xf32, #tpu.memory_space<vmem_shared>>
      tpu.wait_dma2 semaphore(%run_scoped3A : memref<!tpu.dma_semaphore, #tpu.memory_space<semaphore_mem>>) src(%dma_wait3A_61 : memref<640x128xf32, #tpu.memory_space<vmem_shared>>) dst(%dma_wait3A_59 : memref<640x128xf32, #tpu.memory_space<hbm>>)
      tpu.yield
    }) : () -> ()
    return
  }
}

#map = affine_map<(d0, d1) -> (0, 0)>
#map1 = affine_map<(d0, d1) -> (0)>
module attributes {stable_mosaic.version = 14 : i64} {
  func.func @k(%arg0: i32, %arg1: i32, %arg2: memref<10240x128xf32, #tpu.memory_space<hbm>>, %arg3: memref<327680xi32, #tpu.memory_space<hbm>>, %arg4: memref<327680xi32, #tpu.memory_space<hbm>>, %arg5: memref<10240x128xf32, #tpu.memory_space<hbm>>, %arg6: memref<20480x128xf32, #tpu.memory_space<hbm>>, %arg7: memref<10240xi32, #tpu.memory_space<vmem>>, %arg8: memref<128xi32, #tpu.memory_space<vmem>>, %arg9: memref<128xi32, #tpu.memory_space<vmem>>, %arg10: memref<128x128xf32, #tpu.memory_space<vmem>>, %arg11: memref<128x128xf32, #tpu.memory_space<vmem>>, %arg12: memref<10240x128xf32, #tpu.memory_space<vmem_shared>>, %arg13: memref<!tpu.dma_semaphore, #tpu.memory_space<semaphore_mem>>, %arg14: memref<!tpu.dma_semaphore, #tpu.memory_space<semaphore_mem>>, %arg15: memref<!tpu.dma_semaphore, #tpu.memory_space<semaphore_mem>>, %arg16: memref<!tpu.dma_semaphore, #tpu.memory_space<semaphore_mem>>) attributes {dimension_semantics = [#tpu.dimension_semantics<core_parallel>, #tpu.dimension_semantics<subcore_parallel>], iteration_bounds = array<i64: 2, 16>, scalar_prefetch = 0 : i64, scratch_operands = 10 : i64, tpu.core_type = #tpu.core_type<sc_vector_subcore>, window_params = [{transform_indices = #map}, {transform_indices = #map1}, {transform_indices = #map1}, {transform_indices = #map}, {transform_indices = #map}]} {
    %mul3A = arith.constant 16 : i32
    %mul3A_0 = arith.muli %arg0, %mul3A : i32
    %add3A = arith.addi %mul3A_0, %arg1 : i32
    %mul3A_1 = arith.constant 10240 : i32
    %mul3A_2 = arith.muli %add3A, %mul3A_1 : i32
    "tpu.region"() ({
      %run_scoped3A = tpu.sem_alloc : memref<!tpu.dma_semaphore, #tpu.memory_space<semaphore_mem>>
      %dma_start3A_54 = tpu.memref_slice %arg3[%mul3A_2] : memref<327680xi32, #tpu.memory_space<hbm>> -> memref<10240xi32, #tpu.memory_space<hbm>>
      %dma_start3A_55 = tpu.memref_slice %arg3[%mul3A_2] : memref<327680xi32, #tpu.memory_space<hbm>> -> memref<10240xi32, #tpu.memory_space<hbm>>
      tpu.enqueue_dma source(%dma_start3A_55 : memref<10240xi32, #tpu.memory_space<hbm>>) target(%arg7 : memref<10240xi32, #tpu.memory_space<vmem>>) target_semaphore(%run_scoped3A : memref<!tpu.dma_semaphore, #tpu.memory_space<semaphore_mem>>)
      %dma_wait3A_56 = tpu.memref_slice %arg3[%mul3A_2] : memref<327680xi32, #tpu.memory_space<hbm>> -> memref<10240xi32, #tpu.memory_space<hbm>>
      %dma_wait3A_57 = tpu.memref_slice %arg3[%mul3A_2] : memref<327680xi32, #tpu.memory_space<hbm>> -> memref<10240xi32, #tpu.memory_space<hbm>>
      tpu.wait_dma2 semaphore(%run_scoped3A : memref<!tpu.dma_semaphore, #tpu.memory_space<semaphore_mem>>) src(%dma_wait3A_57 : memref<10240xi32, #tpu.memory_space<hbm>>) dst(%arg7 : memref<10240xi32, #tpu.memory_space<vmem>>)
      tpu.yield
    }) : () -> ()
    %mul3A_3 = arith.constant 640 : i32
    %mul3A_4 = arith.muli %arg1, %mul3A_3 : i32
    %mul3A_5 = arith.constant 640 : i32
    %mul3A_6 = arith.muli %arg1, %mul3A_5 : i32
    "tpu.region"() ({
      %run_scoped3A = tpu.sem_alloc : memref<!tpu.dma_semaphore, #tpu.memory_space<semaphore_mem>>
      %dma_start3A_54 = arith.constant 0 : i32
      %dma_start3A_55 = tpu.memref_slice %arg12[%mul3A_6, %dma_start3A_54] : memref<10240x128xf32, #tpu.memory_space<vmem_shared>> -> memref<640x128xf32, #tpu.memory_space<vmem_shared>>
      %dma_start3A_56 = arith.constant 0 : i32
      %dma_start3A_57 = tpu.memref_slice %arg5[%mul3A_4, %dma_start3A_56] : memref<10240x128xf32, #tpu.memory_space<hbm>> -> memref<640x128xf32, #tpu.memory_space<hbm>>
      tpu.enqueue_dma source(%dma_start3A_57 : memref<640x128xf32, #tpu.memory_space<hbm>>) target(%dma_start3A_55 : memref<640x128xf32, #tpu.memory_space<vmem_shared>>) target_semaphore(%run_scoped3A : memref<!tpu.dma_semaphore, #tpu.memory_space<semaphore_mem>>)
      %dma_wait3A_58 = arith.constant 0 : i32
      %dma_wait3A_59 = tpu.memref_slice %arg12[%mul3A_6, %dma_wait3A_58] : memref<10240x128xf32, #tpu.memory_space<vmem_shared>> -> memref<640x128xf32, #tpu.memory_space<vmem_shared>>
      %dma_wait3A_60 = arith.constant 0 : i32
      %dma_wait3A_61 = tpu.memref_slice %arg5[%mul3A_4, %dma_wait3A_60] : memref<10240x128xf32, #tpu.memory_space<hbm>> -> memref<640x128xf32, #tpu.memory_space<hbm>>
      tpu.wait_dma2 semaphore(%run_scoped3A : memref<!tpu.dma_semaphore, #tpu.memory_space<semaphore_mem>>) src(%dma_wait3A_61 : memref<640x128xf32, #tpu.memory_space<hbm>>) dst(%dma_wait3A_59 : memref<640x128xf32, #tpu.memory_space<vmem_shared>>)
      tpu.yield
    }) : () -> ()
    %barrier3A = arith.constant 0 : index
    tpu.barrier barrier_id(%barrier3A)
    %dma_start3A = arith.constant 0 : i32
    %dma_start3A_7 = tpu.memref_slice %arg7[%dma_start3A] : memref<10240xi32, #tpu.memory_space<vmem>> -> memref<128xi32, #tpu.memory_space<vmem>>
    %dma_start3A_8 = arith.constant 0 : i32
    %dma_start3A_9 = arith.constant 0 : i32
    %dma_start3A_10 = tpu.memref_slice %arg2[%dma_start3A_8, %dma_start3A_9] : memref<10240x128xf32, #tpu.memory_space<hbm>> -> memref<10240x128xf32, #tpu.memory_space<hbm>>
    tpu.enqueue_indirect_dma source(%dma_start3A_10 : memref<10240x128xf32, #tpu.memory_space<hbm>>) target(%arg10 : memref<128x128xf32, #tpu.memory_space<vmem>>) offsets(%dma_start3A_7 : memref<128xi32, #tpu.memory_space<vmem>>) semaphore(%arg13 : memref<!tpu.dma_semaphore, #tpu.memory_space<semaphore_mem>>)
    %add3A_11 = arith.constant 0 : i32
    %add3A_12 = arith.addi %mul3A_2, %add3A_11 : i32
    %dma_start3A_13 = tpu.memref_slice %arg4[%add3A_12] : memref<327680xi32, #tpu.memory_space<hbm>> -> memref<128xi32, #tpu.memory_space<hbm>>
    %dma_start3A_14 = tpu.memref_slice %arg4[%add3A_12] : memref<327680xi32, #tpu.memory_space<hbm>> -> memref<128xi32, #tpu.memory_space<hbm>>
    tpu.enqueue_dma source(%dma_start3A_14 : memref<128xi32, #tpu.memory_space<hbm>>) target(%arg8 : memref<128xi32, #tpu.memory_space<vmem>>) target_semaphore(%arg15 : memref<!tpu.dma_semaphore, #tpu.memory_space<semaphore_mem>>)
    %dma_start3A_15 = arith.constant 128 : i32
    %dma_start3A_16 = tpu.memref_slice %arg7[%dma_start3A_15] : memref<10240xi32, #tpu.memory_space<vmem>> -> memref<128xi32, #tpu.memory_space<vmem>>
    %dma_start3A_17 = arith.constant 0 : i32
    %dma_start3A_18 = arith.constant 0 : i32
    %dma_start3A_19 = tpu.memref_slice %arg2[%dma_start3A_17, %dma_start3A_18] : memref<10240x128xf32, #tpu.memory_space<hbm>> -> memref<10240x128xf32, #tpu.memory_space<hbm>>
    tpu.enqueue_indirect_dma source(%dma_start3A_19 : memref<10240x128xf32, #tpu.memory_space<hbm>>) target(%arg11 : memref<128x128xf32, #tpu.memory_space<vmem>>) offsets(%dma_start3A_16 : memref<128xi32, #tpu.memory_space<vmem>>) semaphore(%arg14 : memref<!tpu.dma_semaphore, #tpu.memory_space<semaphore_mem>>)
    %add3A_20 = arith.constant 128 : i32
    %add3A_21 = arith.addi %mul3A_2, %add3A_20 : i32
    %dma_start3A_22 = tpu.memref_slice %arg4[%add3A_21] : memref<327680xi32, #tpu.memory_space<hbm>> -> memref<128xi32, #tpu.memory_space<hbm>>
    %dma_start3A_23 = tpu.memref_slice %arg4[%add3A_21] : memref<327680xi32, #tpu.memory_space<hbm>> -> memref<128xi32, #tpu.memory_space<hbm>>
    tpu.enqueue_dma source(%dma_start3A_23 : memref<128xi32, #tpu.memory_space<hbm>>) target(%arg9 : memref<128xi32, #tpu.memory_space<vmem>>) target_semaphore(%arg16 : memref<!tpu.dma_semaphore, #tpu.memory_space<semaphore_mem>>)
    %scan3A = arith.constant 0 : i32
    %scan3A_24 = arith.constant 0 : i32
    %scan3A_25 = arith.constant 39 : i32
    %scan3A_26 = arith.addi %scan3A_24, %scan3A_25 : i32
    %scan3A_27 = arith.constant 1 : i32
    scf.for %scan3A_54 = %scan3A_24 to %scan3A_26 step %scan3A_27  : i32 {
      %mul3A_55 = arith.constant 2 : i32
      %mul3A_56 = arith.muli %mul3A_55, %scan3A_54 : i32
      %mul3A_57 = arith.constant 128 : i32
      %mul3A_58 = arith.muli %mul3A_56, %mul3A_57 : i32
      %dma_wait3A_59 = tpu.memref_slice %arg7[%mul3A_58] : memref<10240xi32, #tpu.memory_space<vmem>> -> memref<128xi32, #tpu.memory_space<vmem>>
      %dma_wait3A_60 = arith.constant 0 : i32
      %dma_wait3A_61 = arith.constant 0 : i32
      %dma_wait3A_62 = tpu.memref_slice %arg2[%dma_wait3A_60, %dma_wait3A_61] : memref<10240x128xf32, #tpu.memory_space<hbm>> -> memref<10240x128xf32, #tpu.memory_space<hbm>>
      tpu.wait_indirect_dma semaphore(%arg13 : memref<!tpu.dma_semaphore, #tpu.memory_space<semaphore_mem>>) src(%dma_wait3A_62 : memref<10240x128xf32, #tpu.memory_space<hbm>>) dst(%arg10 : memref<128x128xf32, #tpu.memory_space<vmem>>)
      %mul3A_63 = arith.constant 128 : i32
      %mul3A_64 = arith.muli %mul3A_56, %mul3A_63 : i32
      %add3A_65 = arith.addi %mul3A_2, %mul3A_64 : i32
      %dma_wait3A_66 = tpu.memref_slice %arg4[%add3A_65] : memref<327680xi32, #tpu.memory_space<hbm>> -> memref<128xi32, #tpu.memory_space<hbm>>
      %dma_wait3A_67 = tpu.memref_slice %arg4[%add3A_65] : memref<327680xi32, #tpu.memory_space<hbm>> -> memref<128xi32, #tpu.memory_space<hbm>>
      tpu.wait_dma2 semaphore(%arg15 : memref<!tpu.dma_semaphore, #tpu.memory_space<semaphore_mem>>) src(%dma_wait3A_67 : memref<128xi32, #tpu.memory_space<hbm>>) dst(%arg8 : memref<128xi32, #tpu.memory_space<vmem>>)
      "tpu.region"() ({
        %run_scoped3A = tpu.sem_alloc : memref<!tpu.dma_semaphore, #tpu.memory_space<semaphore_mem>>
        %dma_start3A_113 = arith.constant 0 : i32
        %dma_start3A_114 = arith.constant 0 : i32
        %dma_start3A_115 = tpu.memref_slice %arg12[%dma_start3A_113, %dma_start3A_114] : memref<10240x128xf32, #tpu.memory_space<vmem_shared>> -> memref<10240x128xf32, #tpu.memory_space<vmem_shared>>
        tpu.enqueue_indirect_dma source(%arg10 : memref<128x128xf32, #tpu.memory_space<vmem>>) target(%dma_start3A_115 : memref<10240x128xf32, #tpu.memory_space<vmem_shared>>) offsets(%arg8 : memref<128xi32, #tpu.memory_space<vmem>>) semaphore(%run_scoped3A : memref<!tpu.dma_semaphore, #tpu.memory_space<semaphore_mem>>) {add = true}
        %dma_wait3A_116 = arith.constant 0 : i32
        %dma_wait3A_117 = arith.constant 0 : i32
        %dma_wait3A_118 = tpu.memref_slice %arg12[%dma_wait3A_116, %dma_wait3A_117] : memref<10240x128xf32, #tpu.memory_space<vmem_shared>> -> memref<10240x128xf32, #tpu.memory_space<vmem_shared>>
        tpu.wait_indirect_dma semaphore(%run_scoped3A : memref<!tpu.dma_semaphore, #tpu.memory_space<semaphore_mem>>) src(%arg10 : memref<128x128xf32, #tpu.memory_space<vmem>>) dst(%dma_wait3A_118 : memref<10240x128xf32, #tpu.memory_space<vmem_shared>>)
        tpu.yield
      }) : () -> ()
      %add3A_68 = arith.constant 2 : i32
      %add3A_69 = arith.addi %mul3A_56, %add3A_68 : i32
      %mul3A_70 = arith.constant 128 : i32
      %mul3A_71 = arith.muli %add3A_69, %mul3A_70 : i32
      %dma_start3A_72 = tpu.memref_slice %arg7[%mul3A_71] : memref<10240xi32, #tpu.memory_space<vmem>> -> memref<128xi32, #tpu.memory_space<vmem>>
      %dma_start3A_73 = arith.constant 0 : i32
      %dma_start3A_74 = arith.constant 0 : i32
      %dma_start3A_75 = tpu.memref_slice %arg2[%dma_start3A_73, %dma_start3A_74] : memref<10240x128xf32, #tpu.memory_space<hbm>> -> memref<10240x128xf32, #tpu.memory_space<hbm>>
      tpu.enqueue_indirect_dma source(%dma_start3A_75 : memref<10240x128xf32, #tpu.memory_space<hbm>>) target(%arg10 : memref<128x128xf32, #tpu.memory_space<vmem>>) offsets(%dma_start3A_72 : memref<128xi32, #tpu.memory_space<vmem>>) semaphore(%arg13 : memref<!tpu.dma_semaphore, #tpu.memory_space<semaphore_mem>>)
      %add3A_76 = arith.constant 2 : i32
      %add3A_77 = arith.addi %mul3A_56, %add3A_76 : i32
      %mul3A_78 = arith.constant 128 : i32
      %mul3A_79 = arith.muli %add3A_77, %mul3A_78 : i32
      %add3A_80 = arith.addi %mul3A_2, %mul3A_79 : i32
      %dma_start3A_81 = tpu.memref_slice %arg4[%add3A_80] : memref<327680xi32, #tpu.memory_space<hbm>> -> memref<128xi32, #tpu.memory_space<hbm>>
      %dma_start3A_82 = tpu.memref_slice %arg4[%add3A_80] : memref<327680xi32, #tpu.memory_space<hbm>> -> memref<128xi32, #tpu.memory_space<hbm>>
      tpu.enqueue_dma source(%dma_start3A_82 : memref<128xi32, #tpu.memory_space<hbm>>) target(%arg8 : memref<128xi32, #tpu.memory_space<vmem>>) target_semaphore(%arg15 : memref<!tpu.dma_semaphore, #tpu.memory_space<semaphore_mem>>)
      %add3A_83 = arith.constant 1 : i32
      %add3A_84 = arith.addi %mul3A_56, %add3A_83 : i32
      %mul3A_85 = arith.constant 128 : i32
      %mul3A_86 = arith.muli %add3A_84, %mul3A_85 : i32
      %dma_wait3A_87 = tpu.memref_slice %arg7[%mul3A_86] : memref<10240xi32, #tpu.memory_space<vmem>> -> memref<128xi32, #tpu.memory_space<vmem>>
      %dma_wait3A_88 = arith.constant 0 : i32
      %dma_wait3A_89 = arith.constant 0 : i32
      %dma_wait3A_90 = tpu.memref_slice %arg2[%dma_wait3A_88, %dma_wait3A_89] : memref<10240x128xf32, #tpu.memory_space<hbm>> -> memref<10240x128xf32, #tpu.memory_space<hbm>>
      tpu.wait_indirect_dma semaphore(%arg14 : memref<!tpu.dma_semaphore, #tpu.memory_space<semaphore_mem>>) src(%dma_wait3A_90 : memref<10240x128xf32, #tpu.memory_space<hbm>>) dst(%arg11 : memref<128x128xf32, #tpu.memory_space<vmem>>)
      %add3A_91 = arith.constant 1 : i32
      %add3A_92 = arith.addi %mul3A_56, %add3A_91 : i32
      %mul3A_93 = arith.constant 128 : i32
      %mul3A_94 = arith.muli %add3A_92, %mul3A_93 : i32
      %add3A_95 = arith.addi %mul3A_2, %mul3A_94 : i32
      %dma_wait3A_96 = tpu.memref_slice %arg4[%add3A_95] : memref<327680xi32, #tpu.memory_space<hbm>> -> memref<128xi32, #tpu.memory_space<hbm>>
      %dma_wait3A_97 = tpu.memref_slice %arg4[%add3A_95] : memref<327680xi32, #tpu.memory_space<hbm>> -> memref<128xi32, #tpu.memory_space<hbm>>
      tpu.wait_dma2 semaphore(%arg16 : memref<!tpu.dma_semaphore, #tpu.memory_space<semaphore_mem>>) src(%dma_wait3A_97 : memref<128xi32, #tpu.memory_space<hbm>>) dst(%arg9 : memref<128xi32, #tpu.memory_space<vmem>>)
      "tpu.region"() ({
        %run_scoped3A = tpu.sem_alloc : memref<!tpu.dma_semaphore, #tpu.memory_space<semaphore_mem>>
        %dma_start3A_113 = arith.constant 0 : i32
        %dma_start3A_114 = arith.constant 0 : i32
        %dma_start3A_115 = tpu.memref_slice %arg12[%dma_start3A_113, %dma_start3A_114] : memref<10240x128xf32, #tpu.memory_space<vmem_shared>> -> memref<10240x128xf32, #tpu.memory_space<vmem_shared>>
        tpu.enqueue_indirect_dma source(%arg11 : memref<128x128xf32, #tpu.memory_space<vmem>>) target(%dma_start3A_115 : memref<10240x128xf32, #tpu.memory_space<vmem_shared>>) offsets(%arg9 : memref<128xi32, #tpu.memory_space<vmem>>) semaphore(%run_scoped3A : memref<!tpu.dma_semaphore, #tpu.memory_space<semaphore_mem>>) {add = true}
        %dma_wait3A_116 = arith.constant 0 : i32
        %dma_wait3A_117 = arith.constant 0 : i32
        %dma_wait3A_118 = tpu.memref_slice %arg12[%dma_wait3A_116, %dma_wait3A_117] : memref<10240x128xf32, #tpu.memory_space<vmem_shared>> -> memref<10240x128xf32, #tpu.memory_space<vmem_shared>>
        tpu.wait_indirect_dma semaphore(%run_scoped3A : memref<!tpu.dma_semaphore, #tpu.memory_space<semaphore_mem>>) src(%arg11 : memref<128x128xf32, #tpu.memory_space<vmem>>) dst(%dma_wait3A_118 : memref<10240x128xf32, #tpu.memory_space<vmem_shared>>)
        tpu.yield
      }) : () -> ()
      %add3A_98 = arith.constant 3 : i32
      %add3A_99 = arith.addi %mul3A_56, %add3A_98 : i32
      %mul3A_100 = arith.constant 128 : i32
      %mul3A_101 = arith.muli %add3A_99, %mul3A_100 : i32
      %dma_start3A_102 = tpu.memref_slice %arg7[%mul3A_101] : memref<10240xi32, #tpu.memory_space<vmem>> -> memref<128xi32, #tpu.memory_space<vmem>>
      %dma_start3A_103 = arith.constant 0 : i32
      %dma_start3A_104 = arith.constant 0 : i32
      %dma_start3A_105 = tpu.memref_slice %arg2[%dma_start3A_103, %dma_start3A_104] : memref<10240x128xf32, #tpu.memory_space<hbm>> -> memref<10240x128xf32, #tpu.memory_space<hbm>>
      tpu.enqueue_indirect_dma source(%dma_start3A_105 : memref<10240x128xf32, #tpu.memory_space<hbm>>) target(%arg11 : memref<128x128xf32, #tpu.memory_space<vmem>>) offsets(%dma_start3A_102 : memref<128xi32, #tpu.memory_space<vmem>>) semaphore(%arg14 : memref<!tpu.dma_semaphore, #tpu.memory_space<semaphore_mem>>)
      %add3A_106 = arith.constant 3 : i32
      %add3A_107 = arith.addi %mul3A_56, %add3A_106 : i32
      %mul3A_108 = arith.constant 128 : i32
      %mul3A_109 = arith.muli %add3A_107, %mul3A_108 : i32
      %add3A_110 = arith.addi %mul3A_2, %mul3A_109 : i32
      %dma_start3A_111 = tpu.memref_slice %arg4[%add3A_110] : memref<327680xi32, #tpu.memory_space<hbm>> -> memref<128xi32, #tpu.memory_space<hbm>>
      %dma_start3A_112 = tpu.memref_slice %arg4[%add3A_110] : memref<327680xi32, #tpu.memory_space<hbm>> -> memref<128xi32, #tpu.memory_space<hbm>>
      tpu.enqueue_dma source(%dma_start3A_112 : memref<128xi32, #tpu.memory_space<hbm>>) target(%arg9 : memref<128xi32, #tpu.memory_space<vmem>>) target_semaphore(%arg16 : memref<!tpu.dma_semaphore, #tpu.memory_space<semaphore_mem>>)
    }
    %scan3A_28 = arith.constant 39 : i32
    %dma_wait3A = arith.constant 9984 : i32
    %dma_wait3A_29 = tpu.memref_slice %arg7[%dma_wait3A] : memref<10240xi32, #tpu.memory_space<vmem>> -> memref<128xi32, #tpu.memory_space<vmem>>
    %dma_wait3A_30 = arith.constant 0 : i32
    %dma_wait3A_31 = arith.constant 0 : i32
    %dma_wait3A_32 = tpu.memref_slice %arg2[%dma_wait3A_30, %dma_wait3A_31] : memref<10240x128xf32, #tpu.memory_space<hbm>> -> memref<10240x128xf32, #tpu.memory_space<hbm>>
    tpu.wait_indirect_dma semaphore(%arg13 : memref<!tpu.dma_semaphore, #tpu.memory_space<semaphore_mem>>) src(%dma_wait3A_32 : memref<10240x128xf32, #tpu.memory_space<hbm>>) dst(%arg10 : memref<128x128xf32, #tpu.memory_space<vmem>>)
    %add3A_33 = arith.constant 9984 : i32
    %add3A_34 = arith.addi %mul3A_2, %add3A_33 : i32
    %dma_wait3A_35 = tpu.memref_slice %arg4[%add3A_34] : memref<327680xi32, #tpu.memory_space<hbm>> -> memref<128xi32, #tpu.memory_space<hbm>>
    %dma_wait3A_36 = tpu.memref_slice %arg4[%add3A_34] : memref<327680xi32, #tpu.memory_space<hbm>> -> memref<128xi32, #tpu.memory_space<hbm>>
    tpu.wait_dma2 semaphore(%arg15 : memref<!tpu.dma_semaphore, #tpu.memory_space<semaphore_mem>>) src(%dma_wait3A_36 : memref<128xi32, #tpu.memory_space<hbm>>) dst(%arg8 : memref<128xi32, #tpu.memory_space<vmem>>)
    "tpu.region"() ({
      %run_scoped3A = tpu.sem_alloc : memref<!tpu.dma_semaphore, #tpu.memory_space<semaphore_mem>>
      %dma_start3A_54 = arith.constant 0 : i32
      %dma_start3A_55 = arith.constant 0 : i32
      %dma_start3A_56 = tpu.memref_slice %arg12[%dma_start3A_54, %dma_start3A_55] : memref<10240x128xf32, #tpu.memory_space<vmem_shared>> -> memref<10240x128xf32, #tpu.memory_space<vmem_shared>>
      tpu.enqueue_indirect_dma source(%arg10 : memref<128x128xf32, #tpu.memory_space<vmem>>) target(%dma_start3A_56 : memref<10240x128xf32, #tpu.memory_space<vmem_shared>>) offsets(%arg8 : memref<128xi32, #tpu.memory_space<vmem>>) semaphore(%run_scoped3A : memref<!tpu.dma_semaphore, #tpu.memory_space<semaphore_mem>>) {add = true}
      %dma_wait3A_57 = arith.constant 0 : i32
      %dma_wait3A_58 = arith.constant 0 : i32
      %dma_wait3A_59 = tpu.memref_slice %arg12[%dma_wait3A_57, %dma_wait3A_58] : memref<10240x128xf32, #tpu.memory_space<vmem_shared>> -> memref<10240x128xf32, #tpu.memory_space<vmem_shared>>
      tpu.wait_indirect_dma semaphore(%run_scoped3A : memref<!tpu.dma_semaphore, #tpu.memory_space<semaphore_mem>>) src(%arg10 : memref<128x128xf32, #tpu.memory_space<vmem>>) dst(%dma_wait3A_59 : memref<10240x128xf32, #tpu.memory_space<vmem_shared>>)
      tpu.yield
    }) : () -> ()
    %dma_wait3A_37 = arith.constant 10112 : i32
    %dma_wait3A_38 = tpu.memref_slice %arg7[%dma_wait3A_37] : memref<10240xi32, #tpu.memory_space<vmem>> -> memref<128xi32, #tpu.memory_space<vmem>>
    %dma_wait3A_39 = arith.constant 0 : i32
    %dma_wait3A_40 = arith.constant 0 : i32
    %dma_wait3A_41 = tpu.memref_slice %arg2[%dma_wait3A_39, %dma_wait3A_40] : memref<10240x128xf32, #tpu.memory_space<hbm>> -> memref<10240x128xf32, #tpu.memory_space<hbm>>
    tpu.wait_indirect_dma semaphore(%arg14 : memref<!tpu.dma_semaphore, #tpu.memory_space<semaphore_mem>>) src(%dma_wait3A_41 : memref<10240x128xf32, #tpu.memory_space<hbm>>) dst(%arg11 : memref<128x128xf32, #tpu.memory_space<vmem>>)
    %add3A_42 = arith.constant 10112 : i32
    %add3A_43 = arith.addi %mul3A_2, %add3A_42 : i32
    %dma_wait3A_44 = tpu.memref_slice %arg4[%add3A_43] : memref<327680xi32, #tpu.memory_space<hbm>> -> memref<128xi32, #tpu.memory_space<hbm>>
    %dma_wait3A_45 = tpu.memref_slice %arg4[%add3A_43] : memref<327680xi32, #tpu.memory_space<hbm>> -> memref<128xi32, #tpu.memory_space<hbm>>
    tpu.wait_dma2 semaphore(%arg16 : memref<!tpu.dma_semaphore, #tpu.memory_space<semaphore_mem>>) src(%dma_wait3A_45 : memref<128xi32, #tpu.memory_space<hbm>>) dst(%arg9 : memref<128xi32, #tpu.memory_space<vmem>>)
    "tpu.region"() ({
      %run_scoped3A = tpu.sem_alloc : memref<!tpu.dma_semaphore, #tpu.memory_space<semaphore_mem>>
      %dma_start3A_54 = arith.constant 0 : i32
      %dma_start3A_55 = arith.constant 0 : i32
      %dma_start3A_56 = tpu.memref_slice %arg12[%dma_start3A_54, %dma_start3A_55] : memref<10240x128xf32, #tpu.memory_space<vmem_shared>> -> memref<10240x128xf32, #tpu.memory_space<vmem_shared>>
      tpu.enqueue_indirect_dma source(%arg11 : memref<128x128xf32, #tpu.memory_space<vmem>>) target(%dma_start3A_56 : memref<10240x128xf32, #tpu.memory_space<vmem_shared>>) offsets(%arg9 : memref<128xi32, #tpu.memory_space<vmem>>) semaphore(%run_scoped3A : memref<!tpu.dma_semaphore, #tpu.memory_space<semaphore_mem>>) {add = true}
      %dma_wait3A_57 = arith.constant 0 : i32
      %dma_wait3A_58 = arith.constant 0 : i32
      %dma_wait3A_59 = tpu.memref_slice %arg12[%dma_wait3A_57, %dma_wait3A_58] : memref<10240x128xf32, #tpu.memory_space<vmem_shared>> -> memref<10240x128xf32, #tpu.memory_space<vmem_shared>>
      tpu.wait_indirect_dma semaphore(%run_scoped3A : memref<!tpu.dma_semaphore, #tpu.memory_space<semaphore_mem>>) src(%arg11 : memref<128x128xf32, #tpu.memory_space<vmem>>) dst(%dma_wait3A_59 : memref<10240x128xf32, #tpu.memory_space<vmem_shared>>)
      tpu.yield
    }) : () -> ()
    %barrier3A_46 = arith.constant 0 : index
    tpu.barrier barrier_id(%barrier3A_46)
    %mul3A_47 = arith.constant 640 : i32
    %mul3A_48 = arith.muli %arg1, %mul3A_47 : i32
    %mul3A_49 = arith.constant 10240 : i32
    %mul3A_50 = arith.muli %arg0, %mul3A_49 : i32
    %mul3A_51 = arith.constant 640 : i32
    %mul3A_52 = arith.muli %arg1, %mul3A_51 : i32
    %add3A_53 = arith.addi %mul3A_50, %mul3A_52 : i32
    "tpu.region"() ({
      %run_scoped3A = tpu.sem_alloc : memref<!tpu.dma_semaphore, #tpu.memory_space<semaphore_mem>>
      %dma_start3A_54 = arith.constant 0 : i32
      %dma_start3A_55 = tpu.memref_slice %arg6[%add3A_53, %dma_start3A_54] : memref<20480x128xf32, #tpu.memory_space<hbm>> -> memref<640x128xf32, #tpu.memory_space<hbm>>
      %dma_start3A_56 = arith.constant 0 : i32
      %dma_start3A_57 = tpu.memref_slice %arg12[%mul3A_48, %dma_start3A_56] : memref<10240x128xf32, #tpu.memory_space<vmem_shared>> -> memref<640x128xf32, #tpu.memory_space<vmem_shared>>
      tpu.enqueue_dma source(%dma_start3A_57 : memref<640x128xf32, #tpu.memory_space<vmem_shared>>) target(%dma_start3A_55 : memref<640x128xf32, #tpu.memory_space<hbm>>) target_semaphore(%run_scoped3A : memref<!tpu.dma_semaphore, #tpu.memory_space<semaphore_mem>>)
      %dma_wait3A_58 = arith.constant 0 : i32
      %dma_wait3A_59 = tpu.memref_slice %arg6[%add3A_53, %dma_wait3A_58] : memref<20480x128xf32, #tpu.memory_space<hbm>> -> memref<640x128xf32, #tpu.memory_space<hbm>>
      %dma_wait3A_60 = arith.constant 0 : i32
      %dma_wait3A_61 = tpu.memref_slice %arg12[%mul3A_48, %dma_wait3A_60] : memref<10240x128xf32, #tpu.memory_space<vmem_shared>> -> memref<640x128xf32, #tpu.memory_space<vmem_shared>>
      tpu.wait_dma2 semaphore(%run_scoped3A : memref<!tpu.dma_semaphore, #tpu.memory_space<semaphore_mem>>) src(%dma_wait3A_61 : memref<640x128xf32, #tpu.memory_space<vmem_shared>>) dst(%dma_wait3A_59 : memref<640x128xf32, #tpu.memory_space<hbm>>)
      tpu.yield
    }) : () -> ()
    return
  }
}

module attributes {stable_mosaic.version = 14 : i64} {
  func.func @_h0qkv_body(%arg0: i32, %arg1: memref<256x144xf32, #tpu.memory_space<vmem>>, %arg2: memref<144x128xf32, #tpu.memory_space<vmem>>, %arg3: memref<1x128xf32, #tpu.memory_space<vmem>>, %arg4: memref<128x128xf32, #tpu.memory_space<vmem>>, %arg5: memref<1x128xf32, #tpu.memory_space<vmem>>, %arg6: memref<128x128xf32, #tpu.memory_space<vmem>>, %arg7: memref<1x128xf32, #tpu.memory_space<vmem>>, %arg8: memref<128x128xf32, #tpu.memory_space<vmem>>, %arg9: memref<1x128xf32, #tpu.memory_space<vmem>>, %arg10: memref<128x128xf32, #tpu.memory_space<vmem>>, %arg11: memref<1x128xf32, #tpu.memory_space<vmem>>, %arg12: memref<256x128xf32, #tpu.memory_space<vmem>>, %arg13: memref<256x128xf32, #tpu.memory_space<vmem>>, %arg14: memref<256x128xf32, #tpu.memory_space<vmem>>, %arg15: memref<256x128xf32, #tpu.memory_space<vmem>>) attributes {dimension_semantics = [#tpu.dimension_semantics<arbitrary>], iteration_bounds = array<i64: 40>, scalar_prefetch = 0 : i64, scratch_operands = 0 : i64, tpu.core_type = #tpu.core_type<tc>, window_params = [{transform_indices = @transform_0, window_bounds = array<i64: 256, 144>}, {pipeline_mode = #tpu.pipeline_mode<synchronous>, transform_indices = @transform_1, window_bounds = array<i64: 144, 128>}, {pipeline_mode = #tpu.pipeline_mode<synchronous>, transform_indices = @transform_2, window_bounds = array<i64: 1, 128>}, {pipeline_mode = #tpu.pipeline_mode<synchronous>, transform_indices = @transform_3, window_bounds = array<i64: 128, 128>}, {pipeline_mode = #tpu.pipeline_mode<synchronous>, transform_indices = @transform_4, window_bounds = array<i64: 1, 128>}, {pipeline_mode = #tpu.pipeline_mode<synchronous>, transform_indices = @transform_5, window_bounds = array<i64: 128, 128>}, {pipeline_mode = #tpu.pipeline_mode<synchronous>, transform_indices = @transform_6, window_bounds = array<i64: 1, 128>}, {pipeline_mode = #tpu.pipeline_mode<synchronous>, transform_indices = @transform_7, window_bounds = array<i64: 128, 128>}, {pipeline_mode = #tpu.pipeline_mode<synchronous>, transform_indices = @transform_8, window_bounds = array<i64: 1, 128>}, {pipeline_mode = #tpu.pipeline_mode<synchronous>, transform_indices = @transform_9, window_bounds = array<i64: 128, 128>}, {pipeline_mode = #tpu.pipeline_mode<synchronous>, transform_indices = @transform_10, window_bounds = array<i64: 1, 128>}, {transform_indices = @transform_11, window_bounds = array<i64: 256, 128>}, {transform_indices = @transform_12, window_bounds = array<i64: 256, 128>}, {transform_indices = @transform_13, window_bounds = array<i64: 256, 128>}, {transform_indices = @transform_14, window_bounds = array<i64: 256, 128>}]} {
    %get3A = arith.constant 0 : index
    %get3A_0 = arith.constant 0 : index
    %get3A_1 = vector.load %arg1[%get3A, %get3A_0] : memref<256x144xf32, #tpu.memory_space<vmem>>, vector<256x144xf32>
    %get3A_2 = arith.constant 0 : index
    %get3A_3 = arith.constant 0 : index
    %get3A_4 = vector.load %arg2[%get3A_2, %get3A_3] : memref<144x128xf32, #tpu.memory_space<vmem>>, vector<144x128xf32>
    %dot_general3A = arith.constant dense<0.000000e+00> : vector<256x128xf32>
    %dot_general3A_5 = tpu.matmul %get3A_1, %get3A_4, %dot_general3A {dimension_numbers = #tpu.dot_dimension_numbers<[1], [0], [0], [1], [0, 0, 1, 1], [], []>, precision = #tpu.contract_precision<fp32>, transpose_lhs_hint = false} : vector<256x144xf32>, vector<144x128xf32>, vector<256x128xf32> -> vector<256x128xf32>
    %get3A_6 = arith.constant 0 : index
    %get3A_7 = arith.constant 0 : index
    %get3A_8 = vector.load %arg3[%get3A_6, %get3A_7] : memref<1x128xf32, #tpu.memory_space<vmem>>, vector<1x128xf32>
    %add3A = vector.broadcast %get3A_8 : vector<1x128xf32> to vector<256x128xf32>
    %add3A_9 = arith.addf %dot_general3A_5, %add3A : vector<256x128xf32>
    %max3A = arith.constant 0.000000e+00 : f32
    %max3A_10 = vector.broadcast %max3A : f32 to vector<256x128xf32>
    %max3A_11 = arith.maximumf %add3A_9, %max3A_10 : vector<256x128xf32>
    %get3A_12 = arith.constant 0 : index
    %get3A_13 = arith.constant 0 : index
    %get3A_14 = vector.load %arg4[%get3A_12, %get3A_13] : memref<128x128xf32, #tpu.memory_space<vmem>>, vector<128x128xf32>
    %dot_general3A_15 = arith.constant dense<0.000000e+00> : vector<256x128xf32>
    %dot_general3A_16 = tpu.matmul %max3A_11, %get3A_14, %dot_general3A_15 {dimension_numbers = #tpu.dot_dimension_numbers<[1], [0], [0], [1], [0, 0, 1, 1], [], []>, precision = #tpu.contract_precision<fp32>, transpose_lhs_hint = false} : vector<256x128xf32>, vector<128x128xf32>, vector<256x128xf32> -> vector<256x128xf32>
    %get3A_17 = arith.constant 0 : index
    %get3A_18 = arith.constant 0 : index
    %get3A_19 = vector.load %arg5[%get3A_17, %get3A_18] : memref<1x128xf32, #tpu.memory_space<vmem>>, vector<1x128xf32>
    %add3A_20 = vector.broadcast %get3A_19 : vector<1x128xf32> to vector<256x128xf32>
    %add3A_21 = arith.addf %dot_general3A_16, %add3A_20 : vector<256x128xf32>
    %swap3A = arith.constant 0 : index
    %swap3A_22 = arith.constant 0 : index
    %swap3A_23 = vector.load %arg12[%swap3A, %swap3A_22] : memref<256x128xf32, #tpu.memory_space<vmem>>, vector<256x128xf32>
    tpu.vector_store %arg12[%swap3A, %swap3A_22], %add3A_21 {strides = array<i32>} : memref<256x128xf32, #tpu.memory_space<vmem>>, vector<256x128xf32>,
    %get3A_24 = arith.constant 0 : index
    %get3A_25 = arith.constant 0 : index
    %get3A_26 = vector.load %arg6[%get3A_24, %get3A_25] : memref<128x128xf32, #tpu.memory_space<vmem>>, vector<128x128xf32>
    %dot_general3A_27 = arith.constant dense<0.000000e+00> : vector<256x128xf32>
    %dot_general3A_28 = tpu.matmul %add3A_21, %get3A_26, %dot_general3A_27 {dimension_numbers = #tpu.dot_dimension_numbers<[1], [0], [0], [1], [0, 0, 1, 1], [], []>, precision = #tpu.contract_precision<fp32>, transpose_lhs_hint = false} : vector<256x128xf32>, vector<128x128xf32>, vector<256x128xf32> -> vector<256x128xf32>
    %get3A_29 = arith.constant 0 : index
    %get3A_30 = arith.constant 0 : index
    %get3A_31 = vector.load %arg7[%get3A_29, %get3A_30] : memref<1x128xf32, #tpu.memory_space<vmem>>, vector<1x128xf32>
    %add3A_32 = vector.broadcast %get3A_31 : vector<1x128xf32> to vector<256x128xf32>
    %add3A_33 = arith.addf %dot_general3A_28, %add3A_32 : vector<256x128xf32>
    %swap3A_34 = arith.constant 0 : index
    %swap3A_35 = arith.constant 0 : index
    %swap3A_36 = vector.load %arg13[%swap3A_34, %swap3A_35] : memref<256x128xf32, #tpu.memory_space<vmem>>, vector<256x128xf32>
    tpu.vector_store %arg13[%swap3A_34, %swap3A_35], %add3A_33 {strides = array<i32>} : memref<256x128xf32, #tpu.memory_space<vmem>>, vector<256x128xf32>,
    %get3A_37 = arith.constant 0 : index
    %get3A_38 = arith.constant 0 : index
    %get3A_39 = vector.load %arg8[%get3A_37, %get3A_38] : memref<128x128xf32, #tpu.memory_space<vmem>>, vector<128x128xf32>
    %dot_general3A_40 = arith.constant dense<0.000000e+00> : vector<256x128xf32>
    %dot_general3A_41 = tpu.matmul %add3A_21, %get3A_39, %dot_general3A_40 {dimension_numbers = #tpu.dot_dimension_numbers<[1], [0], [0], [1], [0, 0, 1, 1], [], []>, precision = #tpu.contract_precision<fp32>, transpose_lhs_hint = false} : vector<256x128xf32>, vector<128x128xf32>, vector<256x128xf32> -> vector<256x128xf32>
    %get3A_42 = arith.constant 0 : index
    %get3A_43 = arith.constant 0 : index
    %get3A_44 = vector.load %arg9[%get3A_42, %get3A_43] : memref<1x128xf32, #tpu.memory_space<vmem>>, vector<1x128xf32>
    %add3A_45 = vector.broadcast %get3A_44 : vector<1x128xf32> to vector<256x128xf32>
    %add3A_46 = arith.addf %dot_general3A_41, %add3A_45 : vector<256x128xf32>
    %swap3A_47 = arith.constant 0 : index
    %swap3A_48 = arith.constant 0 : index
    %swap3A_49 = vector.load %arg14[%swap3A_47, %swap3A_48] : memref<256x128xf32, #tpu.memory_space<vmem>>, vector<256x128xf32>
    tpu.vector_store %arg14[%swap3A_47, %swap3A_48], %add3A_46 {strides = array<i32>} : memref<256x128xf32, #tpu.memory_space<vmem>>, vector<256x128xf32>,
    %get3A_50 = arith.constant 0 : index
    %get3A_51 = arith.constant 0 : index
    %get3A_52 = vector.load %arg10[%get3A_50, %get3A_51] : memref<128x128xf32, #tpu.memory_space<vmem>>, vector<128x128xf32>
    %dot_general3A_53 = arith.constant dense<0.000000e+00> : vector<256x128xf32>
    %dot_general3A_54 = tpu.matmul %add3A_21, %get3A_52, %dot_general3A_53 {dimension_numbers = #tpu.dot_dimension_numbers<[1], [0], [0], [1], [0, 0, 1, 1], [], []>, precision = #tpu.contract_precision<fp32>, transpose_lhs_hint = false} : vector<256x128xf32>, vector<128x128xf32>, vector<256x128xf32> -> vector<256x128xf32>
    %get3A_55 = arith.constant 0 : index
    %get3A_56 = arith.constant 0 : index
    %get3A_57 = vector.load %arg11[%get3A_55, %get3A_56] : memref<1x128xf32, #tpu.memory_space<vmem>>, vector<1x128xf32>
    %add3A_58 = vector.broadcast %get3A_57 : vector<1x128xf32> to vector<256x128xf32>
    %add3A_59 = arith.addf %dot_general3A_54, %add3A_58 : vector<256x128xf32>
    %swap3A_60 = arith.constant 0 : index
    %swap3A_61 = arith.constant 0 : index
    %swap3A_62 = vector.load %arg15[%swap3A_60, %swap3A_61] : memref<256x128xf32, #tpu.memory_space<vmem>>, vector<256x128xf32>
    tpu.vector_store %arg15[%swap3A_60, %swap3A_61], %add3A_59 {strides = array<i32>} : memref<256x128xf32, #tpu.memory_space<vmem>>, vector<256x128xf32>,
    return
  }
  func.func @transform_0(%arg0: i32) -> (i32, i32) {
    %c0_i32 = arith.constant 0 : i32
    %c0_i32_0 = arith.constant 0 : i32
    return %arg0, %c0_i32 : i32, i32
  }
  func.func @transform_1(%arg0: i32) -> (i32, i32) {
    %c0_i32 = arith.constant 0 : i32
    %c0_i32_0 = arith.constant 0 : i32
    %c0_i32_1 = arith.constant 0 : i32
    return %c0_i32, %c0_i32_0 : i32, i32
  }
  func.func @transform_2(%arg0: i32) -> (i32, i32) {
    %c0_i32 = arith.constant 0 : i32
    %c0_i32_0 = arith.constant 0 : i32
    %c0_i32_1 = arith.constant 0 : i32
    return %c0_i32, %c0_i32_0 : i32, i32
  }
  func.func @transform_3(%arg0: i32) -> (i32, i32) {
    %c0_i32 = arith.constant 0 : i32
    %c0_i32_0 = arith.constant 0 : i32
    %c0_i32_1 = arith.constant 0 : i32
    return %c0_i32, %c0_i32_0 : i32, i32
  }
  func.func @transform_4(%arg0: i32) -> (i32, i32) {
    %c0_i32 = arith.constant 0 : i32
    %c0_i32_0 = arith.constant 0 : i32
    %c0_i32_1 = arith.constant 0 : i32
    return %c0_i32, %c0_i32_0 : i32, i32
  }
  func.func @transform_5(%arg0: i32) -> (i32, i32) {
    %c0_i32 = arith.constant 0 : i32
    %c0_i32_0 = arith.constant 0 : i32
    %c0_i32_1 = arith.constant 0 : i32
    return %c0_i32, %c0_i32_0 : i32, i32
  }
  func.func @transform_6(%arg0: i32) -> (i32, i32) {
    %c0_i32 = arith.constant 0 : i32
    %c0_i32_0 = arith.constant 0 : i32
    %c0_i32_1 = arith.constant 0 : i32
    return %c0_i32, %c0_i32_0 : i32, i32
  }
  func.func @transform_7(%arg0: i32) -> (i32, i32) {
    %c0_i32 = arith.constant 0 : i32
    %c0_i32_0 = arith.constant 0 : i32
    %c0_i32_1 = arith.constant 0 : i32
    return %c0_i32, %c0_i32_0 : i32, i32
  }
  func.func @transform_8(%arg0: i32) -> (i32, i32) {
    %c0_i32 = arith.constant 0 : i32
    %c0_i32_0 = arith.constant 0 : i32
    %c0_i32_1 = arith.constant 0 : i32
    return %c0_i32, %c0_i32_0 : i32, i32
  }
  func.func @transform_9(%arg0: i32) -> (i32, i32) {
    %c0_i32 = arith.constant 0 : i32
    %c0_i32_0 = arith.constant 0 : i32
    %c0_i32_1 = arith.constant 0 : i32
    return %c0_i32, %c0_i32_0 : i32, i32
  }
  func.func @transform_10(%arg0: i32) -> (i32, i32) {
    %c0_i32 = arith.constant 0 : i32
    %c0_i32_0 = arith.constant 0 : i32
    %c0_i32_1 = arith.constant 0 : i32
    return %c0_i32, %c0_i32_0 : i32, i32
  }
  func.func @transform_11(%arg0: i32) -> (i32, i32) {
    %c0_i32 = arith.constant 0 : i32
    %c0_i32_0 = arith.constant 0 : i32
    return %arg0, %c0_i32 : i32, i32
  }
  func.func @transform_12(%arg0: i32) -> (i32, i32) {
    %c0_i32 = arith.constant 0 : i32
    %c0_i32_0 = arith.constant 0 : i32
    return %arg0, %c0_i32 : i32, i32
  }
  func.func @transform_13(%arg0: i32) -> (i32, i32) {
    %c0_i32 = arith.constant 0 : i32
    %c0_i32_0 = arith.constant 0 : i32
    return %arg0, %c0_i32 : i32, i32
  }
  func.func @transform_14(%arg0: i32) -> (i32, i32) {
    %c0_i32 = arith.constant 0 : i32
    %c0_i32_0 = arith.constant 0 : i32
    return %arg0, %c0_i32 : i32, i32
  }
}

module attributes {stable_mosaic.version = 14 : i64} {
  func.func @_gin_body(%arg0: i32, %arg1: memref<256x128xf32, #tpu.memory_space<vmem>>, %arg2: memref<256x128xf32, #tpu.memory_space<vmem>>, %arg3: memref<256x128xf32, #tpu.memory_space<vmem>>, %arg4: memref<1x1xf32, #tpu.memory_space<vmem>>, %arg5: memref<128x128xf32, #tpu.memory_space<vmem>>, %arg6: memref<1x128xf32, #tpu.memory_space<vmem>>, %arg7: memref<128x128xf32, #tpu.memory_space<vmem>>, %arg8: memref<1x128xf32, #tpu.memory_space<vmem>>, %arg9: memref<128x256xf32, #tpu.memory_space<vmem>>, %arg10: memref<256x128xf32, #tpu.memory_space<vmem>>, %arg11: memref<128x8xf32, #tpu.memory_space<vmem>>) attributes {dimension_semantics = [#tpu.dimension_semantics<arbitrary>], iteration_bounds = array<i64: 40>, scalar_prefetch = 0 : i64, scratch_operands = 0 : i64, tpu.core_type = #tpu.core_type<tc>, window_params = [{transform_indices = @transform_0, window_bounds = array<i64: 256, 128>}, {transform_indices = @transform_1, window_bounds = array<i64: 256, 128>}, {transform_indices = @transform_2, window_bounds = array<i64: 256, 128>}, {pipeline_mode = #tpu.pipeline_mode<synchronous>, transform_indices = @transform_3, window_bounds = array<i64: 1, 1>}, {pipeline_mode = #tpu.pipeline_mode<synchronous>, transform_indices = @transform_4, window_bounds = array<i64: 128, 128>}, {pipeline_mode = #tpu.pipeline_mode<synchronous>, transform_indices = @transform_5, window_bounds = array<i64: 1, 128>}, {pipeline_mode = #tpu.pipeline_mode<synchronous>, transform_indices = @transform_6, window_bounds = array<i64: 128, 128>}, {pipeline_mode = #tpu.pipeline_mode<synchronous>, transform_indices = @transform_7, window_bounds = array<i64: 1, 128>}, {transform_indices = @transform_8, window_bounds = array<i64: 128, 256>}, {transform_indices = @transform_9, window_bounds = array<i64: 256, 128>}, {pipeline_mode = #tpu.pipeline_mode<synchronous>, transform_indices = @transform_10, window_bounds = array<i64: 128, 8>}]} {
    %get3A = arith.constant 0 : index
    %get3A_0 = arith.constant 0 : index
    %get3A_1 = vector.load %arg1[%get3A, %get3A_0] : memref<256x128xf32, #tpu.memory_space<vmem>>, vector<256x128xf32>
    %get3A_2 = arith.constant 0 : index
    %get3A_3 = arith.constant 0 : index
    %get3A_4 = vector.load %arg4[%get3A_2, %get3A_3] : memref<1x1xf32, #tpu.memory_space<vmem>>, vector<1x1xf32>
    %mul3A = vector.broadcast %get3A_4 : vector<1x1xf32> to vector<256x128xf32>
    %mul3A_5 = arith.mulf %mul3A, %get3A_1 : vector<256x128xf32>
    %add3A = arith.addf %get3A_1, %mul3A_5 : vector<256x128xf32>
    %get3A_6 = arith.constant 0 : index
    %get3A_7 = arith.constant 0 : index
    %get3A_8 = vector.load %arg2[%get3A_6, %get3A_7] : memref<256x128xf32, #tpu.memory_space<vmem>>, vector<256x128xf32>
    %add3A_9 = arith.addf %add3A, %get3A_8 : vector<256x128xf32>
    %get3A_10 = arith.constant 0 : index
    %get3A_11 = arith.constant 0 : index
    %get3A_12 = vector.load %arg3[%get3A_10, %get3A_11] : memref<256x128xf32, #tpu.memory_space<vmem>>, vector<256x128xf32>
    %add3A_13 = arith.addf %add3A_9, %get3A_12 : vector<256x128xf32>
    %get3A_14 = arith.constant 0 : index
    %get3A_15 = arith.constant 0 : index
    %get3A_16 = vector.load %arg5[%get3A_14, %get3A_15] : memref<128x128xf32, #tpu.memory_space<vmem>>, vector<128x128xf32>
    %dot_general3A = arith.constant dense<0.000000e+00> : vector<256x128xf32>
    %dot_general3A_17 = tpu.matmul %add3A_13, %get3A_16, %dot_general3A {dimension_numbers = #tpu.dot_dimension_numbers<[1], [0], [0], [1], [0, 0, 1, 1], [], []>, precision = #tpu.contract_precision<fp32>, transpose_lhs_hint = false} : vector<256x128xf32>, vector<128x128xf32>, vector<256x128xf32> -> vector<256x128xf32>
    %get3A_18 = arith.constant 0 : index
    %get3A_19 = arith.constant 0 : index
    %get3A_20 = vector.load %arg6[%get3A_18, %get3A_19] : memref<1x128xf32, #tpu.memory_space<vmem>>, vector<1x128xf32>
    %add3A_21 = vector.broadcast %get3A_20 : vector<1x128xf32> to vector<256x128xf32>
    %add3A_22 = arith.addf %dot_general3A_17, %add3A_21 : vector<256x128xf32>
    %max3A = arith.constant 0.000000e+00 : f32
    %max3A_23 = vector.broadcast %max3A : f32 to vector<256x128xf32>
    %max3A_24 = arith.maximumf %add3A_22, %max3A_23 : vector<256x128xf32>
    %get3A_25 = arith.constant 0 : index
    %get3A_26 = arith.constant 0 : index
    %get3A_27 = vector.load %arg7[%get3A_25, %get3A_26] : memref<128x128xf32, #tpu.memory_space<vmem>>, vector<128x128xf32>
    %dot_general3A_28 = arith.constant dense<0.000000e+00> : vector<256x128xf32>
    %dot_general3A_29 = tpu.matmul %max3A_24, %get3A_27, %dot_general3A_28 {dimension_numbers = #tpu.dot_dimension_numbers<[1], [0], [0], [1], [0, 0, 1, 1], [], []>, precision = #tpu.contract_precision<fp32>, transpose_lhs_hint = false} : vector<256x128xf32>, vector<128x128xf32>, vector<256x128xf32> -> vector<256x128xf32>
    %get3A_30 = arith.constant 0 : index
    %get3A_31 = arith.constant 0 : index
    %get3A_32 = vector.load %arg8[%get3A_30, %get3A_31] : memref<1x128xf32, #tpu.memory_space<vmem>>, vector<1x128xf32>
    %add3A_33 = vector.broadcast %get3A_32 : vector<1x128xf32> to vector<256x128xf32>
    %add3A_34 = arith.addf %dot_general3A_29, %add3A_33 : vector<256x128xf32>
    %add3A_35 = arith.addf %add3A_34, %get3A_1 : vector<256x128xf32>
    %swap3A = arith.constant 0 : index
    %swap3A_36 = arith.constant 0 : index
    %swap3A_37 = vector.load %arg10[%swap3A, %swap3A_36] : memref<256x128xf32, #tpu.memory_space<vmem>>, vector<256x128xf32>
    tpu.vector_store %arg10[%swap3A, %swap3A_36], %add3A_35 {strides = array<i32>} : memref<256x128xf32, #tpu.memory_space<vmem>>, vector<256x128xf32>,
    %get3A_38 = arith.constant 0 : index
    %get3A_39 = arith.constant 0 : index
    %get3A_40 = vector.load %arg9[%get3A_38, %get3A_39] : memref<128x256xf32, #tpu.memory_space<vmem>>, vector<128x256xf32>
    %reduce_sum3A = arith.constant dense<0.000000e+00> : vector<256xf32>
    %reduce_sum3A_41 = vector.multi_reduction <add>, %add3A_35, %reduce_sum3A [1] : vector<256x128xf32> to vector<256xf32>
    %broadcast_in_dim3A = vector.shape_cast %reduce_sum3A_41 : vector<256xf32> to vector<256x1xf32>
    %mul3A_42 = arith.mulf %add3A_35, %add3A_35 : vector<256x128xf32>
    %reduce_sum3A_43 = arith.constant dense<0.000000e+00> : vector<256xf32>
    %reduce_sum3A_44 = vector.multi_reduction <add>, %mul3A_42, %reduce_sum3A_43 [1] : vector<256x128xf32> to vector<256xf32>
    %broadcast_in_dim3A_45 = vector.shape_cast %reduce_sum3A_44 : vector<256xf32> to vector<256x1xf32>
    %broadcast_in_dim3A_46 = arith.constant 0.000000e+00 : f32
    %broadcast_in_dim3A_47 = vector.broadcast %broadcast_in_dim3A_46 : f32 to vector<256x6xf32>
    %concatenate3A = tpu.concatenate %broadcast_in_dim3A, %broadcast_in_dim3A_45, %broadcast_in_dim3A_47 in 1 : vector<256x1xf32>, vector<256x1xf32>, vector<256x6xf32> -> vector<256x8xf32>
    %dot_general3A_48 = arith.constant dense<0.000000e+00> : vector<128x8xf32>
    %dot_general3A_49 = tpu.matmul %get3A_40, %concatenate3A, %dot_general3A_48 {dimension_numbers = #tpu.dot_dimension_numbers<[1], [0], [0], [1], [0, 0, 1, 1], [], []>, precision = #tpu.contract_precision<fp32>, transpose_lhs_hint = false} : vector<128x256xf32>, vector<256x8xf32>, vector<128x8xf32> -> vector<128x8xf32>
    %eq3A = arith.constant 0 : i32
    %eq3A_50 = arith.cmpi eq, %arg0, %eq3A : i32
    %convert_element_type3A = arith.extui %eq3A_50 : i1 to i32
    %cond3A = arith.constant 0 : i32
    %cond3A_51 = arith.cmpi ne, %convert_element_type3A, %cond3A : i32
    scf.if %cond3A_51 {
      %swap3A_56 = arith.constant 0 : index
      %swap3A_57 = arith.constant 0 : index
      %swap3A_58 = vector.load %arg11[%swap3A_56, %swap3A_57] : memref<128x8xf32, #tpu.memory_space<vmem>>, vector<128x8xf32>
      tpu.vector_store %arg11[%swap3A_56, %swap3A_57], %dot_general3A_49 {strides = array<i32>} : memref<128x8xf32, #tpu.memory_space<vmem>>, vector<128x8xf32>,
    } else {
    }
    %gt3A = arith.constant 0 : i32
    %gt3A_52 = arith.cmpi sgt, %arg0, %gt3A : i32
    %convert_element_type3A_53 = arith.extui %gt3A_52 : i1 to i32
    %cond3A_54 = arith.constant 0 : i32
    %cond3A_55 = arith.cmpi ne, %convert_element_type3A_53, %cond3A_54 : i32
    scf.if %cond3A_55 {
      %get3A_56 = arith.constant 0 : index
      %get3A_57 = arith.constant 0 : index
      %get3A_58 = vector.load %arg11[%get3A_56, %get3A_57] : memref<128x8xf32, #tpu.memory_space<vmem>>, vector<128x8xf32>
      %add3A_59 = arith.addf %get3A_58, %dot_general3A_49 : vector<128x8xf32>
      %swap3A_60 = arith.constant 0 : index
      %swap3A_61 = arith.constant 0 : index
      %swap3A_62 = vector.load %arg11[%swap3A_60, %swap3A_61] : memref<128x8xf32, #tpu.memory_space<vmem>>, vector<128x8xf32>
      tpu.vector_store %arg11[%swap3A_60, %swap3A_61], %add3A_59 {strides = array<i32>} : memref<128x8xf32, #tpu.memory_space<vmem>>, vector<128x8xf32>,
    } else {
    }
    return
  }
  func.func @transform_0(%arg0: i32) -> (i32, i32) {
    %c0_i32 = arith.constant 0 : i32
    %c0_i32_0 = arith.constant 0 : i32
    return %arg0, %c0_i32 : i32, i32
  }
  func.func @transform_1(%arg0: i32) -> (i32, i32) {
    %c0_i32 = arith.constant 0 : i32
    %c0_i32_0 = arith.constant 0 : i32
    return %arg0, %c0_i32 : i32, i32
  }
  func.func @transform_2(%arg0: i32) -> (i32, i32) {
    %add3A = arith.constant 40 : i32
    %add3A_0 = arith.addi %arg0, %add3A : i32
    %c0_i32 = arith.constant 0 : i32
    %c0_i32_1 = arith.constant 0 : i32
    return %add3A_0, %c0_i32 : i32, i32
  }
  func.func @transform_3(%arg0: i32) -> (i32, i32) {
    %c0_i32 = arith.constant 0 : i32
    %c0_i32_0 = arith.constant 0 : i32
    %c0_i32_1 = arith.constant 0 : i32
    return %c0_i32, %c0_i32_0 : i32, i32
  }
  func.func @transform_4(%arg0: i32) -> (i32, i32) {
    %c0_i32 = arith.constant 0 : i32
    %c0_i32_0 = arith.constant 0 : i32
    %c0_i32_1 = arith.constant 0 : i32
    return %c0_i32, %c0_i32_0 : i32, i32
  }
  func.func @transform_5(%arg0: i32) -> (i32, i32) {
    %c0_i32 = arith.constant 0 : i32
    %c0_i32_0 = arith.constant 0 : i32
    %c0_i32_1 = arith.constant 0 : i32
    return %c0_i32, %c0_i32_0 : i32, i32
  }
  func.func @transform_6(%arg0: i32) -> (i32, i32) {
    %c0_i32 = arith.constant 0 : i32
    %c0_i32_0 = arith.constant 0 : i32
    %c0_i32_1 = arith.constant 0 : i32
    return %c0_i32, %c0_i32_0 : i32, i32
  }
  func.func @transform_7(%arg0: i32) -> (i32, i32) {
    %c0_i32 = arith.constant 0 : i32
    %c0_i32_0 = arith.constant 0 : i32
    %c0_i32_1 = arith.constant 0 : i32
    return %c0_i32, %c0_i32_0 : i32, i32
  }
  func.func @transform_8(%arg0: i32) -> (i32, i32) {
    %c0_i32 = arith.constant 0 : i32
    %c0_i32_0 = arith.constant 0 : i32
    return %c0_i32, %arg0 : i32, i32
  }
  func.func @transform_9(%arg0: i32) -> (i32, i32) {
    %c0_i32 = arith.constant 0 : i32
    %c0_i32_0 = arith.constant 0 : i32
    return %arg0, %c0_i32 : i32, i32
  }
  func.func @transform_10(%arg0: i32) -> (i32, i32) {
    %c0_i32 = arith.constant 0 : i32
    %c0_i32_0 = arith.constant 0 : i32
    %c0_i32_1 = arith.constant 0 : i32
    return %c0_i32, %c0_i32_0 : i32, i32
  }
}

module attributes {stable_mosaic.version = 14 : i64} {
  func.func @_attn_body(%arg0: i32, %arg1: memref<128x128xf32, #tpu.memory_space<vmem>>, %arg2: memref<10240x128xf32, #tpu.memory_space<vmem>>, %arg3: memref<10240x128xf32, #tpu.memory_space<vmem>>, %arg4: memref<128x1xi32, #tpu.memory_space<vmem>>, %arg5: memref<40x256xi32, #tpu.memory_space<vmem>>, %arg6: memref<1x80xi32, #tpu.memory_space<smem>>, %arg7: memref<1x80xi32, #tpu.memory_space<smem>>, %arg8: memref<128x128xf32, #tpu.memory_space<vmem>>, %arg9: memref<1x128xf32, #tpu.memory_space<vmem>>, %arg10: memref<128x128xf32, #tpu.memory_space<vmem>>, %arg11: memref<128x128xf32, #tpu.memory_space<vmem>>, %arg12: memref<128x128xf32, #tpu.memory_space<vmem>>, %arg13: memref<128x8xf32, #tpu.memory_space<vmem>>) attributes {dimension_semantics = [#tpu.dimension_semantics<arbitrary>], iteration_bounds = array<i64: 80>, scalar_prefetch = 0 : i64, scratch_operands = 0 : i64, tpu.core_type = #tpu.core_type<tc>, window_params = [{transform_indices = @transform_0, window_bounds = array<i64: 128, 128>}, {pipeline_mode = #tpu.pipeline_mode<synchronous>, transform_indices = @transform_1, window_bounds = array<i64: 10240, 128>}, {pipeline_mode = #tpu.pipeline_mode<synchronous>, transform_indices = @transform_2, window_bounds = array<i64: 10240, 128>}, {transform_indices = @transform_3, window_bounds = array<i64: 128, 1>}, {pipeline_mode = #tpu.pipeline_mode<synchronous>, transform_indices = @transform_4, window_bounds = array<i64: 40, 256>}, {transform_indices = @transform_5, window_bounds = array<i64: 1, 80>}, {transform_indices = @transform_6, window_bounds = array<i64: 1, 80>}, {pipeline_mode = #tpu.pipeline_mode<synchronous>, transform_indices = @transform_7, window_bounds = array<i64: 128, 128>}, {pipeline_mode = #tpu.pipeline_mode<synchronous>, transform_indices = @transform_8, window_bounds = array<i64: 1, 128>}, {transform_indices = @transform_9, window_bounds = array<i64: 128, 128>}, {transform_indices = @transform_10, window_bounds = array<i64: 128, 128>}, {transform_indices = @transform_11, window_bounds = array<i64: 128, 128>}, {pipeline_mode = #tpu.pipeline_mode<synchronous>, transform_indices = @transform_12, window_bounds = array<i64: 128, 8>}]} {
    %get3A = arith.constant 0 : index
    %get3A_0 = arith.index_cast %arg0 : i32 to index
    %get3A_1 = memref.load %arg6[%get3A, %get3A_0] : memref<1x80xi32, #tpu.memory_space<smem>>
    %get3A_2 = arith.constant 0 : index
    %get3A_3 = arith.index_cast %arg0 : i32 to index
    %get3A_4 = memref.load %arg7[%get3A_2, %get3A_3] : memref<1x80xi32, #tpu.memory_space<smem>>
    %get3A_5 = arith.constant 0 : index
    %get3A_6 = arith.constant 0 : index
    %get3A_7 = vector.load %arg1[%get3A_5, %get3A_6] : memref<128x128xf32, #tpu.memory_space<vmem>>, vector<128x128xf32>
    %get3A_8 = arith.constant 0 : index
    %get3A_9 = arith.constant 0 : index
    %get3A_10 = vector.load %arg4[%get3A_8, %get3A_9] : memref<128x1xi32, #tpu.memory_space<vmem>>, vector<128x1xi32>
    %slice3A = vector.extract_strided_slice %get3A_7 {offsets = [0, 0], sizes = [128, 32], strides = [1, 1]} : vector<128x128xf32> to vector<128x32xf32>
    %mul3A = arith.constant 0.176776692 : f32
    %mul3A_11 = vector.broadcast %mul3A : f32 to vector<128x32xf32>
    %mul3A_12 = arith.mulf %slice3A, %mul3A_11 : vector<128x32xf32>
    %slice3A_13 = vector.extract_strided_slice %get3A_7 {offsets = [0, 32], sizes = [128, 32], strides = [1, 1]} : vector<128x128xf32> to vector<128x32xf32>
    %mul3A_14 = arith.constant 0.176776692 : f32
    %mul3A_15 = vector.broadcast %mul3A_14 : f32 to vector<128x32xf32>
    %mul3A_16 = arith.mulf %slice3A_13, %mul3A_15 : vector<128x32xf32>
    %slice3A_17 = vector.extract_strided_slice %get3A_7 {offsets = [0, 64], sizes = [128, 32], strides = [1, 1]} : vector<128x128xf32> to vector<128x32xf32>
    %mul3A_18 = arith.constant 0.176776692 : f32
    %mul3A_19 = vector.broadcast %mul3A_18 : f32 to vector<128x32xf32>
    %mul3A_20 = arith.mulf %slice3A_17, %mul3A_19 : vector<128x32xf32>
    %slice3A_21 = vector.extract_strided_slice %get3A_7 {offsets = [0, 96], sizes = [128, 32], strides = [1, 1]} : vector<128x128xf32> to vector<128x32xf32>
    %mul3A_22 = arith.constant 0.176776692 : f32
    %mul3A_23 = vector.broadcast %mul3A_22 : f32 to vector<128x32xf32>
    %mul3A_24 = arith.mulf %slice3A_21, %mul3A_23 : vector<128x32xf32>
    %broadcast_in_dim3A = arith.constant 1.000000e+00 : f32
    %broadcast_in_dim3A_25 = vector.broadcast %broadcast_in_dim3A : f32 to vector<256x1xf32>
    %broadcast_in_dim3A_26 = arith.constant -1.000000e+09 : f32
    %broadcast_in_dim3A_27 = vector.broadcast %broadcast_in_dim3A_26 : f32 to vector<128x1xf32>
    %broadcast_in_dim3A_28 = arith.constant 0.000000e+00 : f32
    %broadcast_in_dim3A_29 = vector.broadcast %broadcast_in_dim3A_28 : f32 to vector<128x4xf32>
    %broadcast_in_dim3A_30 = arith.constant 0.000000e+00 : f32
    %broadcast_in_dim3A_31 = vector.broadcast %broadcast_in_dim3A_30 : f32 to vector<128x128xf32>
    %while3A = arith.subi %get3A_4, %get3A_1 : i32
    %while3A_32 = arith.addi %get3A_1, %while3A : i32
    %while3A_33 = arith.constant 1 : i32
    %while3A_34 = arith.divsi %while3A, %while3A_33 : i32
    %while3A_35 = arith.muli %while3A_34, %while3A_33 : i32
    %while3A_36 = arith.addi %get3A_1, %while3A_35 : i32
    %while3A_37 = arith.constant 1 : i32
    %while3A_38:3 = scf.for %while3A_90 = %get3A_1 to %while3A_36 step %while3A_37 iter_args(%while3A_91 = %broadcast_in_dim3A_27, %while3A_92 = %broadcast_in_dim3A_29, %while3A_93 = %broadcast_in_dim3A_31) -> (vector<128x1xf32>, vector<128x4xf32>, vector<128x128xf32>)  : i32 {
      %mul3A_94 = arith.constant 256 : i32
      %mul3A_95 = arith.muli %while3A_90, %mul3A_94 : i32
      %get3A_96 = arith.index_cast %mul3A_95 : i32 to index
      %get3A_97 = arith.constant 0 : index
      %get3A_98 = vector.load %arg2[%get3A_96, %get3A_97] : memref<10240x128xf32, #tpu.memory_space<vmem>>, vector<256x128xf32>
      %mul3A_99 = arith.constant 256 : i32
      %mul3A_100 = arith.muli %while3A_90, %mul3A_99 : i32
      %get3A_101 = arith.index_cast %mul3A_100 : i32 to index
      %get3A_102 = arith.constant 0 : index
      %get3A_103 = vector.load %arg3[%get3A_101, %get3A_102] : memref<10240x128xf32, #tpu.memory_space<vmem>>, vector<256x128xf32>
      %get3A_104 = arith.index_cast %while3A_90 : i32 to index
      %get3A_105 = arith.constant 0 : index
      %get3A_106 = vector.load %arg5[%get3A_104, %get3A_105] : memref<40x256xi32, #tpu.memory_space<vmem>>, vector<1x256xi32>
      %eq3A_107 = vector.broadcast %get3A_10 : vector<128x1xi32> to vector<128x256xi32>
      %eq3A_108 = vector.broadcast %get3A_106 : vector<1x256xi32> to vector<128x256xi32>
      %eq3A_109 = arith.cmpi eq, %eq3A_107, %eq3A_108 : vector<128x256xi32>
      %convert_element_type3A_110 = arith.extui %eq3A_109 : vector<128x256xi1> to vector<128x256xi32>
      %convert_element_type3A_111 = arith.sitofp %convert_element_type3A_110 : vector<128x256xi32> to vector<128x256xf32>
      %slice3A_112 = vector.extract_strided_slice %get3A_98 {offsets = [0, 0], sizes = [256, 32], strides = [1, 1]} : vector<256x128xf32> to vector<256x32xf32>
      %dot_general3A_113 = arith.constant dense<0.000000e+00> : vector<128x256xf32>
      %dot_general3A_114 = tpu.matmul %mul3A_12, %slice3A_112, %dot_general3A_113 {dimension_numbers = #tpu.dot_dimension_numbers<[1], [1], [0], [0], [0, 0, 1, 0], [], []>, precision = #tpu.contract_precision<fp32>, transpose_lhs_hint = false} : vector<128x32xf32>, vector<256x32xf32>, vector<128x256xf32> -> vector<128x256xf32>
      %slice3A_115 = vector.extract_strided_slice %get3A_98 {offsets = [0, 32], sizes = [256, 32], strides = [1, 1]} : vector<256x128xf32> to vector<256x32xf32>
      %dot_general3A_116 = arith.constant dense<0.000000e+00> : vector<128x256xf32>
      %dot_general3A_117 = tpu.matmul %mul3A_16, %slice3A_115, %dot_general3A_116 {dimension_numbers = #tpu.dot_dimension_numbers<[1], [1], [0], [0], [0, 0, 1, 0], [], []>, precision = #tpu.contract_precision<fp32>, transpose_lhs_hint = false} : vector<128x32xf32>, vector<256x32xf32>, vector<128x256xf32> -> vector<128x256xf32>
      %slice3A_118 = vector.extract_strided_slice %get3A_98 {offsets = [0, 64], sizes = [256, 32], strides = [1, 1]} : vector<256x128xf32> to vector<256x32xf32>
      %dot_general3A_119 = arith.constant dense<0.000000e+00> : vector<128x256xf32>
      %dot_general3A_120 = tpu.matmul %mul3A_20, %slice3A_118, %dot_general3A_119 {dimension_numbers = #tpu.dot_dimension_numbers<[1], [1], [0], [0], [0, 0, 1, 0], [], []>, precision = #tpu.contract_precision<fp32>, transpose_lhs_hint = false} : vector<128x32xf32>, vector<256x32xf32>, vector<128x256xf32> -> vector<128x256xf32>
      %slice3A_121 = vector.extract_strided_slice %get3A_98 {offsets = [0, 96], sizes = [256, 32], strides = [1, 1]} : vector<256x128xf32> to vector<256x32xf32>
      %dot_general3A_122 = arith.constant dense<0.000000e+00> : vector<128x256xf32>
      %dot_general3A_123 = tpu.matmul %mul3A_24, %slice3A_121, %dot_general3A_122 {dimension_numbers = #tpu.dot_dimension_numbers<[1], [1], [0], [0], [0, 0, 1, 0], [], []>, precision = #tpu.contract_precision<fp32>, transpose_lhs_hint = false} : vector<128x32xf32>, vector<256x32xf32>, vector<128x256xf32> -> vector<128x256xf32>
      %max3A = arith.maximumf %dot_general3A_114, %dot_general3A_117 : vector<128x256xf32>
      %max3A_124 = arith.maximumf %dot_general3A_120, %dot_general3A_123 : vector<128x256xf32>
      %max3A_125 = arith.maximumf %max3A, %max3A_124 : vector<128x256xf32>
      %mul3A_126 = arith.mulf %max3A_125, %convert_element_type3A_111 : vector<128x256xf32>
      %sub3A = arith.constant 1.000000e+00 : f32
      %sub3A_127 = vector.broadcast %sub3A : f32 to vector<128x256xf32>
      %sub3A_128 = arith.subf %sub3A_127, %convert_element_type3A_111 : vector<128x256xf32>
      %mul3A_129 = arith.constant 1.000000e+09 : f32
      %mul3A_130 = vector.broadcast %mul3A_129 : f32 to vector<128x256xf32>
      %mul3A_131 = arith.mulf %mul3A_130, %sub3A_128 : vector<128x256xf32>
      %sub3A_132 = arith.subf %mul3A_126, %mul3A_131 : vector<128x256xf32>
      %reduce_max3A = arith.constant dense<0xFF800000> : vector<128xf32>
      %reduce_max3A_133 = vector.multi_reduction <maximumf>, %sub3A_132, %reduce_max3A [1] : vector<128x256xf32> to vector<128xf32>
      %broadcast_in_dim3A_134 = vector.shape_cast %reduce_max3A_133 : vector<128xf32> to vector<128x1xf32>
      %max3A_135 = arith.maximumf %while3A_91, %broadcast_in_dim3A_134 : vector<128x1xf32>
      %sub3A_136 = arith.subf %while3A_91, %max3A_135 : vector<128x1xf32>
      %exp3A = math.exp %sub3A_136 : vector<128x1xf32>
      %sub3A_137 = vector.broadcast %max3A_135 : vector<128x1xf32> to vector<128x256xf32>
      %sub3A_138 = arith.subf %dot_general3A_114, %sub3A_137 : vector<128x256xf32>
      %min3A = arith.constant 0.000000e+00 : f32
      %min3A_139 = vector.broadcast %min3A : f32 to vector<128x256xf32>
      %min3A_140 = arith.minimumf %sub3A_138, %min3A_139 : vector<128x256xf32>
      %exp3A_141 = math.exp %min3A_140 : vector<128x256xf32>
      %mul3A_142 = arith.mulf %exp3A_141, %convert_element_type3A_111 : vector<128x256xf32>
      %slice3A_143 = vector.extract_strided_slice %while3A_92 {offsets = [0, 0], sizes = [128, 1], strides = [1, 1]} : vector<128x4xf32> to vector<128x1xf32>
      %mul3A_144 = arith.mulf %slice3A_143, %exp3A : vector<128x1xf32>
      %dot_general3A_145 = arith.constant dense<0.000000e+00> : vector<128x1xf32>
      %dot_general3A_146 = tpu.matmul %mul3A_142, %broadcast_in_dim3A_25, %dot_general3A_145 {dimension_numbers = #tpu.dot_dimension_numbers<[1], [0], [0], [1], [0, 0, 1, 1], [], []>, precision = #tpu.contract_precision<fp32>, transpose_lhs_hint = false} : vector<128x256xf32>, vector<256x1xf32>, vector<128x1xf32> -> vector<128x1xf32>
      %add3A_147 = arith.addf %mul3A_144, %dot_general3A_146 : vector<128x1xf32>
      %slice3A_148 = vector.extract_strided_slice %while3A_93 {offsets = [0, 0], sizes = [128, 32], strides = [1, 1]} : vector<128x128xf32> to vector<128x32xf32>
      %mul3A_149 = vector.broadcast %exp3A : vector<128x1xf32> to vector<128x32xf32>
      %mul3A_150 = arith.mulf %slice3A_148, %mul3A_149 : vector<128x32xf32>
      %slice3A_151 = vector.extract_strided_slice %get3A_103 {offsets = [0, 0], sizes = [256, 32], strides = [1, 1]} : vector<256x128xf32> to vector<256x32xf32>
      %dot_general3A_152 = arith.constant dense<0.000000e+00> : vector<128x32xf32>
      %dot_general3A_153 = tpu.matmul %mul3A_142, %slice3A_151, %dot_general3A_152 {dimension_numbers = #tpu.dot_dimension_numbers<[1], [0], [0], [1], [0, 0, 1, 1], [], []>, precision = #tpu.contract_precision<fp32>, transpose_lhs_hint = false} : vector<128x256xf32>, vector<256x32xf32>, vector<128x32xf32> -> vector<128x32xf32>
      %add3A_154 = arith.addf %mul3A_150, %dot_general3A_153 : vector<128x32xf32>
      %sub3A_155 = vector.broadcast %max3A_135 : vector<128x1xf32> to vector<128x256xf32>
      %sub3A_156 = arith.subf %dot_general3A_117, %sub3A_155 : vector<128x256xf32>
      %min3A_157 = arith.constant 0.000000e+00 : f32
      %min3A_158 = vector.broadcast %min3A_157 : f32 to vector<128x256xf32>
      %min3A_159 = arith.minimumf %sub3A_156, %min3A_158 : vector<128x256xf32>
      %exp3A_160 = math.exp %min3A_159 : vector<128x256xf32>
      %mul3A_161 = arith.mulf %exp3A_160, %convert_element_type3A_111 : vector<128x256xf32>
      %slice3A_162 = vector.extract_strided_slice %while3A_92 {offsets = [0, 1], sizes = [128, 1], strides = [1, 1]} : vector<128x4xf32> to vector<128x1xf32>
      %mul3A_163 = arith.mulf %slice3A_162, %exp3A : vector<128x1xf32>
      %dot_general3A_164 = arith.constant dense<0.000000e+00> : vector<128x1xf32>
      %dot_general3A_165 = tpu.matmul %mul3A_161, %broadcast_in_dim3A_25, %dot_general3A_164 {dimension_numbers = #tpu.dot_dimension_numbers<[1], [0], [0], [1], [0, 0, 1, 1], [], []>, precision = #tpu.contract_precision<fp32>, transpose_lhs_hint = false} : vector<128x256xf32>, vector<256x1xf32>, vector<128x1xf32> -> vector<128x1xf32>
      %add3A_166 = arith.addf %mul3A_163, %dot_general3A_165 : vector<128x1xf32>
      %slice3A_167 = vector.extract_strided_slice %while3A_93 {offsets = [0, 32], sizes = [128, 32], strides = [1, 1]} : vector<128x128xf32> to vector<128x32xf32>
      %mul3A_168 = vector.broadcast %exp3A : vector<128x1xf32> to vector<128x32xf32>
      %mul3A_169 = arith.mulf %slice3A_167, %mul3A_168 : vector<128x32xf32>
      %slice3A_170 = vector.extract_strided_slice %get3A_103 {offsets = [0, 32], sizes = [256, 32], strides = [1, 1]} : vector<256x128xf32> to vector<256x32xf32>
      %dot_general3A_171 = arith.constant dense<0.000000e+00> : vector<128x32xf32>
      %dot_general3A_172 = tpu.matmul %mul3A_161, %slice3A_170, %dot_general3A_171 {dimension_numbers = #tpu.dot_dimension_numbers<[1], [0], [0], [1], [0, 0, 1, 1], [], []>, precision = #tpu.contract_precision<fp32>, transpose_lhs_hint = false} : vector<128x256xf32>, vector<256x32xf32>, vector<128x32xf32> -> vector<128x32xf32>
      %add3A_173 = arith.addf %mul3A_169, %dot_general3A_172 : vector<128x32xf32>
      %sub3A_174 = vector.broadcast %max3A_135 : vector<128x1xf32> to vector<128x256xf32>
      %sub3A_175 = arith.subf %dot_general3A_120, %sub3A_174 : vector<128x256xf32>
      %min3A_176 = arith.constant 0.000000e+00 : f32
      %min3A_177 = vector.broadcast %min3A_176 : f32 to vector<128x256xf32>
      %min3A_178 = arith.minimumf %sub3A_175, %min3A_177 : vector<128x256xf32>
      %exp3A_179 = math.exp %min3A_178 : vector<128x256xf32>
      %mul3A_180 = arith.mulf %exp3A_179, %convert_element_type3A_111 : vector<128x256xf32>
      %slice3A_181 = vector.extract_strided_slice %while3A_92 {offsets = [0, 2], sizes = [128, 1], strides = [1, 1]} : vector<128x4xf32> to vector<128x1xf32>
      %mul3A_182 = arith.mulf %slice3A_181, %exp3A : vector<128x1xf32>
      %dot_general3A_183 = arith.constant dense<0.000000e+00> : vector<128x1xf32>
      %dot_general3A_184 = tpu.matmul %mul3A_180, %broadcast_in_dim3A_25, %dot_general3A_183 {dimension_numbers = #tpu.dot_dimension_numbers<[1], [0], [0], [1], [0, 0, 1, 1], [], []>, precision = #tpu.contract_precision<fp32>, transpose_lhs_hint = false} : vector<128x256xf32>, vector<256x1xf32>, vector<128x1xf32> -> vector<128x1xf32>
      %add3A_185 = arith.addf %mul3A_182, %dot_general3A_184 : vector<128x1xf32>
      %slice3A_186 = vector.extract_strided_slice %while3A_93 {offsets = [0, 64], sizes = [128, 32], strides = [1, 1]} : vector<128x128xf32> to vector<128x32xf32>
      %mul3A_187 = vector.broadcast %exp3A : vector<128x1xf32> to vector<128x32xf32>
      %mul3A_188 = arith.mulf %slice3A_186, %mul3A_187 : vector<128x32xf32>
      %slice3A_189 = vector.extract_strided_slice %get3A_103 {offsets = [0, 64], sizes = [256, 32], strides = [1, 1]} : vector<256x128xf32> to vector<256x32xf32>
      %dot_general3A_190 = arith.constant dense<0.000000e+00> : vector<128x32xf32>
      %dot_general3A_191 = tpu.matmul %mul3A_180, %slice3A_189, %dot_general3A_190 {dimension_numbers = #tpu.dot_dimension_numbers<[1], [0], [0], [1], [0, 0, 1, 1], [], []>, precision = #tpu.contract_precision<fp32>, transpose_lhs_hint = false} : vector<128x256xf32>, vector<256x32xf32>, vector<128x32xf32> -> vector<128x32xf32>
      %add3A_192 = arith.addf %mul3A_188, %dot_general3A_191 : vector<128x32xf32>
      %sub3A_193 = vector.broadcast %max3A_135 : vector<128x1xf32> to vector<128x256xf32>
      %sub3A_194 = arith.subf %dot_general3A_123, %sub3A_193 : vector<128x256xf32>
      %min3A_195 = arith.constant 0.000000e+00 : f32
      %min3A_196 = vector.broadcast %min3A_195 : f32 to vector<128x256xf32>
      %min3A_197 = arith.minimumf %sub3A_194, %min3A_196 : vector<128x256xf32>
      %exp3A_198 = math.exp %min3A_197 : vector<128x256xf32>
      %mul3A_199 = arith.mulf %exp3A_198, %convert_element_type3A_111 : vector<128x256xf32>
      %slice3A_200 = vector.extract_strided_slice %while3A_92 {offsets = [0, 3], sizes = [128, 1], strides = [1, 1]} : vector<128x4xf32> to vector<128x1xf32>
      %mul3A_201 = arith.mulf %slice3A_200, %exp3A : vector<128x1xf32>
      %dot_general3A_202 = arith.constant dense<0.000000e+00> : vector<128x1xf32>
      %dot_general3A_203 = tpu.matmul %mul3A_199, %broadcast_in_dim3A_25, %dot_general3A_202 {dimension_numbers = #tpu.dot_dimension_numbers<[1], [0], [0], [1], [0, 0, 1, 1], [], []>, precision = #tpu.contract_precision<fp32>, transpose_lhs_hint = false} : vector<128x256xf32>, vector<256x1xf32>, vector<128x1xf32> -> vector<128x1xf32>
      %add3A_204 = arith.addf %mul3A_201, %dot_general3A_203 : vector<128x1xf32>
      %slice3A_205 = vector.extract_strided_slice %while3A_93 {offsets = [0, 96], sizes = [128, 32], strides = [1, 1]} : vector<128x128xf32> to vector<128x32xf32>
      %mul3A_206 = vector.broadcast %exp3A : vector<128x1xf32> to vector<128x32xf32>
      %mul3A_207 = arith.mulf %slice3A_205, %mul3A_206 : vector<128x32xf32>
      %slice3A_208 = vector.extract_strided_slice %get3A_103 {offsets = [0, 96], sizes = [256, 32], strides = [1, 1]} : vector<256x128xf32> to vector<256x32xf32>
      %dot_general3A_209 = arith.constant dense<0.000000e+00> : vector<128x32xf32>
      %dot_general3A_210 = tpu.matmul %mul3A_199, %slice3A_208, %dot_general3A_209 {dimension_numbers = #tpu.dot_dimension_numbers<[1], [0], [0], [1], [0, 0, 1, 1], [], []>, precision = #tpu.contract_precision<fp32>, transpose_lhs_hint = false} : vector<128x256xf32>, vector<256x32xf32>, vector<128x32xf32> -> vector<128x32xf32>
      %add3A_211 = arith.addf %mul3A_207, %dot_general3A_210 : vector<128x32xf32>
      %concatenate3A_212 = tpu.concatenate %add3A_147, %add3A_166, %add3A_185, %add3A_204 in 1 : vector<128x1xf32>, vector<128x1xf32>, vector<128x1xf32>, vector<128x1xf32> -> vector<128x4xf32>
      %concatenate3A_213 = tpu.concatenate %add3A_154, %add3A_173, %add3A_192, %add3A_211 in 1 : vector<128x32xf32>, vector<128x32xf32>, vector<128x32xf32>, vector<128x32xf32> -> vector<128x128xf32>
      scf.yield %max3A_135, %concatenate3A_212, %concatenate3A_213 : vector<128x1xf32>, vector<128x4xf32>, vector<128x128xf32>
    }
    %while3A_39 = arith.constant 1 : i32
    %while3A_40:3 = scf.for %while3A_90 = %while3A_36 to %while3A_32 step %while3A_39 iter_args(%while3A_91 = %while3A_38#0, %while3A_92 = %while3A_38#1, %while3A_93 = %while3A_38#2) -> (vector<128x1xf32>, vector<128x4xf32>, vector<128x128xf32>)  : i32 {
      %mul3A_94 = arith.constant 256 : i32
      %mul3A_95 = arith.muli %while3A_90, %mul3A_94 : i32
      %get3A_96 = arith.index_cast %mul3A_95 : i32 to index
      %get3A_97 = arith.constant 0 : index
      %get3A_98 = vector.load %arg2[%get3A_96, %get3A_97] : memref<10240x128xf32, #tpu.memory_space<vmem>>, vector<256x128xf32>
      %mul3A_99 = arith.constant 256 : i32
      %mul3A_100 = arith.muli %while3A_90, %mul3A_99 : i32
      %get3A_101 = arith.index_cast %mul3A_100 : i32 to index
      %get3A_102 = arith.constant 0 : index
      %get3A_103 = vector.load %arg3[%get3A_101, %get3A_102] : memref<10240x128xf32, #tpu.memory_space<vmem>>, vector<256x128xf32>
      %get3A_104 = arith.index_cast %while3A_90 : i32 to index
      %get3A_105 = arith.constant 0 : index
      %get3A_106 = vector.load %arg5[%get3A_104, %get3A_105] : memref<40x256xi32, #tpu.memory_space<vmem>>, vector<1x256xi32>
      %eq3A_107 = vector.broadcast %get3A_10 : vector<128x1xi32> to vector<128x256xi32>
      %eq3A_108 = vector.broadcast %get3A_106 : vector<1x256xi32> to vector<128x256xi32>
      %eq3A_109 = arith.cmpi eq, %eq3A_107, %eq3A_108 : vector<128x256xi32>
      %convert_element_type3A_110 = arith.extui %eq3A_109 : vector<128x256xi1> to vector<128x256xi32>
      %convert_element_type3A_111 = arith.sitofp %convert_element_type3A_110 : vector<128x256xi32> to vector<128x256xf32>
      %slice3A_112 = vector.extract_strided_slice %get3A_98 {offsets = [0, 0], sizes = [256, 32], strides = [1, 1]} : vector<256x128xf32> to vector<256x32xf32>
      %dot_general3A_113 = arith.constant dense<0.000000e+00> : vector<128x256xf32>
      %dot_general3A_114 = tpu.matmul %mul3A_12, %slice3A_112, %dot_general3A_113 {dimension_numbers = #tpu.dot_dimension_numbers<[1], [1], [0], [0], [0, 0, 1, 0], [], []>, precision = #tpu.contract_precision<fp32>, transpose_lhs_hint = false} : vector<128x32xf32>, vector<256x32xf32>, vector<128x256xf32> -> vector<128x256xf32>
      %slice3A_115 = vector.extract_strided_slice %get3A_98 {offsets = [0, 32], sizes = [256, 32], strides = [1, 1]} : vector<256x128xf32> to vector<256x32xf32>
      %dot_general3A_116 = arith.constant dense<0.000000e+00> : vector<128x256xf32>
      %dot_general3A_117 = tpu.matmul %mul3A_16, %slice3A_115, %dot_general3A_116 {dimension_numbers = #tpu.dot_dimension_numbers<[1], [1], [0], [0], [0, 0, 1, 0], [], []>, precision = #tpu.contract_precision<fp32>, transpose_lhs_hint = false} : vector<128x32xf32>, vector<256x32xf32>, vector<128x256xf32> -> vector<128x256xf32>
      %slice3A_118 = vector.extract_strided_slice %get3A_98 {offsets = [0, 64], sizes = [256, 32], strides = [1, 1]} : vector<256x128xf32> to vector<256x32xf32>
      %dot_general3A_119 = arith.constant dense<0.000000e+00> : vector<128x256xf32>
      %dot_general3A_120 = tpu.matmul %mul3A_20, %slice3A_118, %dot_general3A_119 {dimension_numbers = #tpu.dot_dimension_numbers<[1], [1], [0], [0], [0, 0, 1, 0], [], []>, precision = #tpu.contract_precision<fp32>, transpose_lhs_hint = false} : vector<128x32xf32>, vector<256x32xf32>, vector<128x256xf32> -> vector<128x256xf32>
      %slice3A_121 = vector.extract_strided_slice %get3A_98 {offsets = [0, 96], sizes = [256, 32], strides = [1, 1]} : vector<256x128xf32> to vector<256x32xf32>
      %dot_general3A_122 = arith.constant dense<0.000000e+00> : vector<128x256xf32>
      %dot_general3A_123 = tpu.matmul %mul3A_24, %slice3A_121, %dot_general3A_122 {dimension_numbers = #tpu.dot_dimension_numbers<[1], [1], [0], [0], [0, 0, 1, 0], [], []>, precision = #tpu.contract_precision<fp32>, transpose_lhs_hint = false} : vector<128x32xf32>, vector<256x32xf32>, vector<128x256xf32> -> vector<128x256xf32>
      %max3A = arith.maximumf %dot_general3A_114, %dot_general3A_117 : vector<128x256xf32>
      %max3A_124 = arith.maximumf %dot_general3A_120, %dot_general3A_123 : vector<128x256xf32>
      %max3A_125 = arith.maximumf %max3A, %max3A_124 : vector<128x256xf32>
      %mul3A_126 = arith.mulf %max3A_125, %convert_element_type3A_111 : vector<128x256xf32>
      %sub3A = arith.constant 1.000000e+00 : f32
      %sub3A_127 = vector.broadcast %sub3A : f32 to vector<128x256xf32>
      %sub3A_128 = arith.subf %sub3A_127, %convert_element_type3A_111 : vector<128x256xf32>
      %mul3A_129 = arith.constant 1.000000e+09 : f32
      %mul3A_130 = vector.broadcast %mul3A_129 : f32 to vector<128x256xf32>
      %mul3A_131 = arith.mulf %mul3A_130, %sub3A_128 : vector<128x256xf32>
      %sub3A_132 = arith.subf %mul3A_126, %mul3A_131 : vector<128x256xf32>
      %reduce_max3A = arith.constant dense<0xFF800000> : vector<128xf32>
      %reduce_max3A_133 = vector.multi_reduction <maximumf>, %sub3A_132, %reduce_max3A [1] : vector<128x256xf32> to vector<128xf32>
      %broadcast_in_dim3A_134 = vector.shape_cast %reduce_max3A_133 : vector<128xf32> to vector<128x1xf32>
      %max3A_135 = arith.maximumf %while3A_91, %broadcast_in_dim3A_134 : vector<128x1xf32>
      %sub3A_136 = arith.subf %while3A_91, %max3A_135 : vector<128x1xf32>
      %exp3A = math.exp %sub3A_136 : vector<128x1xf32>
      %sub3A_137 = vector.broadcast %max3A_135 : vector<128x1xf32> to vector<128x256xf32>
      %sub3A_138 = arith.subf %dot_general3A_114, %sub3A_137 : vector<128x256xf32>
      %min3A = arith.constant 0.000000e+00 : f32
      %min3A_139 = vector.broadcast %min3A : f32 to vector<128x256xf32>
      %min3A_140 = arith.minimumf %sub3A_138, %min3A_139 : vector<128x256xf32>
      %exp3A_141 = math.exp %min3A_140 : vector<128x256xf32>
      %mul3A_142 = arith.mulf %exp3A_141, %convert_element_type3A_111 : vector<128x256xf32>
      %slice3A_143 = vector.extract_strided_slice %while3A_92 {offsets = [0, 0], sizes = [128, 1], strides = [1, 1]} : vector<128x4xf32> to vector<128x1xf32>
      %mul3A_144 = arith.mulf %slice3A_143, %exp3A : vector<128x1xf32>
      %dot_general3A_145 = arith.constant dense<0.000000e+00> : vector<128x1xf32>
      %dot_general3A_146 = tpu.matmul %mul3A_142, %broadcast_in_dim3A_25, %dot_general3A_145 {dimension_numbers = #tpu.dot_dimension_numbers<[1], [0], [0], [1], [0, 0, 1, 1], [], []>, precision = #tpu.contract_precision<fp32>, transpose_lhs_hint = false} : vector<128x256xf32>, vector<256x1xf32>, vector<128x1xf32> -> vector<128x1xf32>
      %add3A_147 = arith.addf %mul3A_144, %dot_general3A_146 : vector<128x1xf32>
      %slice3A_148 = vector.extract_strided_slice %while3A_93 {offsets = [0, 0], sizes = [128, 32], strides = [1, 1]} : vector<128x128xf32> to vector<128x32xf32>
      %mul3A_149 = vector.broadcast %exp3A : vector<128x1xf32> to vector<128x32xf32>
      %mul3A_150 = arith.mulf %slice3A_148, %mul3A_149 : vector<128x32xf32>
      %slice3A_151 = vector.extract_strided_slice %get3A_103 {offsets = [0, 0], sizes = [256, 32], strides = [1, 1]} : vector<256x128xf32> to vector<256x32xf32>
      %dot_general3A_152 = arith.constant dense<0.000000e+00> : vector<128x32xf32>
      %dot_general3A_153 = tpu.matmul %mul3A_142, %slice3A_151, %dot_general3A_152 {dimension_numbers = #tpu.dot_dimension_numbers<[1], [0], [0], [1], [0, 0, 1, 1], [], []>, precision = #tpu.contract_precision<fp32>, transpose_lhs_hint = false} : vector<128x256xf32>, vector<256x32xf32>, vector<128x32xf32> -> vector<128x32xf32>
      %add3A_154 = arith.addf %mul3A_150, %dot_general3A_153 : vector<128x32xf32>
      %sub3A_155 = vector.broadcast %max3A_135 : vector<128x1xf32> to vector<128x256xf32>
      %sub3A_156 = arith.subf %dot_general3A_117, %sub3A_155 : vector<128x256xf32>
      %min3A_157 = arith.constant 0.000000e+00 : f32
      %min3A_158 = vector.broadcast %min3A_157 : f32 to vector<128x256xf32>
      %min3A_159 = arith.minimumf %sub3A_156, %min3A_158 : vector<128x256xf32>
      %exp3A_160 = math.exp %min3A_159 : vector<128x256xf32>
      %mul3A_161 = arith.mulf %exp3A_160, %convert_element_type3A_111 : vector<128x256xf32>
      %slice3A_162 = vector.extract_strided_slice %while3A_92 {offsets = [0, 1], sizes = [128, 1], strides = [1, 1]} : vector<128x4xf32> to vector<128x1xf32>
      %mul3A_163 = arith.mulf %slice3A_162, %exp3A : vector<128x1xf32>
      %dot_general3A_164 = arith.constant dense<0.000000e+00> : vector<128x1xf32>
      %dot_general3A_165 = tpu.matmul %mul3A_161, %broadcast_in_dim3A_25, %dot_general3A_164 {dimension_numbers = #tpu.dot_dimension_numbers<[1], [0], [0], [1], [0, 0, 1, 1], [], []>, precision = #tpu.contract_precision<fp32>, transpose_lhs_hint = false} : vector<128x256xf32>, vector<256x1xf32>, vector<128x1xf32> -> vector<128x1xf32>
      %add3A_166 = arith.addf %mul3A_163, %dot_general3A_165 : vector<128x1xf32>
      %slice3A_167 = vector.extract_strided_slice %while3A_93 {offsets = [0, 32], sizes = [128, 32], strides = [1, 1]} : vector<128x128xf32> to vector<128x32xf32>
      %mul3A_168 = vector.broadcast %exp3A : vector<128x1xf32> to vector<128x32xf32>
      %mul3A_169 = arith.mulf %slice3A_167, %mul3A_168 : vector<128x32xf32>
      %slice3A_170 = vector.extract_strided_slice %get3A_103 {offsets = [0, 32], sizes = [256, 32], strides = [1, 1]} : vector<256x128xf32> to vector<256x32xf32>
      %dot_general3A_171 = arith.constant dense<0.000000e+00> : vector<128x32xf32>
      %dot_general3A_172 = tpu.matmul %mul3A_161, %slice3A_170, %dot_general3A_171 {dimension_numbers = #tpu.dot_dimension_numbers<[1], [0], [0], [1], [0, 0, 1, 1], [], []>, precision = #tpu.contract_precision<fp32>, transpose_lhs_hint = false} : vector<128x256xf32>, vector<256x32xf32>, vector<128x32xf32> -> vector<128x32xf32>
      %add3A_173 = arith.addf %mul3A_169, %dot_general3A_172 : vector<128x32xf32>
      %sub3A_174 = vector.broadcast %max3A_135 : vector<128x1xf32> to vector<128x256xf32>
      %sub3A_175 = arith.subf %dot_general3A_120, %sub3A_174 : vector<128x256xf32>
      %min3A_176 = arith.constant 0.000000e+00 : f32
      %min3A_177 = vector.broadcast %min3A_176 : f32 to vector<128x256xf32>
      %min3A_178 = arith.minimumf %sub3A_175, %min3A_177 : vector<128x256xf32>
      %exp3A_179 = math.exp %min3A_178 : vector<128x256xf32>
      %mul3A_180 = arith.mulf %exp3A_179, %convert_element_type3A_111 : vector<128x256xf32>
      %slice3A_181 = vector.extract_strided_slice %while3A_92 {offsets = [0, 2], sizes = [128, 1], strides = [1, 1]} : vector<128x4xf32> to vector<128x1xf32>
      %mul3A_182 = arith.mulf %slice3A_181, %exp3A : vector<128x1xf32>
      %dot_general3A_183 = arith.constant dense<0.000000e+00> : vector<128x1xf32>
      %dot_general3A_184 = tpu.matmul %mul3A_180, %broadcast_in_dim3A_25, %dot_general3A_183 {dimension_numbers = #tpu.dot_dimension_numbers<[1], [0], [0], [1], [0, 0, 1, 1], [], []>, precision = #tpu.contract_precision<fp32>, transpose_lhs_hint = false} : vector<128x256xf32>, vector<256x1xf32>, vector<128x1xf32> -> vector<128x1xf32>
      %add3A_185 = arith.addf %mul3A_182, %dot_general3A_184 : vector<128x1xf32>
      %slice3A_186 = vector.extract_strided_slice %while3A_93 {offsets = [0, 64], sizes = [128, 32], strides = [1, 1]} : vector<128x128xf32> to vector<128x32xf32>
      %mul3A_187 = vector.broadcast %exp3A : vector<128x1xf32> to vector<128x32xf32>
      %mul3A_188 = arith.mulf %slice3A_186, %mul3A_187 : vector<128x32xf32>
      %slice3A_189 = vector.extract_strided_slice %get3A_103 {offsets = [0, 64], sizes = [256, 32], strides = [1, 1]} : vector<256x128xf32> to vector<256x32xf32>
      %dot_general3A_190 = arith.constant dense<0.000000e+00> : vector<128x32xf32>
      %dot_general3A_191 = tpu.matmul %mul3A_180, %slice3A_189, %dot_general3A_190 {dimension_numbers = #tpu.dot_dimension_numbers<[1], [0], [0], [1], [0, 0, 1, 1], [], []>, precision = #tpu.contract_precision<fp32>, transpose_lhs_hint = false} : vector<128x256xf32>, vector<256x32xf32>, vector<128x32xf32> -> vector<128x32xf32>
      %add3A_192 = arith.addf %mul3A_188, %dot_general3A_191 : vector<128x32xf32>
      %sub3A_193 = vector.broadcast %max3A_135 : vector<128x1xf32> to vector<128x256xf32>
      %sub3A_194 = arith.subf %dot_general3A_123, %sub3A_193 : vector<128x256xf32>
      %min3A_195 = arith.constant 0.000000e+00 : f32
      %min3A_196 = vector.broadcast %min3A_195 : f32 to vector<128x256xf32>
      %min3A_197 = arith.minimumf %sub3A_194, %min3A_196 : vector<128x256xf32>
      %exp3A_198 = math.exp %min3A_197 : vector<128x256xf32>
      %mul3A_199 = arith.mulf %exp3A_198, %convert_element_type3A_111 : vector<128x256xf32>
      %slice3A_200 = vector.extract_strided_slice %while3A_92 {offsets = [0, 3], sizes = [128, 1], strides = [1, 1]} : vector<128x4xf32> to vector<128x1xf32>
      %mul3A_201 = arith.mulf %slice3A_200, %exp3A : vector<128x1xf32>
      %dot_general3A_202 = arith.constant dense<0.000000e+00> : vector<128x1xf32>
      %dot_general3A_203 = tpu.matmul %mul3A_199, %broadcast_in_dim3A_25, %dot_general3A_202 {dimension_numbers = #tpu.dot_dimension_numbers<[1], [0], [0], [1], [0, 0, 1, 1], [], []>, precision = #tpu.contract_precision<fp32>, transpose_lhs_hint = false} : vector<128x256xf32>, vector<256x1xf32>, vector<128x1xf32> -> vector<128x1xf32>
      %add3A_204 = arith.addf %mul3A_201, %dot_general3A_203 : vector<128x1xf32>
      %slice3A_205 = vector.extract_strided_slice %while3A_93 {offsets = [0, 96], sizes = [128, 32], strides = [1, 1]} : vector<128x128xf32> to vector<128x32xf32>
      %mul3A_206 = vector.broadcast %exp3A : vector<128x1xf32> to vector<128x32xf32>
      %mul3A_207 = arith.mulf %slice3A_205, %mul3A_206 : vector<128x32xf32>
      %slice3A_208 = vector.extract_strided_slice %get3A_103 {offsets = [0, 96], sizes = [256, 32], strides = [1, 1]} : vector<256x128xf32> to vector<256x32xf32>
      %dot_general3A_209 = arith.constant dense<0.000000e+00> : vector<128x32xf32>
      %dot_general3A_210 = tpu.matmul %mul3A_199, %slice3A_208, %dot_general3A_209 {dimension_numbers = #tpu.dot_dimension_numbers<[1], [0], [0], [1], [0, 0, 1, 1], [], []>, precision = #tpu.contract_precision<fp32>, transpose_lhs_hint = false} : vector<128x256xf32>, vector<256x32xf32>, vector<128x32xf32> -> vector<128x32xf32>
      %add3A_211 = arith.addf %mul3A_207, %dot_general3A_210 : vector<128x32xf32>
      %concatenate3A_212 = tpu.concatenate %add3A_147, %add3A_166, %add3A_185, %add3A_204 in 1 : vector<128x1xf32>, vector<128x1xf32>, vector<128x1xf32>, vector<128x1xf32> -> vector<128x4xf32>
      %concatenate3A_213 = tpu.concatenate %add3A_154, %add3A_173, %add3A_192, %add3A_211 in 1 : vector<128x32xf32>, vector<128x32xf32>, vector<128x32xf32>, vector<128x32xf32> -> vector<128x128xf32>
      scf.yield %max3A_135, %concatenate3A_212, %concatenate3A_213 : vector<128x1xf32>, vector<128x4xf32>, vector<128x128xf32>
    }
    %slice3A_41 = vector.extract_strided_slice %while3A_40#2 {offsets = [0, 0], sizes = [128, 32], strides = [1, 1]} : vector<128x128xf32> to vector<128x32xf32>
    %slice3A_42 = vector.extract_strided_slice %while3A_40#1 {offsets = [0, 0], sizes = [128, 1], strides = [1, 1]} : vector<128x4xf32> to vector<128x1xf32>
    %div3A = vector.broadcast %slice3A_42 : vector<128x1xf32> to vector<128x32xf32>
    %div3A_43 = arith.divf %slice3A_41, %div3A : vector<128x32xf32>
    %slice3A_44 = vector.extract_strided_slice %while3A_40#2 {offsets = [0, 32], sizes = [128, 32], strides = [1, 1]} : vector<128x128xf32> to vector<128x32xf32>
    %slice3A_45 = vector.extract_strided_slice %while3A_40#1 {offsets = [0, 1], sizes = [128, 1], strides = [1, 1]} : vector<128x4xf32> to vector<128x1xf32>
    %div3A_46 = vector.broadcast %slice3A_45 : vector<128x1xf32> to vector<128x32xf32>
    %div3A_47 = arith.divf %slice3A_44, %div3A_46 : vector<128x32xf32>
    %slice3A_48 = vector.extract_strided_slice %while3A_40#2 {offsets = [0, 64], sizes = [128, 32], strides = [1, 1]} : vector<128x128xf32> to vector<128x32xf32>
    %slice3A_49 = vector.extract_strided_slice %while3A_40#1 {offsets = [0, 2], sizes = [128, 1], strides = [1, 1]} : vector<128x4xf32> to vector<128x1xf32>
    %div3A_50 = vector.broadcast %slice3A_49 : vector<128x1xf32> to vector<128x32xf32>
    %div3A_51 = arith.divf %slice3A_48, %div3A_50 : vector<128x32xf32>
    %slice3A_52 = vector.extract_strided_slice %while3A_40#2 {offsets = [0, 96], sizes = [128, 32], strides = [1, 1]} : vector<128x128xf32> to vector<128x32xf32>
    %slice3A_53 = vector.extract_strided_slice %while3A_40#1 {offsets = [0, 3], sizes = [128, 1], strides = [1, 1]} : vector<128x4xf32> to vector<128x1xf32>
    %div3A_54 = vector.broadcast %slice3A_53 : vector<128x1xf32> to vector<128x32xf32>
    %div3A_55 = arith.divf %slice3A_52, %div3A_54 : vector<128x32xf32>
    %concatenate3A = tpu.concatenate %div3A_43, %div3A_47, %div3A_51, %div3A_55 in 1 : vector<128x32xf32>, vector<128x32xf32>, vector<128x32xf32>, vector<128x32xf32> -> vector<128x128xf32>
    %get3A_56 = arith.constant 0 : index
    %get3A_57 = arith.constant 0 : index
    %get3A_58 = vector.load %arg8[%get3A_56, %get3A_57] : memref<128x128xf32, #tpu.memory_space<vmem>>, vector<128x128xf32>
    %dot_general3A = arith.constant dense<0.000000e+00> : vector<128x128xf32>
    %dot_general3A_59 = tpu.matmul %concatenate3A, %get3A_58, %dot_general3A {dimension_numbers = #tpu.dot_dimension_numbers<[1], [0], [0], [1], [0, 0, 1, 1], [], []>, precision = #tpu.contract_precision<fp32>, transpose_lhs_hint = false} : vector<128x128xf32>, vector<128x128xf32>, vector<128x128xf32> -> vector<128x128xf32>
    %get3A_60 = arith.constant 0 : index
    %get3A_61 = arith.constant 0 : index
    %get3A_62 = vector.load %arg9[%get3A_60, %get3A_61] : memref<1x128xf32, #tpu.memory_space<vmem>>, vector<1x128xf32>
    %add3A = vector.broadcast %get3A_62 : vector<1x128xf32> to vector<128x128xf32>
    %add3A_63 = arith.addf %dot_general3A_59, %add3A : vector<128x128xf32>
    %get3A_64 = arith.constant 0 : index
    %get3A_65 = arith.constant 0 : index
    %get3A_66 = vector.load %arg10[%get3A_64, %get3A_65] : memref<128x128xf32, #tpu.memory_space<vmem>>, vector<128x128xf32>
    %add3A_67 = arith.addf %add3A_63, %get3A_66 : vector<128x128xf32>
    %swap3A = arith.constant 0 : index
    %swap3A_68 = arith.constant 0 : index
    %swap3A_69 = vector.load %arg12[%swap3A, %swap3A_68] : memref<128x128xf32, #tpu.memory_space<vmem>>, vector<128x128xf32>
    tpu.vector_store %arg12[%swap3A, %swap3A_68], %add3A_67 {strides = array<i32>} : memref<128x128xf32, #tpu.memory_space<vmem>>, vector<128x128xf32>,
    %get3A_70 = arith.constant 0 : index
    %get3A_71 = arith.constant 0 : index
    %get3A_72 = vector.load %arg11[%get3A_70, %get3A_71] : memref<128x128xf32, #tpu.memory_space<vmem>>, vector<128x128xf32>
    %reduce_sum3A = arith.constant dense<0.000000e+00> : vector<128xf32>
    %reduce_sum3A_73 = vector.multi_reduction <add>, %add3A_67, %reduce_sum3A [1] : vector<128x128xf32> to vector<128xf32>
    %broadcast_in_dim3A_74 = vector.shape_cast %reduce_sum3A_73 : vector<128xf32> to vector<128x1xf32>
    %mul3A_75 = arith.mulf %add3A_67, %add3A_67 : vector<128x128xf32>
    %reduce_sum3A_76 = arith.constant dense<0.000000e+00> : vector<128xf32>
    %reduce_sum3A_77 = vector.multi_reduction <add>, %mul3A_75, %reduce_sum3A_76 [1] : vector<128x128xf32> to vector<128xf32>
    %broadcast_in_dim3A_78 = vector.shape_cast %reduce_sum3A_77 : vector<128xf32> to vector<128x1xf32>
    %broadcast_in_dim3A_79 = arith.constant 0.000000e+00 : f32
    %broadcast_in_dim3A_80 = vector.broadcast %broadcast_in_dim3A_79 : f32 to vector<128x6xf32>
    %concatenate3A_81 = tpu.concatenate %broadcast_in_dim3A_74, %broadcast_in_dim3A_78, %broadcast_in_dim3A_80 in 1 : vector<128x1xf32>, vector<128x1xf32>, vector<128x6xf32> -> vector<128x8xf32>
    %dot_general3A_82 = arith.constant dense<0.000000e+00> : vector<128x8xf32>
    %dot_general3A_83 = tpu.matmul %get3A_72, %concatenate3A_81, %dot_general3A_82 {dimension_numbers = #tpu.dot_dimension_numbers<[1], [0], [0], [1], [0, 0, 1, 1], [], []>, precision = #tpu.contract_precision<fp32>, transpose_lhs_hint = false} : vector<128x128xf32>, vector<128x8xf32>, vector<128x8xf32> -> vector<128x8xf32>
    %eq3A = arith.constant 0 : i32
    %eq3A_84 = arith.cmpi eq, %arg0, %eq3A : i32
    %convert_element_type3A = arith.extui %eq3A_84 : i1 to i32
    %cond3A = arith.constant 0 : i32
    %cond3A_85 = arith.cmpi ne, %convert_element_type3A, %cond3A : i32
    scf.if %cond3A_85 {
      %swap3A_90 = arith.constant 0 : index
      %swap3A_91 = arith.constant 0 : index
      %swap3A_92 = vector.load %arg13[%swap3A_90, %swap3A_91] : memref<128x8xf32, #tpu.memory_space<vmem>>, vector<128x8xf32>
      tpu.vector_store %arg13[%swap3A_90, %swap3A_91], %dot_general3A_83 {strides = array<i32>} : memref<128x8xf32, #tpu.memory_space<vmem>>, vector<128x8xf32>,
    } else {
    }
    %gt3A = arith.constant 0 : i32
    %gt3A_86 = arith.cmpi sgt, %arg0, %gt3A : i32
    %convert_element_type3A_87 = arith.extui %gt3A_86 : i1 to i32
    %cond3A_88 = arith.constant 0 : i32
    %cond3A_89 = arith.cmpi ne, %convert_element_type3A_87, %cond3A_88 : i32
    scf.if %cond3A_89 {
      %get3A_90 = arith.constant 0 : index
      %get3A_91 = arith.constant 0 : index
      %get3A_92 = vector.load %arg13[%get3A_90, %get3A_91] : memref<128x8xf32, #tpu.memory_space<vmem>>, vector<128x8xf32>
      %add3A_93 = arith.addf %get3A_92, %dot_general3A_83 : vector<128x8xf32>
      %swap3A_94 = arith.constant 0 : index
      %swap3A_95 = arith.constant 0 : index
      %swap3A_96 = vector.load %arg13[%swap3A_94, %swap3A_95] : memref<128x8xf32, #tpu.memory_space<vmem>>, vector<128x8xf32>
      tpu.vector_store %arg13[%swap3A_94, %swap3A_95], %add3A_93 {strides = array<i32>} : memref<128x8xf32, #tpu.memory_space<vmem>>, vector<128x8xf32>,
    } else {
    }
    return
  }
  func.func @transform_0(%arg0: i32) -> (i32, i32) {
    %c0_i32 = arith.constant 0 : i32
    %c0_i32_0 = arith.constant 0 : i32
    return %arg0, %c0_i32 : i32, i32
  }
  func.func @transform_1(%arg0: i32) -> (i32, i32) {
    %c0_i32 = arith.constant 0 : i32
    %c0_i32_0 = arith.constant 0 : i32
    %c0_i32_1 = arith.constant 0 : i32
    return %c0_i32, %c0_i32_0 : i32, i32
  }
  func.func @transform_2(%arg0: i32) -> (i32, i32) {
    %c0_i32 = arith.constant 0 : i32
    %c0_i32_0 = arith.constant 0 : i32
    %c0_i32_1 = arith.constant 0 : i32
    return %c0_i32, %c0_i32_0 : i32, i32
  }
  func.func @transform_3(%arg0: i32) -> (i32, i32) {
    %c0_i32 = arith.constant 0 : i32
    %c0_i32_0 = arith.constant 0 : i32
    return %arg0, %c0_i32 : i32, i32
  }
  func.func @transform_4(%arg0: i32) -> (i32, i32) {
    %c0_i32 = arith.constant 0 : i32
    %c0_i32_0 = arith.constant 0 : i32
    %c0_i32_1 = arith.constant 0 : i32
    return %c0_i32, %c0_i32_0 : i32, i32
  }
  func.func @transform_5(%arg0: i32) -> (i32, i32) {
    %c0_i32 = arith.constant 0 : i32
    %c0_i32_0 = arith.constant 0 : i32
    %c0_i32_1 = arith.constant 0 : i32
    return %c0_i32, %c0_i32_0 : i32, i32
  }
  func.func @transform_6(%arg0: i32) -> (i32, i32) {
    %c0_i32 = arith.constant 0 : i32
    %c0_i32_0 = arith.constant 0 : i32
    %c0_i32_1 = arith.constant 0 : i32
    return %c0_i32, %c0_i32_0 : i32, i32
  }
  func.func @transform_7(%arg0: i32) -> (i32, i32) {
    %c0_i32 = arith.constant 0 : i32
    %c0_i32_0 = arith.constant 0 : i32
    %c0_i32_1 = arith.constant 0 : i32
    return %c0_i32, %c0_i32_0 : i32, i32
  }
  func.func @transform_8(%arg0: i32) -> (i32, i32) {
    %c0_i32 = arith.constant 0 : i32
    %c0_i32_0 = arith.constant 0 : i32
    %c0_i32_1 = arith.constant 0 : i32
    return %c0_i32, %c0_i32_0 : i32, i32
  }
  func.func @transform_9(%arg0: i32) -> (i32, i32) {
    %c0_i32 = arith.constant 0 : i32
    %c0_i32_0 = arith.constant 0 : i32
    return %arg0, %c0_i32 : i32, i32
  }
  func.func @transform_10(%arg0: i32) -> (i32, i32) {
    %c0_i32 = arith.constant 0 : i32
    %c0_i32_0 = arith.constant 0 : i32
    return %c0_i32, %arg0 : i32, i32
  }
  func.func @transform_11(%arg0: i32) -> (i32, i32) {
    %c0_i32 = arith.constant 0 : i32
    %c0_i32_0 = arith.constant 0 : i32
    return %arg0, %c0_i32 : i32, i32
  }
  func.func @transform_12(%arg0: i32) -> (i32, i32) {
    %c0_i32 = arith.constant 0 : i32
    %c0_i32_0 = arith.constant 0 : i32
    %c0_i32_1 = arith.constant 0 : i32
    return %c0_i32, %c0_i32_0 : i32, i32
  }
}

module attributes {stable_mosaic.version = 14 : i64} {
  func.func @_mid_body(%arg0: i32, %arg1: memref<256x128xf32, #tpu.memory_space<vmem>>, %arg2: memref<256x128xf32, #tpu.memory_space<vmem>>, %arg3: memref<128x8xf32, #tpu.memory_space<vmem>>, %arg4: memref<128x8xf32, #tpu.memory_space<vmem>>, %arg5: memref<128x1xf32, #tpu.memory_space<vmem>>, %arg6: memref<256x128xf32, #tpu.memory_space<vmem>>, %arg7: memref<1x128xf32, #tpu.memory_space<vmem>>, %arg8: memref<1x128xf32, #tpu.memory_space<vmem>>, %arg9: memref<1x128xf32, #tpu.memory_space<vmem>>, %arg10: memref<1x128xf32, #tpu.memory_space<vmem>>, %arg11: memref<128x256xf32, #tpu.memory_space<vmem>>, %arg12: memref<1x256xf32, #tpu.memory_space<vmem>>, %arg13: memref<256x128xf32, #tpu.memory_space<vmem>>, %arg14: memref<1x128xf32, #tpu.memory_space<vmem>>, %arg15: memref<128x256xf32, #tpu.memory_space<vmem>>, %arg16: memref<256x128xf32, #tpu.memory_space<vmem>>, %arg17: memref<128x8xf32, #tpu.memory_space<vmem>>) attributes {dimension_semantics = [#tpu.dimension_semantics<arbitrary>], iteration_bounds = array<i64: 40>, scalar_prefetch = 0 : i64, scratch_operands = 0 : i64, tpu.core_type = #tpu.core_type<tc>, window_params = [{transform_indices = @transform_0, window_bounds = array<i64: 256, 128>}, {transform_indices = @transform_1, window_bounds = array<i64: 256, 128>}, {pipeline_mode = #tpu.pipeline_mode<synchronous>, transform_indices = @transform_2, window_bounds = array<i64: 128, 8>}, {pipeline_mode = #tpu.pipeline_mode<synchronous>, transform_indices = @transform_3, window_bounds = array<i64: 128, 8>}, {pipeline_mode = #tpu.pipeline_mode<synchronous>, transform_indices = @transform_4, window_bounds = array<i64: 128, 1>}, {transform_indices = @transform_5, window_bounds = array<i64: 256, 128>}, {pipeline_mode = #tpu.pipeline_mode<synchronous>, transform_indices = @transform_6, window_bounds = array<i64: 1, 128>}, {pipeline_mode = #tpu.pipeline_mode<synchronous>, transform_indices = @transform_7, window_bounds = array<i64: 1, 128>}, {pipeline_mode = #tpu.pipeline_mode<synchronous>, transform_indices = @transform_8, window_bounds = array<i64: 1, 128>}, {pipeline_mode = #tpu.pipeline_mode<synchronous>, transform_indices = @transform_9, window_bounds = array<i64: 1, 128>}, {pipeline_mode = #tpu.pipeline_mode<synchronous>, transform_indices = @transform_10, window_bounds = array<i64: 128, 256>}, {pipeline_mode = #tpu.pipeline_mode<synchronous>, transform_indices = @transform_11, window_bounds = array<i64: 1, 256>}, {pipeline_mode = #tpu.pipeline_mode<synchronous>, transform_indices = @transform_12, window_bounds = array<i64: 256, 128>}, {pipeline_mode = #tpu.pipeline_mode<synchronous>, transform_indices = @transform_13, window_bounds = array<i64: 1, 128>}, {transform_indices = @transform_14, window_bounds = array<i64: 128, 256>}, {transform_indices = @transform_15, window_bounds = array<i64: 256, 128>}, {pipeline_mode = #tpu.pipeline_mode<synchronous>, transform_indices = @transform_16, window_bounds = array<i64: 128, 8>}]} {
    %get3A = arith.constant 0 : index
    %get3A_0 = arith.constant 0 : index
    %get3A_1 = vector.load %arg5[%get3A, %get3A_0] : memref<128x1xf32, #tpu.memory_space<vmem>>, vector<128x1xf32>
    %get3A_2 = arith.constant 0 : index
    %get3A_3 = arith.constant 0 : index
    %get3A_4 = vector.load %arg3[%get3A_2, %get3A_3] : memref<128x8xf32, #tpu.memory_space<vmem>>, vector<128x8xf32>
    %slice3A = vector.extract_strided_slice %get3A_4 {offsets = [0, 0], sizes = [128, 1], strides = [1, 1]} : vector<128x8xf32> to vector<128x1xf32>
    %div3A = arith.divf %slice3A, %get3A_1 : vector<128x1xf32>
    %slice3A_5 = vector.extract_strided_slice %get3A_4 {offsets = [0, 1], sizes = [128, 1], strides = [1, 1]} : vector<128x8xf32> to vector<128x1xf32>
    %div3A_6 = arith.divf %slice3A_5, %get3A_1 : vector<128x1xf32>
    %mul3A = arith.mulf %div3A, %div3A : vector<128x1xf32>
    %sub3A = arith.subf %div3A_6, %mul3A : vector<128x1xf32>
    %add3A = arith.constant 9.99999974E-6 : f32
    %add3A_7 = vector.broadcast %add3A : f32 to vector<128x1xf32>
    %add3A_8 = arith.addf %sub3A, %add3A_7 : vector<128x1xf32>
    %rsqrt3A = math.rsqrt %add3A_8 : vector<128x1xf32>
    %get3A_9 = arith.constant 0 : index
    %get3A_10 = arith.constant 0 : index
    %get3A_11 = vector.load %arg4[%get3A_9, %get3A_10] : memref<128x8xf32, #tpu.memory_space<vmem>>, vector<128x8xf32>
    %slice3A_12 = vector.extract_strided_slice %get3A_11 {offsets = [0, 0], sizes = [128, 1], strides = [1, 1]} : vector<128x8xf32> to vector<128x1xf32>
    %div3A_13 = arith.divf %slice3A_12, %get3A_1 : vector<128x1xf32>
    %slice3A_14 = vector.extract_strided_slice %get3A_11 {offsets = [0, 1], sizes = [128, 1], strides = [1, 1]} : vector<128x8xf32> to vector<128x1xf32>
    %div3A_15 = arith.divf %slice3A_14, %get3A_1 : vector<128x1xf32>
    %mul3A_16 = arith.mulf %div3A_13, %div3A_13 : vector<128x1xf32>
    %sub3A_17 = arith.subf %div3A_15, %mul3A_16 : vector<128x1xf32>
    %add3A_18 = arith.constant 9.99999974E-6 : f32
    %add3A_19 = vector.broadcast %add3A_18 : f32 to vector<128x1xf32>
    %add3A_20 = arith.addf %sub3A_17, %add3A_19 : vector<128x1xf32>
    %rsqrt3A_21 = math.rsqrt %add3A_20 : vector<128x1xf32>
    %broadcast_in_dim3A = arith.constant 0.000000e+00 : f32
    %broadcast_in_dim3A_22 = vector.broadcast %broadcast_in_dim3A : f32 to vector<128x4xf32>
    %concatenate3A = tpu.concatenate %div3A, %rsqrt3A, %div3A_13, %rsqrt3A_21, %broadcast_in_dim3A_22 in 1 : vector<128x1xf32>, vector<128x1xf32>, vector<128x1xf32>, vector<128x1xf32>, vector<128x4xf32> -> vector<128x8xf32>
    %get3A_23 = arith.constant 0 : index
    %get3A_24 = arith.constant 0 : index
    %get3A_25 = vector.load %arg6[%get3A_23, %get3A_24] : memref<256x128xf32, #tpu.memory_space<vmem>>, vector<256x128xf32>
    %dot_general3A = arith.constant dense<0.000000e+00> : vector<256x8xf32>
    %dot_general3A_26 = tpu.matmul %get3A_25, %concatenate3A, %dot_general3A {dimension_numbers = #tpu.dot_dimension_numbers<[1], [0], [0], [1], [0, 0, 1, 1], [], []>, precision = #tpu.contract_precision<fp32>, transpose_lhs_hint = false} : vector<256x128xf32>, vector<128x8xf32>, vector<256x8xf32> -> vector<256x8xf32>
    %get3A_27 = arith.constant 0 : index
    %get3A_28 = arith.constant 0 : index
    %get3A_29 = vector.load %arg1[%get3A_27, %get3A_28] : memref<256x128xf32, #tpu.memory_space<vmem>>, vector<256x128xf32>
    %slice3A_30 = vector.extract_strided_slice %dot_general3A_26 {offsets = [0, 0], sizes = [256, 1], strides = [1, 1]} : vector<256x8xf32> to vector<256x1xf32>
    %sub3A_31 = vector.broadcast %slice3A_30 : vector<256x1xf32> to vector<256x128xf32>
    %sub3A_32 = arith.subf %get3A_29, %sub3A_31 : vector<256x128xf32>
    %slice3A_33 = vector.extract_strided_slice %dot_general3A_26 {offsets = [0, 1], sizes = [256, 1], strides = [1, 1]} : vector<256x8xf32> to vector<256x1xf32>
    %mul3A_34 = vector.broadcast %slice3A_33 : vector<256x1xf32> to vector<256x128xf32>
    %mul3A_35 = arith.mulf %sub3A_32, %mul3A_34 : vector<256x128xf32>
    %get3A_36 = arith.constant 0 : index
    %get3A_37 = arith.constant 0 : index
    %get3A_38 = vector.load %arg7[%get3A_36, %get3A_37] : memref<1x128xf32, #tpu.memory_space<vmem>>, vector<1x128xf32>
    %mul3A_39 = vector.broadcast %get3A_38 : vector<1x128xf32> to vector<256x128xf32>
    %mul3A_40 = arith.mulf %mul3A_35, %mul3A_39 : vector<256x128xf32>
    %get3A_41 = arith.constant 0 : index
    %get3A_42 = arith.constant 0 : index
    %get3A_43 = vector.load %arg8[%get3A_41, %get3A_42] : memref<1x128xf32, #tpu.memory_space<vmem>>, vector<1x128xf32>
    %add3A_44 = vector.broadcast %get3A_43 : vector<1x128xf32> to vector<256x128xf32>
    %add3A_45 = arith.addf %mul3A_40, %add3A_44 : vector<256x128xf32>
    %get3A_46 = arith.constant 0 : index
    %get3A_47 = arith.constant 0 : index
    %get3A_48 = vector.load %arg2[%get3A_46, %get3A_47] : memref<256x128xf32, #tpu.memory_space<vmem>>, vector<256x128xf32>
    %slice3A_49 = vector.extract_strided_slice %dot_general3A_26 {offsets = [0, 2], sizes = [256, 1], strides = [1, 1]} : vector<256x8xf32> to vector<256x1xf32>
    %sub3A_50 = vector.broadcast %slice3A_49 : vector<256x1xf32> to vector<256x128xf32>
    %sub3A_51 = arith.subf %get3A_48, %sub3A_50 : vector<256x128xf32>
    %slice3A_52 = vector.extract_strided_slice %dot_general3A_26 {offsets = [0, 3], sizes = [256, 1], strides = [1, 1]} : vector<256x8xf32> to vector<256x1xf32>
    %mul3A_53 = vector.broadcast %slice3A_52 : vector<256x1xf32> to vector<256x128xf32>
    %mul3A_54 = arith.mulf %sub3A_51, %mul3A_53 : vector<256x128xf32>
    %get3A_55 = arith.constant 0 : index
    %get3A_56 = arith.constant 0 : index
    %get3A_57 = vector.load %arg9[%get3A_55, %get3A_56] : memref<1x128xf32, #tpu.memory_space<vmem>>, vector<1x128xf32>
    %mul3A_58 = vector.broadcast %get3A_57 : vector<1x128xf32> to vector<256x128xf32>
    %mul3A_59 = arith.mulf %mul3A_54, %mul3A_58 : vector<256x128xf32>
    %get3A_60 = arith.constant 0 : index
    %get3A_61 = arith.constant 0 : index
    %get3A_62 = vector.load %arg10[%get3A_60, %get3A_61] : memref<1x128xf32, #tpu.memory_space<vmem>>, vector<1x128xf32>
    %add3A_63 = vector.broadcast %get3A_62 : vector<1x128xf32> to vector<256x128xf32>
    %add3A_64 = arith.addf %mul3A_59, %add3A_63 : vector<256x128xf32>
    %add3A_65 = arith.addf %add3A_45, %add3A_64 : vector<256x128xf32>
    %get3A_66 = arith.constant 0 : index
    %get3A_67 = arith.constant 0 : index
    %get3A_68 = vector.load %arg11[%get3A_66, %get3A_67] : memref<128x256xf32, #tpu.memory_space<vmem>>, vector<128x256xf32>
    %dot_general3A_69 = arith.constant dense<0.000000e+00> : vector<256x256xf32>
    %dot_general3A_70 = tpu.matmul %add3A_65, %get3A_68, %dot_general3A_69 {dimension_numbers = #tpu.dot_dimension_numbers<[1], [0], [0], [1], [0, 0, 1, 1], [], []>, precision = #tpu.contract_precision<fp32>, transpose_lhs_hint = false} : vector<256x128xf32>, vector<128x256xf32>, vector<256x256xf32> -> vector<256x256xf32>
    %get3A_71 = arith.constant 0 : index
    %get3A_72 = arith.constant 0 : index
    %get3A_73 = vector.load %arg12[%get3A_71, %get3A_72] : memref<1x256xf32, #tpu.memory_space<vmem>>, vector<1x256xf32>
    %add3A_74 = vector.broadcast %get3A_73 : vector<1x256xf32> to vector<256x256xf32>
    %add3A_75 = arith.addf %dot_general3A_70, %add3A_74 : vector<256x256xf32>
    %mul3A_76 = arith.constant 5.000000e-01 : f32
    %mul3A_77 = vector.broadcast %mul3A_76 : f32 to vector<256x256xf32>
    %mul3A_78 = arith.mulf %mul3A_77, %add3A_75 : vector<256x256xf32>
    %mul3A_79 = arith.constant 0.707106769 : f32
    %mul3A_80 = vector.broadcast %mul3A_79 : f32 to vector<256x256xf32>
    %mul3A_81 = arith.mulf %add3A_75, %mul3A_80 : vector<256x256xf32>
    %erf3A = math.erf %mul3A_81 : vector<256x256xf32>
    %add3A_82 = arith.constant 1.000000e+00 : f32
    %add3A_83 = vector.broadcast %add3A_82 : f32 to vector<256x256xf32>
    %add3A_84 = arith.addf %add3A_83, %erf3A : vector<256x256xf32>
    %mul3A_85 = arith.mulf %mul3A_78, %add3A_84 : vector<256x256xf32>
    %get3A_86 = arith.constant 0 : index
    %get3A_87 = arith.constant 0 : index
    %get3A_88 = vector.load %arg13[%get3A_86, %get3A_87] : memref<256x128xf32, #tpu.memory_space<vmem>>, vector<256x128xf32>
    %dot_general3A_89 = arith.constant dense<0.000000e+00> : vector<256x128xf32>
    %dot_general3A_90 = tpu.matmul %mul3A_85, %get3A_88, %dot_general3A_89 {dimension_numbers = #tpu.dot_dimension_numbers<[1], [0], [0], [1], [0, 0, 1, 1], [], []>, precision = #tpu.contract_precision<fp32>, transpose_lhs_hint = false} : vector<256x256xf32>, vector<256x128xf32>, vector<256x128xf32> -> vector<256x128xf32>
    %get3A_91 = arith.constant 0 : index
    %get3A_92 = arith.constant 0 : index
    %get3A_93 = vector.load %arg14[%get3A_91, %get3A_92] : memref<1x128xf32, #tpu.memory_space<vmem>>, vector<1x128xf32>
    %add3A_94 = vector.broadcast %get3A_93 : vector<1x128xf32> to vector<256x128xf32>
    %add3A_95 = arith.addf %dot_general3A_90, %add3A_94 : vector<256x128xf32>
    %add3A_96 = arith.addf %add3A_95, %add3A_65 : vector<256x128xf32>
    %swap3A = arith.constant 0 : index
    %swap3A_97 = arith.constant 0 : index
    %swap3A_98 = vector.load %arg16[%swap3A, %swap3A_97] : memref<256x128xf32, #tpu.memory_space<vmem>>, vector<256x128xf32>
    tpu.vector_store %arg16[%swap3A, %swap3A_97], %add3A_96 {strides = array<i32>} : memref<256x128xf32, #tpu.memory_space<vmem>>, vector<256x128xf32>,
    %get3A_99 = arith.constant 0 : index
    %get3A_100 = arith.constant 0 : index
    %get3A_101 = vector.load %arg15[%get3A_99, %get3A_100] : memref<128x256xf32, #tpu.memory_space<vmem>>, vector<128x256xf32>
    %reduce_sum3A = arith.constant dense<0.000000e+00> : vector<256xf32>
    %reduce_sum3A_102 = vector.multi_reduction <add>, %add3A_96, %reduce_sum3A [1] : vector<256x128xf32> to vector<256xf32>
    %broadcast_in_dim3A_103 = vector.shape_cast %reduce_sum3A_102 : vector<256xf32> to vector<256x1xf32>
    %mul3A_104 = arith.mulf %add3A_96, %add3A_96 : vector<256x128xf32>
    %reduce_sum3A_105 = arith.constant dense<0.000000e+00> : vector<256xf32>
    %reduce_sum3A_106 = vector.multi_reduction <add>, %mul3A_104, %reduce_sum3A_105 [1] : vector<256x128xf32> to vector<256xf32>
    %broadcast_in_dim3A_107 = vector.shape_cast %reduce_sum3A_106 : vector<256xf32> to vector<256x1xf32>
    %broadcast_in_dim3A_108 = arith.constant 0.000000e+00 : f32
    %broadcast_in_dim3A_109 = vector.broadcast %broadcast_in_dim3A_108 : f32 to vector<256x6xf32>
    %concatenate3A_110 = tpu.concatenate %broadcast_in_dim3A_103, %broadcast_in_dim3A_107, %broadcast_in_dim3A_109 in 1 : vector<256x1xf32>, vector<256x1xf32>, vector<256x6xf32> -> vector<256x8xf32>
    %dot_general3A_111 = arith.constant dense<0.000000e+00> : vector<128x8xf32>
    %dot_general3A_112 = tpu.matmul %get3A_101, %concatenate3A_110, %dot_general3A_111 {dimension_numbers = #tpu.dot_dimension_numbers<[1], [0], [0], [1], [0, 0, 1, 1], [], []>, precision = #tpu.contract_precision<fp32>, transpose_lhs_hint = false} : vector<128x256xf32>, vector<256x8xf32>, vector<128x8xf32> -> vector<128x8xf32>
    %eq3A = arith.constant 0 : i32
    %eq3A_113 = arith.cmpi eq, %arg0, %eq3A : i32
    %convert_element_type3A = arith.extui %eq3A_113 : i1 to i32
    %cond3A = arith.constant 0 : i32
    %cond3A_114 = arith.cmpi ne, %convert_element_type3A, %cond3A : i32
    scf.if %cond3A_114 {
      %swap3A_119 = arith.constant 0 : index
      %swap3A_120 = arith.constant 0 : index
      %swap3A_121 = vector.load %arg17[%swap3A_119, %swap3A_120] : memref<128x8xf32, #tpu.memory_space<vmem>>, vector<128x8xf32>
      tpu.vector_store %arg17[%swap3A_119, %swap3A_120], %dot_general3A_112 {strides = array<i32>} : memref<128x8xf32, #tpu.memory_space<vmem>>, vector<128x8xf32>,
    } else {
    }
    %gt3A = arith.constant 0 : i32
    %gt3A_115 = arith.cmpi sgt, %arg0, %gt3A : i32
    %convert_element_type3A_116 = arith.extui %gt3A_115 : i1 to i32
    %cond3A_117 = arith.constant 0 : i32
    %cond3A_118 = arith.cmpi ne, %convert_element_type3A_116, %cond3A_117 : i32
    scf.if %cond3A_118 {
      %get3A_119 = arith.constant 0 : index
      %get3A_120 = arith.constant 0 : index
      %get3A_121 = vector.load %arg17[%get3A_119, %get3A_120] : memref<128x8xf32, #tpu.memory_space<vmem>>, vector<128x8xf32>
      %add3A_122 = arith.addf %get3A_121, %dot_general3A_112 : vector<128x8xf32>
      %swap3A_123 = arith.constant 0 : index
      %swap3A_124 = arith.constant 0 : index
      %swap3A_125 = vector.load %arg17[%swap3A_123, %swap3A_124] : memref<128x8xf32, #tpu.memory_space<vmem>>, vector<128x8xf32>
      tpu.vector_store %arg17[%swap3A_123, %swap3A_124], %add3A_122 {strides = array<i32>} : memref<128x8xf32, #tpu.memory_space<vmem>>, vector<128x8xf32>,
    } else {
    }
    return
  }
  func.func @transform_0(%arg0: i32) -> (i32, i32) {
    %c0_i32 = arith.constant 0 : i32
    %c0_i32_0 = arith.constant 0 : i32
    return %arg0, %c0_i32 : i32, i32
  }
  func.func @transform_1(%arg0: i32) -> (i32, i32) {
    %c0_i32 = arith.constant 0 : i32
    %c0_i32_0 = arith.constant 0 : i32
    return %arg0, %c0_i32 : i32, i32
  }
  func.func @transform_2(%arg0: i32) -> (i32, i32) {
    %c0_i32 = arith.constant 0 : i32
    %c0_i32_0 = arith.constant 0 : i32
    %c0_i32_1 = arith.constant 0 : i32
    return %c0_i32, %c0_i32_0 : i32, i32
  }
  func.func @transform_3(%arg0: i32) -> (i32, i32) {
    %c0_i32 = arith.constant 0 : i32
    %c0_i32_0 = arith.constant 0 : i32
    %c0_i32_1 = arith.constant 0 : i32
    return %c0_i32, %c0_i32_0 : i32, i32
  }
  func.func @transform_4(%arg0: i32) -> (i32, i32) {
    %c0_i32 = arith.constant 0 : i32
    %c0_i32_0 = arith.constant 0 : i32
    %c0_i32_1 = arith.constant 0 : i32
    return %c0_i32, %c0_i32_0 : i32, i32
  }
  func.func @transform_5(%arg0: i32) -> (i32, i32) {
    %c0_i32 = arith.constant 0 : i32
    %c0_i32_0 = arith.constant 0 : i32
    return %arg0, %c0_i32 : i32, i32
  }
  func.func @transform_6(%arg0: i32) -> (i32, i32) {
    %c0_i32 = arith.constant 0 : i32
    %c0_i32_0 = arith.constant 0 : i32
    %c0_i32_1 = arith.constant 0 : i32
    return %c0_i32, %c0_i32_0 : i32, i32
  }
  func.func @transform_7(%arg0: i32) -> (i32, i32) {
    %c0_i32 = arith.constant 0 : i32
    %c0_i32_0 = arith.constant 0 : i32
    %c0_i32_1 = arith.constant 0 : i32
    return %c0_i32, %c0_i32_0 : i32, i32
  }
  func.func @transform_8(%arg0: i32) -> (i32, i32) {
    %c0_i32 = arith.constant 0 : i32
    %c0_i32_0 = arith.constant 0 : i32
    %c0_i32_1 = arith.constant 0 : i32
    return %c0_i32, %c0_i32_0 : i32, i32
  }
  func.func @transform_9(%arg0: i32) -> (i32, i32) {
    %c0_i32 = arith.constant 0 : i32
    %c0_i32_0 = arith.constant 0 : i32
    %c0_i32_1 = arith.constant 0 : i32
    return %c0_i32, %c0_i32_0 : i32, i32
  }
  func.func @transform_10(%arg0: i32) -> (i32, i32) {
    %c0_i32 = arith.constant 0 : i32
    %c0_i32_0 = arith.constant 0 : i32
    %c0_i32_1 = arith.constant 0 : i32
    return %c0_i32, %c0_i32_0 : i32, i32
  }
  func.func @transform_11(%arg0: i32) -> (i32, i32) {
    %c0_i32 = arith.constant 0 : i32
    %c0_i32_0 = arith.constant 0 : i32
    %c0_i32_1 = arith.constant 0 : i32
    return %c0_i32, %c0_i32_0 : i32, i32
  }
  func.func @transform_12(%arg0: i32) -> (i32, i32) {
    %c0_i32 = arith.constant 0 : i32
    %c0_i32_0 = arith.constant 0 : i32
    %c0_i32_1 = arith.constant 0 : i32
    return %c0_i32, %c0_i32_0 : i32, i32
  }
  func.func @transform_13(%arg0: i32) -> (i32, i32) {
    %c0_i32 = arith.constant 0 : i32
    %c0_i32_0 = arith.constant 0 : i32
    %c0_i32_1 = arith.constant 0 : i32
    return %c0_i32, %c0_i32_0 : i32, i32
  }
  func.func @transform_14(%arg0: i32) -> (i32, i32) {
    %c0_i32 = arith.constant 0 : i32
    %c0_i32_0 = arith.constant 0 : i32
    return %c0_i32, %arg0 : i32, i32
  }
  func.func @transform_15(%arg0: i32) -> (i32, i32) {
    %c0_i32 = arith.constant 0 : i32
    %c0_i32_0 = arith.constant 0 : i32
    return %arg0, %c0_i32 : i32, i32
  }
  func.func @transform_16(%arg0: i32) -> (i32, i32) {
    %c0_i32 = arith.constant 0 : i32
    %c0_i32_0 = arith.constant 0 : i32
    %c0_i32_1 = arith.constant 0 : i32
    return %c0_i32, %c0_i32_0 : i32, i32
  }
}

module attributes {stable_mosaic.version = 14 : i64} {
  func.func @_finqkv_body(%arg0: i32, %arg1: memref<256x128xf32, #tpu.memory_space<vmem>>, %arg2: memref<256x128xf32, #tpu.memory_space<vmem>>, %arg3: memref<128x8xf32, #tpu.memory_space<vmem>>, %arg4: memref<128x1xf32, #tpu.memory_space<vmem>>, %arg5: memref<256x128xf32, #tpu.memory_space<vmem>>, %arg6: memref<1x128xf32, #tpu.memory_space<vmem>>, %arg7: memref<1x128xf32, #tpu.memory_space<vmem>>, %arg8: memref<128x128xf32, #tpu.memory_space<vmem>>, %arg9: memref<1x128xf32, #tpu.memory_space<vmem>>, %arg10: memref<128x128xf32, #tpu.memory_space<vmem>>, %arg11: memref<1x128xf32, #tpu.memory_space<vmem>>, %arg12: memref<128x128xf32, #tpu.memory_space<vmem>>, %arg13: memref<1x128xf32, #tpu.memory_space<vmem>>, %arg14: memref<256x128xf32, #tpu.memory_space<vmem>>, %arg15: memref<256x128xf32, #tpu.memory_space<vmem>>, %arg16: memref<256x128xf32, #tpu.memory_space<vmem>>, %arg17: memref<256x128xf32, #tpu.memory_space<vmem>>) attributes {dimension_semantics = [#tpu.dimension_semantics<arbitrary>], iteration_bounds = array<i64: 40>, scalar_prefetch = 0 : i64, scratch_operands = 0 : i64, tpu.core_type = #tpu.core_type<tc>, window_params = [{transform_indices = @transform_0, window_bounds = array<i64: 256, 128>}, {transform_indices = @transform_1, window_bounds = array<i64: 256, 128>}, {pipeline_mode = #tpu.pipeline_mode<synchronous>, transform_indices = @transform_2, window_bounds = array<i64: 128, 8>}, {pipeline_mode = #tpu.pipeline_mode<synchronous>, transform_indices = @transform_3, window_bounds = array<i64: 128, 1>}, {transform_indices = @transform_4, window_bounds = array<i64: 256, 128>}, {pipeline_mode = #tpu.pipeline_mode<synchronous>, transform_indices = @transform_5, window_bounds = array<i64: 1, 128>}, {pipeline_mode = #tpu.pipeline_mode<synchronous>, transform_indices = @transform_6, window_bounds = array<i64: 1, 128>}, {pipeline_mode = #tpu.pipeline_mode<synchronous>, transform_indices = @transform_7, window_bounds = array<i64: 128, 128>}, {pipeline_mode = #tpu.pipeline_mode<synchronous>, transform_indices = @transform_8, window_bounds = array<i64: 1, 128>}, {pipeline_mode = #tpu.pipeline_mode<synchronous>, transform_indices = @transform_9, window_bounds = array<i64: 128, 128>}, {pipeline_mode = #tpu.pipeline_mode<synchronous>, transform_indices = @transform_10, window_bounds = array<i64: 1, 128>}, {pipeline_mode = #tpu.pipeline_mode<synchronous>, transform_indices = @transform_11, window_bounds = array<i64: 128, 128>}, {pipeline_mode = #tpu.pipeline_mode<synchronous>, transform_indices = @transform_12, window_bounds = array<i64: 1, 128>}, {transform_indices = @transform_13, window_bounds = array<i64: 256, 128>}, {transform_indices = @transform_14, window_bounds = array<i64: 256, 128>}, {transform_indices = @transform_15, window_bounds = array<i64: 256, 128>}, {transform_indices = @transform_16, window_bounds = array<i64: 256, 128>}]} {
    %get3A = arith.constant 0 : index
    %get3A_0 = arith.constant 0 : index
    %get3A_1 = vector.load %arg3[%get3A, %get3A_0] : memref<128x8xf32, #tpu.memory_space<vmem>>, vector<128x8xf32>
    %get3A_2 = arith.constant 0 : index
    %get3A_3 = arith.constant 0 : index
    %get3A_4 = vector.load %arg4[%get3A_2, %get3A_3] : memref<128x1xf32, #tpu.memory_space<vmem>>, vector<128x1xf32>
    %slice3A = vector.extract_strided_slice %get3A_1 {offsets = [0, 0], sizes = [128, 1], strides = [1, 1]} : vector<128x8xf32> to vector<128x1xf32>
    %div3A = arith.divf %slice3A, %get3A_4 : vector<128x1xf32>
    %slice3A_5 = vector.extract_strided_slice %get3A_1 {offsets = [0, 1], sizes = [128, 1], strides = [1, 1]} : vector<128x8xf32> to vector<128x1xf32>
    %div3A_6 = arith.divf %slice3A_5, %get3A_4 : vector<128x1xf32>
    %mul3A = arith.mulf %div3A, %div3A : vector<128x1xf32>
    %sub3A = arith.subf %div3A_6, %mul3A : vector<128x1xf32>
    %add3A = arith.constant 9.99999974E-6 : f32
    %add3A_7 = vector.broadcast %add3A : f32 to vector<128x1xf32>
    %add3A_8 = arith.addf %sub3A, %add3A_7 : vector<128x1xf32>
    %rsqrt3A = math.rsqrt %add3A_8 : vector<128x1xf32>
    %broadcast_in_dim3A = arith.constant 0.000000e+00 : f32
    %broadcast_in_dim3A_9 = vector.broadcast %broadcast_in_dim3A : f32 to vector<128x6xf32>
    %concatenate3A = tpu.concatenate %div3A, %rsqrt3A, %broadcast_in_dim3A_9 in 1 : vector<128x1xf32>, vector<128x1xf32>, vector<128x6xf32> -> vector<128x8xf32>
    %get3A_10 = arith.constant 0 : index
    %get3A_11 = arith.constant 0 : index
    %get3A_12 = vector.load %arg5[%get3A_10, %get3A_11] : memref<256x128xf32, #tpu.memory_space<vmem>>, vector<256x128xf32>
    %dot_general3A = arith.constant dense<0.000000e+00> : vector<256x8xf32>
    %dot_general3A_13 = tpu.matmul %get3A_12, %concatenate3A, %dot_general3A {dimension_numbers = #tpu.dot_dimension_numbers<[1], [0], [0], [1], [0, 0, 1, 1], [], []>, precision = #tpu.contract_precision<fp32>, transpose_lhs_hint = false} : vector<256x128xf32>, vector<128x8xf32>, vector<256x8xf32> -> vector<256x8xf32>
    %get3A_14 = arith.constant 0 : index
    %get3A_15 = arith.constant 0 : index
    %get3A_16 = vector.load %arg1[%get3A_14, %get3A_15] : memref<256x128xf32, #tpu.memory_space<vmem>>, vector<256x128xf32>
    %get3A_17 = arith.constant 0 : index
    %get3A_18 = arith.constant 0 : index
    %get3A_19 = vector.load %arg2[%get3A_17, %get3A_18] : memref<256x128xf32, #tpu.memory_space<vmem>>, vector<256x128xf32>
    %slice3A_20 = vector.extract_strided_slice %dot_general3A_13 {offsets = [0, 0], sizes = [256, 1], strides = [1, 1]} : vector<256x8xf32> to vector<256x1xf32>
    %sub3A_21 = vector.broadcast %slice3A_20 : vector<256x1xf32> to vector<256x128xf32>
    %sub3A_22 = arith.subf %get3A_19, %sub3A_21 : vector<256x128xf32>
    %slice3A_23 = vector.extract_strided_slice %dot_general3A_13 {offsets = [0, 1], sizes = [256, 1], strides = [1, 1]} : vector<256x8xf32> to vector<256x1xf32>
    %mul3A_24 = vector.broadcast %slice3A_23 : vector<256x1xf32> to vector<256x128xf32>
    %mul3A_25 = arith.mulf %sub3A_22, %mul3A_24 : vector<256x128xf32>
    %get3A_26 = arith.constant 0 : index
    %get3A_27 = arith.constant 0 : index
    %get3A_28 = vector.load %arg6[%get3A_26, %get3A_27] : memref<1x128xf32, #tpu.memory_space<vmem>>, vector<1x128xf32>
    %mul3A_29 = vector.broadcast %get3A_28 : vector<1x128xf32> to vector<256x128xf32>
    %mul3A_30 = arith.mulf %mul3A_25, %mul3A_29 : vector<256x128xf32>
    %add3A_31 = arith.addf %get3A_16, %mul3A_30 : vector<256x128xf32>
    %get3A_32 = arith.constant 0 : index
    %get3A_33 = arith.constant 0 : index
    %get3A_34 = vector.load %arg7[%get3A_32, %get3A_33] : memref<1x128xf32, #tpu.memory_space<vmem>>, vector<1x128xf32>
    %add3A_35 = vector.broadcast %get3A_34 : vector<1x128xf32> to vector<256x128xf32>
    %add3A_36 = arith.addf %add3A_31, %add3A_35 : vector<256x128xf32>
    %swap3A = arith.constant 0 : index
    %swap3A_37 = arith.constant 0 : index
    %swap3A_38 = vector.load %arg14[%swap3A, %swap3A_37] : memref<256x128xf32, #tpu.memory_space<vmem>>, vector<256x128xf32>
    tpu.vector_store %arg14[%swap3A, %swap3A_37], %add3A_36 {strides = array<i32>} : memref<256x128xf32, #tpu.memory_space<vmem>>, vector<256x128xf32>,
    %get3A_39 = arith.constant 0 : index
    %get3A_40 = arith.constant 0 : index
    %get3A_41 = vector.load %arg8[%get3A_39, %get3A_40] : memref<128x128xf32, #tpu.memory_space<vmem>>, vector<128x128xf32>
    %dot_general3A_42 = arith.constant dense<0.000000e+00> : vector<256x128xf32>
    %dot_general3A_43 = tpu.matmul %add3A_36, %get3A_41, %dot_general3A_42 {dimension_numbers = #tpu.dot_dimension_numbers<[1], [0], [0], [1], [0, 0, 1, 1], [], []>, precision = #tpu.contract_precision<fp32>, transpose_lhs_hint = false} : vector<256x128xf32>, vector<128x128xf32>, vector<256x128xf32> -> vector<256x128xf32>
    %get3A_44 = arith.constant 0 : index
    %get3A_45 = arith.constant 0 : index
    %get3A_46 = vector.load %arg9[%get3A_44, %get3A_45] : memref<1x128xf32, #tpu.memory_space<vmem>>, vector<1x128xf32>
    %add3A_47 = vector.broadcast %get3A_46 : vector<1x128xf32> to vector<256x128xf32>
    %add3A_48 = arith.addf %dot_general3A_43, %add3A_47 : vector<256x128xf32>
    %swap3A_49 = arith.constant 0 : index
    %swap3A_50 = arith.constant 0 : index
    %swap3A_51 = vector.load %arg15[%swap3A_49, %swap3A_50] : memref<256x128xf32, #tpu.memory_space<vmem>>, vector<256x128xf32>
    tpu.vector_store %arg15[%swap3A_49, %swap3A_50], %add3A_48 {strides = array<i32>} : memref<256x128xf32, #tpu.memory_space<vmem>>, vector<256x128xf32>,
    %get3A_52 = arith.constant 0 : index
    %get3A_53 = arith.constant 0 : index
    %get3A_54 = vector.load %arg10[%get3A_52, %get3A_53] : memref<128x128xf32, #tpu.memory_space<vmem>>, vector<128x128xf32>
    %dot_general3A_55 = arith.constant dense<0.000000e+00> : vector<256x128xf32>
    %dot_general3A_56 = tpu.matmul %add3A_36, %get3A_54, %dot_general3A_55 {dimension_numbers = #tpu.dot_dimension_numbers<[1], [0], [0], [1], [0, 0, 1, 1], [], []>, precision = #tpu.contract_precision<fp32>, transpose_lhs_hint = false} : vector<256x128xf32>, vector<128x128xf32>, vector<256x128xf32> -> vector<256x128xf32>
    %get3A_57 = arith.constant 0 : index
    %get3A_58 = arith.constant 0 : index
    %get3A_59 = vector.load %arg11[%get3A_57, %get3A_58] : memref<1x128xf32, #tpu.memory_space<vmem>>, vector<1x128xf32>
    %add3A_60 = vector.broadcast %get3A_59 : vector<1x128xf32> to vector<256x128xf32>
    %add3A_61 = arith.addf %dot_general3A_56, %add3A_60 : vector<256x128xf32>
    %swap3A_62 = arith.constant 0 : index
    %swap3A_63 = arith.constant 0 : index
    %swap3A_64 = vector.load %arg16[%swap3A_62, %swap3A_63] : memref<256x128xf32, #tpu.memory_space<vmem>>, vector<256x128xf32>
    tpu.vector_store %arg16[%swap3A_62, %swap3A_63], %add3A_61 {strides = array<i32>} : memref<256x128xf32, #tpu.memory_space<vmem>>, vector<256x128xf32>,
    %get3A_65 = arith.constant 0 : index
    %get3A_66 = arith.constant 0 : index
    %get3A_67 = vector.load %arg12[%get3A_65, %get3A_66] : memref<128x128xf32, #tpu.memory_space<vmem>>, vector<128x128xf32>
    %dot_general3A_68 = arith.constant dense<0.000000e+00> : vector<256x128xf32>
    %dot_general3A_69 = tpu.matmul %add3A_36, %get3A_67, %dot_general3A_68 {dimension_numbers = #tpu.dot_dimension_numbers<[1], [0], [0], [1], [0, 0, 1, 1], [], []>, precision = #tpu.contract_precision<fp32>, transpose_lhs_hint = false} : vector<256x128xf32>, vector<128x128xf32>, vector<256x128xf32> -> vector<256x128xf32>
    %get3A_70 = arith.constant 0 : index
    %get3A_71 = arith.constant 0 : index
    %get3A_72 = vector.load %arg13[%get3A_70, %get3A_71] : memref<1x128xf32, #tpu.memory_space<vmem>>, vector<1x128xf32>
    %add3A_73 = vector.broadcast %get3A_72 : vector<1x128xf32> to vector<256x128xf32>
    %add3A_74 = arith.addf %dot_general3A_69, %add3A_73 : vector<256x128xf32>
    %swap3A_75 = arith.constant 0 : index
    %swap3A_76 = arith.constant 0 : index
    %swap3A_77 = vector.load %arg17[%swap3A_75, %swap3A_76] : memref<256x128xf32, #tpu.memory_space<vmem>>, vector<256x128xf32>
    tpu.vector_store %arg17[%swap3A_75, %swap3A_76], %add3A_74 {strides = array<i32>} : memref<256x128xf32, #tpu.memory_space<vmem>>, vector<256x128xf32>,
    return
  }
  func.func @transform_0(%arg0: i32) -> (i32, i32) {
    %c0_i32 = arith.constant 0 : i32
    %c0_i32_0 = arith.constant 0 : i32
    return %arg0, %c0_i32 : i32, i32
  }
  func.func @transform_1(%arg0: i32) -> (i32, i32) {
    %c0_i32 = arith.constant 0 : i32
    %c0_i32_0 = arith.constant 0 : i32
    return %arg0, %c0_i32 : i32, i32
  }
  func.func @transform_2(%arg0: i32) -> (i32, i32) {
    %c0_i32 = arith.constant 0 : i32
    %c0_i32_0 = arith.constant 0 : i32
    %c0_i32_1 = arith.constant 0 : i32
    return %c0_i32, %c0_i32_0 : i32, i32
  }
  func.func @transform_3(%arg0: i32) -> (i32, i32) {
    %c0_i32 = arith.constant 0 : i32
    %c0_i32_0 = arith.constant 0 : i32
    %c0_i32_1 = arith.constant 0 : i32
    return %c0_i32, %c0_i32_0 : i32, i32
  }
  func.func @transform_4(%arg0: i32) -> (i32, i32) {
    %c0_i32 = arith.constant 0 : i32
    %c0_i32_0 = arith.constant 0 : i32
    return %arg0, %c0_i32 : i32, i32
  }
  func.func @transform_5(%arg0: i32) -> (i32, i32) {
    %c0_i32 = arith.constant 0 : i32
    %c0_i32_0 = arith.constant 0 : i32
    %c0_i32_1 = arith.constant 0 : i32
    return %c0_i32, %c0_i32_0 : i32, i32
  }
  func.func @transform_6(%arg0: i32) -> (i32, i32) {
    %c0_i32 = arith.constant 0 : i32
    %c0_i32_0 = arith.constant 0 : i32
    %c0_i32_1 = arith.constant 0 : i32
    return %c0_i32, %c0_i32_0 : i32, i32
  }
  func.func @transform_7(%arg0: i32) -> (i32, i32) {
    %c0_i32 = arith.constant 0 : i32
    %c0_i32_0 = arith.constant 0 : i32
    %c0_i32_1 = arith.constant 0 : i32
    return %c0_i32, %c0_i32_0 : i32, i32
  }
  func.func @transform_8(%arg0: i32) -> (i32, i32) {
    %c0_i32 = arith.constant 0 : i32
    %c0_i32_0 = arith.constant 0 : i32
    %c0_i32_1 = arith.constant 0 : i32
    return %c0_i32, %c0_i32_0 : i32, i32
  }
  func.func @transform_9(%arg0: i32) -> (i32, i32) {
    %c0_i32 = arith.constant 0 : i32
    %c0_i32_0 = arith.constant 0 : i32
    %c0_i32_1 = arith.constant 0 : i32
    return %c0_i32, %c0_i32_0 : i32, i32
  }
  func.func @transform_10(%arg0: i32) -> (i32, i32) {
    %c0_i32 = arith.constant 0 : i32
    %c0_i32_0 = arith.constant 0 : i32
    %c0_i32_1 = arith.constant 0 : i32
    return %c0_i32, %c0_i32_0 : i32, i32
  }
  func.func @transform_11(%arg0: i32) -> (i32, i32) {
    %c0_i32 = arith.constant 0 : i32
    %c0_i32_0 = arith.constant 0 : i32
    %c0_i32_1 = arith.constant 0 : i32
    return %c0_i32, %c0_i32_0 : i32, i32
  }
  func.func @transform_12(%arg0: i32) -> (i32, i32) {
    %c0_i32 = arith.constant 0 : i32
    %c0_i32_0 = arith.constant 0 : i32
    %c0_i32_1 = arith.constant 0 : i32
    return %c0_i32, %c0_i32_0 : i32, i32
  }
  func.func @transform_13(%arg0: i32) -> (i32, i32) {
    %c0_i32 = arith.constant 0 : i32
    %c0_i32_0 = arith.constant 0 : i32
    return %arg0, %c0_i32 : i32, i32
  }
  func.func @transform_14(%arg0: i32) -> (i32, i32) {
    %c0_i32 = arith.constant 0 : i32
    %c0_i32_0 = arith.constant 0 : i32
    return %arg0, %c0_i32 : i32, i32
  }
  func.func @transform_15(%arg0: i32) -> (i32, i32) {
    %c0_i32 = arith.constant 0 : i32
    %c0_i32_0 = arith.constant 0 : i32
    return %arg0, %c0_i32 : i32, i32
  }
  func.func @transform_16(%arg0: i32) -> (i32, i32) {
    %c0_i32 = arith.constant 0 : i32
    %c0_i32_0 = arith.constant 0 : i32
    return %arg0, %c0_i32 : i32, i32
  }
}

module attributes {stable_mosaic.version = 14 : i64} {
  func.func @_finpost_body(%arg0: i32, %arg1: memref<256x128xf32, #tpu.memory_space<vmem>>, %arg2: memref<256x128xf32, #tpu.memory_space<vmem>>, %arg3: memref<128x8xf32, #tpu.memory_space<vmem>>, %arg4: memref<128x1xf32, #tpu.memory_space<vmem>>, %arg5: memref<256x128xf32, #tpu.memory_space<vmem>>, %arg6: memref<1x128xf32, #tpu.memory_space<vmem>>, %arg7: memref<1x128xf32, #tpu.memory_space<vmem>>, %arg8: memref<128x128xf32, #tpu.memory_space<vmem>>, %arg9: memref<1x128xf32, #tpu.memory_space<vmem>>, %arg10: memref<128x128xf32, #tpu.memory_space<vmem>>, %arg11: memref<1x128xf32, #tpu.memory_space<vmem>>, %arg12: memref<128x256xf32, #tpu.memory_space<vmem>>, %arg13: memref<256x128xf32, #tpu.memory_space<vmem>>, %arg14: memref<128x128xf32, #tpu.memory_space<vmem>>) attributes {dimension_semantics = [#tpu.dimension_semantics<arbitrary>], iteration_bounds = array<i64: 40>, scalar_prefetch = 0 : i64, scratch_operands = 0 : i64, tpu.core_type = #tpu.core_type<tc>, window_params = [{transform_indices = @transform_0, window_bounds = array<i64: 256, 128>}, {transform_indices = @transform_1, window_bounds = array<i64: 256, 128>}, {pipeline_mode = #tpu.pipeline_mode<synchronous>, transform_indices = @transform_2, window_bounds = array<i64: 128, 8>}, {pipeline_mode = #tpu.pipeline_mode<synchronous>, transform_indices = @transform_3, window_bounds = array<i64: 128, 1>}, {transform_indices = @transform_4, window_bounds = array<i64: 256, 128>}, {pipeline_mode = #tpu.pipeline_mode<synchronous>, transform_indices = @transform_5, window_bounds = array<i64: 1, 128>}, {pipeline_mode = #tpu.pipeline_mode<synchronous>, transform_indices = @transform_6, window_bounds = array<i64: 1, 128>}, {pipeline_mode = #tpu.pipeline_mode<synchronous>, transform_indices = @transform_7, window_bounds = array<i64: 128, 128>}, {pipeline_mode = #tpu.pipeline_mode<synchronous>, transform_indices = @transform_8, window_bounds = array<i64: 1, 128>}, {pipeline_mode = #tpu.pipeline_mode<synchronous>, transform_indices = @transform_9, window_bounds = array<i64: 128, 128>}, {pipeline_mode = #tpu.pipeline_mode<synchronous>, transform_indices = @transform_10, window_bounds = array<i64: 1, 128>}, {transform_indices = @transform_11, window_bounds = array<i64: 128, 256>}, {transform_indices = @transform_12, window_bounds = array<i64: 256, 128>}, {pipeline_mode = #tpu.pipeline_mode<synchronous>, transform_indices = @transform_13, window_bounds = array<i64: 128, 128>}]} {
    %get3A = arith.constant 0 : index
    %get3A_0 = arith.constant 0 : index
    %get3A_1 = vector.load %arg3[%get3A, %get3A_0] : memref<128x8xf32, #tpu.memory_space<vmem>>, vector<128x8xf32>
    %get3A_2 = arith.constant 0 : index
    %get3A_3 = arith.constant 0 : index
    %get3A_4 = vector.load %arg4[%get3A_2, %get3A_3] : memref<128x1xf32, #tpu.memory_space<vmem>>, vector<128x1xf32>
    %slice3A = vector.extract_strided_slice %get3A_1 {offsets = [0, 0], sizes = [128, 1], strides = [1, 1]} : vector<128x8xf32> to vector<128x1xf32>
    %div3A = arith.divf %slice3A, %get3A_4 : vector<128x1xf32>
    %slice3A_5 = vector.extract_strided_slice %get3A_1 {offsets = [0, 1], sizes = [128, 1], strides = [1, 1]} : vector<128x8xf32> to vector<128x1xf32>
    %div3A_6 = arith.divf %slice3A_5, %get3A_4 : vector<128x1xf32>
    %mul3A = arith.mulf %div3A, %div3A : vector<128x1xf32>
    %sub3A = arith.subf %div3A_6, %mul3A : vector<128x1xf32>
    %add3A = arith.constant 9.99999974E-6 : f32
    %add3A_7 = vector.broadcast %add3A : f32 to vector<128x1xf32>
    %add3A_8 = arith.addf %sub3A, %add3A_7 : vector<128x1xf32>
    %rsqrt3A = math.rsqrt %add3A_8 : vector<128x1xf32>
    %broadcast_in_dim3A = arith.constant 0.000000e+00 : f32
    %broadcast_in_dim3A_9 = vector.broadcast %broadcast_in_dim3A : f32 to vector<128x6xf32>
    %concatenate3A = tpu.concatenate %div3A, %rsqrt3A, %broadcast_in_dim3A_9 in 1 : vector<128x1xf32>, vector<128x1xf32>, vector<128x6xf32> -> vector<128x8xf32>
    %get3A_10 = arith.constant 0 : index
    %get3A_11 = arith.constant 0 : index
    %get3A_12 = vector.load %arg5[%get3A_10, %get3A_11] : memref<256x128xf32, #tpu.memory_space<vmem>>, vector<256x128xf32>
    %dot_general3A = arith.constant dense<0.000000e+00> : vector<256x8xf32>
    %dot_general3A_13 = tpu.matmul %get3A_12, %concatenate3A, %dot_general3A {dimension_numbers = #tpu.dot_dimension_numbers<[1], [0], [0], [1], [0, 0, 1, 1], [], []>, precision = #tpu.contract_precision<fp32>, transpose_lhs_hint = false} : vector<256x128xf32>, vector<128x8xf32>, vector<256x8xf32> -> vector<256x8xf32>
    %get3A_14 = arith.constant 0 : index
    %get3A_15 = arith.constant 0 : index
    %get3A_16 = vector.load %arg1[%get3A_14, %get3A_15] : memref<256x128xf32, #tpu.memory_space<vmem>>, vector<256x128xf32>
    %get3A_17 = arith.constant 0 : index
    %get3A_18 = arith.constant 0 : index
    %get3A_19 = vector.load %arg2[%get3A_17, %get3A_18] : memref<256x128xf32, #tpu.memory_space<vmem>>, vector<256x128xf32>
    %slice3A_20 = vector.extract_strided_slice %dot_general3A_13 {offsets = [0, 0], sizes = [256, 1], strides = [1, 1]} : vector<256x8xf32> to vector<256x1xf32>
    %sub3A_21 = vector.broadcast %slice3A_20 : vector<256x1xf32> to vector<256x128xf32>
    %sub3A_22 = arith.subf %get3A_19, %sub3A_21 : vector<256x128xf32>
    %slice3A_23 = vector.extract_strided_slice %dot_general3A_13 {offsets = [0, 1], sizes = [256, 1], strides = [1, 1]} : vector<256x8xf32> to vector<256x1xf32>
    %mul3A_24 = vector.broadcast %slice3A_23 : vector<256x1xf32> to vector<256x128xf32>
    %mul3A_25 = arith.mulf %sub3A_22, %mul3A_24 : vector<256x128xf32>
    %get3A_26 = arith.constant 0 : index
    %get3A_27 = arith.constant 0 : index
    %get3A_28 = vector.load %arg6[%get3A_26, %get3A_27] : memref<1x128xf32, #tpu.memory_space<vmem>>, vector<1x128xf32>
    %mul3A_29 = vector.broadcast %get3A_28 : vector<1x128xf32> to vector<256x128xf32>
    %mul3A_30 = arith.mulf %mul3A_25, %mul3A_29 : vector<256x128xf32>
    %add3A_31 = arith.addf %get3A_16, %mul3A_30 : vector<256x128xf32>
    %get3A_32 = arith.constant 0 : index
    %get3A_33 = arith.constant 0 : index
    %get3A_34 = vector.load %arg7[%get3A_32, %get3A_33] : memref<1x128xf32, #tpu.memory_space<vmem>>, vector<1x128xf32>
    %add3A_35 = vector.broadcast %get3A_34 : vector<1x128xf32> to vector<256x128xf32>
    %add3A_36 = arith.addf %add3A_31, %add3A_35 : vector<256x128xf32>
    %swap3A = arith.constant 0 : index
    %swap3A_37 = arith.constant 0 : index
    %swap3A_38 = vector.load %arg13[%swap3A, %swap3A_37] : memref<256x128xf32, #tpu.memory_space<vmem>>, vector<256x128xf32>
    tpu.vector_store %arg13[%swap3A, %swap3A_37], %add3A_36 {strides = array<i32>} : memref<256x128xf32, #tpu.memory_space<vmem>>, vector<256x128xf32>,
    %get3A_39 = arith.constant 0 : index
    %get3A_40 = arith.constant 0 : index
    %get3A_41 = vector.load %arg8[%get3A_39, %get3A_40] : memref<128x128xf32, #tpu.memory_space<vmem>>, vector<128x128xf32>
    %dot_general3A_42 = arith.constant dense<0.000000e+00> : vector<256x128xf32>
    %dot_general3A_43 = tpu.matmul %add3A_36, %get3A_41, %dot_general3A_42 {dimension_numbers = #tpu.dot_dimension_numbers<[1], [0], [0], [1], [0, 0, 1, 1], [], []>, precision = #tpu.contract_precision<fp32>, transpose_lhs_hint = false} : vector<256x128xf32>, vector<128x128xf32>, vector<256x128xf32> -> vector<256x128xf32>
    %get3A_44 = arith.constant 0 : index
    %get3A_45 = arith.constant 0 : index
    %get3A_46 = vector.load %arg9[%get3A_44, %get3A_45] : memref<1x128xf32, #tpu.memory_space<vmem>>, vector<1x128xf32>
    %add3A_47 = vector.broadcast %get3A_46 : vector<1x128xf32> to vector<256x128xf32>
    %add3A_48 = arith.addf %dot_general3A_43, %add3A_47 : vector<256x128xf32>
    %max3A = arith.constant 0.000000e+00 : f32
    %max3A_49 = vector.broadcast %max3A : f32 to vector<256x128xf32>
    %max3A_50 = arith.maximumf %add3A_48, %max3A_49 : vector<256x128xf32>
    %get3A_51 = arith.constant 0 : index
    %get3A_52 = arith.constant 0 : index
    %get3A_53 = vector.load %arg10[%get3A_51, %get3A_52] : memref<128x128xf32, #tpu.memory_space<vmem>>, vector<128x128xf32>
    %dot_general3A_54 = arith.constant dense<0.000000e+00> : vector<256x128xf32>
    %dot_general3A_55 = tpu.matmul %max3A_50, %get3A_53, %dot_general3A_54 {dimension_numbers = #tpu.dot_dimension_numbers<[1], [0], [0], [1], [0, 0, 1, 1], [], []>, precision = #tpu.contract_precision<fp32>, transpose_lhs_hint = false} : vector<256x128xf32>, vector<128x128xf32>, vector<256x128xf32> -> vector<256x128xf32>
    %add3A_56 = arith.addf %add3A_36, %dot_general3A_55 : vector<256x128xf32>
    %get3A_57 = arith.constant 0 : index
    %get3A_58 = arith.constant 0 : index
    %get3A_59 = vector.load %arg11[%get3A_57, %get3A_58] : memref<1x128xf32, #tpu.memory_space<vmem>>, vector<1x128xf32>
    %add3A_60 = vector.broadcast %get3A_59 : vector<1x128xf32> to vector<256x128xf32>
    %add3A_61 = arith.addf %add3A_56, %add3A_60 : vector<256x128xf32>
    %get3A_62 = arith.constant 0 : index
    %get3A_63 = arith.constant 0 : index
    %get3A_64 = vector.load %arg12[%get3A_62, %get3A_63] : memref<128x256xf32, #tpu.memory_space<vmem>>, vector<128x256xf32>
    %dot_general3A_65 = arith.constant dense<0.000000e+00> : vector<128x128xf32>
    %dot_general3A_66 = tpu.matmul %get3A_64, %add3A_61, %dot_general3A_65 {dimension_numbers = #tpu.dot_dimension_numbers<[1], [0], [0], [1], [0, 0, 1, 1], [], []>, precision = #tpu.contract_precision<fp32>, transpose_lhs_hint = false} : vector<128x256xf32>, vector<256x128xf32>, vector<128x128xf32> -> vector<128x128xf32>
    %eq3A = arith.constant 0 : i32
    %eq3A_67 = arith.cmpi eq, %arg0, %eq3A : i32
    %convert_element_type3A = arith.extui %eq3A_67 : i1 to i32
    %cond3A = arith.constant 0 : i32
    %cond3A_68 = arith.cmpi ne, %convert_element_type3A, %cond3A : i32
    scf.if %cond3A_68 {
      %swap3A_73 = arith.constant 0 : index
      %swap3A_74 = arith.constant 0 : index
      %swap3A_75 = vector.load %arg14[%swap3A_73, %swap3A_74] : memref<128x128xf32, #tpu.memory_space<vmem>>, vector<128x128xf32>
      tpu.vector_store %arg14[%swap3A_73, %swap3A_74], %dot_general3A_66 {strides = array<i32>} : memref<128x128xf32, #tpu.memory_space<vmem>>, vector<128x128xf32>,
    } else {
    }
    %gt3A = arith.constant 0 : i32
    %gt3A_69 = arith.cmpi sgt, %arg0, %gt3A : i32
    %convert_element_type3A_70 = arith.extui %gt3A_69 : i1 to i32
    %cond3A_71 = arith.constant 0 : i32
    %cond3A_72 = arith.cmpi ne, %convert_element_type3A_70, %cond3A_71 : i32
    scf.if %cond3A_72 {
      %get3A_73 = arith.constant 0 : index
      %get3A_74 = arith.constant 0 : index
      %get3A_75 = vector.load %arg14[%get3A_73, %get3A_74] : memref<128x128xf32, #tpu.memory_space<vmem>>, vector<128x128xf32>
      %add3A_76 = arith.addf %get3A_75, %dot_general3A_66 : vector<128x128xf32>
      %swap3A_77 = arith.constant 0 : index
      %swap3A_78 = arith.constant 0 : index
      %swap3A_79 = vector.load %arg14[%swap3A_77, %swap3A_78] : memref<128x128xf32, #tpu.memory_space<vmem>>, vector<128x128xf32>
      tpu.vector_store %arg14[%swap3A_77, %swap3A_78], %add3A_76 {strides = array<i32>} : memref<128x128xf32, #tpu.memory_space<vmem>>, vector<128x128xf32>,
    } else {
    }
    return
  }
  func.func @transform_0(%arg0: i32) -> (i32, i32) {
    %c0_i32 = arith.constant 0 : i32
    %c0_i32_0 = arith.constant 0 : i32
    return %arg0, %c0_i32 : i32, i32
  }
  func.func @transform_1(%arg0: i32) -> (i32, i32) {
    %c0_i32 = arith.constant 0 : i32
    %c0_i32_0 = arith.constant 0 : i32
    return %arg0, %c0_i32 : i32, i32
  }
  func.func @transform_2(%arg0: i32) -> (i32, i32) {
    %c0_i32 = arith.constant 0 : i32
    %c0_i32_0 = arith.constant 0 : i32
    %c0_i32_1 = arith.constant 0 : i32
    return %c0_i32, %c0_i32_0 : i32, i32
  }
  func.func @transform_3(%arg0: i32) -> (i32, i32) {
    %c0_i32 = arith.constant 0 : i32
    %c0_i32_0 = arith.constant 0 : i32
    %c0_i32_1 = arith.constant 0 : i32
    return %c0_i32, %c0_i32_0 : i32, i32
  }
  func.func @transform_4(%arg0: i32) -> (i32, i32) {
    %c0_i32 = arith.constant 0 : i32
    %c0_i32_0 = arith.constant 0 : i32
    return %arg0, %c0_i32 : i32, i32
  }
  func.func @transform_5(%arg0: i32) -> (i32, i32) {
    %c0_i32 = arith.constant 0 : i32
    %c0_i32_0 = arith.constant 0 : i32
    %c0_i32_1 = arith.constant 0 : i32
    return %c0_i32, %c0_i32_0 : i32, i32
  }
  func.func @transform_6(%arg0: i32) -> (i32, i32) {
    %c0_i32 = arith.constant 0 : i32
    %c0_i32_0 = arith.constant 0 : i32
    %c0_i32_1 = arith.constant 0 : i32
    return %c0_i32, %c0_i32_0 : i32, i32
  }
  func.func @transform_7(%arg0: i32) -> (i32, i32) {
    %c0_i32 = arith.constant 0 : i32
    %c0_i32_0 = arith.constant 0 : i32
    %c0_i32_1 = arith.constant 0 : i32
    return %c0_i32, %c0_i32_0 : i32, i32
  }
  func.func @transform_8(%arg0: i32) -> (i32, i32) {
    %c0_i32 = arith.constant 0 : i32
    %c0_i32_0 = arith.constant 0 : i32
    %c0_i32_1 = arith.constant 0 : i32
    return %c0_i32, %c0_i32_0 : i32, i32
  }
  func.func @transform_9(%arg0: i32) -> (i32, i32) {
    %c0_i32 = arith.constant 0 : i32
    %c0_i32_0 = arith.constant 0 : i32
    %c0_i32_1 = arith.constant 0 : i32
    return %c0_i32, %c0_i32_0 : i32, i32
  }
  func.func @transform_10(%arg0: i32) -> (i32, i32) {
    %c0_i32 = arith.constant 0 : i32
    %c0_i32_0 = arith.constant 0 : i32
    %c0_i32_1 = arith.constant 0 : i32
    return %c0_i32, %c0_i32_0 : i32, i32
  }
  func.func @transform_11(%arg0: i32) -> (i32, i32) {
    %c0_i32 = arith.constant 0 : i32
    %c0_i32_0 = arith.constant 0 : i32
    return %c0_i32, %arg0 : i32, i32
  }
  func.func @transform_12(%arg0: i32) -> (i32, i32) {
    %c0_i32 = arith.constant 0 : i32
    %c0_i32_0 = arith.constant 0 : i32
    return %arg0, %c0_i32 : i32, i32
  }
  func.func @transform_13(%arg0: i32) -> (i32, i32) {
    %c0_i32 = arith.constant 0 : i32
    %c0_i32_0 = arith.constant 0 : i32
    %c0_i32_1 = arith.constant 0 : i32
    return %c0_i32, %c0_i32_0 : i32, i32
  }
}

module attributes {stable_mosaic.version = 14 : i64} {
  func.func @_read_body(%arg0: i32, %arg1: memref<128x128xf32, #tpu.memory_space<vmem>>, %arg2: memref<128x1xf32, #tpu.memory_space<vmem>>, %arg3: memref<128x128xf32, #tpu.memory_space<vmem>>, %arg4: memref<1x128xf32, #tpu.memory_space<vmem>>, %arg5: memref<128x1xf32, #tpu.memory_space<vmem>>, %arg6: memref<1x1xf32, #tpu.memory_space<vmem>>, %arg7: memref<128x1xf32, #tpu.memory_space<vmem>>) attributes {dimension_semantics = [#tpu.dimension_semantics<arbitrary>], iteration_bounds = array<i64: 1>, scalar_prefetch = 0 : i64, scratch_operands = 0 : i64, tpu.core_type = #tpu.core_type<tc>, window_params = [{pipeline_mode = #tpu.pipeline_mode<synchronous>, transform_indices = @transform_0, window_bounds = array<i64: 128, 128>}, {pipeline_mode = #tpu.pipeline_mode<synchronous>, transform_indices = @transform_1, window_bounds = array<i64: 128, 1>}, {pipeline_mode = #tpu.pipeline_mode<synchronous>, transform_indices = @transform_2, window_bounds = array<i64: 128, 128>}, {pipeline_mode = #tpu.pipeline_mode<synchronous>, transform_indices = @transform_3, window_bounds = array<i64: 1, 128>}, {pipeline_mode = #tpu.pipeline_mode<synchronous>, transform_indices = @transform_4, window_bounds = array<i64: 128, 1>}, {pipeline_mode = #tpu.pipeline_mode<synchronous>, transform_indices = @transform_5, window_bounds = array<i64: 1, 1>}, {pipeline_mode = #tpu.pipeline_mode<synchronous>, transform_indices = @transform_6, window_bounds = array<i64: 128, 1>}]} {
    %get3A = arith.constant 0 : index
    %get3A_0 = arith.constant 0 : index
    %get3A_1 = vector.load %arg1[%get3A, %get3A_0] : memref<128x128xf32, #tpu.memory_space<vmem>>, vector<128x128xf32>
    %get3A_2 = arith.constant 0 : index
    %get3A_3 = arith.constant 0 : index
    %get3A_4 = vector.load %arg2[%get3A_2, %get3A_3] : memref<128x1xf32, #tpu.memory_space<vmem>>, vector<128x1xf32>
    %div3A = vector.broadcast %get3A_4 : vector<128x1xf32> to vector<128x128xf32>
    %div3A_5 = arith.divf %get3A_1, %div3A : vector<128x128xf32>
    %get3A_6 = arith.constant 0 : index
    %get3A_7 = arith.constant 0 : index
    %get3A_8 = vector.load %arg3[%get3A_6, %get3A_7] : memref<128x128xf32, #tpu.memory_space<vmem>>, vector<128x128xf32>
    %dot_general3A = arith.constant dense<0.000000e+00> : vector<128x128xf32>
    %dot_general3A_9 = tpu.matmul %div3A_5, %get3A_8, %dot_general3A {dimension_numbers = #tpu.dot_dimension_numbers<[1], [0], [0], [1], [0, 0, 1, 1], [], []>, precision = #tpu.contract_precision<fp32>, transpose_lhs_hint = false} : vector<128x128xf32>, vector<128x128xf32>, vector<128x128xf32> -> vector<128x128xf32>
    %get3A_10 = arith.constant 0 : index
    %get3A_11 = arith.constant 0 : index
    %get3A_12 = vector.load %arg4[%get3A_10, %get3A_11] : memref<1x128xf32, #tpu.memory_space<vmem>>, vector<1x128xf32>
    %add3A = vector.broadcast %get3A_12 : vector<1x128xf32> to vector<128x128xf32>
    %add3A_13 = arith.addf %dot_general3A_9, %add3A : vector<128x128xf32>
    %max3A = arith.constant 0.000000e+00 : f32
    %max3A_14 = vector.broadcast %max3A : f32 to vector<128x128xf32>
    %max3A_15 = arith.maximumf %add3A_13, %max3A_14 : vector<128x128xf32>
    %get3A_16 = arith.constant 0 : index
    %get3A_17 = arith.constant 0 : index
    %get3A_18 = vector.load %arg5[%get3A_16, %get3A_17] : memref<128x1xf32, #tpu.memory_space<vmem>>, vector<128x1xf32>
    %dot_general3A_19 = arith.constant dense<0.000000e+00> : vector<128x1xf32>
    %dot_general3A_20 = tpu.matmul %max3A_15, %get3A_18, %dot_general3A_19 {dimension_numbers = #tpu.dot_dimension_numbers<[1], [0], [0], [1], [0, 0, 1, 1], [], []>, precision = #tpu.contract_precision<fp32>, transpose_lhs_hint = false} : vector<128x128xf32>, vector<128x1xf32>, vector<128x1xf32> -> vector<128x1xf32>
    %get3A_21 = arith.constant 0 : index
    %get3A_22 = arith.constant 0 : index
    %get3A_23 = vector.load %arg6[%get3A_21, %get3A_22] : memref<1x1xf32, #tpu.memory_space<vmem>>, vector<1x1xf32>
    %add3A_24 = vector.broadcast %get3A_23 : vector<1x1xf32> to vector<128x1xf32>
    %add3A_25 = arith.addf %dot_general3A_20, %add3A_24 : vector<128x1xf32>
    %swap3A = arith.constant 0 : index
    %swap3A_26 = arith.constant 0 : index
    %swap3A_27 = vector.load %arg7[%swap3A, %swap3A_26] : memref<128x1xf32, #tpu.memory_space<vmem>>, vector<128x1xf32>
    tpu.vector_store %arg7[%swap3A, %swap3A_26], %add3A_25 {strides = array<i32>} : memref<128x1xf32, #tpu.memory_space<vmem>>, vector<128x1xf32>,
    return
  }
  func.func @transform_0(%arg0: i32) -> (i32, i32) {
    %c0_i32 = arith.constant 0 : i32
    %c0_i32_0 = arith.constant 0 : i32
    %c0_i32_1 = arith.constant 0 : i32
    return %c0_i32, %c0_i32_0 : i32, i32
  }
  func.func @transform_1(%arg0: i32) -> (i32, i32) {
    %c0_i32 = arith.constant 0 : i32
    %c0_i32_0 = arith.constant 0 : i32
    %c0_i32_1 = arith.constant 0 : i32
    return %c0_i32, %c0_i32_0 : i32, i32
  }
  func.func @transform_2(%arg0: i32) -> (i32, i32) {
    %c0_i32 = arith.constant 0 : i32
    %c0_i32_0 = arith.constant 0 : i32
    %c0_i32_1 = arith.constant 0 : i32
    return %c0_i32, %c0_i32_0 : i32, i32
  }
  func.func @transform_3(%arg0: i32) -> (i32, i32) {
    %c0_i32 = arith.constant 0 : i32
    %c0_i32_0 = arith.constant 0 : i32
    %c0_i32_1 = arith.constant 0 : i32
    return %c0_i32, %c0_i32_0 : i32, i32
  }
  func.func @transform_4(%arg0: i32) -> (i32, i32) {
    %c0_i32 = arith.constant 0 : i32
    %c0_i32_0 = arith.constant 0 : i32
    %c0_i32_1 = arith.constant 0 : i32
    return %c0_i32, %c0_i32_0 : i32, i32
  }
  func.func @transform_5(%arg0: i32) -> (i32, i32) {
    %c0_i32 = arith.constant 0 : i32
    %c0_i32_0 = arith.constant 0 : i32
    %c0_i32_1 = arith.constant 0 : i32
    return %c0_i32, %c0_i32_0 : i32, i32
  }
  func.func @transform_6(%arg0: i32) -> (i32, i32) {
    %c0_i32 = arith.constant 0 : i32
    %c0_i32_0 = arith.constant 0 : i32
    %c0_i32_1 = arith.constant 0 : i32
    return %c0_i32, %c0_i32_0 : i32, i32
  }
}

</mosaic_0001>

<sc_bundles>
// kernel: kernel.24.cloned.1.call-start
scs
__scs_entry_jumppad:
0x0: {  	(pc) =	sbr.rel $0x88, $3  }
0x1: {  	(tag) =	ssettag $0x0;
	lr =	simm.s32 $0x1  }
0x2: {  	[smem:$0x3F35] =	sst lr;
	_ =	strace $0xD0000000  }
0x3: {  	_ = 	snop  }
0x4: {  	_ = 	snop  }
0x5: {  	_ = 	snop  }
0x6: {  	_ = 	snop  }
0x7: {  	_ = 	snop  }
__scs_overlays_trampoline_lowered:
0x8: {  	[smem:$0x3F44] =	sst s0  }
0x9: {  	[smem:$0x3F45] =	sst s1  }
0xa: {  	[smem:$0x3F46] =	sst s2  }
0xb: {  	[smem:$0x3F47] =	sst s3  }
0xc: {  	[smem:$0x3F48] =	sst s4  }
0xd: {  	[smem:$0x3F49] =	sst s5  }
0xe: {  	[smem:$0x3F4A] =	sst s6  }
0xf: {  	[smem:$0x3F4B] =	sst s7  }
0x10: {  	[smem:$0x3F4C] =	sst s8  }
0x11: {  	[smem:$0x3F4D] =	sst s9;
	s0 =	simm.s32 @!p0 $0x0  }
0x12: {  	s1 =	sld [smem:$0x3F33];
	s0 =	simm.s32 @p0 $0x1  }
0x13: {  	[smem:$0x3F4E] =	sst s0;
	s0 =	simm.s32 @!p1 $0x0  }
0x14: {  	s2 =	sld [smem:$0x3F32];
	s0 =	simm.s32 @p1 $0x1  }
0x15: {  	[smem:$0x3F4F] =	sst s0;
	s0 =	simm.s32 @!p2 $0x0  }
0x16: {  	s3 =	sld [smem:$0x3FDB];
	s0 =	simm.s32 @p2 $0x1  }
0x17: {  	s4 =	simm.s32 $0x1BF5;
	[smem:$0x3F51] =	sst s0  }
0x18: {  	s0 =	sld [smem:$0x3F34];
	_ =	swait.ge [sflag:s4], $0x0  }
0x19: {  	s7 =	sld [smem:$0x3F35]  }
0x1a: {  	s8 =	sadd.s32 $0xFFFFE003, lr  }
0x1b: {  	s9 =	sadd.s32 $0xFFFFFEF7, lr;
	s5 =	simm.s32 $0xFFFFFFFF;
	p2 =	slt.u32 s8, $0xFFFFF086  }
0x1c: {  	p1 =	slt.u32 s9, $0xF7A;
	s5 =	simm.s32 @!p2 $0x0  }
0x1d: {  	s5 =	simm.s32 @p1 $0x1;
	p0 =	seq.s32 s7, s2  }
0x1e: {  	s7 =	smul.u32 @!p0 $0xF7A, s2;
	p2 =	seq.s32 @!p0 s5, $0x0  }
0x1f: {  	s9 =	smul.u32 $0xF7A, s1;
	s8 =	simm.s32 @!p0 $0x1BF5;
	p2 =	por !p2, p0  }
0x20: {  	[sflag:s8] =	ssyncset.s32 @!p0 $0xFFFFF086;
	s6 =	sadd.s32 @!p0 s3, s7;
	s7 =	simm.s32 @!p0 $0x108  }
0x21: {  	s3 =	sadd.s32 s3, s9;
	s6 =	sadd.s32 @!p0 $0x88, s6;
	s7 =	simm.s32 @p2 $0x1082  }
0x22: {  	[simem:s7], [sflag:s8] =	dma.local @!p0 [hbm:s6], $0xF7A  }
0x23: {  	s9 =	sor.u32 $0xD0000000, s2;
	s6 =	simm.s32 $0x108;
	_ =	swait.ge @!p0 [sflag:s8], $0x0  }
0x24: {  	s3 =	sadd.s32 $0x88, s3;
	s6 =	simm.s32 @!p1 $0x1082;
	[sflag:s4] =	ssyncset.s32 $0xFFFFF086  }
0x25: {  	[simem:s6], [sflag:s4] =	dma.local [hbm:s3], $0xF7A  }
0x26: {  	[smem:$0x3F35] =	sst s1;
	(tag) =	ssettag s2;
	_ =	strace s9  }
0x27: {  	s1 =	sld [smem:$0x3F45]  }
0x28: {  	s2 =	sld [smem:$0x3F46]  }
0x29: {  	s4 =	sld [smem:$0x3F48]  }
0x2a: {  	p0 =	seq.s32 s5, $0x0;
	s5 =	sld [smem:$0x3F49]  }
0x2b: {  	s6 =	sld [smem:$0x3F4A]  }
0x2c: {  	s7 =	sld [smem:$0x3F4B]  }
0x2d: {  	s3 =	simm.s32 $0x108;
	s8 =	sld [smem:$0x3F4C]  }
0x2e: {  	s3 =	simm.s32 @!p0 $0x1082;
	s9 =	sld [smem:$0x3F4D]  }
0x2f: {  	lr =	sadd.s32 s0, s3;
	s0 =	sld [smem:$0x3F44]  }
0x30: {  	s3 =	sld [smem:$0x3F47]  }
0x31: {  	[smem:$0x3F50] =	sst s10  }
0x32: {  	s10 =	sld [smem:$0x3F4E];
	_ =	sdelay $0x3  }
0x33: {  	p0 =	seq.s32 s10, $0x1;
	s10 =	sld [smem:$0x3F50];
	_ =	sdelay $0x3  }
0x34: {  	[smem:$0x3F50] =	sst s10  }
0x35: {  	s10 =	sld [smem:$0x3F4F];
	_ =	sdelay $0x3  }
0x36: {  	p1 =	seq.s32 s10, $0x1;
	s10 =	sld [smem:$0x3F50];
	_ =	sdelay $0x3  }
0x37: {  	[smem:$0x3F50] =	sst s10  }
0x38: {  	s10 =	sld [smem:$0x3F51]  }
0x39: {  	_ = 	snop;
	(pc) =	sbr.ind lr, $3  }
0x3a: {  	_ = 	snop  }
0x3b: {  	_ = 	snop  }
0x3c: {  	p2 =	seq.s32 s10, $0x1;
	s10 =	sld [smem:$0x3F50]  }
0x3d: {  	_ =	shalt  }
0x3e: {  	_ =	shalt  }
0x3f: {  	_ =	shalt  }
0x40: {  	_ =	shalt  }
0x41: {  	_ =	shalt  }
0x42: {  	_ =	shalt  }
0x43: {  	_ =	shalt  }
0x44: {  	_ =	shalt  }
0x45: {  	_ =	shalt  }
0x46: {  	_ =	shalt  }
0x47: {  	_ =	shalt  }
0x48: {  	_ =	shalt  }
0x49: {  	_ =	shalt  }
0x4a: {  	_ =	shalt  }
0x4b: {  	_ =	shalt  }
0x4c: {  	_ =	shalt  }
0x4d: {  	_ =	shalt  }
0x4e: {  	_ =	shalt  }
0x4f: {  	_ =	shalt  }
0x50: {  	_ =	shalt  }
0x51: {  	_ =	shalt  }
0x52: {  	_ =	shalt  }
0x53: {  	_ =	shalt  }
0x54: {  	_ =	shalt  }
0x55: {  	_ =	shalt  }
0x56: {  	_ =	shalt  }
0x57: {  	_ =	shalt  }
0x58: {  	_ =	shalt  }
0x59: {  	_ =	shalt  }
0x5a: {  	_ =	shalt  }
0x5b: {  	_ =	shalt  }
0x5c: {  	_ =	shalt  }
0x5d: {  	_ =	shalt  }
0x5e: {  	_ =	shalt  }
0x5f: {  	_ =	shalt  }
0x60: {  	_ =	shalt  }
0x61: {  	_ =	shalt  }
0x62: {  	_ =	shalt  }
0x63: {  	_ =	shalt  }
0x64: {  	_ =	shalt  }
0x65: {  	_ =	shalt  }
0x66: {  	_ =	shalt  }
0x67: {  	_ =	shalt  }
0x68: {  	_ =	shalt  }
0x69: {  	_ =	shalt  }
0x6a: {  	_ =	shalt  }
0x6b: {  	_ =	shalt  }
0x6c: {  	_ =	shalt  }
0x6d: {  	_ =	shalt  }
0x6e: {  	_ =	shalt  }
0x6f: {  	_ =	shalt  }
0x70: {  	_ =	shalt  }
0x71: {  	_ =	shalt  }
0x72: {  	_ =	shalt  }
0x73: {  	_ =	shalt  }
0x74: {  	_ =	shalt  }
0x75: {  	_ =	shalt  }
0x76: {  	_ =	shalt  }
0x77: {  	_ =	shalt  }
0x78: {  	_ =	shalt  }
0x79: {  	_ =	shalt  }
0x7a: {  	_ =	shalt  }
0x7b: {  	_ =	shalt  }
0x7c: {  	_ =	shalt  }
0x7d: {  	_ =	shalt  }
0x7e: {  	_ =	shalt  }
0x7f: {  	_ =	shalt  }
0x80: {  	_ =	shalt  }
0x81: {  	_ =	shalt  }
0x82: {  	_ =	shalt  }
0x83: {  	_ =	shalt  }
0x84: {  	_ =	shalt  }
0x85: {  	_ =	shalt  }
0x86: {  	_ =	shalt  }
0x87: {  	_ =	shalt  }
.Lfunc_end0:
.L_simem_size_0:
called_computation.1_lowered:
.L_overlay_start_0:
0x88: {  	s2 =	sld [smem:$0x3FD9]  }
0x89: {  	s3 =	sld [smem:$0x3FFE];
	_ =	sdelay $0x1  }
0x8a: {  	s1 =	srdreg.scid  }
0x8b: {  	s0 =	sand.u32 $0x1, s1  }
0x8c: {  	s17 =	sshll.u32 s0, $0xA;
	s2 =	sadd.s32 s3, s2  }
0x8d: {  	s2 =	sadd.s32 s2, s17  }
0x8e: {  	[smem:$0x3F5C] =	sst s2  }
0x8f: {  	_ = 	snop  }
0x90: {  	(tm) =	ssettm $0x1  }
0x91: {  	s18 =	sld [smem:$0x3FFB];
	_ =	sdelay $0x3  }
0x92: {  	_ =	strace s18  }
0x93: {  	s2 =	sld [smem:$0x3FFC];
	_ =	sdelay $0x3  }
0x94: {  	_ =	strace s2  }
0x95: {  	s2 =	sld [smem:$0x3FFD];
	_ =	sdelay $0x3  }
0x96: {  	_ =	strace s2  }
0x97: {  	_ =	strace $0x8FFFFFFF  }
0x98: {  	s19 =	sld [smem:$0x3FDB];
	_ =	sdelay $0x1  }
0x99: {  	s20 =	simm.s32 $_scs_section_size  }
0x9a: {  	s4 =	simm.s32 $_size__tile_overlayer_lowered;
	s5 =	simm.s32 $_tile_overlayer_lowered  }
0x9b: {  	s6 =	simm.s32 $0x1BFF;
	s21 =	sshll.u32 s5, $0x1;
	s3 =	sadd.s32 s20, s19  }
0x9c: {  	s22 =	simm.s32 $0x0;
	s4 =	sshll.u32 s4, $0x1;
	s5 =	sadd.s32 s21, s3  }
0x9d: {  	[timem:s22], [sflag:s6] =	dma.local [hbm:s5], s4  }
0x9e: {  	_ =	swait.ge [sflag:s6], s4  }
0x9f: {  	s4 =	ssub.s32 $0x0, s4;
	[sflag:s6] =	ssyncset.done $0x0  }
0xa0: {  	[sflag:s6] =	ssyncadd.s32 s4;
	_ =	sdelay $0x1  }
0xa1: {  	s23 =	simm.s32 $0x1B8B  }
0xa2: {  	_ =	swait.ge [sflag:s23], $0x1  }
0xa3: {  	[sflag:s23] =	ssyncset.done $0x0  }
0xa4: {  	[sflag:s23] =	ssyncadd.s32 $0xFFFFFFFF  }
0xa5: {  	s4 =	sld [smem:$0x0]  }
0xa6: {  	s5 =	sand.u32 $0xFFFFFFFE, s1  }
0xa7: {  	p0 =	sne.s32 s1, s5  }
0xa8: {  	s5 =	sshll.u32 @p0 s5, $0xE  }
0xa9: {  	s5 =	sadd.s32 @p0 $0x11B8D, s5;
	s6 =	sshll.u32 @p0 s4, $0x11  }
0xaa: {  	s5 =	sor.u32 @p0 s6, s5  }
0xab: {  	[sflag:s5] =	ssyncadd.remote.s32 @p0 $0x1;
	_ =	sdelay $0x1  }
0xac: {  	s5 =	simm.s32 @p0 $0x1B8D  }
0xad: {  	_ =	swait.eq @p0 [sflag:s5], $0x1  }
0xae: {  	[sflag:s5] =	ssyncadd.s32 @p0 $0xFFFFFFFF  }
0xaf: {  	s6 =	sshll.u32 @!p0 s1, $0xE  }
0xb0: {  	s6 =	sor.u32 @!p0 $0x4000, s6;
	s5 =	simm.s32 @!p0 $0x1B8D  }
0xb1: {  	s4 =	sshll.u32 @!p0 s4, $0x11;
	s6 =	sadd.s32 @!p0 $0x11B8D, s6;
	_ =	swait.eq @!p0 [sflag:s5], $0x1  }
0xb2: {  	s4 =	sor.u32 @!p0 s4, s6;
	[sflag:s5] =	ssyncadd.s32 @!p0 $0xFFFFFFFF  }
0xb3: {  	s25 =	simm.s32 $0x1B8E;
	s24 =	sld [smem:$0x3FFE];
	[sflag:s4] =	ssyncadd.remote.s32 @!p0 $0x1  }
0xb4: {  	s26 =	simm.s32 $execute0_lowered;
	[smem:$0x3FD2] =	sst s25  }
0xb5: {  	s5 =	sshll.u32 s26, $0x1;
	_ =	strace $0x80000049;
	[dreg:$0x1] =	wrdreg $0xFFFFFFFF  }
0xb6: {  	s28 =	simm.s32 $_size_execute0_lowered;
	s3 =	sadd.s32 s3, s5;
	[dreg:$0x0] =	wrdreg $0x0  }
0xb7: {  	s5 =	sshll.u32 s28, $0x1;
	[dreg:$0x2] =	wrdreg s3  }
0xb8: {  	[dreg:$0x3] =	wrdreg s5  }
0xb9: {  	[dreg:$0x4] =	wrdreg $0xC0  }
0xba: {  	_ =	task [dreg:s22], $0x5FFFF  }
0xbb: {  	[dreg:$0x1] =	wrdreg $0xFFFFFFFF  }
0xbc: {  	[dreg:$0x0] =	wrdreg $0x60  }
0xbd: {  	[dreg:$0x2] =	wrdreg s24  }
0xbe: {  	[dreg:$0x3] =	wrdreg $0xA9000  }
0xbf: {  	[dreg:$0x4] =	wrdreg $0xA  }
0xc0: {  	_ =	task.clear_ibuf [dreg:s22], $0x5FFFF;
	_ =	strace $0x90000049  }
0xc1: {  	s29 =	simm.s32 $0xA;
	_ =	strace $0x8000004B  }
0xc2: {  	_ =	swait.ge [sflag:s29], $0x1  }
0xc3: {  	[sflag:s29] =	ssyncadd.s32 $0xFFFFFFFF  }
0xc4: {  	_ =	strace $0x9000004B  }
0xc5: {  	_ =	sfence  }
0xc6: {  	s30 =	sld [smem:$0x0];
	_ =	sdelay $0x2  }
0xc7: {  	s31 =	sshll.u32 s1, $0xD;
	s1 =	sshrl.u32 s1, $0x2  }
0xc8: {  	s4 =	sand.u32 $0x4000, s31;
	s1 =	sadd.s32 s1, s30  }
0xc9: {  	s0 =	sor.u32 s4, s0;
	s1 =	sshll.u32 s1, $0x11  }
0xca: {  	s0 =	sor.u32 s1, s0  }
0xcb: {  	s0 =	sadd.s32 $0x8F2B, s0  }
0xcc: {  	[sflag:s0] =	ssyncadd.remote.s32 $0x1  }
0xcd: {  	_ =	sfence.sel $0xFFFF  }
0xce: {  	[dreg:$0x0] =	wrdreg $0xFFFFFFFF;
	(pc) =	sbr.abs _section_cstart, $3  }
0xcf: {  	[dreg:$0x1] =	wrdreg $0xFFFFFFFF  }
0xd0: {  	_ =	task.clear_ibuf [dreg:s22], $0x2FFFF;
	_ =	strace $0x9FFFFFFF  }
0xd1: {  	(tm) =	ssettm $0x7FFFFFFF  }
tec
execute0_lowered:
.L_overlay_start_1:
0x0: {  	(tag) =	ssettag $0x1  }
0x1: {  	s0 =	srdreg.scid;
	s6 =	rddreg [dreg:$0x0]  }
0x2: {  	s2 =	rddreg [dreg:$0x1];
	s3 =	simm.s32 $0x0;
	s17 =	simm.s32 $0x2900  }
0x3: {  	s18 =	simm.s32 $0x2800;
	s19 =	simm.s32 $0x6900;
	s20 =	simm.s32 $0x2880  }
0x4: {  	s21 =	simm.s32 $0x1;
	s22 =	simm.s32 $0x3;
	s23 =	simm.s32 $0x2  }
0x5: {  	s24 =	simm.s32 $0x4;
	s5 =	sand.u32 $0x1, s0;
	s0 =	stileid.u32  }
0x6: {  	s25 =	simm.s32 $0x0;
	[smem:$0x7FF] =	sst s3;
	s8 =	smul.u32 $0x2800, s0  }
0x7: {  	s12 =	sadd.s32 $0x74200, s6;
	s1 =	sshll.u32 s5, $0x4;
	s10 =	smul.u32 $0x28000, s5  }
0x8: {  	s5 =	ssub.s32 $0x2, s5;
	s11 =	smul.u32 $0x50000, s0;
	s31 =	sshll.u32 s0, $0x6  }
0x9: {  	s4 =	sor.u32 s0, s1;
	s1 =	rddreg [dreg:$0x2];
	_ =	strace $0x8000004A  }
0xa: {  	s26 =	sshrl.u32 s5, $0x1;
	s4 =	smul.u32 $0x2800, s4;
	s13 =	sadd.s32 s8, s6  }
0xb: {  	s10 =	sadd.s32 s8, s10;
	s15 =	ssub.s32 s5, s26;
	s28 =	sshrl.u32 s11, $0x2  }
0xc: {  	s14 =	sadd.s32 s10, s6;
	s16 =	sadd.s32 s28, s2;
	s29 =	sor.u32 $0x180, s10  }
0xd: {  	s30 =	sor.u32 $0x100, s10;
	s10 =	smax.u32 s15, $0x1;
	s7 =	sshrl.u32 s4, $0x3  }
0xe: {  	s4 =	sadd.s32 $0x1A200, s6;
	s11 =	sshrl.u32 s29, $0x3;
	s15 =	sshrl.u32 s16, $0x3  }
0xf: {  	s16 =	simm.s32 $0x80;
	s9 =	sadd.s32 s7, s6;
	s6 =	sadd.s32 s12, s7  }
0x10: {  	s7 =	sadd.s32 $0xCEA00, s13;
	s11 =	sadd.s32 s11, s12;
	s13 =	sshrl.u32 s30, $0x3  }
0x11: {  	s5 =	sadd.s32 $0x6A200, s9;
	s8 =	sadd.s32 $0x10, s6;
	s9 =	sadd.s32 $0xF6A00, s14  }
0x12: {  	s12 =	sadd.s32 s13, s12;
	s13 =	simm.s32 $0x5;
	s14 =	sor.u32 $0x1C05, s31  }
.LBB2_1:
0x13: {  	[tilespmem:s3], [sflag:$0x5] =	stream.linear.gather [hbm4b:s5+s3], $0x2800, $0x38;
	[tilespmem:$0x1E900] =	vst v63  }
0x14: {  	_ =	swait.ge [sflag:s13], $0x2800  }
0x15: {  	[sflag:s13] =	ssyncset.done $0x0  }
0x16: {  	[sflag:s13] =	ssyncadd.s32 $0xFFFFD800  }
0x17: {  	[spmem:s15], [sflag:s14] =	dma.local [hbm:s7], $0x2800  }
0x18: {  	_ =	swait.ge [sflag:s13], $0x2800  }
0x19: {  	[sflag:s13] =	ssyncset.done $0x0  }
0x1a: {  	[sflag:s13] =	ssyncadd.s32 $0xFFFFD800  }
0x1b: {  	[bflag:$0x0] =	sbarrier.arrive $0xFFFF  }
0x1c: {  	[tilespmem:s17], [sflag:$0x1] =	stream.indirect.gather [hbm4b:s4+s16], $0x80, s3, s16, $0xb8;
	[tilespmem:$0x1E900] =	vst v63  }
0x1d: {  	_ = 	snop  }
0x1e: {  	[tilespmem:s18], [sflag:$0x3] =	stream.linear.gather [hbm4b:s6+s3], $0x80, $0x38;
	[tilespmem:$0x1E900] =	vst v63  }
0x1f: {  	_ = 	snop  }
0x20: {  	[tilespmem:s19], [sflag:$0x2] =	stream.indirect.gather [hbm4b:s4+s16], $0x80, s16, s16, $0xb8;
	[tilespmem:$0x1E900] =	vst v63  }
0x21: {  	_ = 	snop  }
0x22: {  	[tilespmem:s20], [sflag:$0x4] =	stream.linear.gather [hbm4b:s8+s3], $0x80, $0x38;
	[tilespmem:$0x1E900] =	vst v63  }
0x23: {  	_ =	swait.ge [sflag:s21], $0x4000  }
0x24: {  	[sflag:s21] =	ssyncset.done $0x0  }
0x25: {  	[sflag:s21] =	ssyncadd.s32 $0xFFFFC000  }
0x26: {  	_ =	swait.ge [sflag:s22], $0x80  }
0x27: {  	[sflag:s22] =	ssyncset.done $0x0  }
0x28: {  	[sflag:s22] =	ssyncadd.s32 $0xFFFFFF80  }
0x29: {  	[spmem:s2] =	stream.indirect.scatter.add.f32 [tilespmem:s17], [sflag:$0x5], $0x80, s18, s16, $0xb8;
	[tilespmem:$0x1E900] =	vst v63  }
0x2a: {  	_ =	swait.ge [sflag:s13], $0x4000  }
0x2b: {  	[sflag:s13] =	ssyncset.done $0x0  }
0x2c: {  	s26 =	simm.s32 $0x100;
	[sflag:s13] =	ssyncadd.s32 $0xFFFFC000  }
0x2d: {  	[tilespmem:s17], [sflag:$0x1] =	stream.indirect.gather [hbm4b:s4+s16], $0x80, s26, s16, $0xb8;
	[tilespmem:$0x1E900] =	vst v63  }
0x2e: {  	s30 =	sadd.s32 $0x0, s12  }
0x2f: {  	[tilespmem:s18], [sflag:$0x3] =	stream.linear.gather [hbm4b:s30+s3], $0x80, $0x38;
	[tilespmem:$0x1E900] =	vst v63  }
0x30: {  	_ =	swait.ge [sflag:s23], $0x4000  }
0x31: {  	[sflag:s23] =	ssyncset.done $0x0  }
0x32: {  	[sflag:s23] =	ssyncadd.s32 $0xFFFFC000  }
0x33: {  	_ =	swait.ge [sflag:s24], $0x80  }
0x34: {  	[sflag:s24] =	ssyncset.done $0x0  }
0x35: {  	[sflag:s24] =	ssyncadd.s32 $0xFFFFFF80  }
0x36: {  	[spmem:s2] =	stream.indirect.scatter.add.f32 [tilespmem:s19], [sflag:$0x5], $0x80, s20, s16, $0xb8;
	[tilespmem:$0x1E900] =	vst v63  }
0x37: {  	_ =	swait.ge [sflag:s13], $0x4000  }
0x38: {  	s31 =	simm.s32 $0x180;
	s29 =	sadd.s32 $0x0, s11;
	[sflag:s13] =	ssyncset.done $0x0  }
0x39: {  	s28 =	simm.s32 $0x280;
	s26 =	simm.s32 $0x20;
	[sflag:s13] =	ssyncadd.s32 $0xFFFFC000  }
0x3a: {  	[tilespmem:s19], [sflag:$0x2] =	stream.indirect.gather [hbm4b:s4+s16], $0x80, s31, s16, $0xb8;
	[tilespmem:$0x1E900] =	vst v63  }
.LBB2_2:
0x3b: {  	[tilespmem:s20], [sflag:$0x4] =	stream.linear.gather [hbm4b:s29+s3], $0x80, $0x38;
	[tilespmem:$0x1E900] =	vst v63  }
0x3c: {  	s29 =	smov.u32 s26  }
0x3d: {  	p0 =	sne.s32 s26, $0x4C0;
	s26 =	sadd.s32 $0x20, s26;
	_ =	swait.ge [sflag:s21], $0x4000  }
0x3e: {  	[sflag:s21] =	ssyncset.done $0x0  }
0x3f: {  	[sflag:s21] =	ssyncadd.s32 $0xFFFFC000  }
0x40: {  	_ =	swait.ge [sflag:s22], $0x80  }
0x41: {  	[sflag:s22] =	ssyncset.done $0x0  }
0x42: {  	[sflag:s22] =	ssyncadd.s32 $0xFFFFFF80  }
0x43: {  	[spmem:s2] =	stream.indirect.scatter.add.f32 [tilespmem:s17], [sflag:$0x5], $0x80, s18, s16, $0xb8;
	[tilespmem:$0x1E900] =	vst v63  }
0x44: {  	_ =	swait.ge [sflag:s13], $0x4000  }
0x45: {  	[sflag:s13] =	ssyncset.done $0x0  }
0x46: {  	s30 =	sadd.s32 $0xFFFFFF80, s28;
	[sflag:s13] =	ssyncadd.s32 $0xFFFFC000  }
0x47: {  	[tilespmem:s17], [sflag:$0x1] =	stream.indirect.gather [hbm4b:s4+s16], $0x80, s30, s16, $0xb8;
	[tilespmem:$0x1E900] =	vst v63  }
0x48: {  	s30 =	sadd.s32 s29, s12  }
0x49: {  	[tilespmem:s18], [sflag:$0x3] =	stream.linear.gather [hbm4b:s30+s3], $0x80, $0x38;
	[tilespmem:$0x1E900] =	vst v63  }
0x4a: {  	_ =	swait.ge [sflag:s23], $0x4000  }
0x4b: {  	[sflag:s23] =	ssyncset.done $0x0  }
0x4c: {  	[sflag:s23] =	ssyncadd.s32 $0xFFFFC000  }
0x4d: {  	_ =	swait.ge [sflag:s24], $0x80  }
0x4e: {  	[sflag:s24] =	ssyncset.done $0x0  }
0x4f: {  	[sflag:s24] =	ssyncadd.s32 $0xFFFFFF80  }
0x50: {  	[spmem:s2] =	stream.indirect.scatter.add.f32 [tilespmem:s19], [sflag:$0x5], $0x80, s20, s16, $0xb8;
	[tilespmem:$0x1E900] =	vst v63  }
.Ltmp0:
0x51: {  	_ =	swait.ge [sflag:s13], $0x4000;
	(pc) =	sbr.rel @p0 .LBB2_2-.Ltmp0, $4  }
0x52: {  	[sflag:s13] =	ssyncset.done $0x0  }
0x53: {  	[sflag:s13] =	ssyncadd.s32 $0xFFFFC000  }
0x54: {  	[tilespmem:s19], [sflag:$0x2] =	stream.indirect.gather [hbm4b:s4+s16], $0x80, s28, s16, $0xb8;
	[tilespmem:$0x1E900] =	vst v63  }
0x55: {  	s29 =	sadd.s32 s29, s11;
	s28 =	sadd.s32 $0x100, s28  }
0x56: {  	[tilespmem:s20], [sflag:$0x4] =	stream.linear.gather [hbm4b:s29+s3], $0x80, $0x38;
	[tilespmem:$0x1E900] =	vst v63  }
0x57: {  	_ =	swait.ge [sflag:s21], $0x4000  }
0x58: {  	[sflag:s21] =	ssyncset.done $0x0  }
0x59: {  	[sflag:s21] =	ssyncadd.s32 $0xFFFFC000  }
0x5a: {  	_ =	swait.ge [sflag:s22], $0x80  }
0x5b: {  	[sflag:s22] =	ssyncset.done $0x0  }
0x5c: {  	[sflag:s22] =	ssyncadd.s32 $0xFFFFFF80  }
0x5d: {  	[spmem:s2] =	stream.indirect.scatter.add.f32 [tilespmem:s17], [sflag:$0x5], $0x80, s18, s16, $0xb8;
	[tilespmem:$0x1E900] =	vst v63  }
0x5e: {  	_ =	swait.ge [sflag:s13], $0x4000  }
0x5f: {  	[sflag:s13] =	ssyncset.done $0x0  }
0x60: {  	[sflag:s13] =	ssyncadd.s32 $0xFFFFC000  }
0x61: {  	_ =	swait.ge [sflag:s23], $0x4000  }
0x62: {  	[sflag:s23] =	ssyncset.done $0x0  }
0x63: {  	[sflag:s23] =	ssyncadd.s32 $0xFFFFC000  }
0x64: {  	_ =	swait.ge [sflag:s24], $0x80  }
0x65: {  	[sflag:s24] =	ssyncset.done $0x0  }
0x66: {  	[sflag:s24] =	ssyncadd.s32 $0xFFFFFF80  }
0x67: {  	[spmem:s2] =	stream.indirect.scatter.add.f32 [tilespmem:s19], [sflag:$0x5], $0x80, s20, s16, $0xb8;
	[tilespmem:$0x1E900] =	vst v63  }
0x68: {  	_ =	swait.ge [sflag:s13], $0x4000  }
0x69: {  	s25 =	sadd.s32 $0x1, s25;
	[sflag:s13] =	ssyncset.done $0x0  }
0x6a: {  	p0 =	sne.s32 s25, s10;
	[sflag:s13] =	ssyncadd.s32 $0xFFFFC000  }
.Ltmp1:
0x6b: {  	[bflag:$0x0] =	sbarrier.arrive $0xFFFF;
	(pc) =	sbr.rel @p0 .LBB2_1-.Ltmp1, $4  }
0x6c: {  	[hbm:s9], [sflag:s14] =	dma.local [spmem:s15], $0x2800  }
0x6d: {  	_ =	swait.ge [sflag:s13], $0x2800  }
0x6e: {  	[sflag:s13] =	ssyncset.done $0x0  }
0x6f: {  	[sflag:s13] =	ssyncadd.s32 $0xFFFFD800  }
0x70: {  	_ =	sfence.sel $0x180000  }
0x71: {  	[bflag:$0x0] =	sbarrier.arrive $0xFFFF  }
0x72: {  	p0 =	sne.s32 s0, $0x0;
	_ =	strace $0x9000004A  }
0x73: {  	s0 =	sadd.s32 @!p0 $0x100000, s1;
	[bflag:$0x2] =	sbarrier.arrive $0xFFFF  }
0x74: {  	[sflag:s0] =	ssyncadd.tile.s32 @!p0 $0x1;
	_ =	shalt  }
.Lfunc_end2:
_tile_overlayer_lowered:
.L_overlay_start_2:
0x75: {  	(tag) =	ssettag $0x2  }
0x76: {  	s0 =	rddreg [dreg:$0x0];
	s2 =	stileid.u32  }
0x77: {  	s1 =	rddreg [dreg:$0x1];
	p0 =	sne.s32 s2, $0x0  }
0x78: {  	s3 =	rddreg [dreg:$0x2];
	[bflag:$0x3] =	sbarrier.arrive $0xFFFF;
	s2 =	simm.s32 @!p0 $0x1C05  }
0x79: {  	[timem:s3], [sflag:s2] =	dma.local @!p0 [hbm:s0], s1  }
0x7a: {  	s0 =	simm.s32 @!p0 $0x5  }
0x7b: {  	_ =	swait.ge @!p0 [sflag:s0], s1  }
0x7c: {  	s1 =	ssub.s32 @!p0 $0x0, s1;
	[sflag:s0] =	ssyncset.done @!p0 $0x0  }
0x7d: {  	[sflag:s0] =	ssyncadd.s32 @!p0 s1  }
0x7e: {  	[bflag:$0x3] =	sbarrier.arrive $0xFFFF  }
0x7f: {  	_ =	shalt  }

// kernel: kernel.27.cloned.1.call-start
scs
__scs_entry_jumppad:
0x0: {  	(pc) =	sbr.rel $0x88, $3  }
0x1: {  	(tag) =	ssettag $0x0;
	lr =	simm.s32 $0x1  }
0x2: {  	[smem:$0x3F35] =	sst lr;
	_ =	strace $0xD0000000  }
0x3: {  	_ = 	snop  }
0x4: {  	_ = 	snop  }
0x5: {  	_ = 	snop  }
0x6: {  	_ = 	snop  }
0x7: {  	_ = 	snop  }
__scs_overlays_trampoline_lowered:
0x8: {  	[smem:$0x3F44] =	sst s0  }
0x9: {  	[smem:$0x3F45] =	sst s1  }
0xa: {  	[smem:$0x3F46] =	sst s2  }
0xb: {  	[smem:$0x3F47] =	sst s3  }
0xc: {  	[smem:$0x3F48] =	sst s4  }
0xd: {  	[smem:$0x3F49] =	sst s5  }
0xe: {  	[smem:$0x3F4A] =	sst s6  }
0xf: {  	[smem:$0x3F4B] =	sst s7  }
0x10: {  	[smem:$0x3F4C] =	sst s8  }
0x11: {  	[smem:$0x3F4D] =	sst s9;
	s0 =	simm.s32 @!p0 $0x0  }
0x12: {  	s1 =	sld [smem:$0x3F33];
	s0 =	simm.s32 @p0 $0x1  }
0x13: {  	[smem:$0x3F4E] =	sst s0;
	s0 =	simm.s32 @!p1 $0x0  }
0x14: {  	s2 =	sld [smem:$0x3F32];
	s0 =	simm.s32 @p1 $0x1  }
0x15: {  	[smem:$0x3F4F] =	sst s0;
	s0 =	simm.s32 @!p2 $0x0  }
0x16: {  	s3 =	sld [smem:$0x3FDB];
	s0 =	simm.s32 @p2 $0x1  }
0x17: {  	s4 =	simm.s32 $0x1BF5;
	[smem:$0x3F51] =	sst s0  }
0x18: {  	s0 =	sld [smem:$0x3F34];
	_ =	swait.ge [sflag:s4], $0x0  }
0x19: {  	s7 =	sld [smem:$0x3F35]  }
0x1a: {  	s8 =	sadd.s32 $0xFFFFE003, lr  }
0x1b: {  	s9 =	sadd.s32 $0xFFFFFEF7, lr;
	s5 =	simm.s32 $0xFFFFFFFF;
	p2 =	slt.u32 s8, $0xFFFFF086  }
0x1c: {  	p1 =	slt.u32 s9, $0xF7A;
	s5 =	simm.s32 @!p2 $0x0  }
0x1d: {  	s5 =	simm.s32 @p1 $0x1;
	p0 =	seq.s32 s7, s2  }
0x1e: {  	s7 =	smul.u32 @!p0 $0xF7A, s2;
	p2 =	seq.s32 @!p0 s5, $0x0  }
0x1f: {  	s9 =	smul.u32 $0xF7A, s1;
	s8 =	simm.s32 @!p0 $0x1BF5;
	p2 =	por !p2, p0  }
0x20: {  	[sflag:s8] =	ssyncset.s32 @!p0 $0xFFFFF086;
	s6 =	sadd.s32 @!p0 s3, s7;
	s7 =	simm.s32 @!p0 $0x108  }
0x21: {  	s3 =	sadd.s32 s3, s9;
	s6 =	sadd.s32 @!p0 $0x88, s6;
	s7 =	simm.s32 @p2 $0x1082  }
0x22: {  	[simem:s7], [sflag:s8] =	dma.local @!p0 [hbm:s6], $0xF7A  }
0x23: {  	s9 =	sor.u32 $0xD0000000, s2;
	s6 =	simm.s32 $0x108;
	_ =	swait.ge @!p0 [sflag:s8], $0x0  }
0x24: {  	s3 =	sadd.s32 $0x88, s3;
	s6 =	simm.s32 @!p1 $0x1082;
	[sflag:s4] =	ssyncset.s32 $0xFFFFF086  }
0x25: {  	[simem:s6], [sflag:s4] =	dma.local [hbm:s3], $0xF7A  }
0x26: {  	[smem:$0x3F35] =	sst s1;
	(tag) =	ssettag s2;
	_ =	strace s9  }
0x27: {  	s1 =	sld [smem:$0x3F45]  }
0x28: {  	s2 =	sld [smem:$0x3F46]  }
0x29: {  	s4 =	sld [smem:$0x3F48]  }
0x2a: {  	p0 =	seq.s32 s5, $0x0;
	s5 =	sld [smem:$0x3F49]  }
0x2b: {  	s6 =	sld [smem:$0x3F4A]  }
0x2c: {  	s7 =	sld [smem:$0x3F4B]  }
0x2d: {  	s3 =	simm.s32 $0x108;
	s8 =	sld [smem:$0x3F4C]  }
0x2e: {  	s3 =	simm.s32 @!p0 $0x1082;
	s9 =	sld [smem:$0x3F4D]  }
0x2f: {  	lr =	sadd.s32 s0, s3;
	s0 =	sld [smem:$0x3F44]  }
0x30: {  	s3 =	sld [smem:$0x3F47]  }
0x31: {  	[smem:$0x3F50] =	sst s10  }
0x32: {  	s10 =	sld [smem:$0x3F4E];
	_ =	sdelay $0x3  }
0x33: {  	p0 =	seq.s32 s10, $0x1;
	s10 =	sld [smem:$0x3F50];
	_ =	sdelay $0x3  }
0x34: {  	[smem:$0x3F50] =	sst s10  }
0x35: {  	s10 =	sld [smem:$0x3F4F];
	_ =	sdelay $0x3  }
0x36: {  	p1 =	seq.s32 s10, $0x1;
	s10 =	sld [smem:$0x3F50];
	_ =	sdelay $0x3  }
0x37: {  	[smem:$0x3F50] =	sst s10  }
0x38: {  	s10 =	sld [smem:$0x3F51]  }
0x39: {  	_ = 	snop;
	(pc) =	sbr.ind lr, $3  }
0x3a: {  	_ = 	snop  }
0x3b: {  	_ = 	snop  }
0x3c: {  	p2 =	seq.s32 s10, $0x1;
	s10 =	sld [smem:$0x3F50]  }
0x3d: {  	_ =	shalt  }
0x3e: {  	_ =	shalt  }
0x3f: {  	_ =	shalt  }
0x40: {  	_ =	shalt  }
0x41: {  	_ =	shalt  }
0x42: {  	_ =	shalt  }
0x43: {  	_ =	shalt  }
0x44: {  	_ =	shalt  }
0x45: {  	_ =	shalt  }
0x46: {  	_ =	shalt  }
0x47: {  	_ =	shalt  }
0x48: {  	_ =	shalt  }
0x49: {  	_ =	shalt  }
0x4a: {  	_ =	shalt  }
0x4b: {  	_ =	shalt  }
0x4c: {  	_ =	shalt  }
0x4d: {  	_ =	shalt  }
0x4e: {  	_ =	shalt  }
0x4f: {  	_ =	shalt  }
0x50: {  	_ =	shalt  }
0x51: {  	_ =	shalt  }
0x52: {  	_ =	shalt  }
0x53: {  	_ =	shalt  }
0x54: {  	_ =	shalt  }
0x55: {  	_ =	shalt  }
0x56: {  	_ =	shalt  }
0x57: {  	_ =	shalt  }
0x58: {  	_ =	shalt  }
0x59: {  	_ =	shalt  }
0x5a: {  	_ =	shalt  }
0x5b: {  	_ =	shalt  }
0x5c: {  	_ =	shalt  }
0x5d: {  	_ =	shalt  }
0x5e: {  	_ =	shalt  }
0x5f: {  	_ =	shalt  }
0x60: {  	_ =	shalt  }
0x61: {  	_ =	shalt  }
0x62: {  	_ =	shalt  }
0x63: {  	_ =	shalt  }
0x64: {  	_ =	shalt  }
0x65: {  	_ =	shalt  }
0x66: {  	_ =	shalt  }
0x67: {  	_ =	shalt  }
0x68: {  	_ =	shalt  }
0x69: {  	_ =	shalt  }
0x6a: {  	_ =	shalt  }
0x6b: {  	_ =	shalt  }
0x6c: {  	_ =	shalt  }
0x6d: {  	_ =	shalt  }
0x6e: {  	_ =	shalt  }
0x6f: {  	_ =	shalt  }
0x70: {  	_ =	shalt  }
0x71: {  	_ =	shalt  }
0x72: {  	_ =	shalt  }
0x73: {  	_ =	shalt  }
0x74: {  	_ =	shalt  }
0x75: {  	_ =	shalt  }
0x76: {  	_ =	shalt  }
0x77: {  	_ =	shalt  }
0x78: {  	_ =	shalt  }
0x79: {  	_ =	shalt  }
0x7a: {  	_ =	shalt  }
0x7b: {  	_ =	shalt  }
0x7c: {  	_ =	shalt  }
0x7d: {  	_ =	shalt  }
0x7e: {  	_ =	shalt  }
0x7f: {  	_ =	shalt  }
0x80: {  	_ =	shalt  }
0x81: {  	_ =	shalt  }
0x82: {  	_ =	shalt  }
0x83: {  	_ =	shalt  }
0x84: {  	_ =	shalt  }
0x85: {  	_ =	shalt  }
0x86: {  	_ =	shalt  }
0x87: {  	_ =	shalt  }
.Lfunc_end0:
.L_simem_size_0:
called_computation.2_lowered:
.L_overlay_start_0:
0x88: {  	s2 =	sld [smem:$0x3FD9]  }
0x89: {  	s3 =	sld [smem:$0x3FFE];
	_ =	sdelay $0x1  }
0x8a: {  	s1 =	srdreg.scid  }
0x8b: {  	s0 =	sand.u32 $0x1, s1  }
0x8c: {  	s16 =	sshll.u32 s0, $0xA;
	s2 =	sadd.s32 s3, s2  }
0x8d: {  	s2 =	sadd.s32 s2, s16  }
0x8e: {  	[smem:$0x3F5C] =	sst s2  }
0x8f: {  	_ = 	snop  }
0x90: {  	(tm) =	ssettm $0x1  }
0x91: {  	s17 =	sld [smem:$0x3FFB];
	_ =	sdelay $0x3  }
0x92: {  	_ =	strace s17  }
0x93: {  	s2 =	sld [smem:$0x3FFC];
	_ =	sdelay $0x3  }
0x94: {  	_ =	strace s2  }
0x95: {  	s2 =	sld [smem:$0x3FFD];
	_ =	sdelay $0x3  }
0x96: {  	_ =	strace s2  }
0x97: {  	_ =	strace $0x8FFFFFFF  }
0x98: {  	s18 =	sld [smem:$0x3FDB];
	_ =	sdelay $0x1  }
0x99: {  	s19 =	simm.s32 $_scs_section_size  }
0x9a: {  	s4 =	simm.s32 $_size__tile_overlayer_lowered;
	s5 =	simm.s32 $_tile_overlayer_lowered  }
0x9b: {  	s22 =	simm.s32 $0x1BFF;
	s21 =	sshll.u32 s5, $0x1;
	s2 =	sadd.s32 s19, s18  }
0x9c: {  	s6 =	simm.s32 $0x0;
	s20 =	sshll.u32 s4, $0x1;
	s4 =	sadd.s32 s21, s2  }
0x9d: {  	[timem:s6], [sflag:s22] =	dma.local [hbm:s4], s20  }
0x9e: {  	_ =	swait.ge [sflag:s22], s20  }
0x9f: {  	s3 =	ssub.s32 $0x0, s20;
	[sflag:s22] =	ssyncset.done $0x0  }
0xa0: {  	[sflag:s22] =	ssyncadd.s32 s3;
	_ =	sdelay $0x1  }
0xa1: {  	s23 =	simm.s32 $0x1B8B  }
0xa2: {  	_ =	swait.ge [sflag:s23], $0x1  }
0xa3: {  	[sflag:s23] =	ssyncset.done $0x0  }
0xa4: {  	s25 =	simm.s32 $0x1B8E;
	s24 =	sld [smem:$0x3FFE];
	[sflag:s23] =	ssyncadd.s32 $0xFFFFFFFF  }
0xa5: {  	s26 =	simm.s32 $execute0_lowered;
	[smem:$0x3FD2] =	sst s25  }
0xa6: {  	s4 =	sshll.u32 s26, $0x1;
	_ =	strace $0x8000004C;
	[dreg:$0x1] =	wrdreg $0xFFFFFFFF  }
0xa7: {  	s28 =	simm.s32 $_size_execute0_lowered;
	s2 =	sadd.s32 s2, s4;
	[dreg:$0x0] =	wrdreg $0x0  }
0xa8: {  	s4 =	sshll.u32 s28, $0x1;
	[dreg:$0x2] =	wrdreg s2  }
0xa9: {  	[dreg:$0x3] =	wrdreg s4  }
0xaa: {  	[dreg:$0x4] =	wrdreg $0xC0  }
0xab: {  	_ =	task [dreg:s6], $0x5FFFF  }
0xac: {  	[dreg:$0x1] =	wrdreg $0xFFFFFFFF  }
0xad: {  	[dreg:$0x0] =	wrdreg $0x60  }
0xae: {  	[dreg:$0x2] =	wrdreg s24  }
0xaf: {  	[dreg:$0x3] =	wrdreg $0xA9000  }
0xb0: {  	[dreg:$0x4] =	wrdreg $0x9  }
0xb1: {  	_ =	task.clear_ibuf [dreg:s6], $0x5FFFF;
	_ =	strace $0x9000004C  }
0xb2: {  	s29 =	simm.s32 $0x9;
	_ =	strace $0x8000004E  }
0xb3: {  	_ =	swait.ge [sflag:s29], $0x1  }
0xb4: {  	[sflag:s29] =	ssyncadd.s32 $0xFFFFFFFF  }
0xb5: {  	_ =	strace $0x9000004E  }
0xb6: {  	_ =	sfence  }
0xb7: {  	s30 =	sld [smem:$0x0];
	_ =	sdelay $0x2  }
0xb8: {  	s31 =	sshll.u32 s1, $0xD;
	s1 =	sshrl.u32 s1, $0x2  }
0xb9: {  	s3 =	sand.u32 $0x4000, s31;
	s1 =	sadd.s32 s1, s30  }
0xba: {  	s0 =	sor.u32 s3, s0;
	s1 =	sshll.u32 s1, $0x11  }
0xbb: {  	s0 =	sor.u32 s1, s0  }
0xbc: {  	s0 =	sadd.s32 $0x8F2B, s0  }
0xbd: {  	[sflag:s0] =	ssyncadd.remote.s32 $0x1  }
0xbe: {  	_ =	sfence.sel $0xFFFF  }
0xbf: {  	[dreg:$0x0] =	wrdreg $0xFFFFFFFF;
	(pc) =	sbr.abs _section_cstart, $3  }
0xc0: {  	[dreg:$0x1] =	wrdreg $0xFFFFFFFF  }
0xc1: {  	_ =	task.clear_ibuf [dreg:s6], $0x2FFFF;
	_ =	strace $0x9FFFFFFF  }
0xc2: {  	(tm) =	ssettm $0x7FFFFFFF  }
0xc3: {  	_ =	shalt  }
tec
execute0_lowered:
.L_overlay_start_1:
0x0: {  	(tag) =	ssettag $0x1  }
0x1: {  	s0 =	srdreg.scid;
	s6 =	rddreg [dreg:$0x0]  }
0x2: {  	s2 =	rddreg [dreg:$0x1];
	s3 =	simm.s32 $0x0;
	s17 =	simm.s32 $0x2900  }
0x3: {  	s18 =	simm.s32 $0x2800;
	s19 =	simm.s32 $0x6900;
	s20 =	simm.s32 $0x2880  }
0x4: {  	s21 =	simm.s32 $0x1;
	s22 =	simm.s32 $0x3;
	s23 =	simm.s32 $0x2  }
0x5: {  	s24 =	simm.s32 $0x4;
	s5 =	sand.u32 $0x1, s0;
	s0 =	stileid.u32  }
0x6: {  	s25 =	simm.s32 $0x0;
	[smem:$0x7FF] =	sst s3;
	s8 =	smul.u32 $0x2800, s0  }
0x7: {  	s12 =	sadd.s32 $0x74200, s6;
	s1 =	sshll.u32 s5, $0x4;
	s10 =	smul.u32 $0x28000, s5  }
0x8: {  	s5 =	ssub.s32 $0x2, s5;
	s11 =	smul.u32 $0x50000, s0;
	s31 =	sshll.u32 s0, $0x6  }
0x9: {  	s4 =	sor.u32 s0, s1;
	s1 =	rddreg [dreg:$0x2];
	_ =	strace $0x8000004D  }
0xa: {  	s26 =	sshrl.u32 s5, $0x1;
	s4 =	smul.u32 $0x2800, s4;
	s13 =	sadd.s32 s8, s6  }
0xb: {  	s10 =	sadd.s32 s8, s10;
	s15 =	ssub.s32 s5, s26;
	s28 =	sshrl.u32 s11, $0x2  }
0xc: {  	s14 =	sadd.s32 s10, s6;
	s16 =	sadd.s32 s28, s2;
	s29 =	sor.u32 $0x180, s10  }
0xd: {  	s30 =	sor.u32 $0x100, s10;
	s10 =	smax.u32 s15, $0x1;
	s7 =	sshrl.u32 s4, $0x3  }
0xe: {  	s4 =	sadd.s32 $0xF6A00, s6;
	s11 =	sshrl.u32 s29, $0x3;
	s15 =	sshrl.u32 s16, $0x3  }
0xf: {  	s16 =	simm.s32 $0x80;
	s9 =	sadd.s32 s7, s6;
	s6 =	sadd.s32 s12, s7  }
0x10: {  	s7 =	sadd.s32 $0xCEA00, s13;
	s11 =	sadd.s32 s11, s12;
	s13 =	sshrl.u32 s30, $0x3  }
0x11: {  	s5 =	sadd.s32 $0x6A200, s9;
	s8 =	sadd.s32 $0x10, s6;
	s9 =	sadd.s32 $0x7E200, s14  }
0x12: {  	s12 =	sadd.s32 s13, s12;
	s13 =	simm.s32 $0x5;
	s14 =	sor.u32 $0x1C05, s31  }
.LBB2_1:
0x13: {  	[tilespmem:s3], [sflag:$0x5] =	stream.linear.gather [hbm4b:s5+s3], $0x2800, $0x38;
	[tilespmem:$0x1E900] =	vst v63  }
0x14: {  	_ =	swait.ge [sflag:s13], $0x2800  }
0x15: {  	[sflag:s13] =	ssyncset.done $0x0  }
0x16: {  	[sflag:s13] =	ssyncadd.s32 $0xFFFFD800  }
0x17: {  	[spmem:s15], [sflag:s14] =	dma.local [hbm:s7], $0x2800  }
0x18: {  	_ =	swait.ge [sflag:s13], $0x2800  }
0x19: {  	[sflag:s13] =	ssyncset.done $0x0  }
0x1a: {  	[sflag:s13] =	ssyncadd.s32 $0xFFFFD800  }
0x1b: {  	[bflag:$0x0] =	sbarrier.arrive $0xFFFF  }
0x1c: {  	[tilespmem:s17], [sflag:$0x1] =	stream.indirect.gather [hbm4b:s4+s16], $0x80, s3, s16, $0xb8;
	[tilespmem:$0x1E900] =	vst v63  }
0x1d: {  	_ = 	snop  }
0x1e: {  	[tilespmem:s18], [sflag:$0x3] =	stream.linear.gather [hbm4b:s6+s3], $0x80, $0x38;
	[tilespmem:$0x1E900] =	vst v63  }
0x1f: {  	_ = 	snop  }
0x20: {  	[tilespmem:s19], [sflag:$0x2] =	stream.indirect.gather [hbm4b:s4+s16], $0x80, s16, s16, $0xb8;
	[tilespmem:$0x1E900] =	vst v63  }
0x21: {  	_ = 	snop  }
0x22: {  	[tilespmem:s20], [sflag:$0x4] =	stream.linear.gather [hbm4b:s8+s3], $0x80, $0x38;
	[tilespmem:$0x1E900] =	vst v63  }
0x23: {  	_ =	swait.ge [sflag:s21], $0x4000  }
0x24: {  	[sflag:s21] =	ssyncset.done $0x0  }
0x25: {  	[sflag:s21] =	ssyncadd.s32 $0xFFFFC000  }
0x26: {  	_ =	swait.ge [sflag:s22], $0x80  }
0x27: {  	[sflag:s22] =	ssyncset.done $0x0  }
0x28: {  	[sflag:s22] =	ssyncadd.s32 $0xFFFFFF80  }
0x29: {  	[spmem:s2] =	stream.indirect.scatter.add.f32 [tilespmem:s17], [sflag:$0x5], $0x80, s18, s16, $0xb8;
	[tilespmem:$0x1E900] =	vst v63  }
0x2a: {  	_ =	swait.ge [sflag:s13], $0x4000  }
0x2b: {  	[sflag:s13] =	ssyncset.done $0x0  }
0x2c: {  	s26 =	simm.s32 $0x100;
	[sflag:s13] =	ssyncadd.s32 $0xFFFFC000  }
0x2d: {  	[tilespmem:s17], [sflag:$0x1] =	stream.indirect.gather [hbm4b:s4+s16], $0x80, s26, s16, $0xb8;
	[tilespmem:$0x1E900] =	vst v63  }
0x2e: {  	s30 =	sadd.s32 $0x0, s12  }
0x2f: {  	[tilespmem:s18], [sflag:$0x3] =	stream.linear.gather [hbm4b:s30+s3], $0x80, $0x38;
	[tilespmem:$0x1E900] =	vst v63  }
0x30: {  	_ =	swait.ge [sflag:s23], $0x4000  }
0x31: {  	[sflag:s23] =	ssyncset.done $0x0  }
0x32: {  	[sflag:s23] =	ssyncadd.s32 $0xFFFFC000  }
0x33: {  	_ =	swait.ge [sflag:s24], $0x80  }
0x34: {  	[sflag:s24] =	ssyncset.done $0x0  }
0x35: {  	[sflag:s24] =	ssyncadd.s32 $0xFFFFFF80  }
0x36: {  	[spmem:s2] =	stream.indirect.scatter.add.f32 [tilespmem:s19], [sflag:$0x5], $0x80, s20, s16, $0xb8;
	[tilespmem:$0x1E900] =	vst v63  }
0x37: {  	_ =	swait.ge [sflag:s13], $0x4000  }
0x38: {  	s31 =	simm.s32 $0x180;
	s29 =	sadd.s32 $0x0, s11;
	[sflag:s13] =	ssyncset.done $0x0  }
0x39: {  	s28 =	simm.s32 $0x280;
	s26 =	simm.s32 $0x20;
	[sflag:s13] =	ssyncadd.s32 $0xFFFFC000  }
0x3a: {  	[tilespmem:s19], [sflag:$0x2] =	stream.indirect.gather [hbm4b:s4+s16], $0x80, s31, s16, $0xb8;
	[tilespmem:$0x1E900] =	vst v63  }
.LBB2_2:
0x3b: {  	[tilespmem:s20], [sflag:$0x4] =	stream.linear.gather [hbm4b:s29+s3], $0x80, $0x38;
	[tilespmem:$0x1E900] =	vst v63  }
0x3c: {  	s29 =	smov.u32 s26  }
0x3d: {  	p0 =	sne.s32 s26, $0x4C0;
	s26 =	sadd.s32 $0x20, s26;
	_ =	swait.ge [sflag:s21], $0x4000  }
0x3e: {  	[sflag:s21] =	ssyncset.done $0x0  }
0x3f: {  	[sflag:s21] =	ssyncadd.s32 $0xFFFFC000  }
0x40: {  	_ =	swait.ge [sflag:s22], $0x80  }
0x41: {  	[sflag:s22] =	ssyncset.done $0x0  }
0x42: {  	[sflag:s22] =	ssyncadd.s32 $0xFFFFFF80  }
0x43: {  	[spmem:s2] =	stream.indirect.scatter.add.f32 [tilespmem:s17], [sflag:$0x5], $0x80, s18, s16, $0xb8;
	[tilespmem:$0x1E900] =	vst v63  }
0x44: {  	_ =	swait.ge [sflag:s13], $0x4000  }
0x45: {  	[sflag:s13] =	ssyncset.done $0x0  }
0x46: {  	s30 =	sadd.s32 $0xFFFFFF80, s28;
	[sflag:s13] =	ssyncadd.s32 $0xFFFFC000  }
0x47: {  	[tilespmem:s17], [sflag:$0x1] =	stream.indirect.gather [hbm4b:s4+s16], $0x80, s30, s16, $0xb8;
	[tilespmem:$0x1E900] =	vst v63  }
0x48: {  	s30 =	sadd.s32 s29, s12  }
0x49: {  	[tilespmem:s18], [sflag:$0x3] =	stream.linear.gather [hbm4b:s30+s3], $0x80, $0x38;
	[tilespmem:$0x1E900] =	vst v63  }
0x4a: {  	_ =	swait.ge [sflag:s23], $0x4000  }
0x4b: {  	[sflag:s23] =	ssyncset.done $0x0  }
0x4c: {  	[sflag:s23] =	ssyncadd.s32 $0xFFFFC000  }
0x4d: {  	_ =	swait.ge [sflag:s24], $0x80  }
0x4e: {  	[sflag:s24] =	ssyncset.done $0x0  }
0x4f: {  	[sflag:s24] =	ssyncadd.s32 $0xFFFFFF80  }
0x50: {  	[spmem:s2] =	stream.indirect.scatter.add.f32 [tilespmem:s19], [sflag:$0x5], $0x80, s20, s16, $0xb8;
	[tilespmem:$0x1E900] =	vst v63  }
.Ltmp0:
0x51: {  	_ =	swait.ge [sflag:s13], $0x4000;
	(pc) =	sbr.rel @p0 .LBB2_2-.Ltmp0, $4  }
0x52: {  	[sflag:s13] =	ssyncset.done $0x0  }
0x53: {  	[sflag:s13] =	ssyncadd.s32 $0xFFFFC000  }
0x54: {  	[tilespmem:s19], [sflag:$0x2] =	stream.indirect.gather [hbm4b:s4+s16], $0x80, s28, s16, $0xb8;
	[tilespmem:$0x1E900] =	vst v63  }
0x55: {  	s29 =	sadd.s32 s29, s11;
	s28 =	sadd.s32 $0x100, s28  }
0x56: {  	[tilespmem:s20], [sflag:$0x4] =	stream.linear.gather [hbm4b:s29+s3], $0x80, $0x38;
	[tilespmem:$0x1E900] =	vst v63  }
0x57: {  	_ =	swait.ge [sflag:s21], $0x4000  }
0x58: {  	[sflag:s21] =	ssyncset.done $0x0  }
0x59: {  	[sflag:s21] =	ssyncadd.s32 $0xFFFFC000  }
0x5a: {  	_ =	swait.ge [sflag:s22], $0x80  }
0x5b: {  	[sflag:s22] =	ssyncset.done $0x0  }
0x5c: {  	[sflag:s22] =	ssyncadd.s32 $0xFFFFFF80  }
0x5d: {  	[spmem:s2] =	stream.indirect.scatter.add.f32 [tilespmem:s17], [sflag:$0x5], $0x80, s18, s16, $0xb8;
	[tilespmem:$0x1E900] =	vst v63  }
0x5e: {  	_ =	swait.ge [sflag:s13], $0x4000  }
0x5f: {  	[sflag:s13] =	ssyncset.done $0x0  }
0x60: {  	[sflag:s13] =	ssyncadd.s32 $0xFFFFC000  }
0x61: {  	_ =	swait.ge [sflag:s23], $0x4000  }
0x62: {  	[sflag:s23] =	ssyncset.done $0x0  }
0x63: {  	[sflag:s23] =	ssyncadd.s32 $0xFFFFC000  }
0x64: {  	_ =	swait.ge [sflag:s24], $0x80  }
0x65: {  	[sflag:s24] =	ssyncset.done $0x0  }
0x66: {  	[sflag:s24] =	ssyncadd.s32 $0xFFFFFF80  }
0x67: {  	[spmem:s2] =	stream.indirect.scatter.add.f32 [tilespmem:s19], [sflag:$0x5], $0x80, s20, s16, $0xb8;
	[tilespmem:$0x1E900] =	vst v63  }
0x68: {  	_ =	swait.ge [sflag:s13], $0x4000  }
0x69: {  	s25 =	sadd.s32 $0x1, s25;
	[sflag:s13] =	ssyncset.done $0x0  }
0x6a: {  	p0 =	sne.s32 s25, s10;
	[sflag:s13] =	ssyncadd.s32 $0xFFFFC000  }
.Ltmp1:
0x6b: {  	[bflag:$0x0] =	sbarrier.arrive $0xFFFF;
	(pc) =	sbr.rel @p0 .LBB2_1-.Ltmp1, $4  }
0x6c: {  	[hbm:s9], [sflag:s14] =	dma.local [spmem:s15], $0x2800  }
0x6d: {  	_ =	swait.ge [sflag:s13], $0x2800  }
0x6e: {  	[sflag:s13] =	ssyncset.done $0x0  }
0x6f: {  	[sflag:s13] =	ssyncadd.s32 $0xFFFFD800  }
0x70: {  	_ =	sfence.sel $0x180000  }
0x71: {  	[bflag:$0x0] =	sbarrier.arrive $0xFFFF  }
0x72: {  	p0 =	sne.s32 s0, $0x0;
	_ =	strace $0x9000004D  }
0x73: {  	s0 =	sadd.s32 @!p0 $0x100000, s1;
	[bflag:$0x2] =	sbarrier.arrive $0xFFFF  }
0x74: {  	[sflag:s0] =	ssyncadd.tile.s32 @!p0 $0x1;
	_ =	shalt  }
.Lfunc_end2:
_tile_overlayer_lowered:
.L_overlay_start_2:
0x75: {  	(tag) =	ssettag $0x2  }
0x76: {  	s0 =	rddreg [dreg:$0x0];
	s2 =	stileid.u32  }
0x77: {  	s1 =	rddreg [dreg:$0x1];
	p0 =	sne.s32 s2, $0x0  }
0x78: {  	s3 =	rddreg [dreg:$0x2];
	[bflag:$0x3] =	sbarrier.arrive $0xFFFF;
	s2 =	simm.s32 @!p0 $0x1C05  }
0x79: {  	[timem:s3], [sflag:s2] =	dma.local @!p0 [hbm:s0], s1  }
0x7a: {  	s0 =	simm.s32 @!p0 $0x5  }
0x7b: {  	_ =	swait.ge @!p0 [sflag:s0], s1  }
0x7c: {  	s1 =	ssub.s32 @!p0 $0x0, s1;
	[sflag:s0] =	ssyncset.done @!p0 $0x0  }
0x7d: {  	[sflag:s0] =	ssyncadd.s32 @!p0 s1  }
0x7e: {  	[bflag:$0x3] =	sbarrier.arrive $0xFFFF  }
0x7f: {  	_ =	shalt  }

// kernel: kernel.30.cloned.1.call-start
scs
__scs_entry_jumppad:
0x0: {  	(pc) =	sbr.rel $0x88, $3  }
0x1: {  	(tag) =	ssettag $0x0;
	lr =	simm.s32 $0x1  }
0x2: {  	[smem:$0x3F35] =	sst lr;
	_ =	strace $0xD0000000  }
0x3: {  	_ = 	snop  }
0x4: {  	_ = 	snop  }
0x5: {  	_ = 	snop  }
0x6: {  	_ = 	snop  }
0x7: {  	_ = 	snop  }
__scs_overlays_trampoline_lowered:
0x8: {  	[smem:$0x3F44] =	sst s0  }
0x9: {  	[smem:$0x3F45] =	sst s1  }
0xa: {  	[smem:$0x3F46] =	sst s2  }
0xb: {  	[smem:$0x3F47] =	sst s3  }
0xc: {  	[smem:$0x3F48] =	sst s4  }
0xd: {  	[smem:$0x3F49] =	sst s5  }
0xe: {  	[smem:$0x3F4A] =	sst s6  }
0xf: {  	[smem:$0x3F4B] =	sst s7  }
0x10: {  	[smem:$0x3F4C] =	sst s8  }
0x11: {  	[smem:$0x3F4D] =	sst s9;
	s0 =	simm.s32 @!p0 $0x0  }
0x12: {  	s1 =	sld [smem:$0x3F33];
	s0 =	simm.s32 @p0 $0x1  }
0x13: {  	[smem:$0x3F4E] =	sst s0;
	s0 =	simm.s32 @!p1 $0x0  }
0x14: {  	s2 =	sld [smem:$0x3F32];
	s0 =	simm.s32 @p1 $0x1  }
0x15: {  	[smem:$0x3F4F] =	sst s0;
	s0 =	simm.s32 @!p2 $0x0  }
0x16: {  	s3 =	sld [smem:$0x3FDB];
	s0 =	simm.s32 @p2 $0x1  }
0x17: {  	s4 =	simm.s32 $0x1BF5;
	[smem:$0x3F51] =	sst s0  }
0x18: {  	s0 =	sld [smem:$0x3F34];
	_ =	swait.ge [sflag:s4], $0x0  }
0x19: {  	s7 =	sld [smem:$0x3F35]  }
0x1a: {  	s8 =	sadd.s32 $0xFFFFE003, lr  }
0x1b: {  	s9 =	sadd.s32 $0xFFFFFEF7, lr;
	s5 =	simm.s32 $0xFFFFFFFF;
	p2 =	slt.u32 s8, $0xFFFFF086  }
0x1c: {  	p1 =	slt.u32 s9, $0xF7A;
	s5 =	simm.s32 @!p2 $0x0  }
0x1d: {  	s5 =	simm.s32 @p1 $0x1;
	p0 =	seq.s32 s7, s2  }
0x1e: {  	s7 =	smul.u32 @!p0 $0xF7A, s2;
	p2 =	seq.s32 @!p0 s5, $0x0  }
0x1f: {  	s9 =	smul.u32 $0xF7A, s1;
	s8 =	simm.s32 @!p0 $0x1BF5;
	p2 =	por !p2, p0  }
0x20: {  	[sflag:s8] =	ssyncset.s32 @!p0 $0xFFFFF086;
	s6 =	sadd.s32 @!p0 s3, s7;
	s7 =	simm.s32 @!p0 $0x108  }
0x21: {  	s3 =	sadd.s32 s3, s9;
	s6 =	sadd.s32 @!p0 $0x88, s6;
	s7 =	simm.s32 @p2 $0x1082  }
0x22: {  	[simem:s7], [sflag:s8] =	dma.local @!p0 [hbm:s6], $0xF7A  }
0x23: {  	s9 =	sor.u32 $0xD0000000, s2;
	s6 =	simm.s32 $0x108;
	_ =	swait.ge @!p0 [sflag:s8], $0x0  }
0x24: {  	s3 =	sadd.s32 $0x88, s3;
	s6 =	simm.s32 @!p1 $0x1082;
	[sflag:s4] =	ssyncset.s32 $0xFFFFF086  }
0x25: {  	[simem:s6], [sflag:s4] =	dma.local [hbm:s3], $0xF7A  }
0x26: {  	[smem:$0x3F35] =	sst s1;
	(tag) =	ssettag s2;
	_ =	strace s9  }
0x27: {  	s1 =	sld [smem:$0x3F45]  }
0x28: {  	s2 =	sld [smem:$0x3F46]  }
0x29: {  	s4 =	sld [smem:$0x3F48]  }
0x2a: {  	p0 =	seq.s32 s5, $0x0;
	s5 =	sld [smem:$0x3F49]  }
0x2b: {  	s6 =	sld [smem:$0x3F4A]  }
0x2c: {  	s7 =	sld [smem:$0x3F4B]  }
0x2d: {  	s3 =	simm.s32 $0x108;
	s8 =	sld [smem:$0x3F4C]  }
0x2e: {  	s3 =	simm.s32 @!p0 $0x1082;
	s9 =	sld [smem:$0x3F4D]  }
0x2f: {  	lr =	sadd.s32 s0, s3;
	s0 =	sld [smem:$0x3F44]  }
0x30: {  	s3 =	sld [smem:$0x3F47]  }
0x31: {  	[smem:$0x3F50] =	sst s10  }
0x32: {  	s10 =	sld [smem:$0x3F4E];
	_ =	sdelay $0x3  }
0x33: {  	p0 =	seq.s32 s10, $0x1;
	s10 =	sld [smem:$0x3F50];
	_ =	sdelay $0x3  }
0x34: {  	[smem:$0x3F50] =	sst s10  }
0x35: {  	s10 =	sld [smem:$0x3F4F];
	_ =	sdelay $0x3  }
0x36: {  	p1 =	seq.s32 s10, $0x1;
	s10 =	sld [smem:$0x3F50];
	_ =	sdelay $0x3  }
0x37: {  	[smem:$0x3F50] =	sst s10  }
0x38: {  	s10 =	sld [smem:$0x3F51]  }
0x39: {  	_ = 	snop;
	(pc) =	sbr.ind lr, $3  }
0x3a: {  	_ = 	snop  }
0x3b: {  	_ = 	snop  }
0x3c: {  	p2 =	seq.s32 s10, $0x1;
	s10 =	sld [smem:$0x3F50]  }
0x3d: {  	_ =	shalt  }
0x3e: {  	_ =	shalt  }
0x3f: {  	_ =	shalt  }
0x40: {  	_ =	shalt  }
0x41: {  	_ =	shalt  }
0x42: {  	_ =	shalt  }
0x43: {  	_ =	shalt  }
0x44: {  	_ =	shalt  }
0x45: {  	_ =	shalt  }
0x46: {  	_ =	shalt  }
0x47: {  	_ =	shalt  }
0x48: {  	_ =	shalt  }
0x49: {  	_ =	shalt  }
0x4a: {  	_ =	shalt  }
0x4b: {  	_ =	shalt  }
0x4c: {  	_ =	shalt  }
0x4d: {  	_ =	shalt  }
0x4e: {  	_ =	shalt  }
0x4f: {  	_ =	shalt  }
0x50: {  	_ =	shalt  }
0x51: {  	_ =	shalt  }
0x52: {  	_ =	shalt  }
0x53: {  	_ =	shalt  }
0x54: {  	_ =	shalt  }
0x55: {  	_ =	shalt  }
0x56: {  	_ =	shalt  }
0x57: {  	_ =	shalt  }
0x58: {  	_ =	shalt  }
0x59: {  	_ =	shalt  }
0x5a: {  	_ =	shalt  }
0x5b: {  	_ =	shalt  }
0x5c: {  	_ =	shalt  }
0x5d: {  	_ =	shalt  }
0x5e: {  	_ =	shalt  }
0x5f: {  	_ =	shalt  }
0x60: {  	_ =	shalt  }
0x61: {  	_ =	shalt  }
0x62: {  	_ =	shalt  }
0x63: {  	_ =	shalt  }
0x64: {  	_ =	shalt  }
0x65: {  	_ =	shalt  }
0x66: {  	_ =	shalt  }
0x67: {  	_ =	shalt  }
0x68: {  	_ =	shalt  }
0x69: {  	_ =	shalt  }
0x6a: {  	_ =	shalt  }
0x6b: {  	_ =	shalt  }
0x6c: {  	_ =	shalt  }
0x6d: {  	_ =	shalt  }
0x6e: {  	_ =	shalt  }
0x6f: {  	_ =	shalt  }
0x70: {  	_ =	shalt  }
0x71: {  	_ =	shalt  }
0x72: {  	_ =	shalt  }
0x73: {  	_ =	shalt  }
0x74: {  	_ =	shalt  }
0x75: {  	_ =	shalt  }
0x76: {  	_ =	shalt  }
0x77: {  	_ =	shalt  }
0x78: {  	_ =	shalt  }
0x79: {  	_ =	shalt  }
0x7a: {  	_ =	shalt  }
0x7b: {  	_ =	shalt  }
0x7c: {  	_ =	shalt  }
0x7d: {  	_ =	shalt  }
0x7e: {  	_ =	shalt  }
0x7f: {  	_ =	shalt  }
0x80: {  	_ =	shalt  }
0x81: {  	_ =	shalt  }
0x82: {  	_ =	shalt  }
0x83: {  	_ =	shalt  }
0x84: {  	_ =	shalt  }
0x85: {  	_ =	shalt  }
0x86: {  	_ =	shalt  }
0x87: {  	_ =	shalt  }
.Lfunc_end0:
.L_simem_size_0:
called_computation.3_lowered:
.L_overlay_start_0:
0x88: {  	s2 =	sld [smem:$0x3FD9]  }
0x89: {  	s3 =	sld [smem:$0x3FFE];
	_ =	sdelay $0x1  }
0x8a: {  	s1 =	srdreg.scid  }
0x8b: {  	s0 =	sand.u32 $0x1, s1  }
0x8c: {  	s16 =	sshll.u32 s0, $0xA;
	s2 =	sadd.s32 s3, s2  }
0x8d: {  	s2 =	sadd.s32 s2, s16  }
0x8e: {  	[smem:$0x3F5C] =	sst s2  }
0x8f: {  	_ = 	snop  }
0x90: {  	(tm) =	ssettm $0x1  }
0x91: {  	s17 =	sld [smem:$0x3FFB];
	_ =	sdelay $0x3  }
0x92: {  	_ =	strace s17  }
0x93: {  	s2 =	sld [smem:$0x3FFC];
	_ =	sdelay $0x3  }
0x94: {  	_ =	strace s2  }
0x95: {  	s2 =	sld [smem:$0x3FFD];
	_ =	sdelay $0x3  }
0x96: {  	_ =	strace s2  }
0x97: {  	_ =	strace $0x8FFFFFFF  }
0x98: {  	s18 =	sld [smem:$0x3FDB];
	_ =	sdelay $0x1  }
0x99: {  	s19 =	simm.s32 $_scs_section_size  }
0x9a: {  	s4 =	simm.s32 $_size__tile_overlayer_lowered;
	s5 =	simm.s32 $_tile_overlayer_lowered  }
0x9b: {  	s22 =	simm.s32 $0x1BFF;
	s21 =	sshll.u32 s5, $0x1;
	s2 =	sadd.s32 s19, s18  }
0x9c: {  	s6 =	simm.s32 $0x0;
	s20 =	sshll.u32 s4, $0x1;
	s4 =	sadd.s32 s21, s2  }
0x9d: {  	[timem:s6], [sflag:s22] =	dma.local [hbm:s4], s20  }
0x9e: {  	_ =	swait.ge [sflag:s22], s20  }
0x9f: {  	s3 =	ssub.s32 $0x0, s20;
	[sflag:s22] =	ssyncset.done $0x0  }
0xa0: {  	[sflag:s22] =	ssyncadd.s32 s3;
	_ =	sdelay $0x1  }
0xa1: {  	s23 =	simm.s32 $0x1B8B  }
0xa2: {  	_ =	swait.ge [sflag:s23], $0x1  }
0xa3: {  	[sflag:s23] =	ssyncset.done $0x0  }
0xa4: {  	s25 =	simm.s32 $0x1B8E;
	s24 =	sld [smem:$0x3FFE];
	[sflag:s23] =	ssyncadd.s32 $0xFFFFFFFF  }
0xa5: {  	s26 =	simm.s32 $execute0_lowered;
	[smem:$0x3FD2] =	sst s25  }
0xa6: {  	s4 =	sshll.u32 s26, $0x1;
	_ =	strace $0x8000004F;
	[dreg:$0x1] =	wrdreg $0xFFFFFFFF  }
0xa7: {  	s28 =	simm.s32 $_size_execute0_lowered;
	s2 =	sadd.s32 s2, s4;
	[dreg:$0x0] =	wrdreg $0x0  }
0xa8: {  	s4 =	sshll.u32 s28, $0x1;
	[dreg:$0x2] =	wrdreg s2  }
0xa9: {  	[dreg:$0x3] =	wrdreg s4  }
0xaa: {  	[dreg:$0x4] =	wrdreg $0xC0  }
0xab: {  	_ =	task [dreg:s6], $0x5FFFF  }
0xac: {  	[dreg:$0x1] =	wrdreg $0xFFFFFFFF  }
0xad: {  	[dreg:$0x0] =	wrdreg $0x60  }
0xae: {  	[dreg:$0x2] =	wrdreg s24  }
0xaf: {  	[dreg:$0x3] =	wrdreg $0xA9000  }
0xb0: {  	[dreg:$0x4] =	wrdreg $0x9  }
0xb1: {  	_ =	task.clear_ibuf [dreg:s6], $0x5FFFF;
	_ =	strace $0x9000004F  }
0xb2: {  	s29 =	simm.s32 $0x9;
	_ =	strace $0x80000051  }
0xb3: {  	_ =	swait.ge [sflag:s29], $0x1  }
0xb4: {  	[sflag:s29] =	ssyncadd.s32 $0xFFFFFFFF  }
0xb5: {  	_ =	strace $0x90000051  }
0xb6: {  	_ =	sfence  }
0xb7: {  	s30 =	sld [smem:$0x0];
	_ =	sdelay $0x2  }
0xb8: {  	s31 =	sshll.u32 s1, $0xD;
	s1 =	sshrl.u32 s1, $0x2  }
0xb9: {  	s3 =	sand.u32 $0x4000, s31;
	s1 =	sadd.s32 s1, s30  }
0xba: {  	s0 =	sor.u32 s3, s0;
	s1 =	sshll.u32 s1, $0x11  }
0xbb: {  	s0 =	sor.u32 s1, s0  }
0xbc: {  	s0 =	sadd.s32 $0x8F2B, s0  }
0xbd: {  	[sflag:s0] =	ssyncadd.remote.s32 $0x1  }
0xbe: {  	_ =	sfence.sel $0xFFFF  }
0xbf: {  	[dreg:$0x0] =	wrdreg $0xFFFFFFFF;
	(pc) =	sbr.abs _section_cstart, $3  }
0xc0: {  	[dreg:$0x1] =	wrdreg $0xFFFFFFFF  }
0xc1: {  	_ =	task.clear_ibuf [dreg:s6], $0x2FFFF;
	_ =	strace $0x9FFFFFFF  }
0xc2: {  	(tm) =	ssettm $0x7FFFFFFF  }
0xc3: {  	_ =	shalt  }
tec
execute0_lowered:
.L_overlay_start_1:
0x0: {  	(tag) =	ssettag $0x1  }
0x1: {  	s0 =	srdreg.scid;
	s6 =	rddreg [dreg:$0x0]  }
0x2: {  	s2 =	rddreg [dreg:$0x1];
	s3 =	simm.s32 $0x0;
	s17 =	simm.s32 $0x2900  }
0x3: {  	s18 =	simm.s32 $0x2800;
	s19 =	simm.s32 $0x6900;
	s20 =	simm.s32 $0x2880  }
0x4: {  	s21 =	simm.s32 $0x1;
	s22 =	simm.s32 $0x3;
	s23 =	simm.s32 $0x2  }
0x5: {  	s24 =	simm.s32 $0x4;
	s5 =	sand.u32 $0x1, s0;
	s0 =	stileid.u32  }
0x6: {  	s25 =	simm.s32 $0x0;
	[smem:$0x7FF] =	sst s3;
	s8 =	smul.u32 $0x2800, s0  }
0x7: {  	s12 =	sadd.s32 $0x74200, s6;
	s1 =	sshll.u32 s5, $0x4;
	s10 =	smul.u32 $0x28000, s5  }
0x8: {  	s5 =	ssub.s32 $0x2, s5;
	s11 =	smul.u32 $0x50000, s0;
	s31 =	sshll.u32 s0, $0x6  }
0x9: {  	s4 =	sor.u32 s0, s1;
	s1 =	rddreg [dreg:$0x2];
	_ =	strace $0x80000050  }
0xa: {  	s26 =	sshrl.u32 s5, $0x1;
	s4 =	smul.u32 $0x2800, s4;
	s13 =	sadd.s32 s8, s6  }
0xb: {  	s10 =	sadd.s32 s8, s10;
	s15 =	ssub.s32 s5, s26;
	s28 =	sshrl.u32 s11, $0x2  }
0xc: {  	s14 =	sadd.s32 s10, s6;
	s16 =	sadd.s32 s28, s2;
	s29 =	sor.u32 $0x180, s10  }
0xd: {  	s30 =	sor.u32 $0x100, s10;
	s10 =	smax.u32 s15, $0x1;
	s7 =	sshrl.u32 s4, $0x3  }
0xe: {  	s4 =	sadd.s32 $0xF6A00, s6;
	s11 =	sshrl.u32 s29, $0x3;
	s15 =	sshrl.u32 s16, $0x3  }
0xf: {  	s16 =	simm.s32 $0x80;
	s9 =	sadd.s32 s7, s6;
	s6 =	sadd.s32 s12, s7  }
0x10: {  	s7 =	sadd.s32 $0xCEA00, s13;
	s11 =	sadd.s32 s11, s12;
	s13 =	sshrl.u32 s30, $0x3  }
0x11: {  	s5 =	sadd.s32 $0x6A200, s9;
	s8 =	sadd.s32 $0x10, s6;
	s9 =	sadd.s32 $0x7E200, s14  }
0x12: {  	s12 =	sadd.s32 s13, s12;
	s13 =	simm.s32 $0x5;
	s14 =	sor.u32 $0x1C05, s31  }
.LBB2_1:
0x13: {  	[tilespmem:s3], [sflag:$0x5] =	stream.linear.gather [hbm4b:s5+s3], $0x2800, $0x38;
	[tilespmem:$0x1E900] =	vst v63  }
0x14: {  	_ =	swait.ge [sflag:s13], $0x2800  }
0x15: {  	[sflag:s13] =	ssyncset.done $0x0  }
0x16: {  	[sflag:s13] =	ssyncadd.s32 $0xFFFFD800  }
0x17: {  	[spmem:s15], [sflag:s14] =	dma.local [hbm:s7], $0x2800  }
0x18: {  	_ =	swait.ge [sflag:s13], $0x2800  }
0x19: {  	[sflag:s13] =	ssyncset.done $0x0  }
0x1a: {  	[sflag:s13] =	ssyncadd.s32 $0xFFFFD800  }
0x1b: {  	[bflag:$0x0] =	sbarrier.arrive $0xFFFF  }
0x1c: {  	[tilespmem:s17], [sflag:$0x1] =	stream.indirect.gather [hbm4b:s4+s16], $0x80, s3, s16, $0xb8;
	[tilespmem:$0x1E900] =	vst v63  }
0x1d: {  	_ = 	snop  }
0x1e: {  	[tilespmem:s18], [sflag:$0x3] =	stream.linear.gather [hbm4b:s6+s3], $0x80, $0x38;
	[tilespmem:$0x1E900] =	vst v63  }
0x1f: {  	_ = 	snop  }
0x20: {  	[tilespmem:s19], [sflag:$0x2] =	stream.indirect.gather [hbm4b:s4+s16], $0x80, s16, s16, $0xb8;
	[tilespmem:$0x1E900] =	vst v63  }
0x21: {  	_ = 	snop  }
0x22: {  	[tilespmem:s20], [sflag:$0x4] =	stream.linear.gather [hbm4b:s8+s3], $0x80, $0x38;
	[tilespmem:$0x1E900] =	vst v63  }
0x23: {  	_ =	swait.ge [sflag:s21], $0x4000  }
0x24: {  	[sflag:s21] =	ssyncset.done $0x0  }
0x25: {  	[sflag:s21] =	ssyncadd.s32 $0xFFFFC000  }
0x26: {  	_ =	swait.ge [sflag:s22], $0x80  }
0x27: {  	[sflag:s22] =	ssyncset.done $0x0  }
0x28: {  	[sflag:s22] =	ssyncadd.s32 $0xFFFFFF80  }
0x29: {  	[spmem:s2] =	stream.indirect.scatter.add.f32 [tilespmem:s17], [sflag:$0x5], $0x80, s18, s16, $0xb8;
	[tilespmem:$0x1E900] =	vst v63  }
0x2a: {  	_ =	swait.ge [sflag:s13], $0x4000  }
0x2b: {  	[sflag:s13] =	ssyncset.done $0x0  }
0x2c: {  	s26 =	simm.s32 $0x100;
	[sflag:s13] =	ssyncadd.s32 $0xFFFFC000  }
0x2d: {  	[tilespmem:s17], [sflag:$0x1] =	stream.indirect.gather [hbm4b:s4+s16], $0x80, s26, s16, $0xb8;
	[tilespmem:$0x1E900] =	vst v63  }
0x2e: {  	s30 =	sadd.s32 $0x0, s12  }
0x2f: {  	[tilespmem:s18], [sflag:$0x3] =	stream.linear.gather [hbm4b:s30+s3], $0x80, $0x38;
	[tilespmem:$0x1E900] =	vst v63  }
0x30: {  	_ =	swait.ge [sflag:s23], $0x4000  }
0x31: {  	[sflag:s23] =	ssyncset.done $0x0  }
0x32: {  	[sflag:s23] =	ssyncadd.s32 $0xFFFFC000  }
0x33: {  	_ =	swait.ge [sflag:s24], $0x80  }
0x34: {  	[sflag:s24] =	ssyncset.done $0x0  }
0x35: {  	[sflag:s24] =	ssyncadd.s32 $0xFFFFFF80  }
0x36: {  	[spmem:s2] =	stream.indirect.scatter.add.f32 [tilespmem:s19], [sflag:$0x5], $0x80, s20, s16, $0xb8;
	[tilespmem:$0x1E900] =	vst v63  }
0x37: {  	_ =	swait.ge [sflag:s13], $0x4000  }
0x38: {  	s31 =	simm.s32 $0x180;
	s29 =	sadd.s32 $0x0, s11;
	[sflag:s13] =	ssyncset.done $0x0  }
0x39: {  	s28 =	simm.s32 $0x280;
	s26 =	simm.s32 $0x20;
	[sflag:s13] =	ssyncadd.s32 $0xFFFFC000  }
0x3a: {  	[tilespmem:s19], [sflag:$0x2] =	stream.indirect.gather [hbm4b:s4+s16], $0x80, s31, s16, $0xb8;
	[tilespmem:$0x1E900] =	vst v63  }
.LBB2_2:
0x3b: {  	[tilespmem:s20], [sflag:$0x4] =	stream.linear.gather [hbm4b:s29+s3], $0x80, $0x38;
	[tilespmem:$0x1E900] =	vst v63  }
0x3c: {  	s29 =	smov.u32 s26  }
0x3d: {  	p0 =	sne.s32 s26, $0x4C0;
	s26 =	sadd.s32 $0x20, s26;
	_ =	swait.ge [sflag:s21], $0x4000  }
0x3e: {  	[sflag:s21] =	ssyncset.done $0x0  }
0x3f: {  	[sflag:s21] =	ssyncadd.s32 $0xFFFFC000  }
0x40: {  	_ =	swait.ge [sflag:s22], $0x80  }
0x41: {  	[sflag:s22] =	ssyncset.done $0x0  }
0x42: {  	[sflag:s22] =	ssyncadd.s32 $0xFFFFFF80  }
0x43: {  	[spmem:s2] =	stream.indirect.scatter.add.f32 [tilespmem:s17], [sflag:$0x5], $0x80, s18, s16, $0xb8;
	[tilespmem:$0x1E900] =	vst v63  }
0x44: {  	_ =	swait.ge [sflag:s13], $0x4000  }
0x45: {  	[sflag:s13] =	ssyncset.done $0x0  }
0x46: {  	s30 =	sadd.s32 $0xFFFFFF80, s28;
	[sflag:s13] =	ssyncadd.s32 $0xFFFFC000  }
0x47: {  	[tilespmem:s17], [sflag:$0x1] =	stream.indirect.gather [hbm4b:s4+s16], $0x80, s30, s16, $0xb8;
	[tilespmem:$0x1E900] =	vst v63  }
0x48: {  	s30 =	sadd.s32 s29, s12  }
0x49: {  	[tilespmem:s18], [sflag:$0x3] =	stream.linear.gather [hbm4b:s30+s3], $0x80, $0x38;
	[tilespmem:$0x1E900] =	vst v63  }
0x4a: {  	_ =	swait.ge [sflag:s23], $0x4000  }
0x4b: {  	[sflag:s23] =	ssyncset.done $0x0  }
0x4c: {  	[sflag:s23] =	ssyncadd.s32 $0xFFFFC000  }
0x4d: {  	_ =	swait.ge [sflag:s24], $0x80  }
0x4e: {  	[sflag:s24] =	ssyncset.done $0x0  }
0x4f: {  	[sflag:s24] =	ssyncadd.s32 $0xFFFFFF80  }
0x50: {  	[spmem:s2] =	stream.indirect.scatter.add.f32 [tilespmem:s19], [sflag:$0x5], $0x80, s20, s16, $0xb8;
	[tilespmem:$0x1E900] =	vst v63  }
.Ltmp0:
0x51: {  	_ =	swait.ge [sflag:s13], $0x4000;
	(pc) =	sbr.rel @p0 .LBB2_2-.Ltmp0, $4  }
0x52: {  	[sflag:s13] =	ssyncset.done $0x0  }
0x53: {  	[sflag:s13] =	ssyncadd.s32 $0xFFFFC000  }
0x54: {  	[tilespmem:s19], [sflag:$0x2] =	stream.indirect.gather [hbm4b:s4+s16], $0x80, s28, s16, $0xb8;
	[tilespmem:$0x1E900] =	vst v63  }
0x55: {  	s29 =	sadd.s32 s29, s11;
	s28 =	sadd.s32 $0x100, s28  }
0x56: {  	[tilespmem:s20], [sflag:$0x4] =	stream.linear.gather [hbm4b:s29+s3], $0x80, $0x38;
	[tilespmem:$0x1E900] =	vst v63  }
0x57: {  	_ =	swait.ge [sflag:s21], $0x4000  }
0x58: {  	[sflag:s21] =	ssyncset.done $0x0  }
0x59: {  	[sflag:s21] =	ssyncadd.s32 $0xFFFFC000  }
0x5a: {  	_ =	swait.ge [sflag:s22], $0x80  }
0x5b: {  	[sflag:s22] =	ssyncset.done $0x0  }
0x5c: {  	[sflag:s22] =	ssyncadd.s32 $0xFFFFFF80  }
0x5d: {  	[spmem:s2] =	stream.indirect.scatter.add.f32 [tilespmem:s17], [sflag:$0x5], $0x80, s18, s16, $0xb8;
	[tilespmem:$0x1E900] =	vst v63  }
0x5e: {  	_ =	swait.ge [sflag:s13], $0x4000  }
0x5f: {  	[sflag:s13] =	ssyncset.done $0x0  }
0x60: {  	[sflag:s13] =	ssyncadd.s32 $0xFFFFC000  }
0x61: {  	_ =	swait.ge [sflag:s23], $0x4000  }
0x62: {  	[sflag:s23] =	ssyncset.done $0x0  }
0x63: {  	[sflag:s23] =	ssyncadd.s32 $0xFFFFC000  }
0x64: {  	_ =	swait.ge [sflag:s24], $0x80  }
0x65: {  	[sflag:s24] =	ssyncset.done $0x0  }
0x66: {  	[sflag:s24] =	ssyncadd.s32 $0xFFFFFF80  }
0x67: {  	[spmem:s2] =	stream.indirect.scatter.add.f32 [tilespmem:s19], [sflag:$0x5], $0x80, s20, s16, $0xb8;
	[tilespmem:$0x1E900] =	vst v63  }
0x68: {  	_ =	swait.ge [sflag:s13], $0x4000  }
0x69: {  	s25 =	sadd.s32 $0x1, s25;
	[sflag:s13] =	ssyncset.done $0x0  }
0x6a: {  	p0 =	sne.s32 s25, s10;
	[sflag:s13] =	ssyncadd.s32 $0xFFFFC000  }
.Ltmp1:
0x6b: {  	[bflag:$0x0] =	sbarrier.arrive $0xFFFF;
	(pc) =	sbr.rel @p0 .LBB2_1-.Ltmp1, $4  }
0x6c: {  	[hbm:s9], [sflag:s14] =	dma.local [spmem:s15], $0x2800  }
0x6d: {  	_ =	swait.ge [sflag:s13], $0x2800  }
0x6e: {  	[sflag:s13] =	ssyncset.done $0x0  }
0x6f: {  	[sflag:s13] =	ssyncadd.s32 $0xFFFFD800  }
0x70: {  	_ =	sfence.sel $0x180000  }
0x71: {  	[bflag:$0x0] =	sbarrier.arrive $0xFFFF  }
0x72: {  	p0 =	sne.s32 s0, $0x0;
	_ =	strace $0x90000050  }
0x73: {  	s0 =	sadd.s32 @!p0 $0x100000, s1;
	[bflag:$0x2] =	sbarrier.arrive $0xFFFF  }
0x74: {  	[sflag:s0] =	ssyncadd.tile.s32 @!p0 $0x1;
	_ =	shalt  }
.Lfunc_end2:
_tile_overlayer_lowered:
.L_overlay_start_2:
0x75: {  	(tag) =	ssettag $0x2  }
0x76: {  	s0 =	rddreg [dreg:$0x0];
	s2 =	stileid.u32  }
0x77: {  	s1 =	rddreg [dreg:$0x1];
	p0 =	sne.s32 s2, $0x0  }
0x78: {  	s3 =	rddreg [dreg:$0x2];
	[bflag:$0x3] =	sbarrier.arrive $0xFFFF;
	s2 =	simm.s32 @!p0 $0x1C05  }
0x79: {  	[timem:s3], [sflag:s2] =	dma.local @!p0 [hbm:s0], s1  }
0x7a: {  	s0 =	simm.s32 @!p0 $0x5  }
0x7b: {  	_ =	swait.ge @!p0 [sflag:s0], s1  }
0x7c: {  	s1 =	ssub.s32 @!p0 $0x0, s1;
	[sflag:s0] =	ssyncset.done @!p0 $0x0  }
0x7d: {  	[sflag:s0] =	ssyncadd.s32 @!p0 s1  }
0x7e: {  	[bflag:$0x3] =	sbarrier.arrive $0xFFFF  }
0x7f: {  	_ =	shalt  }

// kernel: kernel.33.cloned.1.call-start
scs
__scs_entry_jumppad:
0x0: {  	(pc) =	sbr.rel $0x88, $3  }
0x1: {  	(tag) =	ssettag $0x0;
	lr =	simm.s32 $0x1  }
0x2: {  	[smem:$0x3F35] =	sst lr;
	_ =	strace $0xD0000000  }
0x3: {  	_ = 	snop  }
0x4: {  	_ = 	snop  }
0x5: {  	_ = 	snop  }
0x6: {  	_ = 	snop  }
0x7: {  	_ = 	snop  }
__scs_overlays_trampoline_lowered:
0x8: {  	[smem:$0x3F44] =	sst s0  }
0x9: {  	[smem:$0x3F45] =	sst s1  }
0xa: {  	[smem:$0x3F46] =	sst s2  }
0xb: {  	[smem:$0x3F47] =	sst s3  }
0xc: {  	[smem:$0x3F48] =	sst s4  }
0xd: {  	[smem:$0x3F49] =	sst s5  }
0xe: {  	[smem:$0x3F4A] =	sst s6  }
0xf: {  	[smem:$0x3F4B] =	sst s7  }
0x10: {  	[smem:$0x3F4C] =	sst s8  }
0x11: {  	[smem:$0x3F4D] =	sst s9;
	s0 =	simm.s32 @!p0 $0x0  }
0x12: {  	s1 =	sld [smem:$0x3F33];
	s0 =	simm.s32 @p0 $0x1  }
0x13: {  	[smem:$0x3F4E] =	sst s0;
	s0 =	simm.s32 @!p1 $0x0  }
0x14: {  	s2 =	sld [smem:$0x3F32];
	s0 =	simm.s32 @p1 $0x1  }
0x15: {  	[smem:$0x3F4F] =	sst s0;
	s0 =	simm.s32 @!p2 $0x0  }
0x16: {  	s3 =	sld [smem:$0x3FDB];
	s0 =	simm.s32 @p2 $0x1  }
0x17: {  	s4 =	simm.s32 $0x1BF5;
	[smem:$0x3F51] =	sst s0  }
0x18: {  	s0 =	sld [smem:$0x3F34];
	_ =	swait.ge [sflag:s4], $0x0  }
0x19: {  	s7 =	sld [smem:$0x3F35]  }
0x1a: {  	s8 =	sadd.s32 $0xFFFFE003, lr  }
0x1b: {  	s9 =	sadd.s32 $0xFFFFFEF7, lr;
	s5 =	simm.s32 $0xFFFFFFFF;
	p2 =	slt.u32 s8, $0xFFFFF086  }
0x1c: {  	p1 =	slt.u32 s9, $0xF7A;
	s5 =	simm.s32 @!p2 $0x0  }
0x1d: {  	s5 =	simm.s32 @p1 $0x1;
	p0 =	seq.s32 s7, s2  }
0x1e: {  	s7 =	smul.u32 @!p0 $0xF7A, s2;
	p2 =	seq.s32 @!p0 s5, $0x0  }
0x1f: {  	s9 =	smul.u32 $0xF7A, s1;
	s8 =	simm.s32 @!p0 $0x1BF5;
	p2 =	por !p2, p0  }
0x20: {  	[sflag:s8] =	ssyncset.s32 @!p0 $0xFFFFF086;
	s6 =	sadd.s32 @!p0 s3, s7;
	s7 =	simm.s32 @!p0 $0x108  }
0x21: {  	s3 =	sadd.s32 s3, s9;
	s6 =	sadd.s32 @!p0 $0x88, s6;
	s7 =	simm.s32 @p2 $0x1082  }
0x22: {  	[simem:s7], [sflag:s8] =	dma.local @!p0 [hbm:s6], $0xF7A  }
0x23: {  	s9 =	sor.u32 $0xD0000000, s2;
	s6 =	simm.s32 $0x108;
	_ =	swait.ge @!p0 [sflag:s8], $0x0  }
0x24: {  	s3 =	sadd.s32 $0x88, s3;
	s6 =	simm.s32 @!p1 $0x1082;
	[sflag:s4] =	ssyncset.s32 $0xFFFFF086  }
0x25: {  	[simem:s6], [sflag:s4] =	dma.local [hbm:s3], $0xF7A  }
0x26: {  	[smem:$0x3F35] =	sst s1;
	(tag) =	ssettag s2;
	_ =	strace s9  }
0x27: {  	s1 =	sld [smem:$0x3F45]  }
0x28: {  	s2 =	sld [smem:$0x3F46]  }
0x29: {  	s4 =	sld [smem:$0x3F48]  }
0x2a: {  	p0 =	seq.s32 s5, $0x0;
	s5 =	sld [smem:$0x3F49]  }
0x2b: {  	s6 =	sld [smem:$0x3F4A]  }
0x2c: {  	s7 =	sld [smem:$0x3F4B]  }
0x2d: {  	s3 =	simm.s32 $0x108;
	s8 =	sld [smem:$0x3F4C]  }
0x2e: {  	s3 =	simm.s32 @!p0 $0x1082;
	s9 =	sld [smem:$0x3F4D]  }
0x2f: {  	lr =	sadd.s32 s0, s3;
	s0 =	sld [smem:$0x3F44]  }
0x30: {  	s3 =	sld [smem:$0x3F47]  }
0x31: {  	[smem:$0x3F50] =	sst s10  }
0x32: {  	s10 =	sld [smem:$0x3F4E];
	_ =	sdelay $0x3  }
0x33: {  	p0 =	seq.s32 s10, $0x1;
	s10 =	sld [smem:$0x3F50];
	_ =	sdelay $0x3  }
0x34: {  	[smem:$0x3F50] =	sst s10  }
0x35: {  	s10 =	sld [smem:$0x3F4F];
	_ =	sdelay $0x3  }
0x36: {  	p1 =	seq.s32 s10, $0x1;
	s10 =	sld [smem:$0x3F50];
	_ =	sdelay $0x3  }
0x37: {  	[smem:$0x3F50] =	sst s10  }
0x38: {  	s10 =	sld [smem:$0x3F51]  }
0x39: {  	_ = 	snop;
	(pc) =	sbr.ind lr, $3  }
0x3a: {  	_ = 	snop  }
0x3b: {  	_ = 	snop  }
0x3c: {  	p2 =	seq.s32 s10, $0x1;
	s10 =	sld [smem:$0x3F50]  }
0x3d: {  	_ =	shalt  }
0x3e: {  	_ =	shalt  }
0x3f: {  	_ =	shalt  }
0x40: {  	_ =	shalt  }
0x41: {  	_ =	shalt  }
0x42: {  	_ =	shalt  }
0x43: {  	_ =	shalt  }
0x44: {  	_ =	shalt  }
0x45: {  	_ =	shalt  }
0x46: {  	_ =	shalt  }
0x47: {  	_ =	shalt  }
0x48: {  	_ =	shalt  }
0x49: {  	_ =	shalt  }
0x4a: {  	_ =	shalt  }
0x4b: {  	_ =	shalt  }
0x4c: {  	_ =	shalt  }
0x4d: {  	_ =	shalt  }
0x4e: {  	_ =	shalt  }
0x4f: {  	_ =	shalt  }
0x50: {  	_ =	shalt  }
0x51: {  	_ =	shalt  }
0x52: {  	_ =	shalt  }
0x53: {  	_ =	shalt  }
0x54: {  	_ =	shalt  }
0x55: {  	_ =	shalt  }
0x56: {  	_ =	shalt  }
0x57: {  	_ =	shalt  }
0x58: {  	_ =	shalt  }
0x59: {  	_ =	shalt  }
0x5a: {  	_ =	shalt  }
0x5b: {  	_ =	shalt  }
0x5c: {  	_ =	shalt  }
0x5d: {  	_ =	shalt  }
0x5e: {  	_ =	shalt  }
0x5f: {  	_ =	shalt  }
0x60: {  	_ =	shalt  }
0x61: {  	_ =	shalt  }
0x62: {  	_ =	shalt  }
0x63: {  	_ =	shalt  }
0x64: {  	_ =	shalt  }
0x65: {  	_ =	shalt  }
0x66: {  	_ =	shalt  }
0x67: {  	_ =	shalt  }
0x68: {  	_ =	shalt  }
0x69: {  	_ =	shalt  }
0x6a: {  	_ =	shalt  }
0x6b: {  	_ =	shalt  }
0x6c: {  	_ =	shalt  }
0x6d: {  	_ =	shalt  }
0x6e: {  	_ =	shalt  }
0x6f: {  	_ =	shalt  }
0x70: {  	_ =	shalt  }
0x71: {  	_ =	shalt  }
0x72: {  	_ =	shalt  }
0x73: {  	_ =	shalt  }
0x74: {  	_ =	shalt  }
0x75: {  	_ =	shalt  }
0x76: {  	_ =	shalt  }
0x77: {  	_ =	shalt  }
0x78: {  	_ =	shalt  }
0x79: {  	_ =	shalt  }
0x7a: {  	_ =	shalt  }
0x7b: {  	_ =	shalt  }
0x7c: {  	_ =	shalt  }
0x7d: {  	_ =	shalt  }
0x7e: {  	_ =	shalt  }
0x7f: {  	_ =	shalt  }
0x80: {  	_ =	shalt  }
0x81: {  	_ =	shalt  }
0x82: {  	_ =	shalt  }
0x83: {  	_ =	shalt  }
0x84: {  	_ =	shalt  }
0x85: {  	_ =	shalt  }
0x86: {  	_ =	shalt  }
0x87: {  	_ =	shalt  }
.Lfunc_end0:
.L_simem_size_0:
called_computation.4_lowered:
.L_overlay_start_0:
0x88: {  	s2 =	sld [smem:$0x3FD9]  }
0x89: {  	s3 =	sld [smem:$0x3FFE];
	_ =	sdelay $0x1  }
0x8a: {  	s1 =	srdreg.scid  }
0x8b: {  	s0 =	sand.u32 $0x1, s1  }
0x8c: {  	s16 =	sshll.u32 s0, $0xA;
	s2 =	sadd.s32 s3, s2  }
0x8d: {  	s2 =	sadd.s32 s2, s16  }
0x8e: {  	[smem:$0x3F5C] =	sst s2  }
0x8f: {  	_ = 	snop  }
0x90: {  	(tm) =	ssettm $0x1  }
0x91: {  	s17 =	sld [smem:$0x3FFB];
	_ =	sdelay $0x3  }
0x92: {  	_ =	strace s17  }
0x93: {  	s2 =	sld [smem:$0x3FFC];
	_ =	sdelay $0x3  }
0x94: {  	_ =	strace s2  }
0x95: {  	s2 =	sld [smem:$0x3FFD];
	_ =	sdelay $0x3  }
0x96: {  	_ =	strace s2  }
0x97: {  	_ =	strace $0x8FFFFFFF  }
0x98: {  	s18 =	sld [smem:$0x3FDB];
	_ =	sdelay $0x1  }
0x99: {  	s19 =	simm.s32 $_scs_section_size  }
0x9a: {  	s4 =	simm.s32 $_size__tile_overlayer_lowered;
	s5 =	simm.s32 $_tile_overlayer_lowered  }
0x9b: {  	s22 =	simm.s32 $0x1BFF;
	s21 =	sshll.u32 s5, $0x1;
	s2 =	sadd.s32 s19, s18  }
0x9c: {  	s6 =	simm.s32 $0x0;
	s20 =	sshll.u32 s4, $0x1;
	s4 =	sadd.s32 s21, s2  }
0x9d: {  	[timem:s6], [sflag:s22] =	dma.local [hbm:s4], s20  }
0x9e: {  	_ =	swait.ge [sflag:s22], s20  }
0x9f: {  	s3 =	ssub.s32 $0x0, s20;
	[sflag:s22] =	ssyncset.done $0x0  }
0xa0: {  	[sflag:s22] =	ssyncadd.s32 s3;
	_ =	sdelay $0x1  }
0xa1: {  	s23 =	simm.s32 $0x1B8B  }
0xa2: {  	_ =	swait.ge [sflag:s23], $0x1  }
0xa3: {  	[sflag:s23] =	ssyncset.done $0x0  }
0xa4: {  	s25 =	simm.s32 $0x1B8E;
	s24 =	sld [smem:$0x3FFE];
	[sflag:s23] =	ssyncadd.s32 $0xFFFFFFFF  }
0xa5: {  	s26 =	simm.s32 $execute0_lowered;
	[smem:$0x3FD2] =	sst s25  }
0xa6: {  	s4 =	sshll.u32 s26, $0x1;
	_ =	strace $0x80000052;
	[dreg:$0x1] =	wrdreg $0xFFFFFFFF  }
0xa7: {  	s28 =	simm.s32 $_size_execute0_lowered;
	s2 =	sadd.s32 s2, s4;
	[dreg:$0x0] =	wrdreg $0x0  }
0xa8: {  	s4 =	sshll.u32 s28, $0x1;
	[dreg:$0x2] =	wrdreg s2  }
0xa9: {  	[dreg:$0x3] =	wrdreg s4  }
0xaa: {  	[dreg:$0x4] =	wrdreg $0xC0  }
0xab: {  	_ =	task [dreg:s6], $0x5FFFF  }
0xac: {  	[dreg:$0x1] =	wrdreg $0xFFFFFFFF  }
0xad: {  	[dreg:$0x0] =	wrdreg $0x60  }
0xae: {  	[dreg:$0x2] =	wrdreg s24  }
0xaf: {  	[dreg:$0x3] =	wrdreg $0xA9000  }
0xb0: {  	[dreg:$0x4] =	wrdreg $0x9  }
0xb1: {  	_ =	task.clear_ibuf [dreg:s6], $0x5FFFF;
	_ =	strace $0x90000052  }
0xb2: {  	s29 =	simm.s32 $0x9;
	_ =	strace $0x80000054  }
0xb3: {  	_ =	swait.ge [sflag:s29], $0x1  }
0xb4: {  	[sflag:s29] =	ssyncadd.s32 $0xFFFFFFFF  }
0xb5: {  	_ =	strace $0x90000054  }
0xb6: {  	_ =	sfence  }
0xb7: {  	s30 =	sld [smem:$0x0];
	_ =	sdelay $0x2  }
0xb8: {  	s31 =	sshll.u32 s1, $0xD;
	s1 =	sshrl.u32 s1, $0x2  }
0xb9: {  	s3 =	sand.u32 $0x4000, s31;
	s1 =	sadd.s32 s1, s30  }
0xba: {  	s0 =	sor.u32 s3, s0;
	s1 =	sshll.u32 s1, $0x11  }
0xbb: {  	s0 =	sor.u32 s1, s0  }
0xbc: {  	s0 =	sadd.s32 $0x8F2B, s0  }
0xbd: {  	[sflag:s0] =	ssyncadd.remote.s32 $0x1  }
0xbe: {  	_ =	sfence.sel $0xFFFF  }
0xbf: {  	[dreg:$0x0] =	wrdreg $0xFFFFFFFF;
	(pc) =	sbr.abs _section_cstart, $3  }
0xc0: {  	[dreg:$0x1] =	wrdreg $0xFFFFFFFF  }
0xc1: {  	_ =	task.clear_ibuf [dreg:s6], $0x2FFFF;
	_ =	strace $0x9FFFFFFF  }
0xc2: {  	(tm) =	ssettm $0x7FFFFFFF  }
0xc3: {  	_ =	shalt  }
tec
execute0_lowered:
.L_overlay_start_1:
0x0: {  	(tag) =	ssettag $0x1  }
0x1: {  	s0 =	srdreg.scid;
	s6 =	rddreg [dreg:$0x0]  }
0x2: {  	s2 =	rddreg [dreg:$0x1];
	s3 =	simm.s32 $0x0;
	s17 =	simm.s32 $0x2900  }
0x3: {  	s18 =	simm.s32 $0x2800;
	s19 =	simm.s32 $0x6900;
	s20 =	simm.s32 $0x2880  }
0x4: {  	s21 =	simm.s32 $0x1;
	s22 =	simm.s32 $0x3;
	s23 =	simm.s32 $0x2  }
0x5: {  	s24 =	simm.s32 $0x4;
	s5 =	sand.u32 $0x1, s0;
	s0 =	stileid.u32  }
0x6: {  	s25 =	simm.s32 $0x0;
	[smem:$0x7FF] =	sst s3;
	s8 =	smul.u32 $0x2800, s0  }
0x7: {  	s12 =	sadd.s32 $0x74200, s6;
	s1 =	sshll.u32 s5, $0x4;
	s10 =	smul.u32 $0x28000, s5  }
0x8: {  	s5 =	ssub.s32 $0x2, s5;
	s11 =	smul.u32 $0x50000, s0;
	s31 =	sshll.u32 s0, $0x6  }
0x9: {  	s4 =	sor.u32 s0, s1;
	s1 =	rddreg [dreg:$0x2];
	_ =	strace $0x80000053  }
0xa: {  	s26 =	sshrl.u32 s5, $0x1;
	s4 =	smul.u32 $0x2800, s4;
	s13 =	sadd.s32 s8, s6  }
0xb: {  	s10 =	sadd.s32 s8, s10;
	s15 =	ssub.s32 s5, s26;
	s28 =	sshrl.u32 s11, $0x2  }
0xc: {  	s14 =	sadd.s32 s10, s6;
	s16 =	sadd.s32 s28, s2;
	s29 =	sor.u32 $0x180, s10  }
0xd: {  	s30 =	sor.u32 $0x100, s10;
	s10 =	smax.u32 s15, $0x1;
	s7 =	sshrl.u32 s4, $0x3  }
0xe: {  	s4 =	sadd.s32 $0xF6A00, s6;
	s11 =	sshrl.u32 s29, $0x3;
	s15 =	sshrl.u32 s16, $0x3  }
0xf: {  	s16 =	simm.s32 $0x80;
	s9 =	sadd.s32 s7, s6;
	s6 =	sadd.s32 s12, s7  }
0x10: {  	s7 =	sadd.s32 $0xCEA00, s13;
	s11 =	sadd.s32 s11, s12;
	s13 =	sshrl.u32 s30, $0x3  }
0x11: {  	s5 =	sadd.s32 $0x6A200, s9;
	s8 =	sadd.s32 $0x10, s6;
	s9 =	sadd.s32 $0x7E200, s14  }
0x12: {  	s12 =	sadd.s32 s13, s12;
	s13 =	simm.s32 $0x5;
	s14 =	sor.u32 $0x1C05, s31  }
.LBB2_1:
0x13: {  	[tilespmem:s3], [sflag:$0x5] =	stream.linear.gather [hbm4b:s5+s3], $0x2800, $0x38;
	[tilespmem:$0x1E900] =	vst v63  }
0x14: {  	_ =	swait.ge [sflag:s13], $0x2800  }
0x15: {  	[sflag:s13] =	ssyncset.done $0x0  }
0x16: {  	[sflag:s13] =	ssyncadd.s32 $0xFFFFD800  }
0x17: {  	[spmem:s15], [sflag:s14] =	dma.local [hbm:s7], $0x2800  }
0x18: {  	_ =	swait.ge [sflag:s13], $0x2800  }
0x19: {  	[sflag:s13] =	ssyncset.done $0x0  }
0x1a: {  	[sflag:s13] =	ssyncadd.s32 $0xFFFFD800  }
0x1b: {  	[bflag:$0x0] =	sbarrier.arrive $0xFFFF  }
0x1c: {  	[tilespmem:s17], [sflag:$0x1] =	stream.indirect.gather [hbm4b:s4+s16], $0x80, s3, s16, $0xb8;
	[tilespmem:$0x1E900] =	vst v63  }
0x1d: {  	_ = 	snop  }
0x1e: {  	[tilespmem:s18], [sflag:$0x3] =	stream.linear.gather [hbm4b:s6+s3], $0x80, $0x38;
	[tilespmem:$0x1E900] =	vst v63  }
0x1f: {  	_ = 	snop  }
0x20: {  	[tilespmem:s19], [sflag:$0x2] =	stream.indirect.gather [hbm4b:s4+s16], $0x80, s16, s16, $0xb8;
	[tilespmem:$0x1E900] =	vst v63  }
0x21: {  	_ = 	snop  }
0x22: {  	[tilespmem:s20], [sflag:$0x4] =	stream.linear.gather [hbm4b:s8+s3], $0x80, $0x38;
	[tilespmem:$0x1E900] =	vst v63  }
0x23: {  	_ =	swait.ge [sflag:s21], $0x4000  }
0x24: {  	[sflag:s21] =	ssyncset.done $0x0  }
0x25: {  	[sflag:s21] =	ssyncadd.s32 $0xFFFFC000  }
0x26: {  	_ =	swait.ge [sflag:s22], $0x80  }
0x27: {  	[sflag:s22] =	ssyncset.done $0x0  }
0x28: {  	[sflag:s22] =	ssyncadd.s32 $0xFFFFFF80  }
0x29: {  	[spmem:s2] =	stream.indirect.scatter.add.f32 [tilespmem:s17], [sflag:$0x5], $0x80, s18, s16, $0xb8;
	[tilespmem:$0x1E900] =	vst v63  }
0x2a: {  	_ =	swait.ge [sflag:s13], $0x4000  }
0x2b: {  	[sflag:s13] =	ssyncset.done $0x0  }
0x2c: {  	s26 =	simm.s32 $0x100;
	[sflag:s13] =	ssyncadd.s32 $0xFFFFC000  }
0x2d: {  	[tilespmem:s17], [sflag:$0x1] =	stream.indirect.gather [hbm4b:s4+s16], $0x80, s26, s16, $0xb8;
	[tilespmem:$0x1E900] =	vst v63  }
0x2e: {  	s30 =	sadd.s32 $0x0, s12  }
0x2f: {  	[tilespmem:s18], [sflag:$0x3] =	stream.linear.gather [hbm4b:s30+s3], $0x80, $0x38;
	[tilespmem:$0x1E900] =	vst v63  }
0x30: {  	_ =	swait.ge [sflag:s23], $0x4000  }
0x31: {  	[sflag:s23] =	ssyncset.done $0x0  }
0x32: {  	[sflag:s23] =	ssyncadd.s32 $0xFFFFC000  }
0x33: {  	_ =	swait.ge [sflag:s24], $0x80  }
0x34: {  	[sflag:s24] =	ssyncset.done $0x0  }
0x35: {  	[sflag:s24] =	ssyncadd.s32 $0xFFFFFF80  }
0x36: {  	[spmem:s2] =	stream.indirect.scatter.add.f32 [tilespmem:s19], [sflag:$0x5], $0x80, s20, s16, $0xb8;
	[tilespmem:$0x1E900] =	vst v63  }
0x37: {  	_ =	swait.ge [sflag:s13], $0x4000  }
0x38: {  	s31 =	simm.s32 $0x180;
	s29 =	sadd.s32 $0x0, s11;
	[sflag:s13] =	ssyncset.done $0x0  }
0x39: {  	s28 =	simm.s32 $0x280;
	s26 =	simm.s32 $0x20;
	[sflag:s13] =	ssyncadd.s32 $0xFFFFC000  }
0x3a: {  	[tilespmem:s19], [sflag:$0x2] =	stream.indirect.gather [hbm4b:s4+s16], $0x80, s31, s16, $0xb8;
	[tilespmem:$0x1E900] =	vst v63  }
.LBB2_2:
0x3b: {  	[tilespmem:s20], [sflag:$0x4] =	stream.linear.gather [hbm4b:s29+s3], $0x80, $0x38;
	[tilespmem:$0x1E900] =	vst v63  }
0x3c: {  	s29 =	smov.u32 s26  }
0x3d: {  	p0 =	sne.s32 s26, $0x4C0;
	s26 =	sadd.s32 $0x20, s26;
	_ =	swait.ge [sflag:s21], $0x4000  }
0x3e: {  	[sflag:s21] =	ssyncset.done $0x0  }
0x3f: {  	[sflag:s21] =	ssyncadd.s32 $0xFFFFC000  }
0x40: {  	_ =	swait.ge [sflag:s22], $0x80  }
0x41: {  	[sflag:s22] =	ssyncset.done $0x0  }
0x42: {  	[sflag:s22] =	ssyncadd.s32 $0xFFFFFF80  }
0x43: {  	[spmem:s2] =	stream.indirect.scatter.add.f32 [tilespmem:s17], [sflag:$0x5], $0x80, s18, s16, $0xb8;
	[tilespmem:$0x1E900] =	vst v63  }
0x44: {  	_ =	swait.ge [sflag:s13], $0x4000  }
0x45: {  	[sflag:s13] =	ssyncset.done $0x0  }
0x46: {  	s30 =	sadd.s32 $0xFFFFFF80, s28;
	[sflag:s13] =	ssyncadd.s32 $0xFFFFC000  }
0x47: {  	[tilespmem:s17], [sflag:$0x1] =	stream.indirect.gather [hbm4b:s4+s16], $0x80, s30, s16, $0xb8;
	[tilespmem:$0x1E900] =	vst v63  }
0x48: {  	s30 =	sadd.s32 s29, s12  }
0x49: {  	[tilespmem:s18], [sflag:$0x3] =	stream.linear.gather [hbm4b:s30+s3], $0x80, $0x38;
	[tilespmem:$0x1E900] =	vst v63  }
0x4a: {  	_ =	swait.ge [sflag:s23], $0x4000  }
0x4b: {  	[sflag:s23] =	ssyncset.done $0x0  }
0x4c: {  	[sflag:s23] =	ssyncadd.s32 $0xFFFFC000  }
0x4d: {  	_ =	swait.ge [sflag:s24], $0x80  }
0x4e: {  	[sflag:s24] =	ssyncset.done $0x0  }
0x4f: {  	[sflag:s24] =	ssyncadd.s32 $0xFFFFFF80  }
0x50: {  	[spmem:s2] =	stream.indirect.scatter.add.f32 [tilespmem:s19], [sflag:$0x5], $0x80, s20, s16, $0xb8;
	[tilespmem:$0x1E900] =	vst v63  }
.Ltmp0:
0x51: {  	_ =	swait.ge [sflag:s13], $0x4000;
	(pc) =	sbr.rel @p0 .LBB2_2-.Ltmp0, $4  }
0x52: {  	[sflag:s13] =	ssyncset.done $0x0  }
0x53: {  	[sflag:s13] =	ssyncadd.s32 $0xFFFFC000  }
0x54: {  	[tilespmem:s19], [sflag:$0x2] =	stream.indirect.gather [hbm4b:s4+s16], $0x80, s28, s16, $0xb8;
	[tilespmem:$0x1E900] =	vst v63  }
0x55: {  	s29 =	sadd.s32 s29, s11;
	s28 =	sadd.s32 $0x100, s28  }
0x56: {  	[tilespmem:s20], [sflag:$0x4] =	stream.linear.gather [hbm4b:s29+s3], $0x80, $0x38;
	[tilespmem:$0x1E900] =	vst v63  }
0x57: {  	_ =	swait.ge [sflag:s21], $0x4000  }
0x58: {  	[sflag:s21] =	ssyncset.done $0x0  }
0x59: {  	[sflag:s21] =	ssyncadd.s32 $0xFFFFC000  }
0x5a: {  	_ =	swait.ge [sflag:s22], $0x80  }
0x5b: {  	[sflag:s22] =	ssyncset.done $0x0  }
0x5c: {  	[sflag:s22] =	ssyncadd.s32 $0xFFFFFF80  }
0x5d: {  	[spmem:s2] =	stream.indirect.scatter.add.f32 [tilespmem:s17], [sflag:$0x5], $0x80, s18, s16, $0xb8;
	[tilespmem:$0x1E900] =	vst v63  }
0x5e: {  	_ =	swait.ge [sflag:s13], $0x4000  }
0x5f: {  	[sflag:s13] =	ssyncset.done $0x0  }
0x60: {  	[sflag:s13] =	ssyncadd.s32 $0xFFFFC000  }
0x61: {  	_ =	swait.ge [sflag:s23], $0x4000  }
0x62: {  	[sflag:s23] =	ssyncset.done $0x0  }
0x63: {  	[sflag:s23] =	ssyncadd.s32 $0xFFFFC000  }
0x64: {  	_ =	swait.ge [sflag:s24], $0x80  }
0x65: {  	[sflag:s24] =	ssyncset.done $0x0  }
0x66: {  	[sflag:s24] =	ssyncadd.s32 $0xFFFFFF80  }
0x67: {  	[spmem:s2] =	stream.indirect.scatter.add.f32 [tilespmem:s19], [sflag:$0x5], $0x80, s20, s16, $0xb8;
	[tilespmem:$0x1E900] =	vst v63  }
0x68: {  	_ =	swait.ge [sflag:s13], $0x4000  }
0x69: {  	s25 =	sadd.s32 $0x1, s25;
	[sflag:s13] =	ssyncset.done $0x0  }
0x6a: {  	p0 =	sne.s32 s25, s10;
	[sflag:s13] =	ssyncadd.s32 $0xFFFFC000  }
.Ltmp1:
0x6b: {  	[bflag:$0x0] =	sbarrier.arrive $0xFFFF;
	(pc) =	sbr.rel @p0 .LBB2_1-.Ltmp1, $4  }
0x6c: {  	[hbm:s9], [sflag:s14] =	dma.local [spmem:s15], $0x2800  }
0x6d: {  	_ =	swait.ge [sflag:s13], $0x2800  }
0x6e: {  	[sflag:s13] =	ssyncset.done $0x0  }
0x6f: {  	[sflag:s13] =	ssyncadd.s32 $0xFFFFD800  }
0x70: {  	_ =	sfence.sel $0x180000  }
0x71: {  	[bflag:$0x0] =	sbarrier.arrive $0xFFFF  }
0x72: {  	p0 =	sne.s32 s0, $0x0;
	_ =	strace $0x90000053  }
0x73: {  	s0 =	sadd.s32 @!p0 $0x100000, s1;
	[bflag:$0x2] =	sbarrier.arrive $0xFFFF  }
0x74: {  	[sflag:s0] =	ssyncadd.tile.s32 @!p0 $0x1;
	_ =	shalt  }
.Lfunc_end2:
_tile_overlayer_lowered:
.L_overlay_start_2:
0x75: {  	(tag) =	ssettag $0x2  }
0x76: {  	s0 =	rddreg [dreg:$0x0];
	s2 =	stileid.u32  }
0x77: {  	s1 =	rddreg [dreg:$0x1];
	p0 =	sne.s32 s2, $0x0  }
0x78: {  	s3 =	rddreg [dreg:$0x2];
	[bflag:$0x3] =	sbarrier.arrive $0xFFFF;
	s2 =	simm.s32 @!p0 $0x1C05  }
0x79: {  	[timem:s3], [sflag:s2] =	dma.local @!p0 [hbm:s0], s1  }
0x7a: {  	s0 =	simm.s32 @!p0 $0x5  }
0x7b: {  	_ =	swait.ge @!p0 [sflag:s0], s1  }
0x7c: {  	s1 =	ssub.s32 @!p0 $0x0, s1;
	[sflag:s0] =	ssyncset.done @!p0 $0x0  }
0x7d: {  	[sflag:s0] =	ssyncadd.s32 @!p0 s1  }
0x7e: {  	[bflag:$0x3] =	sbarrier.arrive $0xFFFF  }
0x7f: {  	_ =	shalt  }

// kernel: scatter_offload_async_start
scs
__scs_entry_jumppad:
0x0: {  	(pc) =	sbr.rel $0x88, $3  }
0x1: {  	(tag) =	ssettag $0x0;
	lr =	simm.s32 $0x1  }
0x2: {  	[smem:$0x3F35] =	sst lr;
	_ =	strace $0xD0000000  }
0x3: {  	_ = 	snop  }
0x4: {  	_ = 	snop  }
0x5: {  	_ = 	snop  }
0x6: {  	_ = 	snop  }
0x7: {  	_ = 	snop  }
__scs_overlays_trampoline_lowered:
0x8: {  	[smem:$0x3F44] =	sst s0  }
0x9: {  	[smem:$0x3F45] =	sst s1  }
0xa: {  	[smem:$0x3F46] =	sst s2  }
0xb: {  	[smem:$0x3F47] =	sst s3  }
0xc: {  	[smem:$0x3F48] =	sst s4  }
0xd: {  	[smem:$0x3F49] =	sst s5  }
0xe: {  	[smem:$0x3F4A] =	sst s6  }
0xf: {  	[smem:$0x3F4B] =	sst s7  }
0x10: {  	[smem:$0x3F4C] =	sst s8  }
0x11: {  	[smem:$0x3F4D] =	sst s9;
	s0 =	simm.s32 @!p0 $0x0  }
0x12: {  	s1 =	sld [smem:$0x3F33];
	s0 =	simm.s32 @p0 $0x1  }
0x13: {  	[smem:$0x3F4E] =	sst s0;
	s0 =	simm.s32 @!p1 $0x0  }
0x14: {  	s2 =	sld [smem:$0x3F32];
	s0 =	simm.s32 @p1 $0x1  }
0x15: {  	[smem:$0x3F4F] =	sst s0;
	s0 =	simm.s32 @!p2 $0x0  }
0x16: {  	s3 =	sld [smem:$0x3FDB];
	s0 =	simm.s32 @p2 $0x1  }
0x17: {  	s4 =	simm.s32 $0x1BF5;
	[smem:$0x3F51] =	sst s0  }
0x18: {  	s0 =	sld [smem:$0x3F34];
	_ =	swait.ge [sflag:s4], $0x0  }
0x19: {  	s7 =	sld [smem:$0x3F35]  }
0x1a: {  	s8 =	sadd.s32 $0xFFFFE003, lr  }
0x1b: {  	s9 =	sadd.s32 $0xFFFFFEF7, lr;
	s5 =	simm.s32 $0xFFFFFFFF;
	p2 =	slt.u32 s8, $0xFFFFF086  }
0x1c: {  	p1 =	slt.u32 s9, $0xF7A;
	s5 =	simm.s32 @!p2 $0x0  }
0x1d: {  	s5 =	simm.s32 @p1 $0x1;
	p0 =	seq.s32 s7, s2  }
0x1e: {  	s7 =	smul.u32 @!p0 $0xF7A, s2;
	p2 =	seq.s32 @!p0 s5, $0x0  }
0x1f: {  	s9 =	smul.u32 $0xF7A, s1;
	s8 =	simm.s32 @!p0 $0x1BF5;
	p2 =	por !p2, p0  }
0x20: {  	[sflag:s8] =	ssyncset.s32 @!p0 $0xFFFFF086;
	s6 =	sadd.s32 @!p0 s3, s7;
	s7 =	simm.s32 @!p0 $0x108  }
0x21: {  	s3 =	sadd.s32 s3, s9;
	s6 =	sadd.s32 @!p0 $0x88, s6;
	s7 =	simm.s32 @p2 $0x1082  }
0x22: {  	[simem:s7], [sflag:s8] =	dma.local @!p0 [hbm:s6], $0xF7A  }
0x23: {  	s9 =	sor.u32 $0xD0000000, s2;
	s6 =	simm.s32 $0x108;
	_ =	swait.ge @!p0 [sflag:s8], $0x0  }
0x24: {  	s3 =	sadd.s32 $0x88, s3;
	s6 =	simm.s32 @!p1 $0x1082;
	[sflag:s4] =	ssyncset.s32 $0xFFFFF086  }
0x25: {  	[simem:s6], [sflag:s4] =	dma.local [hbm:s3], $0xF7A  }
0x26: {  	[smem:$0x3F35] =	sst s1;
	(tag) =	ssettag s2;
	_ =	strace s9  }
0x27: {  	s1 =	sld [smem:$0x3F45]  }
0x28: {  	s2 =	sld [smem:$0x3F46]  }
0x29: {  	s4 =	sld [smem:$0x3F48]  }
0x2a: {  	p0 =	seq.s32 s5, $0x0;
	s5 =	sld [smem:$0x3F49]  }
0x2b: {  	s6 =	sld [smem:$0x3F4A]  }
0x2c: {  	s7 =	sld [smem:$0x3F4B]  }
0x2d: {  	s3 =	simm.s32 $0x108;
	s8 =	sld [smem:$0x3F4C]  }
0x2e: {  	s3 =	simm.s32 @!p0 $0x1082;
	s9 =	sld [smem:$0x3F4D]  }
0x2f: {  	lr =	sadd.s32 s0, s3;
	s0 =	sld [smem:$0x3F44]  }
0x30: {  	s3 =	sld [smem:$0x3F47]  }
0x31: {  	[smem:$0x3F50] =	sst s10  }
0x32: {  	s10 =	sld [smem:$0x3F4E];
	_ =	sdelay $0x3  }
0x33: {  	p0 =	seq.s32 s10, $0x1;
	s10 =	sld [smem:$0x3F50];
	_ =	sdelay $0x3  }
0x34: {  	[smem:$0x3F50] =	sst s10  }
0x35: {  	s10 =	sld [smem:$0x3F4F];
	_ =	sdelay $0x3  }
0x36: {  	p1 =	seq.s32 s10, $0x1;
	s10 =	sld [smem:$0x3F50];
	_ =	sdelay $0x3  }
0x37: {  	[smem:$0x3F50] =	sst s10  }
0x38: {  	s10 =	sld [smem:$0x3F51]  }
0x39: {  	_ = 	snop;
	(pc) =	sbr.ind lr, $3  }
0x3a: {  	_ = 	snop  }
0x3b: {  	_ = 	snop  }
0x3c: {  	p2 =	seq.s32 s10, $0x1;
	s10 =	sld [smem:$0x3F50]  }
0x3d: {  	_ =	shalt  }
0x3e: {  	_ =	shalt  }
0x3f: {  	_ =	shalt  }
0x40: {  	_ =	shalt  }
0x41: {  	_ =	shalt  }
0x42: {  	_ =	shalt  }
0x43: {  	_ =	shalt  }
0x44: {  	_ =	shalt  }
0x45: {  	_ =	shalt  }
0x46: {  	_ =	shalt  }
0x47: {  	_ =	shalt  }
0x48: {  	_ =	shalt  }
0x49: {  	_ =	shalt  }
0x4a: {  	_ =	shalt  }
0x4b: {  	_ =	shalt  }
0x4c: {  	_ =	shalt  }
0x4d: {  	_ =	shalt  }
0x4e: {  	_ =	shalt  }
0x4f: {  	_ =	shalt  }
0x50: {  	_ =	shalt  }
0x51: {  	_ =	shalt  }
0x52: {  	_ =	shalt  }
0x53: {  	_ =	shalt  }
0x54: {  	_ =	shalt  }
0x55: {  	_ =	shalt  }
0x56: {  	_ =	shalt  }
0x57: {  	_ =	shalt  }
0x58: {  	_ =	shalt  }
0x59: {  	_ =	shalt  }
0x5a: {  	_ =	shalt  }
0x5b: {  	_ =	shalt  }
0x5c: {  	_ =	shalt  }
0x5d: {  	_ =	shalt  }
0x5e: {  	_ =	shalt  }
0x5f: {  	_ =	shalt  }
0x60: {  	_ =	shalt  }
0x61: {  	_ =	shalt  }
0x62: {  	_ =	shalt  }
0x63: {  	_ =	shalt  }
0x64: {  	_ =	shalt  }
0x65: {  	_ =	shalt  }
0x66: {  	_ =	shalt  }
0x67: {  	_ =	shalt  }
0x68: {  	_ =	shalt  }
0x69: {  	_ =	shalt  }
0x6a: {  	_ =	shalt  }
0x6b: {  	_ =	shalt  }
0x6c: {  	_ =	shalt  }
0x6d: {  	_ =	shalt  }
0x6e: {  	_ =	shalt  }
0x6f: {  	_ =	shalt  }
0x70: {  	_ =	shalt  }
0x71: {  	_ =	shalt  }
0x72: {  	_ =	shalt  }
0x73: {  	_ =	shalt  }
0x74: {  	_ =	shalt  }
0x75: {  	_ =	shalt  }
0x76: {  	_ =	shalt  }
0x77: {  	_ =	shalt  }
0x78: {  	_ =	shalt  }
0x79: {  	_ =	shalt  }
0x7a: {  	_ =	shalt  }
0x7b: {  	_ =	shalt  }
0x7c: {  	_ =	shalt  }
0x7d: {  	_ =	shalt  }
0x7e: {  	_ =	shalt  }
0x7f: {  	_ =	shalt  }
0x80: {  	_ =	shalt  }
0x81: {  	_ =	shalt  }
0x82: {  	_ =	shalt  }
0x83: {  	_ =	shalt  }
0x84: {  	_ =	shalt  }
0x85: {  	_ =	shalt  }
0x86: {  	_ =	shalt  }
0x87: {  	_ =	shalt  }
.Lfunc_end0:
.L_simem_size_0:
called_computation_lowered:
.L_overlay_start_0:
0x88: {  	s0 =	sld [smem:$0x3FD9]  }
0x89: {  	s1 =	sld [smem:$0x3FFE];
	_ =	sdelay $0x3  }
0x8a: {  	s0 =	sadd.s32 s1, s0  }
0x8b: {  	[smem:$0x3F5C] =	sst s0  }
0x8c: {  	_ = 	snop  }
0x8d: {  	(tm) =	ssettm $0x1  }
0x8e: {  	s15 =	sld [smem:$0x3FFB];
	_ =	sdelay $0x3  }
0x8f: {  	_ =	strace s15  }
0x90: {  	s0 =	sld [smem:$0x3FFC];
	_ =	sdelay $0x3  }
0x91: {  	_ =	strace s0  }
0x92: {  	s0 =	sld [smem:$0x3FFD];
	_ =	sdelay $0x3  }
0x93: {  	_ =	strace s0  }
0x94: {  	_ =	strace $0x8FFFFFFF  }
0x95: {  	s16 =	sld [smem:$0x3FDB];
	_ =	sdelay $0x1  }
0x96: {  	s17 =	simm.s32 $_scs_section_size  }
0x97: {  	s2 =	simm.s32 $_size__tile_overlayer_lowered;
	s3 =	simm.s32 $_tile_overlayer_lowered  }
0x98: {  	s20 =	simm.s32 $0x1BFF;
	s19 =	sshll.u32 s3, $0x1;
	s0 =	sadd.s32 s17, s16  }
0x99: {  	s4 =	simm.s32 $0x0;
	s18 =	sshll.u32 s2, $0x1;
	s2 =	sadd.s32 s19, s0  }
0x9a: {  	[timem:s4], [sflag:s20] =	dma.local [hbm:s2], s18  }
0x9b: {  	_ =	swait.ge [sflag:s20], s18  }
0x9c: {  	s1 =	ssub.s32 $0x0, s18;
	[sflag:s20] =	ssyncset.done $0x0  }
0x9d: {  	[sflag:s20] =	ssyncadd.s32 s1;
	_ =	sdelay $0x1  }
0x9e: {  	s21 =	simm.s32 $0x1B8B  }
0x9f: {  	_ =	swait.ge [sflag:s21], $0x1  }
0xa0: {  	[sflag:s21] =	ssyncset.done $0x0  }
0xa1: {  	s23 =	simm.s32 $0x1B8E;
	s22 =	sld [smem:$0x3FFE];
	[sflag:s21] =	ssyncadd.s32 $0xFFFFFFFF  }
0xa2: {  	s24 =	simm.s32 $execute0_lowered;
	[smem:$0x3FD2] =	sst s23  }
0xa3: {  	s2 =	sshll.u32 s24, $0x1;
	_ =	strace $0x80000046;
	[dreg:$0x1] =	wrdreg $0xFFFFFFFF  }
0xa4: {  	s25 =	simm.s32 $_size_execute0_lowered;
	s0 =	sadd.s32 s0, s2;
	[dreg:$0x0] =	wrdreg $0x0  }
0xa5: {  	s2 =	sshll.u32 s25, $0x1;
	[dreg:$0x2] =	wrdreg s0  }
0xa6: {  	[dreg:$0x3] =	wrdreg s2  }
0xa7: {  	[dreg:$0x4] =	wrdreg $0xC0  }
0xa8: {  	_ =	task [dreg:s4], $0x5FFFF  }
0xa9: {  	[dreg:$0x1] =	wrdreg $0xFFFFFFFF  }
0xaa: {  	[dreg:$0x0] =	wrdreg $0x60  }
0xab: {  	[dreg:$0x2] =	wrdreg s22  }
0xac: {  	[dreg:$0x3] =	wrdreg $0x9  }
0xad: {  	_ =	task.clear_ibuf [dreg:s4], $0x4FFFF;
	_ =	strace $0x90000046  }
0xae: {  	s26 =	simm.s32 $0x9;
	_ =	strace $0x80000048  }
0xaf: {  	_ =	swait.ge [sflag:s26], $0x1  }
0xb0: {  	[sflag:s26] =	ssyncadd.s32 $0xFFFFFFFF  }
0xb1: {  	_ =	strace $0x90000048  }
0xb2: {  	_ =	sfence  }
0xb3: {  	s28 =	sld [smem:$0x0];
	_ =	sdelay $0x1  }
0xb4: {  	s29 =	srdreg.scid  }
0xb5: {  	s30 =	sshll.u32 s29, $0xD;
	s31 =	sshrl.u32 s29, $0x2  }
0xb6: {  	s1 =	sand.u32 $0x1, s29;
	s2 =	sand.u32 $0x4000, s30;
	s0 =	sadd.s32 s31, s28  }
0xb7: {  	s1 =	sor.u32 s2, s1;
	s0 =	sshll.u32 s0, $0x11  }
0xb8: {  	s0 =	sor.u32 s0, s1  }
0xb9: {  	s0 =	sadd.s32 $0x8F2B, s0  }
0xba: {  	[sflag:s0] =	ssyncadd.remote.s32 $0x1  }
0xbb: {  	_ =	sfence.sel $0xFFFF  }
0xbc: {  	[dreg:$0x0] =	wrdreg $0xFFFFFFFF;
	(pc) =	sbr.abs _section_cstart, $3  }
0xbd: {  	[dreg:$0x1] =	wrdreg $0xFFFFFFFF  }
0xbe: {  	_ =	task.clear_ibuf [dreg:s4], $0x2FFFF;
	_ =	strace $0x9FFFFFFF  }
0xbf: {  	(tm) =	ssettm $0x7FFFFFFF  }
tec
execute0_lowered:
.L_overlay_start_1:
0x0: {  	(tag) =	ssettag $0x1  }
0x1: {  	s7 =	rddreg [dreg:$0x0]  }
0x2: {  	s0 =	rddreg [dreg:$0x1]  }
0x3: {  	_ =	strace $0x80000047;
	s3 =	stileid.u32;
	s4 =	simm.s32 $0x3E  }
0x4: {  	s1 =	sadd.s32 $0xCE800, s7;
	p0 =	sne.s32 s3, $0x0;
	[sflag:s4] =	ssyncpa.u1 $0x0  }
0x5: {  	s30 =	smin.u32 s3, $0x9;
	s2 =	simm.s32 @!p0 $0x1C3E;
	s5 =	simm.s32 @!p0 $0x0  }
0x6: {  	[spmem:s5], [sflag:s2] =	dma.local @!p0 [hbm:s1], $0x10  }
0x7: {  	s2 =	sadd.s32 s3, s30  }
0x8: {  	p1 =	slt.u32 s3, $0x9;
	s3 =	simm.s32 $0x320;
	s2 =	smul.u32 $0x190, s2  }
0x9: {  	s3 =	simm.s32 @!p1 $0x190  }
0xa: {  	s3 =	sadd.s32 s3, s2  }
0xb: {  	s3 =	smin.u32 s3, $0x2710  }
0xc: {  	s8 =	ssub.s32 s3, s2  }
0xd: {  	p1 =	sgt.s32 s8, $0x0  }
0xe: {  	s8 =	simm.s32 @!p1 $0x0  }
0xf: {  	s6 =	sand.u32 $0xFFF0, s8  }
0x10: {  	s5 =	simm.s32 @!p0 $0x3E;
	s6 =	sshrl.u32 s6, $0x4  }
0x11: {  	_ =	swait.ge @!p0 [sflag:s5], $0x10;
	s31 =	smul.u32 $0xA3E, s6  }
0x12: {  	[sflag:s5] =	ssyncset.done @!p0 $0x0  }
0x13: {  	[sflag:s5] =	ssyncadd.s32 @!p0 $0xFFFFFFF0;
	s9 =	sshrl.u32 s31, $0x10  }
0x14: {  	s11 =	simm.s32 $0x0;
	[bflag:$0x0] =	sbarrier.arrive $0xFFFF;
	s10 =	smul.u32 $0x190, s9  }
.Ltmp0:
0x15: {  	[sflag:s4] =	ssyncpa.u1 $0x1;
	s4 =	simm.s32 $0x1;
	(pc) =	sbr.rel .LBB2_1-.Ltmp0, $4  }
0x16: {  	s5 =	sadd.s32 $0x19C00, s7;
	s7 =	sadd.s32 $0xCE200, s7;
	[sflag:s4] =	ssyncpa.u1 $0x0  }
0x17: {  	s6 =	simm.s32 $0x2;
	p1 =	sne.s32 s8, s10;
	s8 =	simm.s32 $0x1  }
0x18: {  	(ifvalue) =	ssetifvalue $0x80;
	[sflag:s6] =	ssyncpa.u1 $0x0;
	s8 =	simm.s32 @!p1 $0x0  }
0x19: {  	vm0 =	vmmov $0xffff;
	s10 =	smov.u32 s2;
	s8 =	sadd.s32 s9, s8;
	s9 =	simm.s32 $0x0  }
.LBB2_5:
0x1a: {  	p2 =	sne.s32 s11, s8  }
.Ltmp1:
0x1b: {  	_ = 	snop;
	(pc) =	sbr.rel @!p2 .LBB2_6-.Ltmp1, $4  }
0x1c: {  	_ = 	snop  }
0x1d: {  	s12 =	sadd.s32 $0x190, s10  }
0x1e: {  	s10 =	smov.u32 s2;
	s13 =	sadd.s32 $0x1, s11;
	p1 =	slt.s32 s12, s3  }
0x1f: {  	s11 =	smov.u32 s13;
	s10 =	smov.u32 @p1 s12  }
.LBB2_1:
0x20: {  	p1 =	sge.u32 s11, s8  }
0x21: {  	s12 =	sxor.u32 @!p1 $0xFFFFFFFF, s11  }
0x22: {  	s12 =	sand.u32 @!p1 $0x1, s12  }
0x23: {  	s12 =	smul.u32 @!p1 $0x190, s12  }
0x24: {  	s13 =	sshrl.u32 @!p1 s10, $0x3  }
0x25: {  	s16 =	sand.u32 @!p1 $0x7, s10;
	s14 =	sadd.s32 @!p1 s5, s13;
	s15 =	sor.u32 @!p1 $0x8, s12  }
0x26: {  	[tilespmem:s15], [sflag:$0x2] =	stream.linear.gather @!p1 [hbm4b:s14+s16], $0x190, $0x38;
	[tilespmem:$0x648] =	vst v63  }
0x27: {  	s13 =	sadd.s32 @!p1 s7, s13;
	s12 =	sadd.s32 @!p1 $0x328, s12  }
0x28: {  	[tilespmem:s12], [sflag:$0x2] =	stream.linear.gather @!p1 [hbm4b:s13+s16], $0x190, $0x38;
	[tilespmem:$0x648] =	vst v63  }
0x29: {  	p1 =	seq.s32 s11, $0x0  }
.Ltmp2:
0x2a: {  	_ = 	snop;
	(pc) =	sbr.rel @p1 .LBB2_5-.Ltmp2, $1  }
0x2b: {  	_ =	sdelay $0x3  }
0x2c: {  	s12 =	sand.u32 $0x1, s11  }
0x2d: {  	_ =	swait.ge [sflag:s6], $0x320;
	p1 =	seq.s32 s12, $0x1;
	s12 =	simm.s32 $0x190  }
0x2e: {  	[sflag:s6] =	ssyncset.done $0x0;
	s12 =	simm.s32 @!p1 $0x0  }
0x2f: {  	[sflag:s6] =	ssyncadd.s32 $0xFFFFFCE0;
	s14 =	sor.u32 $0x8, s12  }
0x30: {  	v0 =	vld.msk [tilespmem:s14+$0x0 ss:$0x1], $0xffff;
	_ =	sdelay $0x4  }
0x31: {  	v0 =	vmin.u32 v0, $0x80;
	_ =	sdelay $0x3  }
0x32: {  	s13 =	simm.s32 $0x0;
	s12 =	sadd.s32 $0x328, s12;
	s14 =	sadd.s32 $0x10, s14  }
0x33: {  	[spmem:s9] =	stream.indirect_vreg.scatter.add.s32 [tilespmem:s12], [sflag:$0x1], $0x1, v0, vm0, $0x4038;
	[tilespmem:$0x648] =	vst v63  }
.LBB2_3:
0x34: {  	v0 =	vld.msk [tilespmem:s14+$0x0 ss:$0x1], $0xffff;
	s13 =	sadd.s32 $0x10, s13  }
0x35: {  	p1 =	slt.u32 s13, $0x180;
	_ =	sdelay $0x4  }
0x36: {  	v0 =	vmin.u32 v0, $0x80  }
.Ltmp3:
0x37: {  	(pc) =	sbr.rel @p1 .LBB2_3-.Ltmp3, $3  }
0x38: {  	_ =	sdelay $0x1  }
0x39: {  	s14 =	sadd.s32 $0x10, s14;
	s12 =	sadd.s32 $0x10, s12  }
0x3a: {  	[spmem:s9] =	stream.indirect_vreg.scatter.add.s32 [tilespmem:s12], [sflag:$0x1], $0x1, v0, vm0, $0x4038;
	[tilespmem:$0x648] =	vst v63  }
.Ltmp4:
0x3b: {  	(pc) =	sbr.rel .LBB2_5-.Ltmp4, $4  }
0x3c: {  	_ = 	snop  }
0x3d: {  	_ =	swait.ge [sflag:s4], $0x190  }
0x3e: {  	[sflag:s4] =	ssyncset.done $0x0  }
0x3f: {  	[sflag:s4] =	ssyncadd.s32 $0xFFFFFE70  }
.LBB2_6:
0x40: {  	_ =	sfence.sel $0x180000  }
0x41: {  	s2 =	simm.s32 $0x2;
	[bflag:$0x0] =	sbarrier.arrive $0xFFFF  }
0x42: {  	s30 =	simm.s32 $0x1;
	[sflag:s2] =	ssyncpa.u1 $0x1  }
0x43: {  	[sflag:s30] =	ssyncpa.u1 $0x1  }
0x44: {  	_ =	sfence.stream.spmem  }
0x45: {  	s31 =	simm.s32 $0x3D;
	[bflag:$0x0] =	sbarrier.arrive $0xFFFF  }
0x46: {  	s2 =	simm.s32 @p0 $0x3D;
	[sflag:s31] =	ssyncpa.u1 $0x0  }
0x47: {  	[sflag:s2] =	ssyncpa.u1 @p0 $0x1  }
0x48: {  	[bflag:$0x0] =	sbarrier.arrive @p0 $0xFFFF  }
0x49: {  	_ =	strace @p0 $0x90000047  }
0x4a: {  	s3 =	simm.s32 @!p0 $0x1C3D;
	s2 =	simm.s32 @!p0 $0x0;
	[bflag:$0x2] =	sbarrier.arrive @p0 $0xFFFF  }
0x4b: {  	[hbm:s1], [sflag:s3] =	dma.local @!p0 [spmem:s2], $0x10  }
0x4c: {  	s1 =	simm.s32 @!p0 $0x3D  }
0x4d: {  	_ =	swait.ge @!p0 [sflag:s1], $0x10  }
0x4e: {  	[sflag:s1] =	ssyncset.done @!p0 $0x0  }
0x4f: {  	[sflag:s1] =	ssyncadd.s32 @!p0 $0xFFFFFFF0  }
0x50: {  	[sflag:s1] =	ssyncpa.u1 @!p0 $0x1  }
0x51: {  	[bflag:$0x0] =	sbarrier.arrive @!p0 $0xFFFF  }
0x52: {  	_ =	strace @!p0 $0x90000047  }
0x53: {  	s0 =	sadd.s32 @!p0 $0x100000, s0;
	[bflag:$0x2] =	sbarrier.arrive @!p0 $0xFFFF  }
0x54: {  	[sflag:s0] =	ssyncadd.tile.s32 @!p0 $0x1;
	_ =	shalt  }
.Lfunc_end2:
_tile_overlayer_lowered:
.L_overlay_start_2:
0x55: {  	(tag) =	ssettag $0x2  }
0x56: {  	s0 =	rddreg [dreg:$0x0];
	s2 =	stileid.u32  }
0x57: {  	s1 =	rddreg [dreg:$0x1];
	p0 =	sne.s32 s2, $0x0  }
0x58: {  	s3 =	rddreg [dreg:$0x2];
	[bflag:$0x3] =	sbarrier.arrive $0xFFFF;
	s2 =	simm.s32 @!p0 $0x1C01  }
0x59: {  	[timem:s3], [sflag:s2] =	dma.local @!p0 [hbm:s0], s1  }
0x5a: {  	s0 =	simm.s32 @!p0 $0x1  }
0x5b: {  	_ =	swait.ge @!p0 [sflag:s0], s1  }
0x5c: {  	s1 =	ssub.s32 @!p0 $0x0, s1;
	[sflag:s0] =	ssyncset.done @!p0 $0x0  }
0x5d: {  	[sflag:s0] =	ssyncadd.s32 @!p0 s1  }
0x5e: {  	[bflag:$0x3] =	sbarrier.arrive $0xFFFF  }
0x5f: {  	_ =	shalt  }

</sc_bundles>
